<compile_context>
chip_gen: v7x
topology: tpu7x:2x2x1
jax: 0.10.2.dev20260603
libtpu: 0.0.44.dev20260713+nightly
codegen_flags: <defaults>
</compile_context>

<pallas_src>
import functools

import jax
import jax.numpy as jnp
from jax import lax
from jax.experimental import pallas as pl
from jax.experimental.pallas import tpu as pltpu
from jax.experimental.pallas import tpu_sc as plsc

_NC = 2
_NS = 16
_NW = _NC * _NS
_FEAT = 64
_BATCH = 16384
_CLS = 100000
_BLK = 2048
_NBLK = _BATCH // _BLK
_U = 4


def _sc_body(ct, xt, labels, d2_out, row_v, lab_v, x_v, acc_v, sem_r, sem_l, sem_x, sem_o):
    c = lax.axis_index("c")
    s = lax.axis_index("s")
    w = c * _NS + s

    pltpu.async_copy(labels, lab_v, sem_l).wait()

    out_cp = [None, None]
    for fi in range(2):
        f = w * 2 + fi
        cp_row = pltpu.async_copy(ct.at[f], row_v, sem_r)
        cp_x = [None, None]
        cp_x[0] = pltpu.async_copy(xt.at[f, pl.ds(0, _BLK)], x_v.at[0], sem_x)
        cp_row.wait()
        for b in range(_NBLK):
            cur = b % 2
            nxt = 1 - cur
            if b + 1 < _NBLK:
                cp_x[nxt] = pltpu.async_copy(
                    xt.at[f, pl.ds((b + 1) * _BLK, _BLK)], x_v.at[nxt], sem_x
                )
            cp_x[cur].wait()
            if out_cp[cur] is not None:
                out_cp[cur].wait()

            @plsc.parallel_loop(0, _BLK, 16, unroll=_U)
            def grp(o, b=b, cur=cur):
                lv = lab_v[pl.ds(b * _BLK + o, 16)]
                xv = x_v[cur, pl.ds(o, 16)]
                cv = plsc.load_gather(row_v, [lv])
                d = xv - cv
                acc_v[cur, pl.ds(o, 16)] = d * d
            out_cp[cur] = pltpu.async_copy(
                acc_v.at[cur], d2_out.at[f, pl.ds(b * _BLK, _BLK)], sem_o
            )
    for cp in out_cp:
        if cp is not None:
            cp.wait()


_sc_call = functools.partial(
    pl.kernel,
    out_type=jax.ShapeDtypeStruct((_FEAT, _BATCH), jnp.float32),
    mesh=plsc.VectorSubcoreMesh(
        core_axis_name="c", subcore_axis_name="s", num_cores=_NC, num_subcores=_NS
    ),
    compiler_params=pltpu.CompilerParams(needs_layout_passes=False),
    scratch_types=[
        pltpu.VMEM((_CLS,), jnp.float32),
        pltpu.VMEM((_BATCH,), jnp.int32),
        pltpu.VMEM((2, _BLK), jnp.float32),
        pltpu.VMEM((2, _BLK), jnp.float32),
        pltpu.SemaphoreType.DMA,
        pltpu.SemaphoreType.DMA,
        pltpu.SemaphoreType.DMA,
        pltpu.SemaphoreType.DMA,
    ],
)(_sc_body)


def _tc_body(d2_ref, out_ref):
    t = jnp.sum(d2_ref[...], axis=0)
    out_ref[...] = jnp.sum(jnp.sqrt(t)).reshape(1, 1)


_tc_call = pl.pallas_call(
    _tc_body, out_shape=jax.ShapeDtypeStruct((1, 1), jnp.float32)
)


def kernel(x, labels, centre):
    d2 = _sc_call(centre.T, x.T, labels.astype(jnp.int32))
    return _tc_call(d2)[0, 0]

# --- scband reference (transcript-rebuilt; emitter-appended) ---
"""Pipeline reference for scband-centre-loss-10617159155897 (READ-ONLY COPY).

The authoritative reference and input builder live on the scoring server;
editing this copy changes nothing except your own understanding.
"""

import jax, jax.numpy as jnp
import numpy as np

CLS_NUM = 100000
FEATURE_NUM = 64
BATCH = 16384


def setup_inputs(seed: int = 0) -> dict:
    key = jax.random.key(seed)
    k1, k2, k3 = jax.random.split(key, 3)
    x = jax.random.normal(k1, (BATCH, FEATURE_NUM), dtype=jnp.float32)
    labels = jax.random.randint(k2, (BATCH,), 0, CLS_NUM, dtype=jnp.int64 if jax.config.jax_enable_x64 else jnp.int32)
    centre = jax.random.normal(k3, (CLS_NUM, FEATURE_NUM), dtype=jnp.float32)
    return {"x": x, "labels": labels, "centre": centre}


def reference(x, labels, centre):
    # centre = self.centre[labels]  (gather)
    c = jnp.take(centre, labels, axis=0)
    # distance = sqrt(sum((x - centre)**2, dim=1))
    distance = jnp.sqrt(jnp.sum((x.astype(jnp.float32) - c.astype(jnp.float32)) ** 2, axis=1))
    # return sum(distance)
    return jnp.sum(distance)

if __name__ == "__main__":
    import jax
    _d = setup_inputs()
    print(jax.jit(kernel)(*tuple(_d.values())))

</pallas_src>

<mosaic_0001>
#map = affine_map<(d0, d1) -> (0, 0)>
#map1 = affine_map<(d0, d1) -> (0)>
module attributes {stable_mosaic.version = 14 : i64} {
  func.func @_sc_body(%arg0: i32, %arg1: i32, %arg2: memref<64x100000xf32, #tpu.memory_space<hbm>>, %arg3: memref<64x16384xf32, #tpu.memory_space<hbm>>, %arg4: memref<16384xi32, #tpu.memory_space<hbm>>, %arg5: memref<64x16384xf32, #tpu.memory_space<hbm>>, %arg6: memref<100000xf32, #tpu.memory_space<vmem>>, %arg7: memref<16384xi32, #tpu.memory_space<vmem>>, %arg8: memref<2x2048xf32, #tpu.memory_space<vmem>>, %arg9: memref<2x2048xf32, #tpu.memory_space<vmem>>, %arg10: memref<!tpu.dma_semaphore, #tpu.memory_space<semaphore_mem>>, %arg11: memref<!tpu.dma_semaphore, #tpu.memory_space<semaphore_mem>>, %arg12: memref<!tpu.dma_semaphore, #tpu.memory_space<semaphore_mem>>, %arg13: memref<!tpu.dma_semaphore, #tpu.memory_space<semaphore_mem>>) attributes {dimension_semantics = [#tpu.dimension_semantics<core_parallel>, #tpu.dimension_semantics<subcore_parallel>], iteration_bounds = array<i64: 2, 16>, scalar_prefetch = 0 : i64, scratch_operands = 8 : i64, tpu.core_type = #tpu.core_type<sc_vector_subcore>, window_params = [{transform_indices = #map}, {transform_indices = #map}, {transform_indices = #map1}, {transform_indices = #map}]} {
    %mul3A = arith.constant 16 : i32
    %mul3A_0 = arith.muli %arg0, %mul3A : i32
    %add3A = arith.addi %mul3A_0, %arg1 : i32
    tpu.enqueue_dma source(%arg4 : memref<16384xi32, #tpu.memory_space<hbm>>) target(%arg7 : memref<16384xi32, #tpu.memory_space<vmem>>) target_semaphore(%arg11 : memref<!tpu.dma_semaphore, #tpu.memory_space<semaphore_mem>>)
    tpu.wait_dma2 semaphore(%arg11 : memref<!tpu.dma_semaphore, #tpu.memory_space<semaphore_mem>>) src(%arg4 : memref<16384xi32, #tpu.memory_space<hbm>>) dst(%arg7 : memref<16384xi32, #tpu.memory_space<vmem>>)
    %mul3A_1 = arith.constant 2 : i32
    %mul3A_2 = arith.muli %add3A, %mul3A_1 : i32
    %add3A_3 = arith.constant 0 : i32
    %add3A_4 = arith.addi %mul3A_2, %add3A_3 : i32
    %dma_start3A = arith.constant 0 : i32
    %dma_start3A_5 = tpu.memref_slice %arg2[%add3A_4, %dma_start3A] : memref<64x100000xf32, #tpu.memory_space<hbm>> -> memref<1x100000xf32, #tpu.memory_space<hbm>>
    %dma_start3A_6 = tpu.memref_squeeze %dma_start3A_5 : memref<1x100000xf32, #tpu.memory_space<hbm>> -> memref<100000xf32, #tpu.memory_space<hbm>>
    %dma_start3A_7 = arith.constant 0 : i32
    %dma_start3A_8 = tpu.memref_slice %arg2[%add3A_4, %dma_start3A_7] : memref<64x100000xf32, #tpu.memory_space<hbm>> -> memref<1x100000xf32, #tpu.memory_space<hbm>>
    %dma_start3A_9 = tpu.memref_squeeze %dma_start3A_8 : memref<1x100000xf32, #tpu.memory_space<hbm>> -> memref<100000xf32, #tpu.memory_space<hbm>>
    tpu.enqueue_dma source(%dma_start3A_9 : memref<100000xf32, #tpu.memory_space<hbm>>) target(%arg6 : memref<100000xf32, #tpu.memory_space<vmem>>) target_semaphore(%arg10 : memref<!tpu.dma_semaphore, #tpu.memory_space<semaphore_mem>>)
    %dma_start3A_10 = arith.constant 0 : i32
    %dma_start3A_11 = arith.constant 0 : i32
    %dma_start3A_12 = tpu.memref_slice %arg8[%dma_start3A_10, %dma_start3A_11] : memref<2x2048xf32, #tpu.memory_space<vmem>> -> memref<1x2048xf32, #tpu.memory_space<vmem>>
    %dma_start3A_13 = tpu.memref_squeeze %dma_start3A_12 : memref<1x2048xf32, #tpu.memory_space<vmem>> -> memref<2048xf32, #tpu.memory_space<vmem>>
    %dma_start3A_14 = arith.constant 0 : i32
    %dma_start3A_15 = tpu.memref_slice %arg3[%add3A_4, %dma_start3A_14] : memref<64x16384xf32, #tpu.memory_space<hbm>> -> memref<1x2048xf32, #tpu.memory_space<hbm>>
    %dma_start3A_16 = tpu.memref_squeeze %dma_start3A_15 : memref<1x2048xf32, #tpu.memory_space<hbm>> -> memref<2048xf32, #tpu.memory_space<hbm>>
    %dma_start3A_17 = arith.constant 0 : i32
    %dma_start3A_18 = tpu.memref_slice %arg8[%dma_start3A_10, %dma_start3A_17] : memref<2x2048xf32, #tpu.memory_space<vmem>> -> memref<1x2048xf32, #tpu.memory_space<vmem>>
    %dma_start3A_19 = tpu.memref_squeeze %dma_start3A_18 : memref<1x2048xf32, #tpu.memory_space<vmem>> -> memref<2048xf32, #tpu.memory_space<vmem>>
    %dma_start3A_20 = arith.constant 0 : i32
    %dma_start3A_21 = tpu.memref_slice %arg3[%add3A_4, %dma_start3A_20] : memref<64x16384xf32, #tpu.memory_space<hbm>> -> memref<1x2048xf32, #tpu.memory_space<hbm>>
    %dma_start3A_22 = tpu.memref_squeeze %dma_start3A_21 : memref<1x2048xf32, #tpu.memory_space<hbm>> -> memref<2048xf32, #tpu.memory_space<hbm>>
    tpu.enqueue_dma source(%dma_start3A_22 : memref<2048xf32, #tpu.memory_space<hbm>>) target(%dma_start3A_19 : memref<2048xf32, #tpu.memory_space<vmem>>) target_semaphore(%arg12 : memref<!tpu.dma_semaphore, #tpu.memory_space<semaphore_mem>>)
    %dma_wait3A = arith.constant 0 : i32
    %dma_wait3A_23 = tpu.memref_slice %arg2[%add3A_4, %dma_wait3A] : memref<64x100000xf32, #tpu.memory_space<hbm>> -> memref<1x100000xf32, #tpu.memory_space<hbm>>
    %dma_wait3A_24 = tpu.memref_squeeze %dma_wait3A_23 : memref<1x100000xf32, #tpu.memory_space<hbm>> -> memref<100000xf32, #tpu.memory_space<hbm>>
    %dma_wait3A_25 = arith.constant 0 : i32
    %dma_wait3A_26 = tpu.memref_slice %arg2[%add3A_4, %dma_wait3A_25] : memref<64x100000xf32, #tpu.memory_space<hbm>> -> memref<1x100000xf32, #tpu.memory_space<hbm>>
    %dma_wait3A_27 = tpu.memref_squeeze %dma_wait3A_26 : memref<1x100000xf32, #tpu.memory_space<hbm>> -> memref<100000xf32, #tpu.memory_space<hbm>>
    tpu.wait_dma2 semaphore(%arg10 : memref<!tpu.dma_semaphore, #tpu.memory_space<semaphore_mem>>) src(%dma_wait3A_27 : memref<100000xf32, #tpu.memory_space<hbm>>) dst(%arg6 : memref<100000xf32, #tpu.memory_space<vmem>>)
    %dma_start3A_28 = arith.constant 1 : i32
    %dma_start3A_29 = arith.constant 0 : i32
    %dma_start3A_30 = tpu.memref_slice %arg8[%dma_start3A_28, %dma_start3A_29] : memref<2x2048xf32, #tpu.memory_space<vmem>> -> memref<1x2048xf32, #tpu.memory_space<vmem>>
    %dma_start3A_31 = tpu.memref_squeeze %dma_start3A_30 : memref<1x2048xf32, #tpu.memory_space<vmem>> -> memref<2048xf32, #tpu.memory_space<vmem>>
    %dma_start3A_32 = arith.constant 2048 : i32
    %dma_start3A_33 = tpu.memref_slice %arg3[%add3A_4, %dma_start3A_32] : memref<64x16384xf32, #tpu.memory_space<hbm>> -> memref<1x2048xf32, #tpu.memory_space<hbm>>
    %dma_start3A_34 = tpu.memref_squeeze %dma_start3A_33 : memref<1x2048xf32, #tpu.memory_space<hbm>> -> memref<2048xf32, #tpu.memory_space<hbm>>
    %dma_start3A_35 = arith.constant 0 : i32
    %dma_start3A_36 = tpu.memref_slice %arg8[%dma_start3A_28, %dma_start3A_35] : memref<2x2048xf32, #tpu.memory_space<vmem>> -> memref<1x2048xf32, #tpu.memory_space<vmem>>
    %dma_start3A_37 = tpu.memref_squeeze %dma_start3A_36 : memref<1x2048xf32, #tpu.memory_space<vmem>> -> memref<2048xf32, #tpu.memory_space<vmem>>
    %dma_start3A_38 = arith.constant 2048 : i32
    %dma_start3A_39 = tpu.memref_slice %arg3[%add3A_4, %dma_start3A_38] : memref<64x16384xf32, #tpu.memory_space<hbm>> -> memref<1x2048xf32, #tpu.memory_space<hbm>>
    %dma_start3A_40 = tpu.memref_squeeze %dma_start3A_39 : memref<1x2048xf32, #tpu.memory_space<hbm>> -> memref<2048xf32, #tpu.memory_space<hbm>>
    tpu.enqueue_dma source(%dma_start3A_40 : memref<2048xf32, #tpu.memory_space<hbm>>) target(%dma_start3A_37 : memref<2048xf32, #tpu.memory_space<vmem>>) target_semaphore(%arg12 : memref<!tpu.dma_semaphore, #tpu.memory_space<semaphore_mem>>)
    %dma_wait3A_41 = arith.constant 0 : i32
    %dma_wait3A_42 = arith.constant 0 : i32
    %dma_wait3A_43 = tpu.memref_slice %arg8[%dma_wait3A_41, %dma_wait3A_42] : memref<2x2048xf32, #tpu.memory_space<vmem>> -> memref<1x2048xf32, #tpu.memory_space<vmem>>
    %dma_wait3A_44 = tpu.memref_squeeze %dma_wait3A_43 : memref<1x2048xf32, #tpu.memory_space<vmem>> -> memref<2048xf32, #tpu.memory_space<vmem>>
    %dma_wait3A_45 = arith.constant 0 : i32
    %dma_wait3A_46 = tpu.memref_slice %arg3[%add3A_4, %dma_wait3A_45] : memref<64x16384xf32, #tpu.memory_space<hbm>> -> memref<1x2048xf32, #tpu.memory_space<hbm>>
    %dma_wait3A_47 = tpu.memref_squeeze %dma_wait3A_46 : memref<1x2048xf32, #tpu.memory_space<hbm>> -> memref<2048xf32, #tpu.memory_space<hbm>>
    %dma_wait3A_48 = arith.constant 0 : i32
    %dma_wait3A_49 = tpu.memref_slice %arg8[%dma_wait3A_41, %dma_wait3A_48] : memref<2x2048xf32, #tpu.memory_space<vmem>> -> memref<1x2048xf32, #tpu.memory_space<vmem>>
    %dma_wait3A_50 = tpu.memref_squeeze %dma_wait3A_49 : memref<1x2048xf32, #tpu.memory_space<vmem>> -> memref<2048xf32, #tpu.memory_space<vmem>>
    %dma_wait3A_51 = arith.constant 0 : i32
    %dma_wait3A_52 = tpu.memref_slice %arg3[%add3A_4, %dma_wait3A_51] : memref<64x16384xf32, #tpu.memory_space<hbm>> -> memref<1x2048xf32, #tpu.memory_space<hbm>>
    %dma_wait3A_53 = tpu.memref_squeeze %dma_wait3A_52 : memref<1x2048xf32, #tpu.memory_space<hbm>> -> memref<2048xf32, #tpu.memory_space<hbm>>
    tpu.wait_dma2 semaphore(%arg12 : memref<!tpu.dma_semaphore, #tpu.memory_space<semaphore_mem>>) src(%dma_wait3A_53 : memref<2048xf32, #tpu.memory_space<hbm>>) dst(%dma_wait3A_50 : memref<2048xf32, #tpu.memory_space<vmem>>)
    %parallel_loop3A = arith.constant 0 : i32
    %parallel_loop3A_54 = arith.constant 2048 : i32
    %parallel_loop3A_55 = arith.constant 16 : i32
    scf.for %parallel_loop3A_910 = %parallel_loop3A to %parallel_loop3A_54 step %parallel_loop3A_55  : i32 {
      %parallel_loop3A_911 = arith.constant 0 : i32
      %parallel_loop3A_912 = arith.addi %parallel_loop3A_911, %parallel_loop3A_910 : i32
      %parallel_loop3A_913 = arith.index_cast %parallel_loop3A_912 : i32 to index
      %parallel_loop3A_914 = tpu.vector_load %arg7[%parallel_loop3A_913] {strides = array<i32>} : memref<16384xi32, #tpu.memory_space<vmem>>, vector<16xi32>,
      %parallel_loop3A_915 = arith.constant 0 : i32
      %parallel_loop3A_916 = arith.index_cast %parallel_loop3A_915 : i32 to index
      %parallel_loop3A_917 = arith.index_cast %parallel_loop3A_910 : i32 to index
      %parallel_loop3A_918 = tpu.vector_load %arg8[%parallel_loop3A_916, %parallel_loop3A_917] {strides = array<i32>} : memref<2x2048xf32, #tpu.memory_space<vmem>>, vector<16xf32>,
      %parallel_loop3A_919 = tpu.vector_load_idx %arg6[%parallel_loop3A_914] : memref<100000xf32, #tpu.memory_space<vmem>>[vector<16xi32>], vector<16xf32>,
      %parallel_loop3A_920 = arith.subf %parallel_loop3A_918, %parallel_loop3A_919 : vector<16xf32>
      %parallel_loop3A_921 = arith.mulf %parallel_loop3A_920, %parallel_loop3A_920 : vector<16xf32>
      %parallel_loop3A_922 = arith.constant 0 : i32
      %parallel_loop3A_923 = arith.index_cast %parallel_loop3A_922 : i32 to index
      %parallel_loop3A_924 = arith.index_cast %parallel_loop3A_910 : i32 to index
      %parallel_loop3A_925 = tpu.vector_load %arg9[%parallel_loop3A_923, %parallel_loop3A_924] {strides = array<i32>} : memref<2x2048xf32, #tpu.memory_space<vmem>>, vector<16xf32>,
      tpu.vector_store %arg9[%parallel_loop3A_923, %parallel_loop3A_924], %parallel_loop3A_921 {strides = array<i32>} : memref<2x2048xf32, #tpu.memory_space<vmem>>, vector<16xf32>,
    } {sc.loop_unroll_factor = 4 : i64, sc.parallel_access}
    %dma_start3A_56 = arith.constant 0 : i32
    %dma_start3A_57 = arith.constant 0 : i32
    %dma_start3A_58 = tpu.memref_slice %arg9[%dma_start3A_56, %dma_start3A_57] : memref<2x2048xf32, #tpu.memory_space<vmem>> -> memref<1x2048xf32, #tpu.memory_space<vmem>>
    %dma_start3A_59 = tpu.memref_squeeze %dma_start3A_58 : memref<1x2048xf32, #tpu.memory_space<vmem>> -> memref<2048xf32, #tpu.memory_space<vmem>>
    %dma_start3A_60 = arith.constant 0 : i32
    %dma_start3A_61 = tpu.memref_slice %arg5[%add3A_4, %dma_start3A_60] : memref<64x16384xf32, #tpu.memory_space<hbm>> -> memref<1x2048xf32, #tpu.memory_space<hbm>>
    %dma_start3A_62 = tpu.memref_squeeze %dma_start3A_61 : memref<1x2048xf32, #tpu.memory_space<hbm>> -> memref<2048xf32, #tpu.memory_space<hbm>>
    %dma_start3A_63 = arith.constant 0 : i32
    %dma_start3A_64 = tpu.memref_slice %arg5[%add3A_4, %dma_start3A_63] : memref<64x16384xf32, #tpu.memory_space<hbm>> -> memref<1x2048xf32, #tpu.memory_space<hbm>>
    %dma_start3A_65 = tpu.memref_squeeze %dma_start3A_64 : memref<1x2048xf32, #tpu.memory_space<hbm>> -> memref<2048xf32, #tpu.memory_space<hbm>>
    %dma_start3A_66 = arith.constant 0 : i32
    %dma_start3A_67 = tpu.memref_slice %arg9[%dma_start3A_56, %dma_start3A_66] : memref<2x2048xf32, #tpu.memory_space<vmem>> -> memref<1x2048xf32, #tpu.memory_space<vmem>>
    %dma_start3A_68 = tpu.memref_squeeze %dma_start3A_67 : memref<1x2048xf32, #tpu.memory_space<vmem>> -> memref<2048xf32, #tpu.memory_space<vmem>>
    tpu.enqueue_dma source(%dma_start3A_68 : memref<2048xf32, #tpu.memory_space<vmem>>) target(%dma_start3A_65 : memref<2048xf32, #tpu.memory_space<hbm>>) target_semaphore(%arg13 : memref<!tpu.dma_semaphore, #tpu.memory_space<semaphore_mem>>)
    %dma_start3A_69 = arith.constant 0 : i32
    %dma_start3A_70 = arith.constant 0 : i32
    %dma_start3A_71 = tpu.memref_slice %arg8[%dma_start3A_69, %dma_start3A_70] : memref<2x2048xf32, #tpu.memory_space<vmem>> -> memref<1x2048xf32, #tpu.memory_space<vmem>>
    %dma_start3A_72 = tpu.memref_squeeze %dma_start3A_71 : memref<1x2048xf32, #tpu.memory_space<vmem>> -> memref<2048xf32, #tpu.memory_space<vmem>>
    %dma_start3A_73 = arith.constant 4096 : i32
    %dma_start3A_74 = tpu.memref_slice %arg3[%add3A_4, %dma_start3A_73] : memref<64x16384xf32, #tpu.memory_space<hbm>> -> memref<1x2048xf32, #tpu.memory_space<hbm>>
    %dma_start3A_75 = tpu.memref_squeeze %dma_start3A_74 : memref<1x2048xf32, #tpu.memory_space<hbm>> -> memref<2048xf32, #tpu.memory_space<hbm>>
    %dma_start3A_76 = arith.constant 0 : i32
    %dma_start3A_77 = tpu.memref_slice %arg8[%dma_start3A_69, %dma_start3A_76] : memref<2x2048xf32, #tpu.memory_space<vmem>> -> memref<1x2048xf32, #tpu.memory_space<vmem>>
    %dma_start3A_78 = tpu.memref_squeeze %dma_start3A_77 : memref<1x2048xf32, #tpu.memory_space<vmem>> -> memref<2048xf32, #tpu.memory_space<vmem>>
    %dma_start3A_79 = arith.constant 4096 : i32
    %dma_start3A_80 = tpu.memref_slice %arg3[%add3A_4, %dma_start3A_79] : memref<64x16384xf32, #tpu.memory_space<hbm>> -> memref<1x2048xf32, #tpu.memory_space<hbm>>
    %dma_start3A_81 = tpu.memref_squeeze %dma_start3A_80 : memref<1x2048xf32, #tpu.memory_space<hbm>> -> memref<2048xf32, #tpu.memory_space<hbm>>
    tpu.enqueue_dma source(%dma_start3A_81 : memref<2048xf32, #tpu.memory_space<hbm>>) target(%dma_start3A_78 : memref<2048xf32, #tpu.memory_space<vmem>>) target_semaphore(%arg12 : memref<!tpu.dma_semaphore, #tpu.memory_space<semaphore_mem>>)
    %dma_wait3A_82 = arith.constant 1 : i32
    %dma_wait3A_83 = arith.constant 0 : i32
    %dma_wait3A_84 = tpu.memref_slice %arg8[%dma_wait3A_82, %dma_wait3A_83] : memref<2x2048xf32, #tpu.memory_space<vmem>> -> memref<1x2048xf32, #tpu.memory_space<vmem>>
    %dma_wait3A_85 = tpu.memref_squeeze %dma_wait3A_84 : memref<1x2048xf32, #tpu.memory_space<vmem>> -> memref<2048xf32, #tpu.memory_space<vmem>>
    %dma_wait3A_86 = arith.constant 2048 : i32
    %dma_wait3A_87 = tpu.memref_slice %arg3[%add3A_4, %dma_wait3A_86] : memref<64x16384xf32, #tpu.memory_space<hbm>> -> memref<1x2048xf32, #tpu.memory_space<hbm>>
    %dma_wait3A_88 = tpu.memref_squeeze %dma_wait3A_87 : memref<1x2048xf32, #tpu.memory_space<hbm>> -> memref<2048xf32, #tpu.memory_space<hbm>>
    %dma_wait3A_89 = arith.constant 0 : i32
    %dma_wait3A_90 = tpu.memref_slice %arg8[%dma_wait3A_82, %dma_wait3A_89] : memref<2x2048xf32, #tpu.memory_space<vmem>> -> memref<1x2048xf32, #tpu.memory_space<vmem>>
    %dma_wait3A_91 = tpu.memref_squeeze %dma_wait3A_90 : memref<1x2048xf32, #tpu.memory_space<vmem>> -> memref<2048xf32, #tpu.memory_space<vmem>>
    %dma_wait3A_92 = arith.constant 2048 : i32
    %dma_wait3A_93 = tpu.memref_slice %arg3[%add3A_4, %dma_wait3A_92] : memref<64x16384xf32, #tpu.memory_space<hbm>> -> memref<1x2048xf32, #tpu.memory_space<hbm>>
    %dma_wait3A_94 = tpu.memref_squeeze %dma_wait3A_93 : memref<1x2048xf32, #tpu.memory_space<hbm>> -> memref<2048xf32, #tpu.memory_space<hbm>>
    tpu.wait_dma2 semaphore(%arg12 : memref<!tpu.dma_semaphore, #tpu.memory_space<semaphore_mem>>) src(%dma_wait3A_94 : memref<2048xf32, #tpu.memory_space<hbm>>) dst(%dma_wait3A_91 : memref<2048xf32, #tpu.memory_space<vmem>>)
    %parallel_loop3A_95 = arith.constant 0 : i32
    %parallel_loop3A_96 = arith.constant 2048 : i32
    %parallel_loop3A_97 = arith.constant 16 : i32
    scf.for %parallel_loop3A_910 = %parallel_loop3A_95 to %parallel_loop3A_96 step %parallel_loop3A_97  : i32 {
      %parallel_loop3A_911 = arith.constant 2048 : i32
      %parallel_loop3A_912 = arith.addi %parallel_loop3A_911, %parallel_loop3A_910 : i32
      %parallel_loop3A_913 = arith.index_cast %parallel_loop3A_912 : i32 to index
      %parallel_loop3A_914 = tpu.vector_load %arg7[%parallel_loop3A_913] {strides = array<i32>} : memref<16384xi32, #tpu.memory_space<vmem>>, vector<16xi32>,
      %parallel_loop3A_915 = arith.constant 1 : i32
      %parallel_loop3A_916 = arith.index_cast %parallel_loop3A_915 : i32 to index
      %parallel_loop3A_917 = arith.index_cast %parallel_loop3A_910 : i32 to index
      %parallel_loop3A_918 = tpu.vector_load %arg8[%parallel_loop3A_916, %parallel_loop3A_917] {strides = array<i32>} : memref<2x2048xf32, #tpu.memory_space<vmem>>, vector<16xf32>,
      %parallel_loop3A_919 = tpu.vector_load_idx %arg6[%parallel_loop3A_914] : memref<100000xf32, #tpu.memory_space<vmem>>[vector<16xi32>], vector<16xf32>,
      %parallel_loop3A_920 = arith.subf %parallel_loop3A_918, %parallel_loop3A_919 : vector<16xf32>
      %parallel_loop3A_921 = arith.mulf %parallel_loop3A_920, %parallel_loop3A_920 : vector<16xf32>
      %parallel_loop3A_922 = arith.constant 1 : i32
      %parallel_loop3A_923 = arith.index_cast %parallel_loop3A_922 : i32 to index
      %parallel_loop3A_924 = arith.index_cast %parallel_loop3A_910 : i32 to index
      %parallel_loop3A_925 = tpu.vector_load %arg9[%parallel_loop3A_923, %parallel_loop3A_924] {strides = array<i32>} : memref<2x2048xf32, #tpu.memory_space<vmem>>, vector<16xf32>,
      tpu.vector_store %arg9[%parallel_loop3A_923, %parallel_loop3A_924], %parallel_loop3A_921 {strides = array<i32>} : memref<2x2048xf32, #tpu.memory_space<vmem>>, vector<16xf32>,
    } {sc.loop_unroll_factor = 4 : i64, sc.parallel_access}
    %dma_start3A_98 = arith.constant 1 : i32
    %dma_start3A_99 = arith.constant 0 : i32
    %dma_start3A_100 = tpu.memref_slice %arg9[%dma_start3A_98, %dma_start3A_99] : memref<2x2048xf32, #tpu.memory_space<vmem>> -> memref<1x2048xf32, #tpu.memory_space<vmem>>
    %dma_start3A_101 = tpu.memref_squeeze %dma_start3A_100 : memref<1x2048xf32, #tpu.memory_space<vmem>> -> memref<2048xf32, #tpu.memory_space<vmem>>
    %dma_start3A_102 = arith.constant 2048 : i32
    %dma_start3A_103 = tpu.memref_slice %arg5[%add3A_4, %dma_start3A_102] : memref<64x16384xf32, #tpu.memory_space<hbm>> -> memref<1x2048xf32, #tpu.memory_space<hbm>>
    %dma_start3A_104 = tpu.memref_squeeze %dma_start3A_103 : memref<1x2048xf32, #tpu.memory_space<hbm>> -> memref<2048xf32, #tpu.memory_space<hbm>>
    %dma_start3A_105 = arith.constant 2048 : i32
    %dma_start3A_106 = tpu.memref_slice %arg5[%add3A_4, %dma_start3A_105] : memref<64x16384xf32, #tpu.memory_space<hbm>> -> memref<1x2048xf32, #tpu.memory_space<hbm>>
    %dma_start3A_107 = tpu.memref_squeeze %dma_start3A_106 : memref<1x2048xf32, #tpu.memory_space<hbm>> -> memref<2048xf32, #tpu.memory_space<hbm>>
    %dma_start3A_108 = arith.constant 0 : i32
    %dma_start3A_109 = tpu.memref_slice %arg9[%dma_start3A_98, %dma_start3A_108] : memref<2x2048xf32, #tpu.memory_space<vmem>> -> memref<1x2048xf32, #tpu.memory_space<vmem>>
    %dma_start3A_110 = tpu.memref_squeeze %dma_start3A_109 : memref<1x2048xf32, #tpu.memory_space<vmem>> -> memref<2048xf32, #tpu.memory_space<vmem>>
    tpu.enqueue_dma source(%dma_start3A_110 : memref<2048xf32, #tpu.memory_space<vmem>>) target(%dma_start3A_107 : memref<2048xf32, #tpu.memory_space<hbm>>) target_semaphore(%arg13 : memref<!tpu.dma_semaphore, #tpu.memory_space<semaphore_mem>>)
    %dma_start3A_111 = arith.constant 1 : i32
    %dma_start3A_112 = arith.constant 0 : i32
    %dma_start3A_113 = tpu.memref_slice %arg8[%dma_start3A_111, %dma_start3A_112] : memref<2x2048xf32, #tpu.memory_space<vmem>> -> memref<1x2048xf32, #tpu.memory_space<vmem>>
    %dma_start3A_114 = tpu.memref_squeeze %dma_start3A_113 : memref<1x2048xf32, #tpu.memory_space<vmem>> -> memref<2048xf32, #tpu.memory_space<vmem>>
    %dma_start3A_115 = arith.constant 6144 : i32
    %dma_start3A_116 = tpu.memref_slice %arg3[%add3A_4, %dma_start3A_115] : memref<64x16384xf32, #tpu.memory_space<hbm>> -> memref<1x2048xf32, #tpu.memory_space<hbm>>
    %dma_start3A_117 = tpu.memref_squeeze %dma_start3A_116 : memref<1x2048xf32, #tpu.memory_space<hbm>> -> memref<2048xf32, #tpu.memory_space<hbm>>
    %dma_start3A_118 = arith.constant 0 : i32
    %dma_start3A_119 = tpu.memref_slice %arg8[%dma_start3A_111, %dma_start3A_118] : memref<2x2048xf32, #tpu.memory_space<vmem>> -> memref<1x2048xf32, #tpu.memory_space<vmem>>
    %dma_start3A_120 = tpu.memref_squeeze %dma_start3A_119 : memref<1x2048xf32, #tpu.memory_space<vmem>> -> memref<2048xf32, #tpu.memory_space<vmem>>
    %dma_start3A_121 = arith.constant 6144 : i32
    %dma_start3A_122 = tpu.memref_slice %arg3[%add3A_4, %dma_start3A_121] : memref<64x16384xf32, #tpu.memory_space<hbm>> -> memref<1x2048xf32, #tpu.memory_space<hbm>>
    %dma_start3A_123 = tpu.memref_squeeze %dma_start3A_122 : memref<1x2048xf32, #tpu.memory_space<hbm>> -> memref<2048xf32, #tpu.memory_space<hbm>>
    tpu.enqueue_dma source(%dma_start3A_123 : memref<2048xf32, #tpu.memory_space<hbm>>) target(%dma_start3A_120 : memref<2048xf32, #tpu.memory_space<vmem>>) target_semaphore(%arg12 : memref<!tpu.dma_semaphore, #tpu.memory_space<semaphore_mem>>)
    %dma_wait3A_124 = arith.constant 0 : i32
    %dma_wait3A_125 = arith.constant 0 : i32
    %dma_wait3A_126 = tpu.memref_slice %arg8[%dma_wait3A_124, %dma_wait3A_125] : memref<2x2048xf32, #tpu.memory_space<vmem>> -> memref<1x2048xf32, #tpu.memory_space<vmem>>
    %dma_wait3A_127 = tpu.memref_squeeze %dma_wait3A_126 : memref<1x2048xf32, #tpu.memory_space<vmem>> -> memref<2048xf32, #tpu.memory_space<vmem>>
    %dma_wait3A_128 = arith.constant 4096 : i32
    %dma_wait3A_129 = tpu.memref_slice %arg3[%add3A_4, %dma_wait3A_128] : memref<64x16384xf32, #tpu.memory_space<hbm>> -> memref<1x2048xf32, #tpu.memory_space<hbm>>
    %dma_wait3A_130 = tpu.memref_squeeze %dma_wait3A_129 : memref<1x2048xf32, #tpu.memory_space<hbm>> -> memref<2048xf32, #tpu.memory_space<hbm>>
    %dma_wait3A_131 = arith.constant 0 : i32
    %dma_wait3A_132 = tpu.memref_slice %arg8[%dma_wait3A_124, %dma_wait3A_131] : memref<2x2048xf32, #tpu.memory_space<vmem>> -> memref<1x2048xf32, #tpu.memory_space<vmem>>
    %dma_wait3A_133 = tpu.memref_squeeze %dma_wait3A_132 : memref<1x2048xf32, #tpu.memory_space<vmem>> -> memref<2048xf32, #tpu.memory_space<vmem>>
    %dma_wait3A_134 = arith.constant 4096 : i32
    %dma_wait3A_135 = tpu.memref_slice %arg3[%add3A_4, %dma_wait3A_134] : memref<64x16384xf32, #tpu.memory_space<hbm>> -> memref<1x2048xf32, #tpu.memory_space<hbm>>
    %dma_wait3A_136 = tpu.memref_squeeze %dma_wait3A_135 : memref<1x2048xf32, #tpu.memory_space<hbm>> -> memref<2048xf32, #tpu.memory_space<hbm>>
    tpu.wait_dma2 semaphore(%arg12 : memref<!tpu.dma_semaphore, #tpu.memory_space<semaphore_mem>>) src(%dma_wait3A_136 : memref<2048xf32, #tpu.memory_space<hbm>>) dst(%dma_wait3A_133 : memref<2048xf32, #tpu.memory_space<vmem>>)
    %dma_wait3A_137 = arith.constant 0 : i32
    %dma_wait3A_138 = arith.constant 0 : i32
    %dma_wait3A_139 = tpu.memref_slice %arg9[%dma_wait3A_137, %dma_wait3A_138] : memref<2x2048xf32, #tpu.memory_space<vmem>> -> memref<1x2048xf32, #tpu.memory_space<vmem>>
    %dma_wait3A_140 = tpu.memref_squeeze %dma_wait3A_139 : memref<1x2048xf32, #tpu.memory_space<vmem>> -> memref<2048xf32, #tpu.memory_space<vmem>>
    %dma_wait3A_141 = arith.constant 0 : i32
    %dma_wait3A_142 = tpu.memref_slice %arg5[%add3A_4, %dma_wait3A_141] : memref<64x16384xf32, #tpu.memory_space<hbm>> -> memref<1x2048xf32, #tpu.memory_space<hbm>>
    %dma_wait3A_143 = tpu.memref_squeeze %dma_wait3A_142 : memref<1x2048xf32, #tpu.memory_space<hbm>> -> memref<2048xf32, #tpu.memory_space<hbm>>
    %dma_wait3A_144 = arith.constant 0 : i32
    %dma_wait3A_145 = tpu.memref_slice %arg5[%add3A_4, %dma_wait3A_144] : memref<64x16384xf32, #tpu.memory_space<hbm>> -> memref<1x2048xf32, #tpu.memory_space<hbm>>
    %dma_wait3A_146 = tpu.memref_squeeze %dma_wait3A_145 : memref<1x2048xf32, #tpu.memory_space<hbm>> -> memref<2048xf32, #tpu.memory_space<hbm>>
    %dma_wait3A_147 = arith.constant 0 : i32
    %dma_wait3A_148 = tpu.memref_slice %arg9[%dma_wait3A_137, %dma_wait3A_147] : memref<2x2048xf32, #tpu.memory_space<vmem>> -> memref<1x2048xf32, #tpu.memory_space<vmem>>
    %dma_wait3A_149 = tpu.memref_squeeze %dma_wait3A_148 : memref<1x2048xf32, #tpu.memory_space<vmem>> -> memref<2048xf32, #tpu.memory_space<vmem>>
    tpu.wait_dma2 semaphore(%arg13 : memref<!tpu.dma_semaphore, #tpu.memory_space<semaphore_mem>>) src(%dma_wait3A_149 : memref<2048xf32, #tpu.memory_space<vmem>>) dst(%dma_wait3A_146 : memref<2048xf32, #tpu.memory_space<hbm>>)
    %parallel_loop3A_150 = arith.constant 0 : i32
    %parallel_loop3A_151 = arith.constant 2048 : i32
    %parallel_loop3A_152 = arith.constant 16 : i32
    scf.for %parallel_loop3A_910 = %parallel_loop3A_150 to %parallel_loop3A_151 step %parallel_loop3A_152  : i32 {
      %parallel_loop3A_911 = arith.constant 4096 : i32
      %parallel_loop3A_912 = arith.addi %parallel_loop3A_911, %parallel_loop3A_910 : i32
      %parallel_loop3A_913 = arith.index_cast %parallel_loop3A_912 : i32 to index
      %parallel_loop3A_914 = tpu.vector_load %arg7[%parallel_loop3A_913] {strides = array<i32>} : memref<16384xi32, #tpu.memory_space<vmem>>, vector<16xi32>,
      %parallel_loop3A_915 = arith.constant 0 : i32
      %parallel_loop3A_916 = arith.index_cast %parallel_loop3A_915 : i32 to index
      %parallel_loop3A_917 = arith.index_cast %parallel_loop3A_910 : i32 to index
      %parallel_loop3A_918 = tpu.vector_load %arg8[%parallel_loop3A_916, %parallel_loop3A_917] {strides = array<i32>} : memref<2x2048xf32, #tpu.memory_space<vmem>>, vector<16xf32>,
      %parallel_loop3A_919 = tpu.vector_load_idx %arg6[%parallel_loop3A_914] : memref<100000xf32, #tpu.memory_space<vmem>>[vector<16xi32>], vector<16xf32>,
      %parallel_loop3A_920 = arith.subf %parallel_loop3A_918, %parallel_loop3A_919 : vector<16xf32>
      %parallel_loop3A_921 = arith.mulf %parallel_loop3A_920, %parallel_loop3A_920 : vector<16xf32>
      %parallel_loop3A_922 = arith.constant 0 : i32
      %parallel_loop3A_923 = arith.index_cast %parallel_loop3A_922 : i32 to index
      %parallel_loop3A_924 = arith.index_cast %parallel_loop3A_910 : i32 to index
      %parallel_loop3A_925 = tpu.vector_load %arg9[%parallel_loop3A_923, %parallel_loop3A_924] {strides = array<i32>} : memref<2x2048xf32, #tpu.memory_space<vmem>>, vector<16xf32>,
      tpu.vector_store %arg9[%parallel_loop3A_923, %parallel_loop3A_924], %parallel_loop3A_921 {strides = array<i32>} : memref<2x2048xf32, #tpu.memory_space<vmem>>, vector<16xf32>,
    } {sc.loop_unroll_factor = 4 : i64, sc.parallel_access}
    %dma_start3A_153 = arith.constant 0 : i32
    %dma_start3A_154 = arith.constant 0 : i32
    %dma_start3A_155 = tpu.memref_slice %arg9[%dma_start3A_153, %dma_start3A_154] : memref<2x2048xf32, #tpu.memory_space<vmem>> -> memref<1x2048xf32, #tpu.memory_space<vmem>>
    %dma_start3A_156 = tpu.memref_squeeze %dma_start3A_155 : memref<1x2048xf32, #tpu.memory_space<vmem>> -> memref<2048xf32, #tpu.memory_space<vmem>>
    %dma_start3A_157 = arith.constant 4096 : i32
    %dma_start3A_158 = tpu.memref_slice %arg5[%add3A_4, %dma_start3A_157] : memref<64x16384xf32, #tpu.memory_space<hbm>> -> memref<1x2048xf32, #tpu.memory_space<hbm>>
    %dma_start3A_159 = tpu.memref_squeeze %dma_start3A_158 : memref<1x2048xf32, #tpu.memory_space<hbm>> -> memref<2048xf32, #tpu.memory_space<hbm>>
    %dma_start3A_160 = arith.constant 4096 : i32
    %dma_start3A_161 = tpu.memref_slice %arg5[%add3A_4, %dma_start3A_160] : memref<64x16384xf32, #tpu.memory_space<hbm>> -> memref<1x2048xf32, #tpu.memory_space<hbm>>
    %dma_start3A_162 = tpu.memref_squeeze %dma_start3A_161 : memref<1x2048xf32, #tpu.memory_space<hbm>> -> memref<2048xf32, #tpu.memory_space<hbm>>
    %dma_start3A_163 = arith.constant 0 : i32
    %dma_start3A_164 = tpu.memref_slice %arg9[%dma_start3A_153, %dma_start3A_163] : memref<2x2048xf32, #tpu.memory_space<vmem>> -> memref<1x2048xf32, #tpu.memory_space<vmem>>
    %dma_start3A_165 = tpu.memref_squeeze %dma_start3A_164 : memref<1x2048xf32, #tpu.memory_space<vmem>> -> memref<2048xf32, #tpu.memory_space<vmem>>
    tpu.enqueue_dma source(%dma_start3A_165 : memref<2048xf32, #tpu.memory_space<vmem>>) target(%dma_start3A_162 : memref<2048xf32, #tpu.memory_space<hbm>>) target_semaphore(%arg13 : memref<!tpu.dma_semaphore, #tpu.memory_space<semaphore_mem>>)
    %dma_start3A_166 = arith.constant 0 : i32
    %dma_start3A_167 = arith.constant 0 : i32
    %dma_start3A_168 = tpu.memref_slice %arg8[%dma_start3A_166, %dma_start3A_167] : memref<2x2048xf32, #tpu.memory_space<vmem>> -> memref<1x2048xf32, #tpu.memory_space<vmem>>
    %dma_start3A_169 = tpu.memref_squeeze %dma_start3A_168 : memref<1x2048xf32, #tpu.memory_space<vmem>> -> memref<2048xf32, #tpu.memory_space<vmem>>
    %dma_start3A_170 = arith.constant 8192 : i32
    %dma_start3A_171 = tpu.memref_slice %arg3[%add3A_4, %dma_start3A_170] : memref<64x16384xf32, #tpu.memory_space<hbm>> -> memref<1x2048xf32, #tpu.memory_space<hbm>>
    %dma_start3A_172 = tpu.memref_squeeze %dma_start3A_171 : memref<1x2048xf32, #tpu.memory_space<hbm>> -> memref<2048xf32, #tpu.memory_space<hbm>>
    %dma_start3A_173 = arith.constant 0 : i32
    %dma_start3A_174 = tpu.memref_slice %arg8[%dma_start3A_166, %dma_start3A_173] : memref<2x2048xf32, #tpu.memory_space<vmem>> -> memref<1x2048xf32, #tpu.memory_space<vmem>>
    %dma_start3A_175 = tpu.memref_squeeze %dma_start3A_174 : memref<1x2048xf32, #tpu.memory_space<vmem>> -> memref<2048xf32, #tpu.memory_space<vmem>>
    %dma_start3A_176 = arith.constant 8192 : i32
    %dma_start3A_177 = tpu.memref_slice %arg3[%add3A_4, %dma_start3A_176] : memref<64x16384xf32, #tpu.memory_space<hbm>> -> memref<1x2048xf32, #tpu.memory_space<hbm>>
    %dma_start3A_178 = tpu.memref_squeeze %dma_start3A_177 : memref<1x2048xf32, #tpu.memory_space<hbm>> -> memref<2048xf32, #tpu.memory_space<hbm>>
    tpu.enqueue_dma source(%dma_start3A_178 : memref<2048xf32, #tpu.memory_space<hbm>>) target(%dma_start3A_175 : memref<2048xf32, #tpu.memory_space<vmem>>) target_semaphore(%arg12 : memref<!tpu.dma_semaphore, #tpu.memory_space<semaphore_mem>>)
    %dma_wait3A_179 = arith.constant 1 : i32
    %dma_wait3A_180 = arith.constant 0 : i32
    %dma_wait3A_181 = tpu.memref_slice %arg8[%dma_wait3A_179, %dma_wait3A_180] : memref<2x2048xf32, #tpu.memory_space<vmem>> -> memref<1x2048xf32, #tpu.memory_space<vmem>>
    %dma_wait3A_182 = tpu.memref_squeeze %dma_wait3A_181 : memref<1x2048xf32, #tpu.memory_space<vmem>> -> memref<2048xf32, #tpu.memory_space<vmem>>
    %dma_wait3A_183 = arith.constant 6144 : i32
    %dma_wait3A_184 = tpu.memref_slice %arg3[%add3A_4, %dma_wait3A_183] : memref<64x16384xf32, #tpu.memory_space<hbm>> -> memref<1x2048xf32, #tpu.memory_space<hbm>>
    %dma_wait3A_185 = tpu.memref_squeeze %dma_wait3A_184 : memref<1x2048xf32, #tpu.memory_space<hbm>> -> memref<2048xf32, #tpu.memory_space<hbm>>
    %dma_wait3A_186 = arith.constant 0 : i32
    %dma_wait3A_187 = tpu.memref_slice %arg8[%dma_wait3A_179, %dma_wait3A_186] : memref<2x2048xf32, #tpu.memory_space<vmem>> -> memref<1x2048xf32, #tpu.memory_space<vmem>>
    %dma_wait3A_188 = tpu.memref_squeeze %dma_wait3A_187 : memref<1x2048xf32, #tpu.memory_space<vmem>> -> memref<2048xf32, #tpu.memory_space<vmem>>
    %dma_wait3A_189 = arith.constant 6144 : i32
    %dma_wait3A_190 = tpu.memref_slice %arg3[%add3A_4, %dma_wait3A_189] : memref<64x16384xf32, #tpu.memory_space<hbm>> -> memref<1x2048xf32, #tpu.memory_space<hbm>>
    %dma_wait3A_191 = tpu.memref_squeeze %dma_wait3A_190 : memref<1x2048xf32, #tpu.memory_space<hbm>> -> memref<2048xf32, #tpu.memory_space<hbm>>
    tpu.wait_dma2 semaphore(%arg12 : memref<!tpu.dma_semaphore, #tpu.memory_space<semaphore_mem>>) src(%dma_wait3A_191 : memref<2048xf32, #tpu.memory_space<hbm>>) dst(%dma_wait3A_188 : memref<2048xf32, #tpu.memory_space<vmem>>)
    %dma_wait3A_192 = arith.constant 1 : i32
    %dma_wait3A_193 = arith.constant 0 : i32
    %dma_wait3A_194 = tpu.memref_slice %arg9[%dma_wait3A_192, %dma_wait3A_193] : memref<2x2048xf32, #tpu.memory_space<vmem>> -> memref<1x2048xf32, #tpu.memory_space<vmem>>
    %dma_wait3A_195 = tpu.memref_squeeze %dma_wait3A_194 : memref<1x2048xf32, #tpu.memory_space<vmem>> -> memref<2048xf32, #tpu.memory_space<vmem>>
    %dma_wait3A_196 = arith.constant 2048 : i32
    %dma_wait3A_197 = tpu.memref_slice %arg5[%add3A_4, %dma_wait3A_196] : memref<64x16384xf32, #tpu.memory_space<hbm>> -> memref<1x2048xf32, #tpu.memory_space<hbm>>
    %dma_wait3A_198 = tpu.memref_squeeze %dma_wait3A_197 : memref<1x2048xf32, #tpu.memory_space<hbm>> -> memref<2048xf32, #tpu.memory_space<hbm>>
    %dma_wait3A_199 = arith.constant 2048 : i32
    %dma_wait3A_200 = tpu.memref_slice %arg5[%add3A_4, %dma_wait3A_199] : memref<64x16384xf32, #tpu.memory_space<hbm>> -> memref<1x2048xf32, #tpu.memory_space<hbm>>
    %dma_wait3A_201 = tpu.memref_squeeze %dma_wait3A_200 : memref<1x2048xf32, #tpu.memory_space<hbm>> -> memref<2048xf32, #tpu.memory_space<hbm>>
    %dma_wait3A_202 = arith.constant 0 : i32
    %dma_wait3A_203 = tpu.memref_slice %arg9[%dma_wait3A_192, %dma_wait3A_202] : memref<2x2048xf32, #tpu.memory_space<vmem>> -> memref<1x2048xf32, #tpu.memory_space<vmem>>
    %dma_wait3A_204 = tpu.memref_squeeze %dma_wait3A_203 : memref<1x2048xf32, #tpu.memory_space<vmem>> -> memref<2048xf32, #tpu.memory_space<vmem>>
    tpu.wait_dma2 semaphore(%arg13 : memref<!tpu.dma_semaphore, #tpu.memory_space<semaphore_mem>>) src(%dma_wait3A_204 : memref<2048xf32, #tpu.memory_space<vmem>>) dst(%dma_wait3A_201 : memref<2048xf32, #tpu.memory_space<hbm>>)
    %parallel_loop3A_205 = arith.constant 0 : i32
    %parallel_loop3A_206 = arith.constant 2048 : i32
    %parallel_loop3A_207 = arith.constant 16 : i32
    scf.for %parallel_loop3A_910 = %parallel_loop3A_205 to %parallel_loop3A_206 step %parallel_loop3A_207  : i32 {
      %parallel_loop3A_911 = arith.constant 6144 : i32
      %parallel_loop3A_912 = arith.addi %parallel_loop3A_911, %parallel_loop3A_910 : i32
      %parallel_loop3A_913 = arith.index_cast %parallel_loop3A_912 : i32 to index
      %parallel_loop3A_914 = tpu.vector_load %arg7[%parallel_loop3A_913] {strides = array<i32>} : memref<16384xi32, #tpu.memory_space<vmem>>, vector<16xi32>,
      %parallel_loop3A_915 = arith.constant 1 : i32
      %parallel_loop3A_916 = arith.index_cast %parallel_loop3A_915 : i32 to index
      %parallel_loop3A_917 = arith.index_cast %parallel_loop3A_910 : i32 to index
      %parallel_loop3A_918 = tpu.vector_load %arg8[%parallel_loop3A_916, %parallel_loop3A_917] {strides = array<i32>} : memref<2x2048xf32, #tpu.memory_space<vmem>>, vector<16xf32>,
      %parallel_loop3A_919 = tpu.vector_load_idx %arg6[%parallel_loop3A_914] : memref<100000xf32, #tpu.memory_space<vmem>>[vector<16xi32>], vector<16xf32>,
      %parallel_loop3A_920 = arith.subf %parallel_loop3A_918, %parallel_loop3A_919 : vector<16xf32>
      %parallel_loop3A_921 = arith.mulf %parallel_loop3A_920, %parallel_loop3A_920 : vector<16xf32>
      %parallel_loop3A_922 = arith.constant 1 : i32
      %parallel_loop3A_923 = arith.index_cast %parallel_loop3A_922 : i32 to index
      %parallel_loop3A_924 = arith.index_cast %parallel_loop3A_910 : i32 to index
      %parallel_loop3A_925 = tpu.vector_load %arg9[%parallel_loop3A_923, %parallel_loop3A_924] {strides = array<i32>} : memref<2x2048xf32, #tpu.memory_space<vmem>>, vector<16xf32>,
      tpu.vector_store %arg9[%parallel_loop3A_923, %parallel_loop3A_924], %parallel_loop3A_921 {strides = array<i32>} : memref<2x2048xf32, #tpu.memory_space<vmem>>, vector<16xf32>,
    } {sc.loop_unroll_factor = 4 : i64, sc.parallel_access}
    %dma_start3A_208 = arith.constant 1 : i32
    %dma_start3A_209 = arith.constant 0 : i32
    %dma_start3A_210 = tpu.memref_slice %arg9[%dma_start3A_208, %dma_start3A_209] : memref<2x2048xf32, #tpu.memory_space<vmem>> -> memref<1x2048xf32, #tpu.memory_space<vmem>>
    %dma_start3A_211 = tpu.memref_squeeze %dma_start3A_210 : memref<1x2048xf32, #tpu.memory_space<vmem>> -> memref<2048xf32, #tpu.memory_space<vmem>>
    %dma_start3A_212 = arith.constant 6144 : i32
    %dma_start3A_213 = tpu.memref_slice %arg5[%add3A_4, %dma_start3A_212] : memref<64x16384xf32, #tpu.memory_space<hbm>> -> memref<1x2048xf32, #tpu.memory_space<hbm>>
    %dma_start3A_214 = tpu.memref_squeeze %dma_start3A_213 : memref<1x2048xf32, #tpu.memory_space<hbm>> -> memref<2048xf32, #tpu.memory_space<hbm>>
    %dma_start3A_215 = arith.constant 6144 : i32
    %dma_start3A_216 = tpu.memref_slice %arg5[%add3A_4, %dma_start3A_215] : memref<64x16384xf32, #tpu.memory_space<hbm>> -> memref<1x2048xf32, #tpu.memory_space<hbm>>
    %dma_start3A_217 = tpu.memref_squeeze %dma_start3A_216 : memref<1x2048xf32, #tpu.memory_space<hbm>> -> memref<2048xf32, #tpu.memory_space<hbm>>
    %dma_start3A_218 = arith.constant 0 : i32
    %dma_start3A_219 = tpu.memref_slice %arg9[%dma_start3A_208, %dma_start3A_218] : memref<2x2048xf32, #tpu.memory_space<vmem>> -> memref<1x2048xf32, #tpu.memory_space<vmem>>
    %dma_start3A_220 = tpu.memref_squeeze %dma_start3A_219 : memref<1x2048xf32, #tpu.memory_space<vmem>> -> memref<2048xf32, #tpu.memory_space<vmem>>
    tpu.enqueue_dma source(%dma_start3A_220 : memref<2048xf32, #tpu.memory_space<vmem>>) target(%dma_start3A_217 : memref<2048xf32, #tpu.memory_space<hbm>>) target_semaphore(%arg13 : memref<!tpu.dma_semaphore, #tpu.memory_space<semaphore_mem>>)
    %dma_start3A_221 = arith.constant 1 : i32
    %dma_start3A_222 = arith.constant 0 : i32
    %dma_start3A_223 = tpu.memref_slice %arg8[%dma_start3A_221, %dma_start3A_222] : memref<2x2048xf32, #tpu.memory_space<vmem>> -> memref<1x2048xf32, #tpu.memory_space<vmem>>
    %dma_start3A_224 = tpu.memref_squeeze %dma_start3A_223 : memref<1x2048xf32, #tpu.memory_space<vmem>> -> memref<2048xf32, #tpu.memory_space<vmem>>
    %dma_start3A_225 = arith.constant 10240 : i32
    %dma_start3A_226 = tpu.memref_slice %arg3[%add3A_4, %dma_start3A_225] : memref<64x16384xf32, #tpu.memory_space<hbm>> -> memref<1x2048xf32, #tpu.memory_space<hbm>>
    %dma_start3A_227 = tpu.memref_squeeze %dma_start3A_226 : memref<1x2048xf32, #tpu.memory_space<hbm>> -> memref<2048xf32, #tpu.memory_space<hbm>>
    %dma_start3A_228 = arith.constant 0 : i32
    %dma_start3A_229 = tpu.memref_slice %arg8[%dma_start3A_221, %dma_start3A_228] : memref<2x2048xf32, #tpu.memory_space<vmem>> -> memref<1x2048xf32, #tpu.memory_space<vmem>>
    %dma_start3A_230 = tpu.memref_squeeze %dma_start3A_229 : memref<1x2048xf32, #tpu.memory_space<vmem>> -> memref<2048xf32, #tpu.memory_space<vmem>>
    %dma_start3A_231 = arith.constant 10240 : i32
    %dma_start3A_232 = tpu.memref_slice %arg3[%add3A_4, %dma_start3A_231] : memref<64x16384xf32, #tpu.memory_space<hbm>> -> memref<1x2048xf32, #tpu.memory_space<hbm>>
    %dma_start3A_233 = tpu.memref_squeeze %dma_start3A_232 : memref<1x2048xf32, #tpu.memory_space<hbm>> -> memref<2048xf32, #tpu.memory_space<hbm>>
    tpu.enqueue_dma source(%dma_start3A_233 : memref<2048xf32, #tpu.memory_space<hbm>>) target(%dma_start3A_230 : memref<2048xf32, #tpu.memory_space<vmem>>) target_semaphore(%arg12 : memref<!tpu.dma_semaphore, #tpu.memory_space<semaphore_mem>>)
    %dma_wait3A_234 = arith.constant 0 : i32
    %dma_wait3A_235 = arith.constant 0 : i32
    %dma_wait3A_236 = tpu.memref_slice %arg8[%dma_wait3A_234, %dma_wait3A_235] : memref<2x2048xf32, #tpu.memory_space<vmem>> -> memref<1x2048xf32, #tpu.memory_space<vmem>>
    %dma_wait3A_237 = tpu.memref_squeeze %dma_wait3A_236 : memref<1x2048xf32, #tpu.memory_space<vmem>> -> memref<2048xf32, #tpu.memory_space<vmem>>
    %dma_wait3A_238 = arith.constant 8192 : i32
    %dma_wait3A_239 = tpu.memref_slice %arg3[%add3A_4, %dma_wait3A_238] : memref<64x16384xf32, #tpu.memory_space<hbm>> -> memref<1x2048xf32, #tpu.memory_space<hbm>>
    %dma_wait3A_240 = tpu.memref_squeeze %dma_wait3A_239 : memref<1x2048xf32, #tpu.memory_space<hbm>> -> memref<2048xf32, #tpu.memory_space<hbm>>
    %dma_wait3A_241 = arith.constant 0 : i32
    %dma_wait3A_242 = tpu.memref_slice %arg8[%dma_wait3A_234, %dma_wait3A_241] : memref<2x2048xf32, #tpu.memory_space<vmem>> -> memref<1x2048xf32, #tpu.memory_space<vmem>>
    %dma_wait3A_243 = tpu.memref_squeeze %dma_wait3A_242 : memref<1x2048xf32, #tpu.memory_space<vmem>> -> memref<2048xf32, #tpu.memory_space<vmem>>
    %dma_wait3A_244 = arith.constant 8192 : i32
    %dma_wait3A_245 = tpu.memref_slice %arg3[%add3A_4, %dma_wait3A_244] : memref<64x16384xf32, #tpu.memory_space<hbm>> -> memref<1x2048xf32, #tpu.memory_space<hbm>>
    %dma_wait3A_246 = tpu.memref_squeeze %dma_wait3A_245 : memref<1x2048xf32, #tpu.memory_space<hbm>> -> memref<2048xf32, #tpu.memory_space<hbm>>
    tpu.wait_dma2 semaphore(%arg12 : memref<!tpu.dma_semaphore, #tpu.memory_space<semaphore_mem>>) src(%dma_wait3A_246 : memref<2048xf32, #tpu.memory_space<hbm>>) dst(%dma_wait3A_243 : memref<2048xf32, #tpu.memory_space<vmem>>)
    %dma_wait3A_247 = arith.constant 0 : i32
    %dma_wait3A_248 = arith.constant 0 : i32
    %dma_wait3A_249 = tpu.memref_slice %arg9[%dma_wait3A_247, %dma_wait3A_248] : memref<2x2048xf32, #tpu.memory_space<vmem>> -> memref<1x2048xf32, #tpu.memory_space<vmem>>
    %dma_wait3A_250 = tpu.memref_squeeze %dma_wait3A_249 : memref<1x2048xf32, #tpu.memory_space<vmem>> -> memref<2048xf32, #tpu.memory_space<vmem>>
    %dma_wait3A_251 = arith.constant 4096 : i32
    %dma_wait3A_252 = tpu.memref_slice %arg5[%add3A_4, %dma_wait3A_251] : memref<64x16384xf32, #tpu.memory_space<hbm>> -> memref<1x2048xf32, #tpu.memory_space<hbm>>
    %dma_wait3A_253 = tpu.memref_squeeze %dma_wait3A_252 : memref<1x2048xf32, #tpu.memory_space<hbm>> -> memref<2048xf32, #tpu.memory_space<hbm>>
    %dma_wait3A_254 = arith.constant 4096 : i32
    %dma_wait3A_255 = tpu.memref_slice %arg5[%add3A_4, %dma_wait3A_254] : memref<64x16384xf32, #tpu.memory_space<hbm>> -> memref<1x2048xf32, #tpu.memory_space<hbm>>
    %dma_wait3A_256 = tpu.memref_squeeze %dma_wait3A_255 : memref<1x2048xf32, #tpu.memory_space<hbm>> -> memref<2048xf32, #tpu.memory_space<hbm>>
    %dma_wait3A_257 = arith.constant 0 : i32
    %dma_wait3A_258 = tpu.memref_slice %arg9[%dma_wait3A_247, %dma_wait3A_257] : memref<2x2048xf32, #tpu.memory_space<vmem>> -> memref<1x2048xf32, #tpu.memory_space<vmem>>
    %dma_wait3A_259 = tpu.memref_squeeze %dma_wait3A_258 : memref<1x2048xf32, #tpu.memory_space<vmem>> -> memref<2048xf32, #tpu.memory_space<vmem>>
    tpu.wait_dma2 semaphore(%arg13 : memref<!tpu.dma_semaphore, #tpu.memory_space<semaphore_mem>>) src(%dma_wait3A_259 : memref<2048xf32, #tpu.memory_space<vmem>>) dst(%dma_wait3A_256 : memref<2048xf32, #tpu.memory_space<hbm>>)
    %parallel_loop3A_260 = arith.constant 0 : i32
    %parallel_loop3A_261 = arith.constant 2048 : i32
    %parallel_loop3A_262 = arith.constant 16 : i32
    scf.for %parallel_loop3A_910 = %parallel_loop3A_260 to %parallel_loop3A_261 step %parallel_loop3A_262  : i32 {
      %parallel_loop3A_911 = arith.constant 8192 : i32
      %parallel_loop3A_912 = arith.addi %parallel_loop3A_911, %parallel_loop3A_910 : i32
      %parallel_loop3A_913 = arith.index_cast %parallel_loop3A_912 : i32 to index
      %parallel_loop3A_914 = tpu.vector_load %arg7[%parallel_loop3A_913] {strides = array<i32>} : memref<16384xi32, #tpu.memory_space<vmem>>, vector<16xi32>,
      %parallel_loop3A_915 = arith.constant 0 : i32
      %parallel_loop3A_916 = arith.index_cast %parallel_loop3A_915 : i32 to index
      %parallel_loop3A_917 = arith.index_cast %parallel_loop3A_910 : i32 to index
      %parallel_loop3A_918 = tpu.vector_load %arg8[%parallel_loop3A_916, %parallel_loop3A_917] {strides = array<i32>} : memref<2x2048xf32, #tpu.memory_space<vmem>>, vector<16xf32>,
      %parallel_loop3A_919 = tpu.vector_load_idx %arg6[%parallel_loop3A_914] : memref<100000xf32, #tpu.memory_space<vmem>>[vector<16xi32>], vector<16xf32>,
      %parallel_loop3A_920 = arith.subf %parallel_loop3A_918, %parallel_loop3A_919 : vector<16xf32>
      %parallel_loop3A_921 = arith.mulf %parallel_loop3A_920, %parallel_loop3A_920 : vector<16xf32>
      %parallel_loop3A_922 = arith.constant 0 : i32
      %parallel_loop3A_923 = arith.index_cast %parallel_loop3A_922 : i32 to index
      %parallel_loop3A_924 = arith.index_cast %parallel_loop3A_910 : i32 to index
      %parallel_loop3A_925 = tpu.vector_load %arg9[%parallel_loop3A_923, %parallel_loop3A_924] {strides = array<i32>} : memref<2x2048xf32, #tpu.memory_space<vmem>>, vector<16xf32>,
      tpu.vector_store %arg9[%parallel_loop3A_923, %parallel_loop3A_924], %parallel_loop3A_921 {strides = array<i32>} : memref<2x2048xf32, #tpu.memory_space<vmem>>, vector<16xf32>,
    } {sc.loop_unroll_factor = 4 : i64, sc.parallel_access}
    %dma_start3A_263 = arith.constant 0 : i32
    %dma_start3A_264 = arith.constant 0 : i32
    %dma_start3A_265 = tpu.memref_slice %arg9[%dma_start3A_263, %dma_start3A_264] : memref<2x2048xf32, #tpu.memory_space<vmem>> -> memref<1x2048xf32, #tpu.memory_space<vmem>>
    %dma_start3A_266 = tpu.memref_squeeze %dma_start3A_265 : memref<1x2048xf32, #tpu.memory_space<vmem>> -> memref<2048xf32, #tpu.memory_space<vmem>>
    %dma_start3A_267 = arith.constant 8192 : i32
    %dma_start3A_268 = tpu.memref_slice %arg5[%add3A_4, %dma_start3A_267] : memref<64x16384xf32, #tpu.memory_space<hbm>> -> memref<1x2048xf32, #tpu.memory_space<hbm>>
    %dma_start3A_269 = tpu.memref_squeeze %dma_start3A_268 : memref<1x2048xf32, #tpu.memory_space<hbm>> -> memref<2048xf32, #tpu.memory_space<hbm>>
    %dma_start3A_270 = arith.constant 8192 : i32
    %dma_start3A_271 = tpu.memref_slice %arg5[%add3A_4, %dma_start3A_270] : memref<64x16384xf32, #tpu.memory_space<hbm>> -> memref<1x2048xf32, #tpu.memory_space<hbm>>
    %dma_start3A_272 = tpu.memref_squeeze %dma_start3A_271 : memref<1x2048xf32, #tpu.memory_space<hbm>> -> memref<2048xf32, #tpu.memory_space<hbm>>
    %dma_start3A_273 = arith.constant 0 : i32
    %dma_start3A_274 = tpu.memref_slice %arg9[%dma_start3A_263, %dma_start3A_273] : memref<2x2048xf32, #tpu.memory_space<vmem>> -> memref<1x2048xf32, #tpu.memory_space<vmem>>
    %dma_start3A_275 = tpu.memref_squeeze %dma_start3A_274 : memref<1x2048xf32, #tpu.memory_space<vmem>> -> memref<2048xf32, #tpu.memory_space<vmem>>
    tpu.enqueue_dma source(%dma_start3A_275 : memref<2048xf32, #tpu.memory_space<vmem>>) target(%dma_start3A_272 : memref<2048xf32, #tpu.memory_space<hbm>>) target_semaphore(%arg13 : memref<!tpu.dma_semaphore, #tpu.memory_space<semaphore_mem>>)
    %dma_start3A_276 = arith.constant 0 : i32
    %dma_start3A_277 = arith.constant 0 : i32
    %dma_start3A_278 = tpu.memref_slice %arg8[%dma_start3A_276, %dma_start3A_277] : memref<2x2048xf32, #tpu.memory_space<vmem>> -> memref<1x2048xf32, #tpu.memory_space<vmem>>
    %dma_start3A_279 = tpu.memref_squeeze %dma_start3A_278 : memref<1x2048xf32, #tpu.memory_space<vmem>> -> memref<2048xf32, #tpu.memory_space<vmem>>
    %dma_start3A_280 = arith.constant 12288 : i32
    %dma_start3A_281 = tpu.memref_slice %arg3[%add3A_4, %dma_start3A_280] : memref<64x16384xf32, #tpu.memory_space<hbm>> -> memref<1x2048xf32, #tpu.memory_space<hbm>>
    %dma_start3A_282 = tpu.memref_squeeze %dma_start3A_281 : memref<1x2048xf32, #tpu.memory_space<hbm>> -> memref<2048xf32, #tpu.memory_space<hbm>>
    %dma_start3A_283 = arith.constant 0 : i32
    %dma_start3A_284 = tpu.memref_slice %arg8[%dma_start3A_276, %dma_start3A_283] : memref<2x2048xf32, #tpu.memory_space<vmem>> -> memref<1x2048xf32, #tpu.memory_space<vmem>>
    %dma_start3A_285 = tpu.memref_squeeze %dma_start3A_284 : memref<1x2048xf32, #tpu.memory_space<vmem>> -> memref<2048xf32, #tpu.memory_space<vmem>>
    %dma_start3A_286 = arith.constant 12288 : i32
    %dma_start3A_287 = tpu.memref_slice %arg3[%add3A_4, %dma_start3A_286] : memref<64x16384xf32, #tpu.memory_space<hbm>> -> memref<1x2048xf32, #tpu.memory_space<hbm>>
    %dma_start3A_288 = tpu.memref_squeeze %dma_start3A_287 : memref<1x2048xf32, #tpu.memory_space<hbm>> -> memref<2048xf32, #tpu.memory_space<hbm>>
    tpu.enqueue_dma source(%dma_start3A_288 : memref<2048xf32, #tpu.memory_space<hbm>>) target(%dma_start3A_285 : memref<2048xf32, #tpu.memory_space<vmem>>) target_semaphore(%arg12 : memref<!tpu.dma_semaphore, #tpu.memory_space<semaphore_mem>>)
    %dma_wait3A_289 = arith.constant 1 : i32
    %dma_wait3A_290 = arith.constant 0 : i32
    %dma_wait3A_291 = tpu.memref_slice %arg8[%dma_wait3A_289, %dma_wait3A_290] : memref<2x2048xf32, #tpu.memory_space<vmem>> -> memref<1x2048xf32, #tpu.memory_space<vmem>>
    %dma_wait3A_292 = tpu.memref_squeeze %dma_wait3A_291 : memref<1x2048xf32, #tpu.memory_space<vmem>> -> memref<2048xf32, #tpu.memory_space<vmem>>
    %dma_wait3A_293 = arith.constant 10240 : i32
    %dma_wait3A_294 = tpu.memref_slice %arg3[%add3A_4, %dma_wait3A_293] : memref<64x16384xf32, #tpu.memory_space<hbm>> -> memref<1x2048xf32, #tpu.memory_space<hbm>>
    %dma_wait3A_295 = tpu.memref_squeeze %dma_wait3A_294 : memref<1x2048xf32, #tpu.memory_space<hbm>> -> memref<2048xf32, #tpu.memory_space<hbm>>
    %dma_wait3A_296 = arith.constant 0 : i32
    %dma_wait3A_297 = tpu.memref_slice %arg8[%dma_wait3A_289, %dma_wait3A_296] : memref<2x2048xf32, #tpu.memory_space<vmem>> -> memref<1x2048xf32, #tpu.memory_space<vmem>>
    %dma_wait3A_298 = tpu.memref_squeeze %dma_wait3A_297 : memref<1x2048xf32, #tpu.memory_space<vmem>> -> memref<2048xf32, #tpu.memory_space<vmem>>
    %dma_wait3A_299 = arith.constant 10240 : i32
    %dma_wait3A_300 = tpu.memref_slice %arg3[%add3A_4, %dma_wait3A_299] : memref<64x16384xf32, #tpu.memory_space<hbm>> -> memref<1x2048xf32, #tpu.memory_space<hbm>>
    %dma_wait3A_301 = tpu.memref_squeeze %dma_wait3A_300 : memref<1x2048xf32, #tpu.memory_space<hbm>> -> memref<2048xf32, #tpu.memory_space<hbm>>
    tpu.wait_dma2 semaphore(%arg12 : memref<!tpu.dma_semaphore, #tpu.memory_space<semaphore_mem>>) src(%dma_wait3A_301 : memref<2048xf32, #tpu.memory_space<hbm>>) dst(%dma_wait3A_298 : memref<2048xf32, #tpu.memory_space<vmem>>)
    %dma_wait3A_302 = arith.constant 1 : i32
    %dma_wait3A_303 = arith.constant 0 : i32
    %dma_wait3A_304 = tpu.memref_slice %arg9[%dma_wait3A_302, %dma_wait3A_303] : memref<2x2048xf32, #tpu.memory_space<vmem>> -> memref<1x2048xf32, #tpu.memory_space<vmem>>
    %dma_wait3A_305 = tpu.memref_squeeze %dma_wait3A_304 : memref<1x2048xf32, #tpu.memory_space<vmem>> -> memref<2048xf32, #tpu.memory_space<vmem>>
    %dma_wait3A_306 = arith.constant 6144 : i32
    %dma_wait3A_307 = tpu.memref_slice %arg5[%add3A_4, %dma_wait3A_306] : memref<64x16384xf32, #tpu.memory_space<hbm>> -> memref<1x2048xf32, #tpu.memory_space<hbm>>
    %dma_wait3A_308 = tpu.memref_squeeze %dma_wait3A_307 : memref<1x2048xf32, #tpu.memory_space<hbm>> -> memref<2048xf32, #tpu.memory_space<hbm>>
    %dma_wait3A_309 = arith.constant 6144 : i32
    %dma_wait3A_310 = tpu.memref_slice %arg5[%add3A_4, %dma_wait3A_309] : memref<64x16384xf32, #tpu.memory_space<hbm>> -> memref<1x2048xf32, #tpu.memory_space<hbm>>
    %dma_wait3A_311 = tpu.memref_squeeze %dma_wait3A_310 : memref<1x2048xf32, #tpu.memory_space<hbm>> -> memref<2048xf32, #tpu.memory_space<hbm>>
    %dma_wait3A_312 = arith.constant 0 : i32
    %dma_wait3A_313 = tpu.memref_slice %arg9[%dma_wait3A_302, %dma_wait3A_312] : memref<2x2048xf32, #tpu.memory_space<vmem>> -> memref<1x2048xf32, #tpu.memory_space<vmem>>
    %dma_wait3A_314 = tpu.memref_squeeze %dma_wait3A_313 : memref<1x2048xf32, #tpu.memory_space<vmem>> -> memref<2048xf32, #tpu.memory_space<vmem>>
    tpu.wait_dma2 semaphore(%arg13 : memref<!tpu.dma_semaphore, #tpu.memory_space<semaphore_mem>>) src(%dma_wait3A_314 : memref<2048xf32, #tpu.memory_space<vmem>>) dst(%dma_wait3A_311 : memref<2048xf32, #tpu.memory_space<hbm>>)
    %parallel_loop3A_315 = arith.constant 0 : i32
    %parallel_loop3A_316 = arith.constant 2048 : i32
    %parallel_loop3A_317 = arith.constant 16 : i32
    scf.for %parallel_loop3A_910 = %parallel_loop3A_315 to %parallel_loop3A_316 step %parallel_loop3A_317  : i32 {
      %parallel_loop3A_911 = arith.constant 10240 : i32
      %parallel_loop3A_912 = arith.addi %parallel_loop3A_911, %parallel_loop3A_910 : i32
      %parallel_loop3A_913 = arith.index_cast %parallel_loop3A_912 : i32 to index
      %parallel_loop3A_914 = tpu.vector_load %arg7[%parallel_loop3A_913] {strides = array<i32>} : memref<16384xi32, #tpu.memory_space<vmem>>, vector<16xi32>,
      %parallel_loop3A_915 = arith.constant 1 : i32
      %parallel_loop3A_916 = arith.index_cast %parallel_loop3A_915 : i32 to index
      %parallel_loop3A_917 = arith.index_cast %parallel_loop3A_910 : i32 to index
      %parallel_loop3A_918 = tpu.vector_load %arg8[%parallel_loop3A_916, %parallel_loop3A_917] {strides = array<i32>} : memref<2x2048xf32, #tpu.memory_space<vmem>>, vector<16xf32>,
      %parallel_loop3A_919 = tpu.vector_load_idx %arg6[%parallel_loop3A_914] : memref<100000xf32, #tpu.memory_space<vmem>>[vector<16xi32>], vector<16xf32>,
      %parallel_loop3A_920 = arith.subf %parallel_loop3A_918, %parallel_loop3A_919 : vector<16xf32>
      %parallel_loop3A_921 = arith.mulf %parallel_loop3A_920, %parallel_loop3A_920 : vector<16xf32>
      %parallel_loop3A_922 = arith.constant 1 : i32
      %parallel_loop3A_923 = arith.index_cast %parallel_loop3A_922 : i32 to index
      %parallel_loop3A_924 = arith.index_cast %parallel_loop3A_910 : i32 to index
      %parallel_loop3A_925 = tpu.vector_load %arg9[%parallel_loop3A_923, %parallel_loop3A_924] {strides = array<i32>} : memref<2x2048xf32, #tpu.memory_space<vmem>>, vector<16xf32>,
      tpu.vector_store %arg9[%parallel_loop3A_923, %parallel_loop3A_924], %parallel_loop3A_921 {strides = array<i32>} : memref<2x2048xf32, #tpu.memory_space<vmem>>, vector<16xf32>,
    } {sc.loop_unroll_factor = 4 : i64, sc.parallel_access}
    %dma_start3A_318 = arith.constant 1 : i32
    %dma_start3A_319 = arith.constant 0 : i32
    %dma_start3A_320 = tpu.memref_slice %arg9[%dma_start3A_318, %dma_start3A_319] : memref<2x2048xf32, #tpu.memory_space<vmem>> -> memref<1x2048xf32, #tpu.memory_space<vmem>>
    %dma_start3A_321 = tpu.memref_squeeze %dma_start3A_320 : memref<1x2048xf32, #tpu.memory_space<vmem>> -> memref<2048xf32, #tpu.memory_space<vmem>>
    %dma_start3A_322 = arith.constant 10240 : i32
    %dma_start3A_323 = tpu.memref_slice %arg5[%add3A_4, %dma_start3A_322] : memref<64x16384xf32, #tpu.memory_space<hbm>> -> memref<1x2048xf32, #tpu.memory_space<hbm>>
    %dma_start3A_324 = tpu.memref_squeeze %dma_start3A_323 : memref<1x2048xf32, #tpu.memory_space<hbm>> -> memref<2048xf32, #tpu.memory_space<hbm>>
    %dma_start3A_325 = arith.constant 10240 : i32
    %dma_start3A_326 = tpu.memref_slice %arg5[%add3A_4, %dma_start3A_325] : memref<64x16384xf32, #tpu.memory_space<hbm>> -> memref<1x2048xf32, #tpu.memory_space<hbm>>
    %dma_start3A_327 = tpu.memref_squeeze %dma_start3A_326 : memref<1x2048xf32, #tpu.memory_space<hbm>> -> memref<2048xf32, #tpu.memory_space<hbm>>
    %dma_start3A_328 = arith.constant 0 : i32
    %dma_start3A_329 = tpu.memref_slice %arg9[%dma_start3A_318, %dma_start3A_328] : memref<2x2048xf32, #tpu.memory_space<vmem>> -> memref<1x2048xf32, #tpu.memory_space<vmem>>
    %dma_start3A_330 = tpu.memref_squeeze %dma_start3A_329 : memref<1x2048xf32, #tpu.memory_space<vmem>> -> memref<2048xf32, #tpu.memory_space<vmem>>
    tpu.enqueue_dma source(%dma_start3A_330 : memref<2048xf32, #tpu.memory_space<vmem>>) target(%dma_start3A_327 : memref<2048xf32, #tpu.memory_space<hbm>>) target_semaphore(%arg13 : memref<!tpu.dma_semaphore, #tpu.memory_space<semaphore_mem>>)
    %dma_start3A_331 = arith.constant 1 : i32
    %dma_start3A_332 = arith.constant 0 : i32
    %dma_start3A_333 = tpu.memref_slice %arg8[%dma_start3A_331, %dma_start3A_332] : memref<2x2048xf32, #tpu.memory_space<vmem>> -> memref<1x2048xf32, #tpu.memory_space<vmem>>
    %dma_start3A_334 = tpu.memref_squeeze %dma_start3A_333 : memref<1x2048xf32, #tpu.memory_space<vmem>> -> memref<2048xf32, #tpu.memory_space<vmem>>
    %dma_start3A_335 = arith.constant 14336 : i32
    %dma_start3A_336 = tpu.memref_slice %arg3[%add3A_4, %dma_start3A_335] : memref<64x16384xf32, #tpu.memory_space<hbm>> -> memref<1x2048xf32, #tpu.memory_space<hbm>>
    %dma_start3A_337 = tpu.memref_squeeze %dma_start3A_336 : memref<1x2048xf32, #tpu.memory_space<hbm>> -> memref<2048xf32, #tpu.memory_space<hbm>>
    %dma_start3A_338 = arith.constant 0 : i32
    %dma_start3A_339 = tpu.memref_slice %arg8[%dma_start3A_331, %dma_start3A_338] : memref<2x2048xf32, #tpu.memory_space<vmem>> -> memref<1x2048xf32, #tpu.memory_space<vmem>>
    %dma_start3A_340 = tpu.memref_squeeze %dma_start3A_339 : memref<1x2048xf32, #tpu.memory_space<vmem>> -> memref<2048xf32, #tpu.memory_space<vmem>>
    %dma_start3A_341 = arith.constant 14336 : i32
    %dma_start3A_342 = tpu.memref_slice %arg3[%add3A_4, %dma_start3A_341] : memref<64x16384xf32, #tpu.memory_space<hbm>> -> memref<1x2048xf32, #tpu.memory_space<hbm>>
    %dma_start3A_343 = tpu.memref_squeeze %dma_start3A_342 : memref<1x2048xf32, #tpu.memory_space<hbm>> -> memref<2048xf32, #tpu.memory_space<hbm>>
    tpu.enqueue_dma source(%dma_start3A_343 : memref<2048xf32, #tpu.memory_space<hbm>>) target(%dma_start3A_340 : memref<2048xf32, #tpu.memory_space<vmem>>) target_semaphore(%arg12 : memref<!tpu.dma_semaphore, #tpu.memory_space<semaphore_mem>>)
    %dma_wait3A_344 = arith.constant 0 : i32
    %dma_wait3A_345 = arith.constant 0 : i32
    %dma_wait3A_346 = tpu.memref_slice %arg8[%dma_wait3A_344, %dma_wait3A_345] : memref<2x2048xf32, #tpu.memory_space<vmem>> -> memref<1x2048xf32, #tpu.memory_space<vmem>>
    %dma_wait3A_347 = tpu.memref_squeeze %dma_wait3A_346 : memref<1x2048xf32, #tpu.memory_space<vmem>> -> memref<2048xf32, #tpu.memory_space<vmem>>
    %dma_wait3A_348 = arith.constant 12288 : i32
    %dma_wait3A_349 = tpu.memref_slice %arg3[%add3A_4, %dma_wait3A_348] : memref<64x16384xf32, #tpu.memory_space<hbm>> -> memref<1x2048xf32, #tpu.memory_space<hbm>>
    %dma_wait3A_350 = tpu.memref_squeeze %dma_wait3A_349 : memref<1x2048xf32, #tpu.memory_space<hbm>> -> memref<2048xf32, #tpu.memory_space<hbm>>
    %dma_wait3A_351 = arith.constant 0 : i32
    %dma_wait3A_352 = tpu.memref_slice %arg8[%dma_wait3A_344, %dma_wait3A_351] : memref<2x2048xf32, #tpu.memory_space<vmem>> -> memref<1x2048xf32, #tpu.memory_space<vmem>>
    %dma_wait3A_353 = tpu.memref_squeeze %dma_wait3A_352 : memref<1x2048xf32, #tpu.memory_space<vmem>> -> memref<2048xf32, #tpu.memory_space<vmem>>
    %dma_wait3A_354 = arith.constant 12288 : i32
    %dma_wait3A_355 = tpu.memref_slice %arg3[%add3A_4, %dma_wait3A_354] : memref<64x16384xf32, #tpu.memory_space<hbm>> -> memref<1x2048xf32, #tpu.memory_space<hbm>>
    %dma_wait3A_356 = tpu.memref_squeeze %dma_wait3A_355 : memref<1x2048xf32, #tpu.memory_space<hbm>> -> memref<2048xf32, #tpu.memory_space<hbm>>
    tpu.wait_dma2 semaphore(%arg12 : memref<!tpu.dma_semaphore, #tpu.memory_space<semaphore_mem>>) src(%dma_wait3A_356 : memref<2048xf32, #tpu.memory_space<hbm>>) dst(%dma_wait3A_353 : memref<2048xf32, #tpu.memory_space<vmem>>)
    %dma_wait3A_357 = arith.constant 0 : i32
    %dma_wait3A_358 = arith.constant 0 : i32
    %dma_wait3A_359 = tpu.memref_slice %arg9[%dma_wait3A_357, %dma_wait3A_358] : memref<2x2048xf32, #tpu.memory_space<vmem>> -> memref<1x2048xf32, #tpu.memory_space<vmem>>
    %dma_wait3A_360 = tpu.memref_squeeze %dma_wait3A_359 : memref<1x2048xf32, #tpu.memory_space<vmem>> -> memref<2048xf32, #tpu.memory_space<vmem>>
    %dma_wait3A_361 = arith.constant 8192 : i32
    %dma_wait3A_362 = tpu.memref_slice %arg5[%add3A_4, %dma_wait3A_361] : memref<64x16384xf32, #tpu.memory_space<hbm>> -> memref<1x2048xf32, #tpu.memory_space<hbm>>
    %dma_wait3A_363 = tpu.memref_squeeze %dma_wait3A_362 : memref<1x2048xf32, #tpu.memory_space<hbm>> -> memref<2048xf32, #tpu.memory_space<hbm>>
    %dma_wait3A_364 = arith.constant 8192 : i32
    %dma_wait3A_365 = tpu.memref_slice %arg5[%add3A_4, %dma_wait3A_364] : memref<64x16384xf32, #tpu.memory_space<hbm>> -> memref<1x2048xf32, #tpu.memory_space<hbm>>
    %dma_wait3A_366 = tpu.memref_squeeze %dma_wait3A_365 : memref<1x2048xf32, #tpu.memory_space<hbm>> -> memref<2048xf32, #tpu.memory_space<hbm>>
    %dma_wait3A_367 = arith.constant 0 : i32
    %dma_wait3A_368 = tpu.memref_slice %arg9[%dma_wait3A_357, %dma_wait3A_367] : memref<2x2048xf32, #tpu.memory_space<vmem>> -> memref<1x2048xf32, #tpu.memory_space<vmem>>
    %dma_wait3A_369 = tpu.memref_squeeze %dma_wait3A_368 : memref<1x2048xf32, #tpu.memory_space<vmem>> -> memref<2048xf32, #tpu.memory_space<vmem>>
    tpu.wait_dma2 semaphore(%arg13 : memref<!tpu.dma_semaphore, #tpu.memory_space<semaphore_mem>>) src(%dma_wait3A_369 : memref<2048xf32, #tpu.memory_space<vmem>>) dst(%dma_wait3A_366 : memref<2048xf32, #tpu.memory_space<hbm>>)
    %parallel_loop3A_370 = arith.constant 0 : i32
    %parallel_loop3A_371 = arith.constant 2048 : i32
    %parallel_loop3A_372 = arith.constant 16 : i32
    scf.for %parallel_loop3A_910 = %parallel_loop3A_370 to %parallel_loop3A_371 step %parallel_loop3A_372  : i32 {
      %parallel_loop3A_911 = arith.constant 12288 : i32
      %parallel_loop3A_912 = arith.addi %parallel_loop3A_911, %parallel_loop3A_910 : i32
      %parallel_loop3A_913 = arith.index_cast %parallel_loop3A_912 : i32 to index
      %parallel_loop3A_914 = tpu.vector_load %arg7[%parallel_loop3A_913] {strides = array<i32>} : memref<16384xi32, #tpu.memory_space<vmem>>, vector<16xi32>,
      %parallel_loop3A_915 = arith.constant 0 : i32
      %parallel_loop3A_916 = arith.index_cast %parallel_loop3A_915 : i32 to index
      %parallel_loop3A_917 = arith.index_cast %parallel_loop3A_910 : i32 to index
      %parallel_loop3A_918 = tpu.vector_load %arg8[%parallel_loop3A_916, %parallel_loop3A_917] {strides = array<i32>} : memref<2x2048xf32, #tpu.memory_space<vmem>>, vector<16xf32>,
      %parallel_loop3A_919 = tpu.vector_load_idx %arg6[%parallel_loop3A_914] : memref<100000xf32, #tpu.memory_space<vmem>>[vector<16xi32>], vector<16xf32>,
      %parallel_loop3A_920 = arith.subf %parallel_loop3A_918, %parallel_loop3A_919 : vector<16xf32>
      %parallel_loop3A_921 = arith.mulf %parallel_loop3A_920, %parallel_loop3A_920 : vector<16xf32>
      %parallel_loop3A_922 = arith.constant 0 : i32
      %parallel_loop3A_923 = arith.index_cast %parallel_loop3A_922 : i32 to index
      %parallel_loop3A_924 = arith.index_cast %parallel_loop3A_910 : i32 to index
      %parallel_loop3A_925 = tpu.vector_load %arg9[%parallel_loop3A_923, %parallel_loop3A_924] {strides = array<i32>} : memref<2x2048xf32, #tpu.memory_space<vmem>>, vector<16xf32>,
      tpu.vector_store %arg9[%parallel_loop3A_923, %parallel_loop3A_924], %parallel_loop3A_921 {strides = array<i32>} : memref<2x2048xf32, #tpu.memory_space<vmem>>, vector<16xf32>,
    } {sc.loop_unroll_factor = 4 : i64, sc.parallel_access}
    %dma_start3A_373 = arith.constant 0 : i32
    %dma_start3A_374 = arith.constant 0 : i32
    %dma_start3A_375 = tpu.memref_slice %arg9[%dma_start3A_373, %dma_start3A_374] : memref<2x2048xf32, #tpu.memory_space<vmem>> -> memref<1x2048xf32, #tpu.memory_space<vmem>>
    %dma_start3A_376 = tpu.memref_squeeze %dma_start3A_375 : memref<1x2048xf32, #tpu.memory_space<vmem>> -> memref<2048xf32, #tpu.memory_space<vmem>>
    %dma_start3A_377 = arith.constant 12288 : i32
    %dma_start3A_378 = tpu.memref_slice %arg5[%add3A_4, %dma_start3A_377] : memref<64x16384xf32, #tpu.memory_space<hbm>> -> memref<1x2048xf32, #tpu.memory_space<hbm>>
    %dma_start3A_379 = tpu.memref_squeeze %dma_start3A_378 : memref<1x2048xf32, #tpu.memory_space<hbm>> -> memref<2048xf32, #tpu.memory_space<hbm>>
    %dma_start3A_380 = arith.constant 12288 : i32
    %dma_start3A_381 = tpu.memref_slice %arg5[%add3A_4, %dma_start3A_380] : memref<64x16384xf32, #tpu.memory_space<hbm>> -> memref<1x2048xf32, #tpu.memory_space<hbm>>
    %dma_start3A_382 = tpu.memref_squeeze %dma_start3A_381 : memref<1x2048xf32, #tpu.memory_space<hbm>> -> memref<2048xf32, #tpu.memory_space<hbm>>
    %dma_start3A_383 = arith.constant 0 : i32
    %dma_start3A_384 = tpu.memref_slice %arg9[%dma_start3A_373, %dma_start3A_383] : memref<2x2048xf32, #tpu.memory_space<vmem>> -> memref<1x2048xf32, #tpu.memory_space<vmem>>
    %dma_start3A_385 = tpu.memref_squeeze %dma_start3A_384 : memref<1x2048xf32, #tpu.memory_space<vmem>> -> memref<2048xf32, #tpu.memory_space<vmem>>
    tpu.enqueue_dma source(%dma_start3A_385 : memref<2048xf32, #tpu.memory_space<vmem>>) target(%dma_start3A_382 : memref<2048xf32, #tpu.memory_space<hbm>>) target_semaphore(%arg13 : memref<!tpu.dma_semaphore, #tpu.memory_space<semaphore_mem>>)
    %dma_wait3A_386 = arith.constant 1 : i32
    %dma_wait3A_387 = arith.constant 0 : i32
    %dma_wait3A_388 = tpu.memref_slice %arg8[%dma_wait3A_386, %dma_wait3A_387] : memref<2x2048xf32, #tpu.memory_space<vmem>> -> memref<1x2048xf32, #tpu.memory_space<vmem>>
    %dma_wait3A_389 = tpu.memref_squeeze %dma_wait3A_388 : memref<1x2048xf32, #tpu.memory_space<vmem>> -> memref<2048xf32, #tpu.memory_space<vmem>>
    %dma_wait3A_390 = arith.constant 14336 : i32
    %dma_wait3A_391 = tpu.memref_slice %arg3[%add3A_4, %dma_wait3A_390] : memref<64x16384xf32, #tpu.memory_space<hbm>> -> memref<1x2048xf32, #tpu.memory_space<hbm>>
    %dma_wait3A_392 = tpu.memref_squeeze %dma_wait3A_391 : memref<1x2048xf32, #tpu.memory_space<hbm>> -> memref<2048xf32, #tpu.memory_space<hbm>>
    %dma_wait3A_393 = arith.constant 0 : i32
    %dma_wait3A_394 = tpu.memref_slice %arg8[%dma_wait3A_386, %dma_wait3A_393] : memref<2x2048xf32, #tpu.memory_space<vmem>> -> memref<1x2048xf32, #tpu.memory_space<vmem>>
    %dma_wait3A_395 = tpu.memref_squeeze %dma_wait3A_394 : memref<1x2048xf32, #tpu.memory_space<vmem>> -> memref<2048xf32, #tpu.memory_space<vmem>>
    %dma_wait3A_396 = arith.constant 14336 : i32
    %dma_wait3A_397 = tpu.memref_slice %arg3[%add3A_4, %dma_wait3A_396] : memref<64x16384xf32, #tpu.memory_space<hbm>> -> memref<1x2048xf32, #tpu.memory_space<hbm>>
    %dma_wait3A_398 = tpu.memref_squeeze %dma_wait3A_397 : memref<1x2048xf32, #tpu.memory_space<hbm>> -> memref<2048xf32, #tpu.memory_space<hbm>>
    tpu.wait_dma2 semaphore(%arg12 : memref<!tpu.dma_semaphore, #tpu.memory_space<semaphore_mem>>) src(%dma_wait3A_398 : memref<2048xf32, #tpu.memory_space<hbm>>) dst(%dma_wait3A_395 : memref<2048xf32, #tpu.memory_space<vmem>>)
    %dma_wait3A_399 = arith.constant 1 : i32
    %dma_wait3A_400 = arith.constant 0 : i32
    %dma_wait3A_401 = tpu.memref_slice %arg9[%dma_wait3A_399, %dma_wait3A_400] : memref<2x2048xf32, #tpu.memory_space<vmem>> -> memref<1x2048xf32, #tpu.memory_space<vmem>>
    %dma_wait3A_402 = tpu.memref_squeeze %dma_wait3A_401 : memref<1x2048xf32, #tpu.memory_space<vmem>> -> memref<2048xf32, #tpu.memory_space<vmem>>
    %dma_wait3A_403 = arith.constant 10240 : i32
    %dma_wait3A_404 = tpu.memref_slice %arg5[%add3A_4, %dma_wait3A_403] : memref<64x16384xf32, #tpu.memory_space<hbm>> -> memref<1x2048xf32, #tpu.memory_space<hbm>>
    %dma_wait3A_405 = tpu.memref_squeeze %dma_wait3A_404 : memref<1x2048xf32, #tpu.memory_space<hbm>> -> memref<2048xf32, #tpu.memory_space<hbm>>
    %dma_wait3A_406 = arith.constant 10240 : i32
    %dma_wait3A_407 = tpu.memref_slice %arg5[%add3A_4, %dma_wait3A_406] : memref<64x16384xf32, #tpu.memory_space<hbm>> -> memref<1x2048xf32, #tpu.memory_space<hbm>>
    %dma_wait3A_408 = tpu.memref_squeeze %dma_wait3A_407 : memref<1x2048xf32, #tpu.memory_space<hbm>> -> memref<2048xf32, #tpu.memory_space<hbm>>
    %dma_wait3A_409 = arith.constant 0 : i32
    %dma_wait3A_410 = tpu.memref_slice %arg9[%dma_wait3A_399, %dma_wait3A_409] : memref<2x2048xf32, #tpu.memory_space<vmem>> -> memref<1x2048xf32, #tpu.memory_space<vmem>>
    %dma_wait3A_411 = tpu.memref_squeeze %dma_wait3A_410 : memref<1x2048xf32, #tpu.memory_space<vmem>> -> memref<2048xf32, #tpu.memory_space<vmem>>
    tpu.wait_dma2 semaphore(%arg13 : memref<!tpu.dma_semaphore, #tpu.memory_space<semaphore_mem>>) src(%dma_wait3A_411 : memref<2048xf32, #tpu.memory_space<vmem>>) dst(%dma_wait3A_408 : memref<2048xf32, #tpu.memory_space<hbm>>)
    %parallel_loop3A_412 = arith.constant 0 : i32
    %parallel_loop3A_413 = arith.constant 2048 : i32
    %parallel_loop3A_414 = arith.constant 16 : i32
    scf.for %parallel_loop3A_910 = %parallel_loop3A_412 to %parallel_loop3A_413 step %parallel_loop3A_414  : i32 {
      %parallel_loop3A_911 = arith.constant 14336 : i32
      %parallel_loop3A_912 = arith.addi %parallel_loop3A_911, %parallel_loop3A_910 : i32
      %parallel_loop3A_913 = arith.index_cast %parallel_loop3A_912 : i32 to index
      %parallel_loop3A_914 = tpu.vector_load %arg7[%parallel_loop3A_913] {strides = array<i32>} : memref<16384xi32, #tpu.memory_space<vmem>>, vector<16xi32>,
      %parallel_loop3A_915 = arith.constant 1 : i32
      %parallel_loop3A_916 = arith.index_cast %parallel_loop3A_915 : i32 to index
      %parallel_loop3A_917 = arith.index_cast %parallel_loop3A_910 : i32 to index
      %parallel_loop3A_918 = tpu.vector_load %arg8[%parallel_loop3A_916, %parallel_loop3A_917] {strides = array<i32>} : memref<2x2048xf32, #tpu.memory_space<vmem>>, vector<16xf32>,
      %parallel_loop3A_919 = tpu.vector_load_idx %arg6[%parallel_loop3A_914] : memref<100000xf32, #tpu.memory_space<vmem>>[vector<16xi32>], vector<16xf32>,
      %parallel_loop3A_920 = arith.subf %parallel_loop3A_918, %parallel_loop3A_919 : vector<16xf32>
      %parallel_loop3A_921 = arith.mulf %parallel_loop3A_920, %parallel_loop3A_920 : vector<16xf32>
      %parallel_loop3A_922 = arith.constant 1 : i32
      %parallel_loop3A_923 = arith.index_cast %parallel_loop3A_922 : i32 to index
      %parallel_loop3A_924 = arith.index_cast %parallel_loop3A_910 : i32 to index
      %parallel_loop3A_925 = tpu.vector_load %arg9[%parallel_loop3A_923, %parallel_loop3A_924] {strides = array<i32>} : memref<2x2048xf32, #tpu.memory_space<vmem>>, vector<16xf32>,
      tpu.vector_store %arg9[%parallel_loop3A_923, %parallel_loop3A_924], %parallel_loop3A_921 {strides = array<i32>} : memref<2x2048xf32, #tpu.memory_space<vmem>>, vector<16xf32>,
    } {sc.loop_unroll_factor = 4 : i64, sc.parallel_access}
    %dma_start3A_415 = arith.constant 1 : i32
    %dma_start3A_416 = arith.constant 0 : i32
    %dma_start3A_417 = tpu.memref_slice %arg9[%dma_start3A_415, %dma_start3A_416] : memref<2x2048xf32, #tpu.memory_space<vmem>> -> memref<1x2048xf32, #tpu.memory_space<vmem>>
    %dma_start3A_418 = tpu.memref_squeeze %dma_start3A_417 : memref<1x2048xf32, #tpu.memory_space<vmem>> -> memref<2048xf32, #tpu.memory_space<vmem>>
    %dma_start3A_419 = arith.constant 14336 : i32
    %dma_start3A_420 = tpu.memref_slice %arg5[%add3A_4, %dma_start3A_419] : memref<64x16384xf32, #tpu.memory_space<hbm>> -> memref<1x2048xf32, #tpu.memory_space<hbm>>
    %dma_start3A_421 = tpu.memref_squeeze %dma_start3A_420 : memref<1x2048xf32, #tpu.memory_space<hbm>> -> memref<2048xf32, #tpu.memory_space<hbm>>
    %dma_start3A_422 = arith.constant 14336 : i32
    %dma_start3A_423 = tpu.memref_slice %arg5[%add3A_4, %dma_start3A_422] : memref<64x16384xf32, #tpu.memory_space<hbm>> -> memref<1x2048xf32, #tpu.memory_space<hbm>>
    %dma_start3A_424 = tpu.memref_squeeze %dma_start3A_423 : memref<1x2048xf32, #tpu.memory_space<hbm>> -> memref<2048xf32, #tpu.memory_space<hbm>>
    %dma_start3A_425 = arith.constant 0 : i32
    %dma_start3A_426 = tpu.memref_slice %arg9[%dma_start3A_415, %dma_start3A_425] : memref<2x2048xf32, #tpu.memory_space<vmem>> -> memref<1x2048xf32, #tpu.memory_space<vmem>>
    %dma_start3A_427 = tpu.memref_squeeze %dma_start3A_426 : memref<1x2048xf32, #tpu.memory_space<vmem>> -> memref<2048xf32, #tpu.memory_space<vmem>>
    tpu.enqueue_dma source(%dma_start3A_427 : memref<2048xf32, #tpu.memory_space<vmem>>) target(%dma_start3A_424 : memref<2048xf32, #tpu.memory_space<hbm>>) target_semaphore(%arg13 : memref<!tpu.dma_semaphore, #tpu.memory_space<semaphore_mem>>)
    %mul3A_428 = arith.constant 2 : i32
    %mul3A_429 = arith.muli %add3A, %mul3A_428 : i32
    %add3A_430 = arith.constant 1 : i32
    %add3A_431 = arith.addi %mul3A_429, %add3A_430 : i32
    %dma_start3A_432 = arith.constant 0 : i32
    %dma_start3A_433 = tpu.memref_slice %arg2[%add3A_431, %dma_start3A_432] : memref<64x100000xf32, #tpu.memory_space<hbm>> -> memref<1x100000xf32, #tpu.memory_space<hbm>>
    %dma_start3A_434 = tpu.memref_squeeze %dma_start3A_433 : memref<1x100000xf32, #tpu.memory_space<hbm>> -> memref<100000xf32, #tpu.memory_space<hbm>>
    %dma_start3A_435 = arith.constant 0 : i32
    %dma_start3A_436 = tpu.memref_slice %arg2[%add3A_431, %dma_start3A_435] : memref<64x100000xf32, #tpu.memory_space<hbm>> -> memref<1x100000xf32, #tpu.memory_space<hbm>>
    %dma_start3A_437 = tpu.memref_squeeze %dma_start3A_436 : memref<1x100000xf32, #tpu.memory_space<hbm>> -> memref<100000xf32, #tpu.memory_space<hbm>>
    tpu.enqueue_dma source(%dma_start3A_437 : memref<100000xf32, #tpu.memory_space<hbm>>) target(%arg6 : memref<100000xf32, #tpu.memory_space<vmem>>) target_semaphore(%arg10 : memref<!tpu.dma_semaphore, #tpu.memory_space<semaphore_mem>>)
    %dma_start3A_438 = arith.constant 0 : i32
    %dma_start3A_439 = arith.constant 0 : i32
    %dma_start3A_440 = tpu.memref_slice %arg8[%dma_start3A_438, %dma_start3A_439] : memref<2x2048xf32, #tpu.memory_space<vmem>> -> memref<1x2048xf32, #tpu.memory_space<vmem>>
    %dma_start3A_441 = tpu.memref_squeeze %dma_start3A_440 : memref<1x2048xf32, #tpu.memory_space<vmem>> -> memref<2048xf32, #tpu.memory_space<vmem>>
    %dma_start3A_442 = arith.constant 0 : i32
    %dma_start3A_443 = tpu.memref_slice %arg3[%add3A_431, %dma_start3A_442] : memref<64x16384xf32, #tpu.memory_space<hbm>> -> memref<1x2048xf32, #tpu.memory_space<hbm>>
    %dma_start3A_444 = tpu.memref_squeeze %dma_start3A_443 : memref<1x2048xf32, #tpu.memory_space<hbm>> -> memref<2048xf32, #tpu.memory_space<hbm>>
    %dma_start3A_445 = arith.constant 0 : i32
    %dma_start3A_446 = tpu.memref_slice %arg8[%dma_start3A_438, %dma_start3A_445] : memref<2x2048xf32, #tpu.memory_space<vmem>> -> memref<1x2048xf32, #tpu.memory_space<vmem>>
    %dma_start3A_447 = tpu.memref_squeeze %dma_start3A_446 : memref<1x2048xf32, #tpu.memory_space<vmem>> -> memref<2048xf32, #tpu.memory_space<vmem>>
    %dma_start3A_448 = arith.constant 0 : i32
    %dma_start3A_449 = tpu.memref_slice %arg3[%add3A_431, %dma_start3A_448] : memref<64x16384xf32, #tpu.memory_space<hbm>> -> memref<1x2048xf32, #tpu.memory_space<hbm>>
    %dma_start3A_450 = tpu.memref_squeeze %dma_start3A_449 : memref<1x2048xf32, #tpu.memory_space<hbm>> -> memref<2048xf32, #tpu.memory_space<hbm>>
    tpu.enqueue_dma source(%dma_start3A_450 : memref<2048xf32, #tpu.memory_space<hbm>>) target(%dma_start3A_447 : memref<2048xf32, #tpu.memory_space<vmem>>) target_semaphore(%arg12 : memref<!tpu.dma_semaphore, #tpu.memory_space<semaphore_mem>>)
    %dma_wait3A_451 = arith.constant 0 : i32
    %dma_wait3A_452 = tpu.memref_slice %arg2[%add3A_431, %dma_wait3A_451] : memref<64x100000xf32, #tpu.memory_space<hbm>> -> memref<1x100000xf32, #tpu.memory_space<hbm>>
    %dma_wait3A_453 = tpu.memref_squeeze %dma_wait3A_452 : memref<1x100000xf32, #tpu.memory_space<hbm>> -> memref<100000xf32, #tpu.memory_space<hbm>>
    %dma_wait3A_454 = arith.constant 0 : i32
    %dma_wait3A_455 = tpu.memref_slice %arg2[%add3A_431, %dma_wait3A_454] : memref<64x100000xf32, #tpu.memory_space<hbm>> -> memref<1x100000xf32, #tpu.memory_space<hbm>>
    %dma_wait3A_456 = tpu.memref_squeeze %dma_wait3A_455 : memref<1x100000xf32, #tpu.memory_space<hbm>> -> memref<100000xf32, #tpu.memory_space<hbm>>
    tpu.wait_dma2 semaphore(%arg10 : memref<!tpu.dma_semaphore, #tpu.memory_space<semaphore_mem>>) src(%dma_wait3A_456 : memref<100000xf32, #tpu.memory_space<hbm>>) dst(%arg6 : memref<100000xf32, #tpu.memory_space<vmem>>)
    %dma_start3A_457 = arith.constant 1 : i32
    %dma_start3A_458 = arith.constant 0 : i32
    %dma_start3A_459 = tpu.memref_slice %arg8[%dma_start3A_457, %dma_start3A_458] : memref<2x2048xf32, #tpu.memory_space<vmem>> -> memref<1x2048xf32, #tpu.memory_space<vmem>>
    %dma_start3A_460 = tpu.memref_squeeze %dma_start3A_459 : memref<1x2048xf32, #tpu.memory_space<vmem>> -> memref<2048xf32, #tpu.memory_space<vmem>>
    %dma_start3A_461 = arith.constant 2048 : i32
    %dma_start3A_462 = tpu.memref_slice %arg3[%add3A_431, %dma_start3A_461] : memref<64x16384xf32, #tpu.memory_space<hbm>> -> memref<1x2048xf32, #tpu.memory_space<hbm>>
    %dma_start3A_463 = tpu.memref_squeeze %dma_start3A_462 : memref<1x2048xf32, #tpu.memory_space<hbm>> -> memref<2048xf32, #tpu.memory_space<hbm>>
    %dma_start3A_464 = arith.constant 0 : i32
    %dma_start3A_465 = tpu.memref_slice %arg8[%dma_start3A_457, %dma_start3A_464] : memref<2x2048xf32, #tpu.memory_space<vmem>> -> memref<1x2048xf32, #tpu.memory_space<vmem>>
    %dma_start3A_466 = tpu.memref_squeeze %dma_start3A_465 : memref<1x2048xf32, #tpu.memory_space<vmem>> -> memref<2048xf32, #tpu.memory_space<vmem>>
    %dma_start3A_467 = arith.constant 2048 : i32
    %dma_start3A_468 = tpu.memref_slice %arg3[%add3A_431, %dma_start3A_467] : memref<64x16384xf32, #tpu.memory_space<hbm>> -> memref<1x2048xf32, #tpu.memory_space<hbm>>
    %dma_start3A_469 = tpu.memref_squeeze %dma_start3A_468 : memref<1x2048xf32, #tpu.memory_space<hbm>> -> memref<2048xf32, #tpu.memory_space<hbm>>
    tpu.enqueue_dma source(%dma_start3A_469 : memref<2048xf32, #tpu.memory_space<hbm>>) target(%dma_start3A_466 : memref<2048xf32, #tpu.memory_space<vmem>>) target_semaphore(%arg12 : memref<!tpu.dma_semaphore, #tpu.memory_space<semaphore_mem>>)
    %dma_wait3A_470 = arith.constant 0 : i32
    %dma_wait3A_471 = arith.constant 0 : i32
    %dma_wait3A_472 = tpu.memref_slice %arg8[%dma_wait3A_470, %dma_wait3A_471] : memref<2x2048xf32, #tpu.memory_space<vmem>> -> memref<1x2048xf32, #tpu.memory_space<vmem>>
    %dma_wait3A_473 = tpu.memref_squeeze %dma_wait3A_472 : memref<1x2048xf32, #tpu.memory_space<vmem>> -> memref<2048xf32, #tpu.memory_space<vmem>>
    %dma_wait3A_474 = arith.constant 0 : i32
    %dma_wait3A_475 = tpu.memref_slice %arg3[%add3A_431, %dma_wait3A_474] : memref<64x16384xf32, #tpu.memory_space<hbm>> -> memref<1x2048xf32, #tpu.memory_space<hbm>>
    %dma_wait3A_476 = tpu.memref_squeeze %dma_wait3A_475 : memref<1x2048xf32, #tpu.memory_space<hbm>> -> memref<2048xf32, #tpu.memory_space<hbm>>
    %dma_wait3A_477 = arith.constant 0 : i32
    %dma_wait3A_478 = tpu.memref_slice %arg8[%dma_wait3A_470, %dma_wait3A_477] : memref<2x2048xf32, #tpu.memory_space<vmem>> -> memref<1x2048xf32, #tpu.memory_space<vmem>>
    %dma_wait3A_479 = tpu.memref_squeeze %dma_wait3A_478 : memref<1x2048xf32, #tpu.memory_space<vmem>> -> memref<2048xf32, #tpu.memory_space<vmem>>
    %dma_wait3A_480 = arith.constant 0 : i32
    %dma_wait3A_481 = tpu.memref_slice %arg3[%add3A_431, %dma_wait3A_480] : memref<64x16384xf32, #tpu.memory_space<hbm>> -> memref<1x2048xf32, #tpu.memory_space<hbm>>
    %dma_wait3A_482 = tpu.memref_squeeze %dma_wait3A_481 : memref<1x2048xf32, #tpu.memory_space<hbm>> -> memref<2048xf32, #tpu.memory_space<hbm>>
    tpu.wait_dma2 semaphore(%arg12 : memref<!tpu.dma_semaphore, #tpu.memory_space<semaphore_mem>>) src(%dma_wait3A_482 : memref<2048xf32, #tpu.memory_space<hbm>>) dst(%dma_wait3A_479 : memref<2048xf32, #tpu.memory_space<vmem>>)
    %dma_wait3A_483 = arith.constant 0 : i32
    %dma_wait3A_484 = arith.constant 0 : i32
    %dma_wait3A_485 = tpu.memref_slice %arg9[%dma_wait3A_483, %dma_wait3A_484] : memref<2x2048xf32, #tpu.memory_space<vmem>> -> memref<1x2048xf32, #tpu.memory_space<vmem>>
    %dma_wait3A_486 = tpu.memref_squeeze %dma_wait3A_485 : memref<1x2048xf32, #tpu.memory_space<vmem>> -> memref<2048xf32, #tpu.memory_space<vmem>>
    %dma_wait3A_487 = arith.constant 12288 : i32
    %dma_wait3A_488 = tpu.memref_slice %arg5[%add3A_4, %dma_wait3A_487] : memref<64x16384xf32, #tpu.memory_space<hbm>> -> memref<1x2048xf32, #tpu.memory_space<hbm>>
    %dma_wait3A_489 = tpu.memref_squeeze %dma_wait3A_488 : memref<1x2048xf32, #tpu.memory_space<hbm>> -> memref<2048xf32, #tpu.memory_space<hbm>>
    %dma_wait3A_490 = arith.constant 12288 : i32
    %dma_wait3A_491 = tpu.memref_slice %arg5[%add3A_4, %dma_wait3A_490] : memref<64x16384xf32, #tpu.memory_space<hbm>> -> memref<1x2048xf32, #tpu.memory_space<hbm>>
    %dma_wait3A_492 = tpu.memref_squeeze %dma_wait3A_491 : memref<1x2048xf32, #tpu.memory_space<hbm>> -> memref<2048xf32, #tpu.memory_space<hbm>>
    %dma_wait3A_493 = arith.constant 0 : i32
    %dma_wait3A_494 = tpu.memref_slice %arg9[%dma_wait3A_483, %dma_wait3A_493] : memref<2x2048xf32, #tpu.memory_space<vmem>> -> memref<1x2048xf32, #tpu.memory_space<vmem>>
    %dma_wait3A_495 = tpu.memref_squeeze %dma_wait3A_494 : memref<1x2048xf32, #tpu.memory_space<vmem>> -> memref<2048xf32, #tpu.memory_space<vmem>>
    tpu.wait_dma2 semaphore(%arg13 : memref<!tpu.dma_semaphore, #tpu.memory_space<semaphore_mem>>) src(%dma_wait3A_495 : memref<2048xf32, #tpu.memory_space<vmem>>) dst(%dma_wait3A_492 : memref<2048xf32, #tpu.memory_space<hbm>>)
    %parallel_loop3A_496 = arith.constant 0 : i32
    %parallel_loop3A_497 = arith.constant 2048 : i32
    %parallel_loop3A_498 = arith.constant 16 : i32
    scf.for %parallel_loop3A_910 = %parallel_loop3A_496 to %parallel_loop3A_497 step %parallel_loop3A_498  : i32 {
      %parallel_loop3A_911 = arith.constant 0 : i32
      %parallel_loop3A_912 = arith.addi %parallel_loop3A_911, %parallel_loop3A_910 : i32
      %parallel_loop3A_913 = arith.index_cast %parallel_loop3A_912 : i32 to index
      %parallel_loop3A_914 = tpu.vector_load %arg7[%parallel_loop3A_913] {strides = array<i32>} : memref<16384xi32, #tpu.memory_space<vmem>>, vector<16xi32>,
      %parallel_loop3A_915 = arith.constant 0 : i32
      %parallel_loop3A_916 = arith.index_cast %parallel_loop3A_915 : i32 to index
      %parallel_loop3A_917 = arith.index_cast %parallel_loop3A_910 : i32 to index
      %parallel_loop3A_918 = tpu.vector_load %arg8[%parallel_loop3A_916, %parallel_loop3A_917] {strides = array<i32>} : memref<2x2048xf32, #tpu.memory_space<vmem>>, vector<16xf32>,
      %parallel_loop3A_919 = tpu.vector_load_idx %arg6[%parallel_loop3A_914] : memref<100000xf32, #tpu.memory_space<vmem>>[vector<16xi32>], vector<16xf32>,
      %parallel_loop3A_920 = arith.subf %parallel_loop3A_918, %parallel_loop3A_919 : vector<16xf32>
      %parallel_loop3A_921 = arith.mulf %parallel_loop3A_920, %parallel_loop3A_920 : vector<16xf32>
      %parallel_loop3A_922 = arith.constant 0 : i32
      %parallel_loop3A_923 = arith.index_cast %parallel_loop3A_922 : i32 to index
      %parallel_loop3A_924 = arith.index_cast %parallel_loop3A_910 : i32 to index
      %parallel_loop3A_925 = tpu.vector_load %arg9[%parallel_loop3A_923, %parallel_loop3A_924] {strides = array<i32>} : memref<2x2048xf32, #tpu.memory_space<vmem>>, vector<16xf32>,
      tpu.vector_store %arg9[%parallel_loop3A_923, %parallel_loop3A_924], %parallel_loop3A_921 {strides = array<i32>} : memref<2x2048xf32, #tpu.memory_space<vmem>>, vector<16xf32>,
    } {sc.loop_unroll_factor = 4 : i64, sc.parallel_access}
    %dma_start3A_499 = arith.constant 0 : i32
    %dma_start3A_500 = arith.constant 0 : i32
    %dma_start3A_501 = tpu.memref_slice %arg9[%dma_start3A_499, %dma_start3A_500] : memref<2x2048xf32, #tpu.memory_space<vmem>> -> memref<1x2048xf32, #tpu.memory_space<vmem>>
    %dma_start3A_502 = tpu.memref_squeeze %dma_start3A_501 : memref<1x2048xf32, #tpu.memory_space<vmem>> -> memref<2048xf32, #tpu.memory_space<vmem>>
    %dma_start3A_503 = arith.constant 0 : i32
    %dma_start3A_504 = tpu.memref_slice %arg5[%add3A_431, %dma_start3A_503] : memref<64x16384xf32, #tpu.memory_space<hbm>> -> memref<1x2048xf32, #tpu.memory_space<hbm>>
    %dma_start3A_505 = tpu.memref_squeeze %dma_start3A_504 : memref<1x2048xf32, #tpu.memory_space<hbm>> -> memref<2048xf32, #tpu.memory_space<hbm>>
    %dma_start3A_506 = arith.constant 0 : i32
    %dma_start3A_507 = tpu.memref_slice %arg5[%add3A_431, %dma_start3A_506] : memref<64x16384xf32, #tpu.memory_space<hbm>> -> memref<1x2048xf32, #tpu.memory_space<hbm>>
    %dma_start3A_508 = tpu.memref_squeeze %dma_start3A_507 : memref<1x2048xf32, #tpu.memory_space<hbm>> -> memref<2048xf32, #tpu.memory_space<hbm>>
    %dma_start3A_509 = arith.constant 0 : i32
    %dma_start3A_510 = tpu.memref_slice %arg9[%dma_start3A_499, %dma_start3A_509] : memref<2x2048xf32, #tpu.memory_space<vmem>> -> memref<1x2048xf32, #tpu.memory_space<vmem>>
    %dma_start3A_511 = tpu.memref_squeeze %dma_start3A_510 : memref<1x2048xf32, #tpu.memory_space<vmem>> -> memref<2048xf32, #tpu.memory_space<vmem>>
    tpu.enqueue_dma source(%dma_start3A_511 : memref<2048xf32, #tpu.memory_space<vmem>>) target(%dma_start3A_508 : memref<2048xf32, #tpu.memory_space<hbm>>) target_semaphore(%arg13 : memref<!tpu.dma_semaphore, #tpu.memory_space<semaphore_mem>>)
    %dma_start3A_512 = arith.constant 0 : i32
    %dma_start3A_513 = arith.constant 0 : i32
    %dma_start3A_514 = tpu.memref_slice %arg8[%dma_start3A_512, %dma_start3A_513] : memref<2x2048xf32, #tpu.memory_space<vmem>> -> memref<1x2048xf32, #tpu.memory_space<vmem>>
    %dma_start3A_515 = tpu.memref_squeeze %dma_start3A_514 : memref<1x2048xf32, #tpu.memory_space<vmem>> -> memref<2048xf32, #tpu.memory_space<vmem>>
    %dma_start3A_516 = arith.constant 4096 : i32
    %dma_start3A_517 = tpu.memref_slice %arg3[%add3A_431, %dma_start3A_516] : memref<64x16384xf32, #tpu.memory_space<hbm>> -> memref<1x2048xf32, #tpu.memory_space<hbm>>
    %dma_start3A_518 = tpu.memref_squeeze %dma_start3A_517 : memref<1x2048xf32, #tpu.memory_space<hbm>> -> memref<2048xf32, #tpu.memory_space<hbm>>
    %dma_start3A_519 = arith.constant 0 : i32
    %dma_start3A_520 = tpu.memref_slice %arg8[%dma_start3A_512, %dma_start3A_519] : memref<2x2048xf32, #tpu.memory_space<vmem>> -> memref<1x2048xf32, #tpu.memory_space<vmem>>
    %dma_start3A_521 = tpu.memref_squeeze %dma_start3A_520 : memref<1x2048xf32, #tpu.memory_space<vmem>> -> memref<2048xf32, #tpu.memory_space<vmem>>
    %dma_start3A_522 = arith.constant 4096 : i32
    %dma_start3A_523 = tpu.memref_slice %arg3[%add3A_431, %dma_start3A_522] : memref<64x16384xf32, #tpu.memory_space<hbm>> -> memref<1x2048xf32, #tpu.memory_space<hbm>>
    %dma_start3A_524 = tpu.memref_squeeze %dma_start3A_523 : memref<1x2048xf32, #tpu.memory_space<hbm>> -> memref<2048xf32, #tpu.memory_space<hbm>>
    tpu.enqueue_dma source(%dma_start3A_524 : memref<2048xf32, #tpu.memory_space<hbm>>) target(%dma_start3A_521 : memref<2048xf32, #tpu.memory_space<vmem>>) target_semaphore(%arg12 : memref<!tpu.dma_semaphore, #tpu.memory_space<semaphore_mem>>)
    %dma_wait3A_525 = arith.constant 1 : i32
    %dma_wait3A_526 = arith.constant 0 : i32
    %dma_wait3A_527 = tpu.memref_slice %arg8[%dma_wait3A_525, %dma_wait3A_526] : memref<2x2048xf32, #tpu.memory_space<vmem>> -> memref<1x2048xf32, #tpu.memory_space<vmem>>
    %dma_wait3A_528 = tpu.memref_squeeze %dma_wait3A_527 : memref<1x2048xf32, #tpu.memory_space<vmem>> -> memref<2048xf32, #tpu.memory_space<vmem>>
    %dma_wait3A_529 = arith.constant 2048 : i32
    %dma_wait3A_530 = tpu.memref_slice %arg3[%add3A_431, %dma_wait3A_529] : memref<64x16384xf32, #tpu.memory_space<hbm>> -> memref<1x2048xf32, #tpu.memory_space<hbm>>
    %dma_wait3A_531 = tpu.memref_squeeze %dma_wait3A_530 : memref<1x2048xf32, #tpu.memory_space<hbm>> -> memref<2048xf32, #tpu.memory_space<hbm>>
    %dma_wait3A_532 = arith.constant 0 : i32
    %dma_wait3A_533 = tpu.memref_slice %arg8[%dma_wait3A_525, %dma_wait3A_532] : memref<2x2048xf32, #tpu.memory_space<vmem>> -> memref<1x2048xf32, #tpu.memory_space<vmem>>
    %dma_wait3A_534 = tpu.memref_squeeze %dma_wait3A_533 : memref<1x2048xf32, #tpu.memory_space<vmem>> -> memref<2048xf32, #tpu.memory_space<vmem>>
    %dma_wait3A_535 = arith.constant 2048 : i32
    %dma_wait3A_536 = tpu.memref_slice %arg3[%add3A_431, %dma_wait3A_535] : memref<64x16384xf32, #tpu.memory_space<hbm>> -> memref<1x2048xf32, #tpu.memory_space<hbm>>
    %dma_wait3A_537 = tpu.memref_squeeze %dma_wait3A_536 : memref<1x2048xf32, #tpu.memory_space<hbm>> -> memref<2048xf32, #tpu.memory_space<hbm>>
    tpu.wait_dma2 semaphore(%arg12 : memref<!tpu.dma_semaphore, #tpu.memory_space<semaphore_mem>>) src(%dma_wait3A_537 : memref<2048xf32, #tpu.memory_space<hbm>>) dst(%dma_wait3A_534 : memref<2048xf32, #tpu.memory_space<vmem>>)
    %dma_wait3A_538 = arith.constant 1 : i32
    %dma_wait3A_539 = arith.constant 0 : i32
    %dma_wait3A_540 = tpu.memref_slice %arg9[%dma_wait3A_538, %dma_wait3A_539] : memref<2x2048xf32, #tpu.memory_space<vmem>> -> memref<1x2048xf32, #tpu.memory_space<vmem>>
    %dma_wait3A_541 = tpu.memref_squeeze %dma_wait3A_540 : memref<1x2048xf32, #tpu.memory_space<vmem>> -> memref<2048xf32, #tpu.memory_space<vmem>>
    %dma_wait3A_542 = arith.constant 14336 : i32
    %dma_wait3A_543 = tpu.memref_slice %arg5[%add3A_4, %dma_wait3A_542] : memref<64x16384xf32, #tpu.memory_space<hbm>> -> memref<1x2048xf32, #tpu.memory_space<hbm>>
    %dma_wait3A_544 = tpu.memref_squeeze %dma_wait3A_543 : memref<1x2048xf32, #tpu.memory_space<hbm>> -> memref<2048xf32, #tpu.memory_space<hbm>>
    %dma_wait3A_545 = arith.constant 14336 : i32
    %dma_wait3A_546 = tpu.memref_slice %arg5[%add3A_4, %dma_wait3A_545] : memref<64x16384xf32, #tpu.memory_space<hbm>> -> memref<1x2048xf32, #tpu.memory_space<hbm>>
    %dma_wait3A_547 = tpu.memref_squeeze %dma_wait3A_546 : memref<1x2048xf32, #tpu.memory_space<hbm>> -> memref<2048xf32, #tpu.memory_space<hbm>>
    %dma_wait3A_548 = arith.constant 0 : i32
    %dma_wait3A_549 = tpu.memref_slice %arg9[%dma_wait3A_538, %dma_wait3A_548] : memref<2x2048xf32, #tpu.memory_space<vmem>> -> memref<1x2048xf32, #tpu.memory_space<vmem>>
    %dma_wait3A_550 = tpu.memref_squeeze %dma_wait3A_549 : memref<1x2048xf32, #tpu.memory_space<vmem>> -> memref<2048xf32, #tpu.memory_space<vmem>>
    tpu.wait_dma2 semaphore(%arg13 : memref<!tpu.dma_semaphore, #tpu.memory_space<semaphore_mem>>) src(%dma_wait3A_550 : memref<2048xf32, #tpu.memory_space<vmem>>) dst(%dma_wait3A_547 : memref<2048xf32, #tpu.memory_space<hbm>>)
    %parallel_loop3A_551 = arith.constant 0 : i32
    %parallel_loop3A_552 = arith.constant 2048 : i32
    %parallel_loop3A_553 = arith.constant 16 : i32
    scf.for %parallel_loop3A_910 = %parallel_loop3A_551 to %parallel_loop3A_552 step %parallel_loop3A_553  : i32 {
      %parallel_loop3A_911 = arith.constant 2048 : i32
      %parallel_loop3A_912 = arith.addi %parallel_loop3A_911, %parallel_loop3A_910 : i32
      %parallel_loop3A_913 = arith.index_cast %parallel_loop3A_912 : i32 to index
      %parallel_loop3A_914 = tpu.vector_load %arg7[%parallel_loop3A_913] {strides = array<i32>} : memref<16384xi32, #tpu.memory_space<vmem>>, vector<16xi32>,
      %parallel_loop3A_915 = arith.constant 1 : i32
      %parallel_loop3A_916 = arith.index_cast %parallel_loop3A_915 : i32 to index
      %parallel_loop3A_917 = arith.index_cast %parallel_loop3A_910 : i32 to index
      %parallel_loop3A_918 = tpu.vector_load %arg8[%parallel_loop3A_916, %parallel_loop3A_917] {strides = array<i32>} : memref<2x2048xf32, #tpu.memory_space<vmem>>, vector<16xf32>,
      %parallel_loop3A_919 = tpu.vector_load_idx %arg6[%parallel_loop3A_914] : memref<100000xf32, #tpu.memory_space<vmem>>[vector<16xi32>], vector<16xf32>,
      %parallel_loop3A_920 = arith.subf %parallel_loop3A_918, %parallel_loop3A_919 : vector<16xf32>
      %parallel_loop3A_921 = arith.mulf %parallel_loop3A_920, %parallel_loop3A_920 : vector<16xf32>
      %parallel_loop3A_922 = arith.constant 1 : i32
      %parallel_loop3A_923 = arith.index_cast %parallel_loop3A_922 : i32 to index
      %parallel_loop3A_924 = arith.index_cast %parallel_loop3A_910 : i32 to index
      %parallel_loop3A_925 = tpu.vector_load %arg9[%parallel_loop3A_923, %parallel_loop3A_924] {strides = array<i32>} : memref<2x2048xf32, #tpu.memory_space<vmem>>, vector<16xf32>,
      tpu.vector_store %arg9[%parallel_loop3A_923, %parallel_loop3A_924], %parallel_loop3A_921 {strides = array<i32>} : memref<2x2048xf32, #tpu.memory_space<vmem>>, vector<16xf32>,
    } {sc.loop_unroll_factor = 4 : i64, sc.parallel_access}
    %dma_start3A_554 = arith.constant 1 : i32
    %dma_start3A_555 = arith.constant 0 : i32
    %dma_start3A_556 = tpu.memref_slice %arg9[%dma_start3A_554, %dma_start3A_555] : memref<2x2048xf32, #tpu.memory_space<vmem>> -> memref<1x2048xf32, #tpu.memory_space<vmem>>
    %dma_start3A_557 = tpu.memref_squeeze %dma_start3A_556 : memref<1x2048xf32, #tpu.memory_space<vmem>> -> memref<2048xf32, #tpu.memory_space<vmem>>
    %dma_start3A_558 = arith.constant 2048 : i32
    %dma_start3A_559 = tpu.memref_slice %arg5[%add3A_431, %dma_start3A_558] : memref<64x16384xf32, #tpu.memory_space<hbm>> -> memref<1x2048xf32, #tpu.memory_space<hbm>>
    %dma_start3A_560 = tpu.memref_squeeze %dma_start3A_559 : memref<1x2048xf32, #tpu.memory_space<hbm>> -> memref<2048xf32, #tpu.memory_space<hbm>>
    %dma_start3A_561 = arith.constant 2048 : i32
    %dma_start3A_562 = tpu.memref_slice %arg5[%add3A_431, %dma_start3A_561] : memref<64x16384xf32, #tpu.memory_space<hbm>> -> memref<1x2048xf32, #tpu.memory_space<hbm>>
    %dma_start3A_563 = tpu.memref_squeeze %dma_start3A_562 : memref<1x2048xf32, #tpu.memory_space<hbm>> -> memref<2048xf32, #tpu.memory_space<hbm>>
    %dma_start3A_564 = arith.constant 0 : i32
    %dma_start3A_565 = tpu.memref_slice %arg9[%dma_start3A_554, %dma_start3A_564] : memref<2x2048xf32, #tpu.memory_space<vmem>> -> memref<1x2048xf32, #tpu.memory_space<vmem>>
    %dma_start3A_566 = tpu.memref_squeeze %dma_start3A_565 : memref<1x2048xf32, #tpu.memory_space<vmem>> -> memref<2048xf32, #tpu.memory_space<vmem>>
    tpu.enqueue_dma source(%dma_start3A_566 : memref<2048xf32, #tpu.memory_space<vmem>>) target(%dma_start3A_563 : memref<2048xf32, #tpu.memory_space<hbm>>) target_semaphore(%arg13 : memref<!tpu.dma_semaphore, #tpu.memory_space<semaphore_mem>>)
    %dma_start3A_567 = arith.constant 1 : i32
    %dma_start3A_568 = arith.constant 0 : i32
    %dma_start3A_569 = tpu.memref_slice %arg8[%dma_start3A_567, %dma_start3A_568] : memref<2x2048xf32, #tpu.memory_space<vmem>> -> memref<1x2048xf32, #tpu.memory_space<vmem>>
    %dma_start3A_570 = tpu.memref_squeeze %dma_start3A_569 : memref<1x2048xf32, #tpu.memory_space<vmem>> -> memref<2048xf32, #tpu.memory_space<vmem>>
    %dma_start3A_571 = arith.constant 6144 : i32
    %dma_start3A_572 = tpu.memref_slice %arg3[%add3A_431, %dma_start3A_571] : memref<64x16384xf32, #tpu.memory_space<hbm>> -> memref<1x2048xf32, #tpu.memory_space<hbm>>
    %dma_start3A_573 = tpu.memref_squeeze %dma_start3A_572 : memref<1x2048xf32, #tpu.memory_space<hbm>> -> memref<2048xf32, #tpu.memory_space<hbm>>
    %dma_start3A_574 = arith.constant 0 : i32
    %dma_start3A_575 = tpu.memref_slice %arg8[%dma_start3A_567, %dma_start3A_574] : memref<2x2048xf32, #tpu.memory_space<vmem>> -> memref<1x2048xf32, #tpu.memory_space<vmem>>
    %dma_start3A_576 = tpu.memref_squeeze %dma_start3A_575 : memref<1x2048xf32, #tpu.memory_space<vmem>> -> memref<2048xf32, #tpu.memory_space<vmem>>
    %dma_start3A_577 = arith.constant 6144 : i32
    %dma_start3A_578 = tpu.memref_slice %arg3[%add3A_431, %dma_start3A_577] : memref<64x16384xf32, #tpu.memory_space<hbm>> -> memref<1x2048xf32, #tpu.memory_space<hbm>>
    %dma_start3A_579 = tpu.memref_squeeze %dma_start3A_578 : memref<1x2048xf32, #tpu.memory_space<hbm>> -> memref<2048xf32, #tpu.memory_space<hbm>>
    tpu.enqueue_dma source(%dma_start3A_579 : memref<2048xf32, #tpu.memory_space<hbm>>) target(%dma_start3A_576 : memref<2048xf32, #tpu.memory_space<vmem>>) target_semaphore(%arg12 : memref<!tpu.dma_semaphore, #tpu.memory_space<semaphore_mem>>)
    %dma_wait3A_580 = arith.constant 0 : i32
    %dma_wait3A_581 = arith.constant 0 : i32
    %dma_wait3A_582 = tpu.memref_slice %arg8[%dma_wait3A_580, %dma_wait3A_581] : memref<2x2048xf32, #tpu.memory_space<vmem>> -> memref<1x2048xf32, #tpu.memory_space<vmem>>
    %dma_wait3A_583 = tpu.memref_squeeze %dma_wait3A_582 : memref<1x2048xf32, #tpu.memory_space<vmem>> -> memref<2048xf32, #tpu.memory_space<vmem>>
    %dma_wait3A_584 = arith.constant 4096 : i32
    %dma_wait3A_585 = tpu.memref_slice %arg3[%add3A_431, %dma_wait3A_584] : memref<64x16384xf32, #tpu.memory_space<hbm>> -> memref<1x2048xf32, #tpu.memory_space<hbm>>
    %dma_wait3A_586 = tpu.memref_squeeze %dma_wait3A_585 : memref<1x2048xf32, #tpu.memory_space<hbm>> -> memref<2048xf32, #tpu.memory_space<hbm>>
    %dma_wait3A_587 = arith.constant 0 : i32
    %dma_wait3A_588 = tpu.memref_slice %arg8[%dma_wait3A_580, %dma_wait3A_587] : memref<2x2048xf32, #tpu.memory_space<vmem>> -> memref<1x2048xf32, #tpu.memory_space<vmem>>
    %dma_wait3A_589 = tpu.memref_squeeze %dma_wait3A_588 : memref<1x2048xf32, #tpu.memory_space<vmem>> -> memref<2048xf32, #tpu.memory_space<vmem>>
    %dma_wait3A_590 = arith.constant 4096 : i32
    %dma_wait3A_591 = tpu.memref_slice %arg3[%add3A_431, %dma_wait3A_590] : memref<64x16384xf32, #tpu.memory_space<hbm>> -> memref<1x2048xf32, #tpu.memory_space<hbm>>
    %dma_wait3A_592 = tpu.memref_squeeze %dma_wait3A_591 : memref<1x2048xf32, #tpu.memory_space<hbm>> -> memref<2048xf32, #tpu.memory_space<hbm>>
    tpu.wait_dma2 semaphore(%arg12 : memref<!tpu.dma_semaphore, #tpu.memory_space<semaphore_mem>>) src(%dma_wait3A_592 : memref<2048xf32, #tpu.memory_space<hbm>>) dst(%dma_wait3A_589 : memref<2048xf32, #tpu.memory_space<vmem>>)
    %dma_wait3A_593 = arith.constant 0 : i32
    %dma_wait3A_594 = arith.constant 0 : i32
    %dma_wait3A_595 = tpu.memref_slice %arg9[%dma_wait3A_593, %dma_wait3A_594] : memref<2x2048xf32, #tpu.memory_space<vmem>> -> memref<1x2048xf32, #tpu.memory_space<vmem>>
    %dma_wait3A_596 = tpu.memref_squeeze %dma_wait3A_595 : memref<1x2048xf32, #tpu.memory_space<vmem>> -> memref<2048xf32, #tpu.memory_space<vmem>>
    %dma_wait3A_597 = arith.constant 0 : i32
    %dma_wait3A_598 = tpu.memref_slice %arg5[%add3A_431, %dma_wait3A_597] : memref<64x16384xf32, #tpu.memory_space<hbm>> -> memref<1x2048xf32, #tpu.memory_space<hbm>>
    %dma_wait3A_599 = tpu.memref_squeeze %dma_wait3A_598 : memref<1x2048xf32, #tpu.memory_space<hbm>> -> memref<2048xf32, #tpu.memory_space<hbm>>
    %dma_wait3A_600 = arith.constant 0 : i32
    %dma_wait3A_601 = tpu.memref_slice %arg5[%add3A_431, %dma_wait3A_600] : memref<64x16384xf32, #tpu.memory_space<hbm>> -> memref<1x2048xf32, #tpu.memory_space<hbm>>
    %dma_wait3A_602 = tpu.memref_squeeze %dma_wait3A_601 : memref<1x2048xf32, #tpu.memory_space<hbm>> -> memref<2048xf32, #tpu.memory_space<hbm>>
    %dma_wait3A_603 = arith.constant 0 : i32
    %dma_wait3A_604 = tpu.memref_slice %arg9[%dma_wait3A_593, %dma_wait3A_603] : memref<2x2048xf32, #tpu.memory_space<vmem>> -> memref<1x2048xf32, #tpu.memory_space<vmem>>
    %dma_wait3A_605 = tpu.memref_squeeze %dma_wait3A_604 : memref<1x2048xf32, #tpu.memory_space<vmem>> -> memref<2048xf32, #tpu.memory_space<vmem>>
    tpu.wait_dma2 semaphore(%arg13 : memref<!tpu.dma_semaphore, #tpu.memory_space<semaphore_mem>>) src(%dma_wait3A_605 : memref<2048xf32, #tpu.memory_space<vmem>>) dst(%dma_wait3A_602 : memref<2048xf32, #tpu.memory_space<hbm>>)
    %parallel_loop3A_606 = arith.constant 0 : i32
    %parallel_loop3A_607 = arith.constant 2048 : i32
    %parallel_loop3A_608 = arith.constant 16 : i32
    scf.for %parallel_loop3A_910 = %parallel_loop3A_606 to %parallel_loop3A_607 step %parallel_loop3A_608  : i32 {
      %parallel_loop3A_911 = arith.constant 4096 : i32
      %parallel_loop3A_912 = arith.addi %parallel_loop3A_911, %parallel_loop3A_910 : i32
      %parallel_loop3A_913 = arith.index_cast %parallel_loop3A_912 : i32 to index
      %parallel_loop3A_914 = tpu.vector_load %arg7[%parallel_loop3A_913] {strides = array<i32>} : memref<16384xi32, #tpu.memory_space<vmem>>, vector<16xi32>,
      %parallel_loop3A_915 = arith.constant 0 : i32
      %parallel_loop3A_916 = arith.index_cast %parallel_loop3A_915 : i32 to index
      %parallel_loop3A_917 = arith.index_cast %parallel_loop3A_910 : i32 to index
      %parallel_loop3A_918 = tpu.vector_load %arg8[%parallel_loop3A_916, %parallel_loop3A_917] {strides = array<i32>} : memref<2x2048xf32, #tpu.memory_space<vmem>>, vector<16xf32>,
      %parallel_loop3A_919 = tpu.vector_load_idx %arg6[%parallel_loop3A_914] : memref<100000xf32, #tpu.memory_space<vmem>>[vector<16xi32>], vector<16xf32>,
      %parallel_loop3A_920 = arith.subf %parallel_loop3A_918, %parallel_loop3A_919 : vector<16xf32>
      %parallel_loop3A_921 = arith.mulf %parallel_loop3A_920, %parallel_loop3A_920 : vector<16xf32>
      %parallel_loop3A_922 = arith.constant 0 : i32
      %parallel_loop3A_923 = arith.index_cast %parallel_loop3A_922 : i32 to index
      %parallel_loop3A_924 = arith.index_cast %parallel_loop3A_910 : i32 to index
      %parallel_loop3A_925 = tpu.vector_load %arg9[%parallel_loop3A_923, %parallel_loop3A_924] {strides = array<i32>} : memref<2x2048xf32, #tpu.memory_space<vmem>>, vector<16xf32>,
      tpu.vector_store %arg9[%parallel_loop3A_923, %parallel_loop3A_924], %parallel_loop3A_921 {strides = array<i32>} : memref<2x2048xf32, #tpu.memory_space<vmem>>, vector<16xf32>,
    } {sc.loop_unroll_factor = 4 : i64, sc.parallel_access}
    %dma_start3A_609 = arith.constant 0 : i32
    %dma_start3A_610 = arith.constant 0 : i32
    %dma_start3A_611 = tpu.memref_slice %arg9[%dma_start3A_609, %dma_start3A_610] : memref<2x2048xf32, #tpu.memory_space<vmem>> -> memref<1x2048xf32, #tpu.memory_space<vmem>>
    %dma_start3A_612 = tpu.memref_squeeze %dma_start3A_611 : memref<1x2048xf32, #tpu.memory_space<vmem>> -> memref<2048xf32, #tpu.memory_space<vmem>>
    %dma_start3A_613 = arith.constant 4096 : i32
    %dma_start3A_614 = tpu.memref_slice %arg5[%add3A_431, %dma_start3A_613] : memref<64x16384xf32, #tpu.memory_space<hbm>> -> memref<1x2048xf32, #tpu.memory_space<hbm>>
    %dma_start3A_615 = tpu.memref_squeeze %dma_start3A_614 : memref<1x2048xf32, #tpu.memory_space<hbm>> -> memref<2048xf32, #tpu.memory_space<hbm>>
    %dma_start3A_616 = arith.constant 4096 : i32
    %dma_start3A_617 = tpu.memref_slice %arg5[%add3A_431, %dma_start3A_616] : memref<64x16384xf32, #tpu.memory_space<hbm>> -> memref<1x2048xf32, #tpu.memory_space<hbm>>
    %dma_start3A_618 = tpu.memref_squeeze %dma_start3A_617 : memref<1x2048xf32, #tpu.memory_space<hbm>> -> memref<2048xf32, #tpu.memory_space<hbm>>
    %dma_start3A_619 = arith.constant 0 : i32
    %dma_start3A_620 = tpu.memref_slice %arg9[%dma_start3A_609, %dma_start3A_619] : memref<2x2048xf32, #tpu.memory_space<vmem>> -> memref<1x2048xf32, #tpu.memory_space<vmem>>
    %dma_start3A_621 = tpu.memref_squeeze %dma_start3A_620 : memref<1x2048xf32, #tpu.memory_space<vmem>> -> memref<2048xf32, #tpu.memory_space<vmem>>
    tpu.enqueue_dma source(%dma_start3A_621 : memref<2048xf32, #tpu.memory_space<vmem>>) target(%dma_start3A_618 : memref<2048xf32, #tpu.memory_space<hbm>>) target_semaphore(%arg13 : memref<!tpu.dma_semaphore, #tpu.memory_space<semaphore_mem>>)
    %dma_start3A_622 = arith.constant 0 : i32
    %dma_start3A_623 = arith.constant 0 : i32
    %dma_start3A_624 = tpu.memref_slice %arg8[%dma_start3A_622, %dma_start3A_623] : memref<2x2048xf32, #tpu.memory_space<vmem>> -> memref<1x2048xf32, #tpu.memory_space<vmem>>
    %dma_start3A_625 = tpu.memref_squeeze %dma_start3A_624 : memref<1x2048xf32, #tpu.memory_space<vmem>> -> memref<2048xf32, #tpu.memory_space<vmem>>
    %dma_start3A_626 = arith.constant 8192 : i32
    %dma_start3A_627 = tpu.memref_slice %arg3[%add3A_431, %dma_start3A_626] : memref<64x16384xf32, #tpu.memory_space<hbm>> -> memref<1x2048xf32, #tpu.memory_space<hbm>>
    %dma_start3A_628 = tpu.memref_squeeze %dma_start3A_627 : memref<1x2048xf32, #tpu.memory_space<hbm>> -> memref<2048xf32, #tpu.memory_space<hbm>>
    %dma_start3A_629 = arith.constant 0 : i32
    %dma_start3A_630 = tpu.memref_slice %arg8[%dma_start3A_622, %dma_start3A_629] : memref<2x2048xf32, #tpu.memory_space<vmem>> -> memref<1x2048xf32, #tpu.memory_space<vmem>>
    %dma_start3A_631 = tpu.memref_squeeze %dma_start3A_630 : memref<1x2048xf32, #tpu.memory_space<vmem>> -> memref<2048xf32, #tpu.memory_space<vmem>>
    %dma_start3A_632 = arith.constant 8192 : i32
    %dma_start3A_633 = tpu.memref_slice %arg3[%add3A_431, %dma_start3A_632] : memref<64x16384xf32, #tpu.memory_space<hbm>> -> memref<1x2048xf32, #tpu.memory_space<hbm>>
    %dma_start3A_634 = tpu.memref_squeeze %dma_start3A_633 : memref<1x2048xf32, #tpu.memory_space<hbm>> -> memref<2048xf32, #tpu.memory_space<hbm>>
    tpu.enqueue_dma source(%dma_start3A_634 : memref<2048xf32, #tpu.memory_space<hbm>>) target(%dma_start3A_631 : memref<2048xf32, #tpu.memory_space<vmem>>) target_semaphore(%arg12 : memref<!tpu.dma_semaphore, #tpu.memory_space<semaphore_mem>>)
    %dma_wait3A_635 = arith.constant 1 : i32
    %dma_wait3A_636 = arith.constant 0 : i32
    %dma_wait3A_637 = tpu.memref_slice %arg8[%dma_wait3A_635, %dma_wait3A_636] : memref<2x2048xf32, #tpu.memory_space<vmem>> -> memref<1x2048xf32, #tpu.memory_space<vmem>>
    %dma_wait3A_638 = tpu.memref_squeeze %dma_wait3A_637 : memref<1x2048xf32, #tpu.memory_space<vmem>> -> memref<2048xf32, #tpu.memory_space<vmem>>
    %dma_wait3A_639 = arith.constant 6144 : i32
    %dma_wait3A_640 = tpu.memref_slice %arg3[%add3A_431, %dma_wait3A_639] : memref<64x16384xf32, #tpu.memory_space<hbm>> -> memref<1x2048xf32, #tpu.memory_space<hbm>>
    %dma_wait3A_641 = tpu.memref_squeeze %dma_wait3A_640 : memref<1x2048xf32, #tpu.memory_space<hbm>> -> memref<2048xf32, #tpu.memory_space<hbm>>
    %dma_wait3A_642 = arith.constant 0 : i32
    %dma_wait3A_643 = tpu.memref_slice %arg8[%dma_wait3A_635, %dma_wait3A_642] : memref<2x2048xf32, #tpu.memory_space<vmem>> -> memref<1x2048xf32, #tpu.memory_space<vmem>>
    %dma_wait3A_644 = tpu.memref_squeeze %dma_wait3A_643 : memref<1x2048xf32, #tpu.memory_space<vmem>> -> memref<2048xf32, #tpu.memory_space<vmem>>
    %dma_wait3A_645 = arith.constant 6144 : i32
    %dma_wait3A_646 = tpu.memref_slice %arg3[%add3A_431, %dma_wait3A_645] : memref<64x16384xf32, #tpu.memory_space<hbm>> -> memref<1x2048xf32, #tpu.memory_space<hbm>>
    %dma_wait3A_647 = tpu.memref_squeeze %dma_wait3A_646 : memref<1x2048xf32, #tpu.memory_space<hbm>> -> memref<2048xf32, #tpu.memory_space<hbm>>
    tpu.wait_dma2 semaphore(%arg12 : memref<!tpu.dma_semaphore, #tpu.memory_space<semaphore_mem>>) src(%dma_wait3A_647 : memref<2048xf32, #tpu.memory_space<hbm>>) dst(%dma_wait3A_644 : memref<2048xf32, #tpu.memory_space<vmem>>)
    %dma_wait3A_648 = arith.constant 1 : i32
    %dma_wait3A_649 = arith.constant 0 : i32
    %dma_wait3A_650 = tpu.memref_slice %arg9[%dma_wait3A_648, %dma_wait3A_649] : memref<2x2048xf32, #tpu.memory_space<vmem>> -> memref<1x2048xf32, #tpu.memory_space<vmem>>
    %dma_wait3A_651 = tpu.memref_squeeze %dma_wait3A_650 : memref<1x2048xf32, #tpu.memory_space<vmem>> -> memref<2048xf32, #tpu.memory_space<vmem>>
    %dma_wait3A_652 = arith.constant 2048 : i32
    %dma_wait3A_653 = tpu.memref_slice %arg5[%add3A_431, %dma_wait3A_652] : memref<64x16384xf32, #tpu.memory_space<hbm>> -> memref<1x2048xf32, #tpu.memory_space<hbm>>
    %dma_wait3A_654 = tpu.memref_squeeze %dma_wait3A_653 : memref<1x2048xf32, #tpu.memory_space<hbm>> -> memref<2048xf32, #tpu.memory_space<hbm>>
    %dma_wait3A_655 = arith.constant 2048 : i32
    %dma_wait3A_656 = tpu.memref_slice %arg5[%add3A_431, %dma_wait3A_655] : memref<64x16384xf32, #tpu.memory_space<hbm>> -> memref<1x2048xf32, #tpu.memory_space<hbm>>
    %dma_wait3A_657 = tpu.memref_squeeze %dma_wait3A_656 : memref<1x2048xf32, #tpu.memory_space<hbm>> -> memref<2048xf32, #tpu.memory_space<hbm>>
    %dma_wait3A_658 = arith.constant 0 : i32
    %dma_wait3A_659 = tpu.memref_slice %arg9[%dma_wait3A_648, %dma_wait3A_658] : memref<2x2048xf32, #tpu.memory_space<vmem>> -> memref<1x2048xf32, #tpu.memory_space<vmem>>
    %dma_wait3A_660 = tpu.memref_squeeze %dma_wait3A_659 : memref<1x2048xf32, #tpu.memory_space<vmem>> -> memref<2048xf32, #tpu.memory_space<vmem>>
    tpu.wait_dma2 semaphore(%arg13 : memref<!tpu.dma_semaphore, #tpu.memory_space<semaphore_mem>>) src(%dma_wait3A_660 : memref<2048xf32, #tpu.memory_space<vmem>>) dst(%dma_wait3A_657 : memref<2048xf32, #tpu.memory_space<hbm>>)
    %parallel_loop3A_661 = arith.constant 0 : i32
    %parallel_loop3A_662 = arith.constant 2048 : i32
    %parallel_loop3A_663 = arith.constant 16 : i32
    scf.for %parallel_loop3A_910 = %parallel_loop3A_661 to %parallel_loop3A_662 step %parallel_loop3A_663  : i32 {
      %parallel_loop3A_911 = arith.constant 6144 : i32
      %parallel_loop3A_912 = arith.addi %parallel_loop3A_911, %parallel_loop3A_910 : i32
      %parallel_loop3A_913 = arith.index_cast %parallel_loop3A_912 : i32 to index
      %parallel_loop3A_914 = tpu.vector_load %arg7[%parallel_loop3A_913] {strides = array<i32>} : memref<16384xi32, #tpu.memory_space<vmem>>, vector<16xi32>,
      %parallel_loop3A_915 = arith.constant 1 : i32
      %parallel_loop3A_916 = arith.index_cast %parallel_loop3A_915 : i32 to index
      %parallel_loop3A_917 = arith.index_cast %parallel_loop3A_910 : i32 to index
      %parallel_loop3A_918 = tpu.vector_load %arg8[%parallel_loop3A_916, %parallel_loop3A_917] {strides = array<i32>} : memref<2x2048xf32, #tpu.memory_space<vmem>>, vector<16xf32>,
      %parallel_loop3A_919 = tpu.vector_load_idx %arg6[%parallel_loop3A_914] : memref<100000xf32, #tpu.memory_space<vmem>>[vector<16xi32>], vector<16xf32>,
      %parallel_loop3A_920 = arith.subf %parallel_loop3A_918, %parallel_loop3A_919 : vector<16xf32>
      %parallel_loop3A_921 = arith.mulf %parallel_loop3A_920, %parallel_loop3A_920 : vector<16xf32>
      %parallel_loop3A_922 = arith.constant 1 : i32
      %parallel_loop3A_923 = arith.index_cast %parallel_loop3A_922 : i32 to index
      %parallel_loop3A_924 = arith.index_cast %parallel_loop3A_910 : i32 to index
      %parallel_loop3A_925 = tpu.vector_load %arg9[%parallel_loop3A_923, %parallel_loop3A_924] {strides = array<i32>} : memref<2x2048xf32, #tpu.memory_space<vmem>>, vector<16xf32>,
      tpu.vector_store %arg9[%parallel_loop3A_923, %parallel_loop3A_924], %parallel_loop3A_921 {strides = array<i32>} : memref<2x2048xf32, #tpu.memory_space<vmem>>, vector<16xf32>,
    } {sc.loop_unroll_factor = 4 : i64, sc.parallel_access}
    %dma_start3A_664 = arith.constant 1 : i32
    %dma_start3A_665 = arith.constant 0 : i32
    %dma_start3A_666 = tpu.memref_slice %arg9[%dma_start3A_664, %dma_start3A_665] : memref<2x2048xf32, #tpu.memory_space<vmem>> -> memref<1x2048xf32, #tpu.memory_space<vmem>>
    %dma_start3A_667 = tpu.memref_squeeze %dma_start3A_666 : memref<1x2048xf32, #tpu.memory_space<vmem>> -> memref<2048xf32, #tpu.memory_space<vmem>>
    %dma_start3A_668 = arith.constant 6144 : i32
    %dma_start3A_669 = tpu.memref_slice %arg5[%add3A_431, %dma_start3A_668] : memref<64x16384xf32, #tpu.memory_space<hbm>> -> memref<1x2048xf32, #tpu.memory_space<hbm>>
    %dma_start3A_670 = tpu.memref_squeeze %dma_start3A_669 : memref<1x2048xf32, #tpu.memory_space<hbm>> -> memref<2048xf32, #tpu.memory_space<hbm>>
    %dma_start3A_671 = arith.constant 6144 : i32
    %dma_start3A_672 = tpu.memref_slice %arg5[%add3A_431, %dma_start3A_671] : memref<64x16384xf32, #tpu.memory_space<hbm>> -> memref<1x2048xf32, #tpu.memory_space<hbm>>
    %dma_start3A_673 = tpu.memref_squeeze %dma_start3A_672 : memref<1x2048xf32, #tpu.memory_space<hbm>> -> memref<2048xf32, #tpu.memory_space<hbm>>
    %dma_start3A_674 = arith.constant 0 : i32
    %dma_start3A_675 = tpu.memref_slice %arg9[%dma_start3A_664, %dma_start3A_674] : memref<2x2048xf32, #tpu.memory_space<vmem>> -> memref<1x2048xf32, #tpu.memory_space<vmem>>
    %dma_start3A_676 = tpu.memref_squeeze %dma_start3A_675 : memref<1x2048xf32, #tpu.memory_space<vmem>> -> memref<2048xf32, #tpu.memory_space<vmem>>
    tpu.enqueue_dma source(%dma_start3A_676 : memref<2048xf32, #tpu.memory_space<vmem>>) target(%dma_start3A_673 : memref<2048xf32, #tpu.memory_space<hbm>>) target_semaphore(%arg13 : memref<!tpu.dma_semaphore, #tpu.memory_space<semaphore_mem>>)
    %dma_start3A_677 = arith.constant 1 : i32
    %dma_start3A_678 = arith.constant 0 : i32
    %dma_start3A_679 = tpu.memref_slice %arg8[%dma_start3A_677, %dma_start3A_678] : memref<2x2048xf32, #tpu.memory_space<vmem>> -> memref<1x2048xf32, #tpu.memory_space<vmem>>
    %dma_start3A_680 = tpu.memref_squeeze %dma_start3A_679 : memref<1x2048xf32, #tpu.memory_space<vmem>> -> memref<2048xf32, #tpu.memory_space<vmem>>
    %dma_start3A_681 = arith.constant 10240 : i32
    %dma_start3A_682 = tpu.memref_slice %arg3[%add3A_431, %dma_start3A_681] : memref<64x16384xf32, #tpu.memory_space<hbm>> -> memref<1x2048xf32, #tpu.memory_space<hbm>>
    %dma_start3A_683 = tpu.memref_squeeze %dma_start3A_682 : memref<1x2048xf32, #tpu.memory_space<hbm>> -> memref<2048xf32, #tpu.memory_space<hbm>>
    %dma_start3A_684 = arith.constant 0 : i32
    %dma_start3A_685 = tpu.memref_slice %arg8[%dma_start3A_677, %dma_start3A_684] : memref<2x2048xf32, #tpu.memory_space<vmem>> -> memref<1x2048xf32, #tpu.memory_space<vmem>>
    %dma_start3A_686 = tpu.memref_squeeze %dma_start3A_685 : memref<1x2048xf32, #tpu.memory_space<vmem>> -> memref<2048xf32, #tpu.memory_space<vmem>>
    %dma_start3A_687 = arith.constant 10240 : i32
    %dma_start3A_688 = tpu.memref_slice %arg3[%add3A_431, %dma_start3A_687] : memref<64x16384xf32, #tpu.memory_space<hbm>> -> memref<1x2048xf32, #tpu.memory_space<hbm>>
    %dma_start3A_689 = tpu.memref_squeeze %dma_start3A_688 : memref<1x2048xf32, #tpu.memory_space<hbm>> -> memref<2048xf32, #tpu.memory_space<hbm>>
    tpu.enqueue_dma source(%dma_start3A_689 : memref<2048xf32, #tpu.memory_space<hbm>>) target(%dma_start3A_686 : memref<2048xf32, #tpu.memory_space<vmem>>) target_semaphore(%arg12 : memref<!tpu.dma_semaphore, #tpu.memory_space<semaphore_mem>>)
    %dma_wait3A_690 = arith.constant 0 : i32
    %dma_wait3A_691 = arith.constant 0 : i32
    %dma_wait3A_692 = tpu.memref_slice %arg8[%dma_wait3A_690, %dma_wait3A_691] : memref<2x2048xf32, #tpu.memory_space<vmem>> -> memref<1x2048xf32, #tpu.memory_space<vmem>>
    %dma_wait3A_693 = tpu.memref_squeeze %dma_wait3A_692 : memref<1x2048xf32, #tpu.memory_space<vmem>> -> memref<2048xf32, #tpu.memory_space<vmem>>
    %dma_wait3A_694 = arith.constant 8192 : i32
    %dma_wait3A_695 = tpu.memref_slice %arg3[%add3A_431, %dma_wait3A_694] : memref<64x16384xf32, #tpu.memory_space<hbm>> -> memref<1x2048xf32, #tpu.memory_space<hbm>>
    %dma_wait3A_696 = tpu.memref_squeeze %dma_wait3A_695 : memref<1x2048xf32, #tpu.memory_space<hbm>> -> memref<2048xf32, #tpu.memory_space<hbm>>
    %dma_wait3A_697 = arith.constant 0 : i32
    %dma_wait3A_698 = tpu.memref_slice %arg8[%dma_wait3A_690, %dma_wait3A_697] : memref<2x2048xf32, #tpu.memory_space<vmem>> -> memref<1x2048xf32, #tpu.memory_space<vmem>>
    %dma_wait3A_699 = tpu.memref_squeeze %dma_wait3A_698 : memref<1x2048xf32, #tpu.memory_space<vmem>> -> memref<2048xf32, #tpu.memory_space<vmem>>
    %dma_wait3A_700 = arith.constant 8192 : i32
    %dma_wait3A_701 = tpu.memref_slice %arg3[%add3A_431, %dma_wait3A_700] : memref<64x16384xf32, #tpu.memory_space<hbm>> -> memref<1x2048xf32, #tpu.memory_space<hbm>>
    %dma_wait3A_702 = tpu.memref_squeeze %dma_wait3A_701 : memref<1x2048xf32, #tpu.memory_space<hbm>> -> memref<2048xf32, #tpu.memory_space<hbm>>
    tpu.wait_dma2 semaphore(%arg12 : memref<!tpu.dma_semaphore, #tpu.memory_space<semaphore_mem>>) src(%dma_wait3A_702 : memref<2048xf32, #tpu.memory_space<hbm>>) dst(%dma_wait3A_699 : memref<2048xf32, #tpu.memory_space<vmem>>)
    %dma_wait3A_703 = arith.constant 0 : i32
    %dma_wait3A_704 = arith.constant 0 : i32
    %dma_wait3A_705 = tpu.memref_slice %arg9[%dma_wait3A_703, %dma_wait3A_704] : memref<2x2048xf32, #tpu.memory_space<vmem>> -> memref<1x2048xf32, #tpu.memory_space<vmem>>
    %dma_wait3A_706 = tpu.memref_squeeze %dma_wait3A_705 : memref<1x2048xf32, #tpu.memory_space<vmem>> -> memref<2048xf32, #tpu.memory_space<vmem>>
    %dma_wait3A_707 = arith.constant 4096 : i32
    %dma_wait3A_708 = tpu.memref_slice %arg5[%add3A_431, %dma_wait3A_707] : memref<64x16384xf32, #tpu.memory_space<hbm>> -> memref<1x2048xf32, #tpu.memory_space<hbm>>
    %dma_wait3A_709 = tpu.memref_squeeze %dma_wait3A_708 : memref<1x2048xf32, #tpu.memory_space<hbm>> -> memref<2048xf32, #tpu.memory_space<hbm>>
    %dma_wait3A_710 = arith.constant 4096 : i32
    %dma_wait3A_711 = tpu.memref_slice %arg5[%add3A_431, %dma_wait3A_710] : memref<64x16384xf32, #tpu.memory_space<hbm>> -> memref<1x2048xf32, #tpu.memory_space<hbm>>
    %dma_wait3A_712 = tpu.memref_squeeze %dma_wait3A_711 : memref<1x2048xf32, #tpu.memory_space<hbm>> -> memref<2048xf32, #tpu.memory_space<hbm>>
    %dma_wait3A_713 = arith.constant 0 : i32
    %dma_wait3A_714 = tpu.memref_slice %arg9[%dma_wait3A_703, %dma_wait3A_713] : memref<2x2048xf32, #tpu.memory_space<vmem>> -> memref<1x2048xf32, #tpu.memory_space<vmem>>
    %dma_wait3A_715 = tpu.memref_squeeze %dma_wait3A_714 : memref<1x2048xf32, #tpu.memory_space<vmem>> -> memref<2048xf32, #tpu.memory_space<vmem>>
    tpu.wait_dma2 semaphore(%arg13 : memref<!tpu.dma_semaphore, #tpu.memory_space<semaphore_mem>>) src(%dma_wait3A_715 : memref<2048xf32, #tpu.memory_space<vmem>>) dst(%dma_wait3A_712 : memref<2048xf32, #tpu.memory_space<hbm>>)
    %parallel_loop3A_716 = arith.constant 0 : i32
    %parallel_loop3A_717 = arith.constant 2048 : i32
    %parallel_loop3A_718 = arith.constant 16 : i32
    scf.for %parallel_loop3A_910 = %parallel_loop3A_716 to %parallel_loop3A_717 step %parallel_loop3A_718  : i32 {
      %parallel_loop3A_911 = arith.constant 8192 : i32
      %parallel_loop3A_912 = arith.addi %parallel_loop3A_911, %parallel_loop3A_910 : i32
      %parallel_loop3A_913 = arith.index_cast %parallel_loop3A_912 : i32 to index
      %parallel_loop3A_914 = tpu.vector_load %arg7[%parallel_loop3A_913] {strides = array<i32>} : memref<16384xi32, #tpu.memory_space<vmem>>, vector<16xi32>,
      %parallel_loop3A_915 = arith.constant 0 : i32
      %parallel_loop3A_916 = arith.index_cast %parallel_loop3A_915 : i32 to index
      %parallel_loop3A_917 = arith.index_cast %parallel_loop3A_910 : i32 to index
      %parallel_loop3A_918 = tpu.vector_load %arg8[%parallel_loop3A_916, %parallel_loop3A_917] {strides = array<i32>} : memref<2x2048xf32, #tpu.memory_space<vmem>>, vector<16xf32>,
      %parallel_loop3A_919 = tpu.vector_load_idx %arg6[%parallel_loop3A_914] : memref<100000xf32, #tpu.memory_space<vmem>>[vector<16xi32>], vector<16xf32>,
      %parallel_loop3A_920 = arith.subf %parallel_loop3A_918, %parallel_loop3A_919 : vector<16xf32>
      %parallel_loop3A_921 = arith.mulf %parallel_loop3A_920, %parallel_loop3A_920 : vector<16xf32>
      %parallel_loop3A_922 = arith.constant 0 : i32
      %parallel_loop3A_923 = arith.index_cast %parallel_loop3A_922 : i32 to index
      %parallel_loop3A_924 = arith.index_cast %parallel_loop3A_910 : i32 to index
      %parallel_loop3A_925 = tpu.vector_load %arg9[%parallel_loop3A_923, %parallel_loop3A_924] {strides = array<i32>} : memref<2x2048xf32, #tpu.memory_space<vmem>>, vector<16xf32>,
      tpu.vector_store %arg9[%parallel_loop3A_923, %parallel_loop3A_924], %parallel_loop3A_921 {strides = array<i32>} : memref<2x2048xf32, #tpu.memory_space<vmem>>, vector<16xf32>,
    } {sc.loop_unroll_factor = 4 : i64, sc.parallel_access}
    %dma_start3A_719 = arith.constant 0 : i32
    %dma_start3A_720 = arith.constant 0 : i32
    %dma_start3A_721 = tpu.memref_slice %arg9[%dma_start3A_719, %dma_start3A_720] : memref<2x2048xf32, #tpu.memory_space<vmem>> -> memref<1x2048xf32, #tpu.memory_space<vmem>>
    %dma_start3A_722 = tpu.memref_squeeze %dma_start3A_721 : memref<1x2048xf32, #tpu.memory_space<vmem>> -> memref<2048xf32, #tpu.memory_space<vmem>>
    %dma_start3A_723 = arith.constant 8192 : i32
    %dma_start3A_724 = tpu.memref_slice %arg5[%add3A_431, %dma_start3A_723] : memref<64x16384xf32, #tpu.memory_space<hbm>> -> memref<1x2048xf32, #tpu.memory_space<hbm>>
    %dma_start3A_725 = tpu.memref_squeeze %dma_start3A_724 : memref<1x2048xf32, #tpu.memory_space<hbm>> -> memref<2048xf32, #tpu.memory_space<hbm>>
    %dma_start3A_726 = arith.constant 8192 : i32
    %dma_start3A_727 = tpu.memref_slice %arg5[%add3A_431, %dma_start3A_726] : memref<64x16384xf32, #tpu.memory_space<hbm>> -> memref<1x2048xf32, #tpu.memory_space<hbm>>
    %dma_start3A_728 = tpu.memref_squeeze %dma_start3A_727 : memref<1x2048xf32, #tpu.memory_space<hbm>> -> memref<2048xf32, #tpu.memory_space<hbm>>
    %dma_start3A_729 = arith.constant 0 : i32
    %dma_start3A_730 = tpu.memref_slice %arg9[%dma_start3A_719, %dma_start3A_729] : memref<2x2048xf32, #tpu.memory_space<vmem>> -> memref<1x2048xf32, #tpu.memory_space<vmem>>
    %dma_start3A_731 = tpu.memref_squeeze %dma_start3A_730 : memref<1x2048xf32, #tpu.memory_space<vmem>> -> memref<2048xf32, #tpu.memory_space<vmem>>
    tpu.enqueue_dma source(%dma_start3A_731 : memref<2048xf32, #tpu.memory_space<vmem>>) target(%dma_start3A_728 : memref<2048xf32, #tpu.memory_space<hbm>>) target_semaphore(%arg13 : memref<!tpu.dma_semaphore, #tpu.memory_space<semaphore_mem>>)
    %dma_start3A_732 = arith.constant 0 : i32
    %dma_start3A_733 = arith.constant 0 : i32
    %dma_start3A_734 = tpu.memref_slice %arg8[%dma_start3A_732, %dma_start3A_733] : memref<2x2048xf32, #tpu.memory_space<vmem>> -> memref<1x2048xf32, #tpu.memory_space<vmem>>
    %dma_start3A_735 = tpu.memref_squeeze %dma_start3A_734 : memref<1x2048xf32, #tpu.memory_space<vmem>> -> memref<2048xf32, #tpu.memory_space<vmem>>
    %dma_start3A_736 = arith.constant 12288 : i32
    %dma_start3A_737 = tpu.memref_slice %arg3[%add3A_431, %dma_start3A_736] : memref<64x16384xf32, #tpu.memory_space<hbm>> -> memref<1x2048xf32, #tpu.memory_space<hbm>>
    %dma_start3A_738 = tpu.memref_squeeze %dma_start3A_737 : memref<1x2048xf32, #tpu.memory_space<hbm>> -> memref<2048xf32, #tpu.memory_space<hbm>>
    %dma_start3A_739 = arith.constant 0 : i32
    %dma_start3A_740 = tpu.memref_slice %arg8[%dma_start3A_732, %dma_start3A_739] : memref<2x2048xf32, #tpu.memory_space<vmem>> -> memref<1x2048xf32, #tpu.memory_space<vmem>>
    %dma_start3A_741 = tpu.memref_squeeze %dma_start3A_740 : memref<1x2048xf32, #tpu.memory_space<vmem>> -> memref<2048xf32, #tpu.memory_space<vmem>>
    %dma_start3A_742 = arith.constant 12288 : i32
    %dma_start3A_743 = tpu.memref_slice %arg3[%add3A_431, %dma_start3A_742] : memref<64x16384xf32, #tpu.memory_space<hbm>> -> memref<1x2048xf32, #tpu.memory_space<hbm>>
    %dma_start3A_744 = tpu.memref_squeeze %dma_start3A_743 : memref<1x2048xf32, #tpu.memory_space<hbm>> -> memref<2048xf32, #tpu.memory_space<hbm>>
    tpu.enqueue_dma source(%dma_start3A_744 : memref<2048xf32, #tpu.memory_space<hbm>>) target(%dma_start3A_741 : memref<2048xf32, #tpu.memory_space<vmem>>) target_semaphore(%arg12 : memref<!tpu.dma_semaphore, #tpu.memory_space<semaphore_mem>>)
    %dma_wait3A_745 = arith.constant 1 : i32
    %dma_wait3A_746 = arith.constant 0 : i32
    %dma_wait3A_747 = tpu.memref_slice %arg8[%dma_wait3A_745, %dma_wait3A_746] : memref<2x2048xf32, #tpu.memory_space<vmem>> -> memref<1x2048xf32, #tpu.memory_space<vmem>>
    %dma_wait3A_748 = tpu.memref_squeeze %dma_wait3A_747 : memref<1x2048xf32, #tpu.memory_space<vmem>> -> memref<2048xf32, #tpu.memory_space<vmem>>
    %dma_wait3A_749 = arith.constant 10240 : i32
    %dma_wait3A_750 = tpu.memref_slice %arg3[%add3A_431, %dma_wait3A_749] : memref<64x16384xf32, #tpu.memory_space<hbm>> -> memref<1x2048xf32, #tpu.memory_space<hbm>>
    %dma_wait3A_751 = tpu.memref_squeeze %dma_wait3A_750 : memref<1x2048xf32, #tpu.memory_space<hbm>> -> memref<2048xf32, #tpu.memory_space<hbm>>
    %dma_wait3A_752 = arith.constant 0 : i32
    %dma_wait3A_753 = tpu.memref_slice %arg8[%dma_wait3A_745, %dma_wait3A_752] : memref<2x2048xf32, #tpu.memory_space<vmem>> -> memref<1x2048xf32, #tpu.memory_space<vmem>>
    %dma_wait3A_754 = tpu.memref_squeeze %dma_wait3A_753 : memref<1x2048xf32, #tpu.memory_space<vmem>> -> memref<2048xf32, #tpu.memory_space<vmem>>
    %dma_wait3A_755 = arith.constant 10240 : i32
    %dma_wait3A_756 = tpu.memref_slice %arg3[%add3A_431, %dma_wait3A_755] : memref<64x16384xf32, #tpu.memory_space<hbm>> -> memref<1x2048xf32, #tpu.memory_space<hbm>>
    %dma_wait3A_757 = tpu.memref_squeeze %dma_wait3A_756 : memref<1x2048xf32, #tpu.memory_space<hbm>> -> memref<2048xf32, #tpu.memory_space<hbm>>
    tpu.wait_dma2 semaphore(%arg12 : memref<!tpu.dma_semaphore, #tpu.memory_space<semaphore_mem>>) src(%dma_wait3A_757 : memref<2048xf32, #tpu.memory_space<hbm>>) dst(%dma_wait3A_754 : memref<2048xf32, #tpu.memory_space<vmem>>)
    %dma_wait3A_758 = arith.constant 1 : i32
    %dma_wait3A_759 = arith.constant 0 : i32
    %dma_wait3A_760 = tpu.memref_slice %arg9[%dma_wait3A_758, %dma_wait3A_759] : memref<2x2048xf32, #tpu.memory_space<vmem>> -> memref<1x2048xf32, #tpu.memory_space<vmem>>
    %dma_wait3A_761 = tpu.memref_squeeze %dma_wait3A_760 : memref<1x2048xf32, #tpu.memory_space<vmem>> -> memref<2048xf32, #tpu.memory_space<vmem>>
    %dma_wait3A_762 = arith.constant 6144 : i32
    %dma_wait3A_763 = tpu.memref_slice %arg5[%add3A_431, %dma_wait3A_762] : memref<64x16384xf32, #tpu.memory_space<hbm>> -> memref<1x2048xf32, #tpu.memory_space<hbm>>
    %dma_wait3A_764 = tpu.memref_squeeze %dma_wait3A_763 : memref<1x2048xf32, #tpu.memory_space<hbm>> -> memref<2048xf32, #tpu.memory_space<hbm>>
    %dma_wait3A_765 = arith.constant 6144 : i32
    %dma_wait3A_766 = tpu.memref_slice %arg5[%add3A_431, %dma_wait3A_765] : memref<64x16384xf32, #tpu.memory_space<hbm>> -> memref<1x2048xf32, #tpu.memory_space<hbm>>
    %dma_wait3A_767 = tpu.memref_squeeze %dma_wait3A_766 : memref<1x2048xf32, #tpu.memory_space<hbm>> -> memref<2048xf32, #tpu.memory_space<hbm>>
    %dma_wait3A_768 = arith.constant 0 : i32
    %dma_wait3A_769 = tpu.memref_slice %arg9[%dma_wait3A_758, %dma_wait3A_768] : memref<2x2048xf32, #tpu.memory_space<vmem>> -> memref<1x2048xf32, #tpu.memory_space<vmem>>
    %dma_wait3A_770 = tpu.memref_squeeze %dma_wait3A_769 : memref<1x2048xf32, #tpu.memory_space<vmem>> -> memref<2048xf32, #tpu.memory_space<vmem>>
    tpu.wait_dma2 semaphore(%arg13 : memref<!tpu.dma_semaphore, #tpu.memory_space<semaphore_mem>>) src(%dma_wait3A_770 : memref<2048xf32, #tpu.memory_space<vmem>>) dst(%dma_wait3A_767 : memref<2048xf32, #tpu.memory_space<hbm>>)
    %parallel_loop3A_771 = arith.constant 0 : i32
    %parallel_loop3A_772 = arith.constant 2048 : i32
    %parallel_loop3A_773 = arith.constant 16 : i32
    scf.for %parallel_loop3A_910 = %parallel_loop3A_771 to %parallel_loop3A_772 step %parallel_loop3A_773  : i32 {
      %parallel_loop3A_911 = arith.constant 10240 : i32
      %parallel_loop3A_912 = arith.addi %parallel_loop3A_911, %parallel_loop3A_910 : i32
      %parallel_loop3A_913 = arith.index_cast %parallel_loop3A_912 : i32 to index
      %parallel_loop3A_914 = tpu.vector_load %arg7[%parallel_loop3A_913] {strides = array<i32>} : memref<16384xi32, #tpu.memory_space<vmem>>, vector<16xi32>,
      %parallel_loop3A_915 = arith.constant 1 : i32
      %parallel_loop3A_916 = arith.index_cast %parallel_loop3A_915 : i32 to index
      %parallel_loop3A_917 = arith.index_cast %parallel_loop3A_910 : i32 to index
      %parallel_loop3A_918 = tpu.vector_load %arg8[%parallel_loop3A_916, %parallel_loop3A_917] {strides = array<i32>} : memref<2x2048xf32, #tpu.memory_space<vmem>>, vector<16xf32>,
      %parallel_loop3A_919 = tpu.vector_load_idx %arg6[%parallel_loop3A_914] : memref<100000xf32, #tpu.memory_space<vmem>>[vector<16xi32>], vector<16xf32>,
      %parallel_loop3A_920 = arith.subf %parallel_loop3A_918, %parallel_loop3A_919 : vector<16xf32>
      %parallel_loop3A_921 = arith.mulf %parallel_loop3A_920, %parallel_loop3A_920 : vector<16xf32>
      %parallel_loop3A_922 = arith.constant 1 : i32
      %parallel_loop3A_923 = arith.index_cast %parallel_loop3A_922 : i32 to index
      %parallel_loop3A_924 = arith.index_cast %parallel_loop3A_910 : i32 to index
      %parallel_loop3A_925 = tpu.vector_load %arg9[%parallel_loop3A_923, %parallel_loop3A_924] {strides = array<i32>} : memref<2x2048xf32, #tpu.memory_space<vmem>>, vector<16xf32>,
      tpu.vector_store %arg9[%parallel_loop3A_923, %parallel_loop3A_924], %parallel_loop3A_921 {strides = array<i32>} : memref<2x2048xf32, #tpu.memory_space<vmem>>, vector<16xf32>,
    } {sc.loop_unroll_factor = 4 : i64, sc.parallel_access}
    %dma_start3A_774 = arith.constant 1 : i32
    %dma_start3A_775 = arith.constant 0 : i32
    %dma_start3A_776 = tpu.memref_slice %arg9[%dma_start3A_774, %dma_start3A_775] : memref<2x2048xf32, #tpu.memory_space<vmem>> -> memref<1x2048xf32, #tpu.memory_space<vmem>>
    %dma_start3A_777 = tpu.memref_squeeze %dma_start3A_776 : memref<1x2048xf32, #tpu.memory_space<vmem>> -> memref<2048xf32, #tpu.memory_space<vmem>>
    %dma_start3A_778 = arith.constant 10240 : i32
    %dma_start3A_779 = tpu.memref_slice %arg5[%add3A_431, %dma_start3A_778] : memref<64x16384xf32, #tpu.memory_space<hbm>> -> memref<1x2048xf32, #tpu.memory_space<hbm>>
    %dma_start3A_780 = tpu.memref_squeeze %dma_start3A_779 : memref<1x2048xf32, #tpu.memory_space<hbm>> -> memref<2048xf32, #tpu.memory_space<hbm>>
    %dma_start3A_781 = arith.constant 10240 : i32
    %dma_start3A_782 = tpu.memref_slice %arg5[%add3A_431, %dma_start3A_781] : memref<64x16384xf32, #tpu.memory_space<hbm>> -> memref<1x2048xf32, #tpu.memory_space<hbm>>
    %dma_start3A_783 = tpu.memref_squeeze %dma_start3A_782 : memref<1x2048xf32, #tpu.memory_space<hbm>> -> memref<2048xf32, #tpu.memory_space<hbm>>
    %dma_start3A_784 = arith.constant 0 : i32
    %dma_start3A_785 = tpu.memref_slice %arg9[%dma_start3A_774, %dma_start3A_784] : memref<2x2048xf32, #tpu.memory_space<vmem>> -> memref<1x2048xf32, #tpu.memory_space<vmem>>
    %dma_start3A_786 = tpu.memref_squeeze %dma_start3A_785 : memref<1x2048xf32, #tpu.memory_space<vmem>> -> memref<2048xf32, #tpu.memory_space<vmem>>
    tpu.enqueue_dma source(%dma_start3A_786 : memref<2048xf32, #tpu.memory_space<vmem>>) target(%dma_start3A_783 : memref<2048xf32, #tpu.memory_space<hbm>>) target_semaphore(%arg13 : memref<!tpu.dma_semaphore, #tpu.memory_space<semaphore_mem>>)
    %dma_start3A_787 = arith.constant 1 : i32
    %dma_start3A_788 = arith.constant 0 : i32
    %dma_start3A_789 = tpu.memref_slice %arg8[%dma_start3A_787, %dma_start3A_788] : memref<2x2048xf32, #tpu.memory_space<vmem>> -> memref<1x2048xf32, #tpu.memory_space<vmem>>
    %dma_start3A_790 = tpu.memref_squeeze %dma_start3A_789 : memref<1x2048xf32, #tpu.memory_space<vmem>> -> memref<2048xf32, #tpu.memory_space<vmem>>
    %dma_start3A_791 = arith.constant 14336 : i32
    %dma_start3A_792 = tpu.memref_slice %arg3[%add3A_431, %dma_start3A_791] : memref<64x16384xf32, #tpu.memory_space<hbm>> -> memref<1x2048xf32, #tpu.memory_space<hbm>>
    %dma_start3A_793 = tpu.memref_squeeze %dma_start3A_792 : memref<1x2048xf32, #tpu.memory_space<hbm>> -> memref<2048xf32, #tpu.memory_space<hbm>>
    %dma_start3A_794 = arith.constant 0 : i32
    %dma_start3A_795 = tpu.memref_slice %arg8[%dma_start3A_787, %dma_start3A_794] : memref<2x2048xf32, #tpu.memory_space<vmem>> -> memref<1x2048xf32, #tpu.memory_space<vmem>>
    %dma_start3A_796 = tpu.memref_squeeze %dma_start3A_795 : memref<1x2048xf32, #tpu.memory_space<vmem>> -> memref<2048xf32, #tpu.memory_space<vmem>>
    %dma_start3A_797 = arith.constant 14336 : i32
    %dma_start3A_798 = tpu.memref_slice %arg3[%add3A_431, %dma_start3A_797] : memref<64x16384xf32, #tpu.memory_space<hbm>> -> memref<1x2048xf32, #tpu.memory_space<hbm>>
    %dma_start3A_799 = tpu.memref_squeeze %dma_start3A_798 : memref<1x2048xf32, #tpu.memory_space<hbm>> -> memref<2048xf32, #tpu.memory_space<hbm>>
    tpu.enqueue_dma source(%dma_start3A_799 : memref<2048xf32, #tpu.memory_space<hbm>>) target(%dma_start3A_796 : memref<2048xf32, #tpu.memory_space<vmem>>) target_semaphore(%arg12 : memref<!tpu.dma_semaphore, #tpu.memory_space<semaphore_mem>>)
    %dma_wait3A_800 = arith.constant 0 : i32
    %dma_wait3A_801 = arith.constant 0 : i32
    %dma_wait3A_802 = tpu.memref_slice %arg8[%dma_wait3A_800, %dma_wait3A_801] : memref<2x2048xf32, #tpu.memory_space<vmem>> -> memref<1x2048xf32, #tpu.memory_space<vmem>>
    %dma_wait3A_803 = tpu.memref_squeeze %dma_wait3A_802 : memref<1x2048xf32, #tpu.memory_space<vmem>> -> memref<2048xf32, #tpu.memory_space<vmem>>
    %dma_wait3A_804 = arith.constant 12288 : i32
    %dma_wait3A_805 = tpu.memref_slice %arg3[%add3A_431, %dma_wait3A_804] : memref<64x16384xf32, #tpu.memory_space<hbm>> -> memref<1x2048xf32, #tpu.memory_space<hbm>>
    %dma_wait3A_806 = tpu.memref_squeeze %dma_wait3A_805 : memref<1x2048xf32, #tpu.memory_space<hbm>> -> memref<2048xf32, #tpu.memory_space<hbm>>
    %dma_wait3A_807 = arith.constant 0 : i32
    %dma_wait3A_808 = tpu.memref_slice %arg8[%dma_wait3A_800, %dma_wait3A_807] : memref<2x2048xf32, #tpu.memory_space<vmem>> -> memref<1x2048xf32, #tpu.memory_space<vmem>>
    %dma_wait3A_809 = tpu.memref_squeeze %dma_wait3A_808 : memref<1x2048xf32, #tpu.memory_space<vmem>> -> memref<2048xf32, #tpu.memory_space<vmem>>
    %dma_wait3A_810 = arith.constant 12288 : i32
    %dma_wait3A_811 = tpu.memref_slice %arg3[%add3A_431, %dma_wait3A_810] : memref<64x16384xf32, #tpu.memory_space<hbm>> -> memref<1x2048xf32, #tpu.memory_space<hbm>>
    %dma_wait3A_812 = tpu.memref_squeeze %dma_wait3A_811 : memref<1x2048xf32, #tpu.memory_space<hbm>> -> memref<2048xf32, #tpu.memory_space<hbm>>
    tpu.wait_dma2 semaphore(%arg12 : memref<!tpu.dma_semaphore, #tpu.memory_space<semaphore_mem>>) src(%dma_wait3A_812 : memref<2048xf32, #tpu.memory_space<hbm>>) dst(%dma_wait3A_809 : memref<2048xf32, #tpu.memory_space<vmem>>)
    %dma_wait3A_813 = arith.constant 0 : i32
    %dma_wait3A_814 = arith.constant 0 : i32
    %dma_wait3A_815 = tpu.memref_slice %arg9[%dma_wait3A_813, %dma_wait3A_814] : memref<2x2048xf32, #tpu.memory_space<vmem>> -> memref<1x2048xf32, #tpu.memory_space<vmem>>
    %dma_wait3A_816 = tpu.memref_squeeze %dma_wait3A_815 : memref<1x2048xf32, #tpu.memory_space<vmem>> -> memref<2048xf32, #tpu.memory_space<vmem>>
    %dma_wait3A_817 = arith.constant 8192 : i32
    %dma_wait3A_818 = tpu.memref_slice %arg5[%add3A_431, %dma_wait3A_817] : memref<64x16384xf32, #tpu.memory_space<hbm>> -> memref<1x2048xf32, #tpu.memory_space<hbm>>
    %dma_wait3A_819 = tpu.memref_squeeze %dma_wait3A_818 : memref<1x2048xf32, #tpu.memory_space<hbm>> -> memref<2048xf32, #tpu.memory_space<hbm>>
    %dma_wait3A_820 = arith.constant 8192 : i32
    %dma_wait3A_821 = tpu.memref_slice %arg5[%add3A_431, %dma_wait3A_820] : memref<64x16384xf32, #tpu.memory_space<hbm>> -> memref<1x2048xf32, #tpu.memory_space<hbm>>
    %dma_wait3A_822 = tpu.memref_squeeze %dma_wait3A_821 : memref<1x2048xf32, #tpu.memory_space<hbm>> -> memref<2048xf32, #tpu.memory_space<hbm>>
    %dma_wait3A_823 = arith.constant 0 : i32
    %dma_wait3A_824 = tpu.memref_slice %arg9[%dma_wait3A_813, %dma_wait3A_823] : memref<2x2048xf32, #tpu.memory_space<vmem>> -> memref<1x2048xf32, #tpu.memory_space<vmem>>
    %dma_wait3A_825 = tpu.memref_squeeze %dma_wait3A_824 : memref<1x2048xf32, #tpu.memory_space<vmem>> -> memref<2048xf32, #tpu.memory_space<vmem>>
    tpu.wait_dma2 semaphore(%arg13 : memref<!tpu.dma_semaphore, #tpu.memory_space<semaphore_mem>>) src(%dma_wait3A_825 : memref<2048xf32, #tpu.memory_space<vmem>>) dst(%dma_wait3A_822 : memref<2048xf32, #tpu.memory_space<hbm>>)
    %parallel_loop3A_826 = arith.constant 0 : i32
    %parallel_loop3A_827 = arith.constant 2048 : i32
    %parallel_loop3A_828 = arith.constant 16 : i32
    scf.for %parallel_loop3A_910 = %parallel_loop3A_826 to %parallel_loop3A_827 step %parallel_loop3A_828  : i32 {
      %parallel_loop3A_911 = arith.constant 12288 : i32
      %parallel_loop3A_912 = arith.addi %parallel_loop3A_911, %parallel_loop3A_910 : i32
      %parallel_loop3A_913 = arith.index_cast %parallel_loop3A_912 : i32 to index
      %parallel_loop3A_914 = tpu.vector_load %arg7[%parallel_loop3A_913] {strides = array<i32>} : memref<16384xi32, #tpu.memory_space<vmem>>, vector<16xi32>,
      %parallel_loop3A_915 = arith.constant 0 : i32
      %parallel_loop3A_916 = arith.index_cast %parallel_loop3A_915 : i32 to index
      %parallel_loop3A_917 = arith.index_cast %parallel_loop3A_910 : i32 to index
      %parallel_loop3A_918 = tpu.vector_load %arg8[%parallel_loop3A_916, %parallel_loop3A_917] {strides = array<i32>} : memref<2x2048xf32, #tpu.memory_space<vmem>>, vector<16xf32>,
      %parallel_loop3A_919 = tpu.vector_load_idx %arg6[%parallel_loop3A_914] : memref<100000xf32, #tpu.memory_space<vmem>>[vector<16xi32>], vector<16xf32>,
      %parallel_loop3A_920 = arith.subf %parallel_loop3A_918, %parallel_loop3A_919 : vector<16xf32>
      %parallel_loop3A_921 = arith.mulf %parallel_loop3A_920, %parallel_loop3A_920 : vector<16xf32>
      %parallel_loop3A_922 = arith.constant 0 : i32
      %parallel_loop3A_923 = arith.index_cast %parallel_loop3A_922 : i32 to index
      %parallel_loop3A_924 = arith.index_cast %parallel_loop3A_910 : i32 to index
      %parallel_loop3A_925 = tpu.vector_load %arg9[%parallel_loop3A_923, %parallel_loop3A_924] {strides = array<i32>} : memref<2x2048xf32, #tpu.memory_space<vmem>>, vector<16xf32>,
      tpu.vector_store %arg9[%parallel_loop3A_923, %parallel_loop3A_924], %parallel_loop3A_921 {strides = array<i32>} : memref<2x2048xf32, #tpu.memory_space<vmem>>, vector<16xf32>,
    } {sc.loop_unroll_factor = 4 : i64, sc.parallel_access}
    %dma_start3A_829 = arith.constant 0 : i32
    %dma_start3A_830 = arith.constant 0 : i32
    %dma_start3A_831 = tpu.memref_slice %arg9[%dma_start3A_829, %dma_start3A_830] : memref<2x2048xf32, #tpu.memory_space<vmem>> -> memref<1x2048xf32, #tpu.memory_space<vmem>>
    %dma_start3A_832 = tpu.memref_squeeze %dma_start3A_831 : memref<1x2048xf32, #tpu.memory_space<vmem>> -> memref<2048xf32, #tpu.memory_space<vmem>>
    %dma_start3A_833 = arith.constant 12288 : i32
    %dma_start3A_834 = tpu.memref_slice %arg5[%add3A_431, %dma_start3A_833] : memref<64x16384xf32, #tpu.memory_space<hbm>> -> memref<1x2048xf32, #tpu.memory_space<hbm>>
    %dma_start3A_835 = tpu.memref_squeeze %dma_start3A_834 : memref<1x2048xf32, #tpu.memory_space<hbm>> -> memref<2048xf32, #tpu.memory_space<hbm>>
    %dma_start3A_836 = arith.constant 12288 : i32
    %dma_start3A_837 = tpu.memref_slice %arg5[%add3A_431, %dma_start3A_836] : memref<64x16384xf32, #tpu.memory_space<hbm>> -> memref<1x2048xf32, #tpu.memory_space<hbm>>
    %dma_start3A_838 = tpu.memref_squeeze %dma_start3A_837 : memref<1x2048xf32, #tpu.memory_space<hbm>> -> memref<2048xf32, #tpu.memory_space<hbm>>
    %dma_start3A_839 = arith.constant 0 : i32
    %dma_start3A_840 = tpu.memref_slice %arg9[%dma_start3A_829, %dma_start3A_839] : memref<2x2048xf32, #tpu.memory_space<vmem>> -> memref<1x2048xf32, #tpu.memory_space<vmem>>
    %dma_start3A_841 = tpu.memref_squeeze %dma_start3A_840 : memref<1x2048xf32, #tpu.memory_space<vmem>> -> memref<2048xf32, #tpu.memory_space<vmem>>
    tpu.enqueue_dma source(%dma_start3A_841 : memref<2048xf32, #tpu.memory_space<vmem>>) target(%dma_start3A_838 : memref<2048xf32, #tpu.memory_space<hbm>>) target_semaphore(%arg13 : memref<!tpu.dma_semaphore, #tpu.memory_space<semaphore_mem>>)
    %dma_wait3A_842 = arith.constant 1 : i32
    %dma_wait3A_843 = arith.constant 0 : i32
    %dma_wait3A_844 = tpu.memref_slice %arg8[%dma_wait3A_842, %dma_wait3A_843] : memref<2x2048xf32, #tpu.memory_space<vmem>> -> memref<1x2048xf32, #tpu.memory_space<vmem>>
    %dma_wait3A_845 = tpu.memref_squeeze %dma_wait3A_844 : memref<1x2048xf32, #tpu.memory_space<vmem>> -> memref<2048xf32, #tpu.memory_space<vmem>>
    %dma_wait3A_846 = arith.constant 14336 : i32
    %dma_wait3A_847 = tpu.memref_slice %arg3[%add3A_431, %dma_wait3A_846] : memref<64x16384xf32, #tpu.memory_space<hbm>> -> memref<1x2048xf32, #tpu.memory_space<hbm>>
    %dma_wait3A_848 = tpu.memref_squeeze %dma_wait3A_847 : memref<1x2048xf32, #tpu.memory_space<hbm>> -> memref<2048xf32, #tpu.memory_space<hbm>>
    %dma_wait3A_849 = arith.constant 0 : i32
    %dma_wait3A_850 = tpu.memref_slice %arg8[%dma_wait3A_842, %dma_wait3A_849] : memref<2x2048xf32, #tpu.memory_space<vmem>> -> memref<1x2048xf32, #tpu.memory_space<vmem>>
    %dma_wait3A_851 = tpu.memref_squeeze %dma_wait3A_850 : memref<1x2048xf32, #tpu.memory_space<vmem>> -> memref<2048xf32, #tpu.memory_space<vmem>>
    %dma_wait3A_852 = arith.constant 14336 : i32
    %dma_wait3A_853 = tpu.memref_slice %arg3[%add3A_431, %dma_wait3A_852] : memref<64x16384xf32, #tpu.memory_space<hbm>> -> memref<1x2048xf32, #tpu.memory_space<hbm>>
    %dma_wait3A_854 = tpu.memref_squeeze %dma_wait3A_853 : memref<1x2048xf32, #tpu.memory_space<hbm>> -> memref<2048xf32, #tpu.memory_space<hbm>>
    tpu.wait_dma2 semaphore(%arg12 : memref<!tpu.dma_semaphore, #tpu.memory_space<semaphore_mem>>) src(%dma_wait3A_854 : memref<2048xf32, #tpu.memory_space<hbm>>) dst(%dma_wait3A_851 : memref<2048xf32, #tpu.memory_space<vmem>>)
    %dma_wait3A_855 = arith.constant 1 : i32
    %dma_wait3A_856 = arith.constant 0 : i32
    %dma_wait3A_857 = tpu.memref_slice %arg9[%dma_wait3A_855, %dma_wait3A_856] : memref<2x2048xf32, #tpu.memory_space<vmem>> -> memref<1x2048xf32, #tpu.memory_space<vmem>>
    %dma_wait3A_858 = tpu.memref_squeeze %dma_wait3A_857 : memref<1x2048xf32, #tpu.memory_space<vmem>> -> memref<2048xf32, #tpu.memory_space<vmem>>
    %dma_wait3A_859 = arith.constant 10240 : i32
    %dma_wait3A_860 = tpu.memref_slice %arg5[%add3A_431, %dma_wait3A_859] : memref<64x16384xf32, #tpu.memory_space<hbm>> -> memref<1x2048xf32, #tpu.memory_space<hbm>>
    %dma_wait3A_861 = tpu.memref_squeeze %dma_wait3A_860 : memref<1x2048xf32, #tpu.memory_space<hbm>> -> memref<2048xf32, #tpu.memory_space<hbm>>
    %dma_wait3A_862 = arith.constant 10240 : i32
    %dma_wait3A_863 = tpu.memref_slice %arg5[%add3A_431, %dma_wait3A_862] : memref<64x16384xf32, #tpu.memory_space<hbm>> -> memref<1x2048xf32, #tpu.memory_space<hbm>>
    %dma_wait3A_864 = tpu.memref_squeeze %dma_wait3A_863 : memref<1x2048xf32, #tpu.memory_space<hbm>> -> memref<2048xf32, #tpu.memory_space<hbm>>
    %dma_wait3A_865 = arith.constant 0 : i32
    %dma_wait3A_866 = tpu.memref_slice %arg9[%dma_wait3A_855, %dma_wait3A_865] : memref<2x2048xf32, #tpu.memory_space<vmem>> -> memref<1x2048xf32, #tpu.memory_space<vmem>>
    %dma_wait3A_867 = tpu.memref_squeeze %dma_wait3A_866 : memref<1x2048xf32, #tpu.memory_space<vmem>> -> memref<2048xf32, #tpu.memory_space<vmem>>
    tpu.wait_dma2 semaphore(%arg13 : memref<!tpu.dma_semaphore, #tpu.memory_space<semaphore_mem>>) src(%dma_wait3A_867 : memref<2048xf32, #tpu.memory_space<vmem>>) dst(%dma_wait3A_864 : memref<2048xf32, #tpu.memory_space<hbm>>)
    %parallel_loop3A_868 = arith.constant 0 : i32
    %parallel_loop3A_869 = arith.constant 2048 : i32
    %parallel_loop3A_870 = arith.constant 16 : i32
    scf.for %parallel_loop3A_910 = %parallel_loop3A_868 to %parallel_loop3A_869 step %parallel_loop3A_870  : i32 {
      %parallel_loop3A_911 = arith.constant 14336 : i32
      %parallel_loop3A_912 = arith.addi %parallel_loop3A_911, %parallel_loop3A_910 : i32
      %parallel_loop3A_913 = arith.index_cast %parallel_loop3A_912 : i32 to index
      %parallel_loop3A_914 = tpu.vector_load %arg7[%parallel_loop3A_913] {strides = array<i32>} : memref<16384xi32, #tpu.memory_space<vmem>>, vector<16xi32>,
      %parallel_loop3A_915 = arith.constant 1 : i32
      %parallel_loop3A_916 = arith.index_cast %parallel_loop3A_915 : i32 to index
      %parallel_loop3A_917 = arith.index_cast %parallel_loop3A_910 : i32 to index
      %parallel_loop3A_918 = tpu.vector_load %arg8[%parallel_loop3A_916, %parallel_loop3A_917] {strides = array<i32>} : memref<2x2048xf32, #tpu.memory_space<vmem>>, vector<16xf32>,
      %parallel_loop3A_919 = tpu.vector_load_idx %arg6[%parallel_loop3A_914] : memref<100000xf32, #tpu.memory_space<vmem>>[vector<16xi32>], vector<16xf32>,
      %parallel_loop3A_920 = arith.subf %parallel_loop3A_918, %parallel_loop3A_919 : vector<16xf32>
      %parallel_loop3A_921 = arith.mulf %parallel_loop3A_920, %parallel_loop3A_920 : vector<16xf32>
      %parallel_loop3A_922 = arith.constant 1 : i32
      %parallel_loop3A_923 = arith.index_cast %parallel_loop3A_922 : i32 to index
      %parallel_loop3A_924 = arith.index_cast %parallel_loop3A_910 : i32 to index
      %parallel_loop3A_925 = tpu.vector_load %arg9[%parallel_loop3A_923, %parallel_loop3A_924] {strides = array<i32>} : memref<2x2048xf32, #tpu.memory_space<vmem>>, vector<16xf32>,
      tpu.vector_store %arg9[%parallel_loop3A_923, %parallel_loop3A_924], %parallel_loop3A_921 {strides = array<i32>} : memref<2x2048xf32, #tpu.memory_space<vmem>>, vector<16xf32>,
    } {sc.loop_unroll_factor = 4 : i64, sc.parallel_access}
    %dma_start3A_871 = arith.constant 1 : i32
    %dma_start3A_872 = arith.constant 0 : i32
    %dma_start3A_873 = tpu.memref_slice %arg9[%dma_start3A_871, %dma_start3A_872] : memref<2x2048xf32, #tpu.memory_space<vmem>> -> memref<1x2048xf32, #tpu.memory_space<vmem>>
    %dma_start3A_874 = tpu.memref_squeeze %dma_start3A_873 : memref<1x2048xf32, #tpu.memory_space<vmem>> -> memref<2048xf32, #tpu.memory_space<vmem>>
    %dma_start3A_875 = arith.constant 14336 : i32
    %dma_start3A_876 = tpu.memref_slice %arg5[%add3A_431, %dma_start3A_875] : memref<64x16384xf32, #tpu.memory_space<hbm>> -> memref<1x2048xf32, #tpu.memory_space<hbm>>
    %dma_start3A_877 = tpu.memref_squeeze %dma_start3A_876 : memref<1x2048xf32, #tpu.memory_space<hbm>> -> memref<2048xf32, #tpu.memory_space<hbm>>
    %dma_start3A_878 = arith.constant 14336 : i32
    %dma_start3A_879 = tpu.memref_slice %arg5[%add3A_431, %dma_start3A_878] : memref<64x16384xf32, #tpu.memory_space<hbm>> -> memref<1x2048xf32, #tpu.memory_space<hbm>>
    %dma_start3A_880 = tpu.memref_squeeze %dma_start3A_879 : memref<1x2048xf32, #tpu.memory_space<hbm>> -> memref<2048xf32, #tpu.memory_space<hbm>>
    %dma_start3A_881 = arith.constant 0 : i32
    %dma_start3A_882 = tpu.memref_slice %arg9[%dma_start3A_871, %dma_start3A_881] : memref<2x2048xf32, #tpu.memory_space<vmem>> -> memref<1x2048xf32, #tpu.memory_space<vmem>>
    %dma_start3A_883 = tpu.memref_squeeze %dma_start3A_882 : memref<1x2048xf32, #tpu.memory_space<vmem>> -> memref<2048xf32, #tpu.memory_space<vmem>>
    tpu.enqueue_dma source(%dma_start3A_883 : memref<2048xf32, #tpu.memory_space<vmem>>) target(%dma_start3A_880 : memref<2048xf32, #tpu.memory_space<hbm>>) target_semaphore(%arg13 : memref<!tpu.dma_semaphore, #tpu.memory_space<semaphore_mem>>)
    %dma_wait3A_884 = arith.constant 0 : i32
    %dma_wait3A_885 = arith.constant 0 : i32
    %dma_wait3A_886 = tpu.memref_slice %arg9[%dma_wait3A_884, %dma_wait3A_885] : memref<2x2048xf32, #tpu.memory_space<vmem>> -> memref<1x2048xf32, #tpu.memory_space<vmem>>
    %dma_wait3A_887 = tpu.memref_squeeze %dma_wait3A_886 : memref<1x2048xf32, #tpu.memory_space<vmem>> -> memref<2048xf32, #tpu.memory_space<vmem>>
    %dma_wait3A_888 = arith.constant 12288 : i32
    %dma_wait3A_889 = tpu.memref_slice %arg5[%add3A_431, %dma_wait3A_888] : memref<64x16384xf32, #tpu.memory_space<hbm>> -> memref<1x2048xf32, #tpu.memory_space<hbm>>
    %dma_wait3A_890 = tpu.memref_squeeze %dma_wait3A_889 : memref<1x2048xf32, #tpu.memory_space<hbm>> -> memref<2048xf32, #tpu.memory_space<hbm>>
    %dma_wait3A_891 = arith.constant 12288 : i32
    %dma_wait3A_892 = tpu.memref_slice %arg5[%add3A_431, %dma_wait3A_891] : memref<64x16384xf32, #tpu.memory_space<hbm>> -> memref<1x2048xf32, #tpu.memory_space<hbm>>
    %dma_wait3A_893 = tpu.memref_squeeze %dma_wait3A_892 : memref<1x2048xf32, #tpu.memory_space<hbm>> -> memref<2048xf32, #tpu.memory_space<hbm>>
    %dma_wait3A_894 = arith.constant 0 : i32
    %dma_wait3A_895 = tpu.memref_slice %arg9[%dma_wait3A_884, %dma_wait3A_894] : memref<2x2048xf32, #tpu.memory_space<vmem>> -> memref<1x2048xf32, #tpu.memory_space<vmem>>
    %dma_wait3A_896 = tpu.memref_squeeze %dma_wait3A_895 : memref<1x2048xf32, #tpu.memory_space<vmem>> -> memref<2048xf32, #tpu.memory_space<vmem>>
    tpu.wait_dma2 semaphore(%arg13 : memref<!tpu.dma_semaphore, #tpu.memory_space<semaphore_mem>>) src(%dma_wait3A_896 : memref<2048xf32, #tpu.memory_space<vmem>>) dst(%dma_wait3A_893 : memref<2048xf32, #tpu.memory_space<hbm>>)
    %dma_wait3A_897 = arith.constant 1 : i32
    %dma_wait3A_898 = arith.constant 0 : i32
    %dma_wait3A_899 = tpu.memref_slice %arg9[%dma_wait3A_897, %dma_wait3A_898] : memref<2x2048xf32, #tpu.memory_space<vmem>> -> memref<1x2048xf32, #tpu.memory_space<vmem>>
    %dma_wait3A_900 = tpu.memref_squeeze %dma_wait3A_899 : memref<1x2048xf32, #tpu.memory_space<vmem>> -> memref<2048xf32, #tpu.memory_space<vmem>>
    %dma_wait3A_901 = arith.constant 14336 : i32
    %dma_wait3A_902 = tpu.memref_slice %arg5[%add3A_431, %dma_wait3A_901] : memref<64x16384xf32, #tpu.memory_space<hbm>> -> memref<1x2048xf32, #tpu.memory_space<hbm>>
    %dma_wait3A_903 = tpu.memref_squeeze %dma_wait3A_902 : memref<1x2048xf32, #tpu.memory_space<hbm>> -> memref<2048xf32, #tpu.memory_space<hbm>>
    %dma_wait3A_904 = arith.constant 14336 : i32
    %dma_wait3A_905 = tpu.memref_slice %arg5[%add3A_431, %dma_wait3A_904] : memref<64x16384xf32, #tpu.memory_space<hbm>> -> memref<1x2048xf32, #tpu.memory_space<hbm>>
    %dma_wait3A_906 = tpu.memref_squeeze %dma_wait3A_905 : memref<1x2048xf32, #tpu.memory_space<hbm>> -> memref<2048xf32, #tpu.memory_space<hbm>>
    %dma_wait3A_907 = arith.constant 0 : i32
    %dma_wait3A_908 = tpu.memref_slice %arg9[%dma_wait3A_897, %dma_wait3A_907] : memref<2x2048xf32, #tpu.memory_space<vmem>> -> memref<1x2048xf32, #tpu.memory_space<vmem>>
    %dma_wait3A_909 = tpu.memref_squeeze %dma_wait3A_908 : memref<1x2048xf32, #tpu.memory_space<vmem>> -> memref<2048xf32, #tpu.memory_space<vmem>>
    tpu.wait_dma2 semaphore(%arg13 : memref<!tpu.dma_semaphore, #tpu.memory_space<semaphore_mem>>) src(%dma_wait3A_909 : memref<2048xf32, #tpu.memory_space<vmem>>) dst(%dma_wait3A_906 : memref<2048xf32, #tpu.memory_space<hbm>>)
    return
  }
}

module attributes {stable_mosaic.version = 14 : i64} {
  func.func @_tc_body(%arg0: memref<64x16384xf32, #tpu.memory_space<vmem>>, %arg1: memref<1x1xf32, #tpu.memory_space<vmem>>) attributes {dimension_semantics = [], scalar_prefetch = 0 : i64, scratch_operands = 0 : i64, tpu.core_type = #tpu.core_type<tc>} {
    %get3A = arith.constant 0 : index
    %get3A_0 = arith.constant 0 : index
    %get3A_1 = vector.load %arg0[%get3A, %get3A_0] : memref<64x16384xf32, #tpu.memory_space<vmem>>, vector<64x16384xf32>
    %reduce_sum3A = arith.constant dense<0.000000e+00> : vector<16384xf32>
    %reduce_sum3A_2 = vector.multi_reduction <add>, %get3A_1, %reduce_sum3A [0] : vector<64x16384xf32> to vector<16384xf32>
    %sqrt3A = math.sqrt %reduce_sum3A_2 : vector<16384xf32>
    %reduce_sum3A_3 = vector.shape_cast %sqrt3A : vector<16384xf32> to vector<1x16384xf32>
    %reduce_sum3A_4 = arith.constant dense<0.000000e+00> : vector<1xf32>
    %reduce_sum3A_5 = vector.multi_reduction <add>, %reduce_sum3A_3, %reduce_sum3A_4 [1] : vector<1x16384xf32> to vector<1xf32>
    %reduce_sum3A_6 = vector.shape_cast %reduce_sum3A_5 : vector<1xf32> to vector<1x1xf32>
    %reduce_sum3A_7 = vector.extract %reduce_sum3A_6[0, 0] : f32 from vector<1x1xf32>
    %reshape3A = vector.broadcast %reduce_sum3A_7 : f32 to vector<1x1xf32>
    %swap3A = arith.constant 0 : index
    %swap3A_8 = arith.constant 0 : index
    %swap3A_9 = vector.load %arg1[%swap3A, %swap3A_8] : memref<1x1xf32, #tpu.memory_space<vmem>>, vector<1x1xf32>
    tpu.vector_store %arg1[%swap3A, %swap3A_8], %reshape3A {strides = array<i32>} : memref<1x1xf32, #tpu.memory_space<vmem>>, vector<1x1xf32>,
    return
  }
}

</mosaic_0001>

<sc_bundles>
// kernel: kernel.4.cloned.1.call-start
scs
__scs_entry_jumppad:
0x0: {  	(pc) =	sbr.rel $0x88, $3  }
0x1: {  	(tag) =	ssettag $0x0;
	lr =	simm.s32 $0x1  }
0x2: {  	[smem:$0x3F9E] =	sst lr;
	_ =	strace $0xD0000000  }
0x3: {  	_ = 	snop  }
0x4: {  	_ = 	snop  }
0x5: {  	_ = 	snop  }
0x6: {  	_ = 	snop  }
0x7: {  	_ = 	snop  }
__scs_overlays_trampoline_lowered:
0x8: {  	[smem:$0x3FAD] =	sst s0  }
0x9: {  	[smem:$0x3FAE] =	sst s1  }
0xa: {  	[smem:$0x3FAF] =	sst s2  }
0xb: {  	[smem:$0x3FB0] =	sst s3  }
0xc: {  	[smem:$0x3FB1] =	sst s4  }
0xd: {  	[smem:$0x3FB2] =	sst s5  }
0xe: {  	[smem:$0x3FB3] =	sst s6  }
0xf: {  	[smem:$0x3FB4] =	sst s7  }
0x10: {  	[smem:$0x3FB5] =	sst s8  }
0x11: {  	[smem:$0x3FB6] =	sst s9;
	s0 =	simm.s32 @!p0 $0x0  }
0x12: {  	s1 =	sld [smem:$0x3F9C];
	s0 =	simm.s32 @p0 $0x1  }
0x13: {  	[smem:$0x3FB7] =	sst s0;
	s0 =	simm.s32 @!p1 $0x0  }
0x14: {  	s2 =	sld [smem:$0x3F9B];
	s0 =	simm.s32 @p1 $0x1  }
0x15: {  	[smem:$0x3FB8] =	sst s0;
	s0 =	simm.s32 @!p2 $0x0  }
0x16: {  	s3 =	sld [smem:$0x3FDB];
	s0 =	simm.s32 @p2 $0x1  }
0x17: {  	s4 =	simm.s32 $0x1BF5;
	[smem:$0x3FBA] =	sst s0  }
0x18: {  	s0 =	sld [smem:$0x3F9D];
	_ =	swait.ge [sflag:s4], $0x0  }
0x19: {  	s7 =	sld [smem:$0x3F9E]  }
0x1a: {  	s8 =	sadd.s32 $0xFFFFE003, lr  }
0x1b: {  	s9 =	sadd.s32 $0xFFFFFEF7, lr;
	s5 =	simm.s32 $0xFFFFFFFF;
	p2 =	slt.u32 s8, $0xFFFFF086  }
0x1c: {  	p1 =	slt.u32 s9, $0xF7A;
	s5 =	simm.s32 @!p2 $0x0  }
0x1d: {  	s5 =	simm.s32 @p1 $0x1;
	p0 =	seq.s32 s7, s2  }
0x1e: {  	s7 =	smul.u32 @!p0 $0xF7A, s2;
	p2 =	seq.s32 @!p0 s5, $0x0  }
0x1f: {  	s9 =	smul.u32 $0xF7A, s1;
	s8 =	simm.s32 @!p0 $0x1BF5;
	p2 =	por !p2, p0  }
0x20: {  	[sflag:s8] =	ssyncset.s32 @!p0 $0xFFFFF086;
	s6 =	sadd.s32 @!p0 s3, s7;
	s7 =	simm.s32 @!p0 $0x108  }
0x21: {  	s3 =	sadd.s32 s3, s9;
	s6 =	sadd.s32 @!p0 $0x88, s6;
	s7 =	simm.s32 @p2 $0x1082  }
0x22: {  	[simem:s7], [sflag:s8] =	dma.local @!p0 [hbm:s6], $0xF7A  }
0x23: {  	s9 =	sor.u32 $0xD0000000, s2;
	s6 =	simm.s32 $0x108;
	_ =	swait.ge @!p0 [sflag:s8], $0x0  }
0x24: {  	s3 =	sadd.s32 $0x88, s3;
	s6 =	simm.s32 @!p1 $0x1082;
	[sflag:s4] =	ssyncset.s32 $0xFFFFF086  }
0x25: {  	[simem:s6], [sflag:s4] =	dma.local [hbm:s3], $0xF7A  }
0x26: {  	[smem:$0x3F9E] =	sst s1;
	(tag) =	ssettag s2;
	_ =	strace s9  }
0x27: {  	s1 =	sld [smem:$0x3FAE]  }
0x28: {  	s2 =	sld [smem:$0x3FAF]  }
0x29: {  	s4 =	sld [smem:$0x3FB1]  }
0x2a: {  	p0 =	seq.s32 s5, $0x0;
	s5 =	sld [smem:$0x3FB2]  }
0x2b: {  	s6 =	sld [smem:$0x3FB3]  }
0x2c: {  	s7 =	sld [smem:$0x3FB4]  }
0x2d: {  	s3 =	simm.s32 $0x108;
	s8 =	sld [smem:$0x3FB5]  }
0x2e: {  	s3 =	simm.s32 @!p0 $0x1082;
	s9 =	sld [smem:$0x3FB6]  }
0x2f: {  	lr =	sadd.s32 s0, s3;
	s0 =	sld [smem:$0x3FAD]  }
0x30: {  	s3 =	sld [smem:$0x3FB0]  }
0x31: {  	[smem:$0x3FB9] =	sst s10  }
0x32: {  	s10 =	sld [smem:$0x3FB7];
	_ =	sdelay $0x3  }
0x33: {  	p0 =	seq.s32 s10, $0x1;
	s10 =	sld [smem:$0x3FB9];
	_ =	sdelay $0x3  }
0x34: {  	[smem:$0x3FB9] =	sst s10  }
0x35: {  	s10 =	sld [smem:$0x3FB8];
	_ =	sdelay $0x3  }
0x36: {  	p1 =	seq.s32 s10, $0x1;
	s10 =	sld [smem:$0x3FB9];
	_ =	sdelay $0x3  }
0x37: {  	[smem:$0x3FB9] =	sst s10  }
0x38: {  	s10 =	sld [smem:$0x3FBA]  }
0x39: {  	_ = 	snop;
	(pc) =	sbr.ind lr, $3  }
0x3a: {  	_ = 	snop  }
0x3b: {  	_ = 	snop  }
0x3c: {  	p2 =	seq.s32 s10, $0x1;
	s10 =	sld [smem:$0x3FB9]  }
0x3d: {  	_ =	shalt  }
0x3e: {  	_ =	shalt  }
0x3f: {  	_ =	shalt  }
0x40: {  	_ =	shalt  }
0x41: {  	_ =	shalt  }
0x42: {  	_ =	shalt  }
0x43: {  	_ =	shalt  }
0x44: {  	_ =	shalt  }
0x45: {  	_ =	shalt  }
0x46: {  	_ =	shalt  }
0x47: {  	_ =	shalt  }
0x48: {  	_ =	shalt  }
0x49: {  	_ =	shalt  }
0x4a: {  	_ =	shalt  }
0x4b: {  	_ =	shalt  }
0x4c: {  	_ =	shalt  }
0x4d: {  	_ =	shalt  }
0x4e: {  	_ =	shalt  }
0x4f: {  	_ =	shalt  }
0x50: {  	_ =	shalt  }
0x51: {  	_ =	shalt  }
0x52: {  	_ =	shalt  }
0x53: {  	_ =	shalt  }
0x54: {  	_ =	shalt  }
0x55: {  	_ =	shalt  }
0x56: {  	_ =	shalt  }
0x57: {  	_ =	shalt  }
0x58: {  	_ =	shalt  }
0x59: {  	_ =	shalt  }
0x5a: {  	_ =	shalt  }
0x5b: {  	_ =	shalt  }
0x5c: {  	_ =	shalt  }
0x5d: {  	_ =	shalt  }
0x5e: {  	_ =	shalt  }
0x5f: {  	_ =	shalt  }
0x60: {  	_ =	shalt  }
0x61: {  	_ =	shalt  }
0x62: {  	_ =	shalt  }
0x63: {  	_ =	shalt  }
0x64: {  	_ =	shalt  }
0x65: {  	_ =	shalt  }
0x66: {  	_ =	shalt  }
0x67: {  	_ =	shalt  }
0x68: {  	_ =	shalt  }
0x69: {  	_ =	shalt  }
0x6a: {  	_ =	shalt  }
0x6b: {  	_ =	shalt  }
0x6c: {  	_ =	shalt  }
0x6d: {  	_ =	shalt  }
0x6e: {  	_ =	shalt  }
0x6f: {  	_ =	shalt  }
0x70: {  	_ =	shalt  }
0x71: {  	_ =	shalt  }
0x72: {  	_ =	shalt  }
0x73: {  	_ =	shalt  }
0x74: {  	_ =	shalt  }
0x75: {  	_ =	shalt  }
0x76: {  	_ =	shalt  }
0x77: {  	_ =	shalt  }
0x78: {  	_ =	shalt  }
0x79: {  	_ =	shalt  }
0x7a: {  	_ =	shalt  }
0x7b: {  	_ =	shalt  }
0x7c: {  	_ =	shalt  }
0x7d: {  	_ =	shalt  }
0x7e: {  	_ =	shalt  }
0x7f: {  	_ =	shalt  }
0x80: {  	_ =	shalt  }
0x81: {  	_ =	shalt  }
0x82: {  	_ =	shalt  }
0x83: {  	_ =	shalt  }
0x84: {  	_ =	shalt  }
0x85: {  	_ =	shalt  }
0x86: {  	_ =	shalt  }
0x87: {  	_ =	shalt  }
.Lfunc_end0:
.L_simem_size_0:
called_computation_lowered:
.L_overlay_start_0:
0x88: {  	s2 =	sld [smem:$0x3FD9]  }
0x89: {  	s3 =	sld [smem:$0x3FFE];
	_ =	sdelay $0x1  }
0x8a: {  	s1 =	srdreg.scid  }
0x8b: {  	s0 =	sand.u32 $0x1, s1  }
0x8c: {  	s17 =	sshll.u32 s0, $0xA;
	s2 =	sadd.s32 s3, s2  }
0x8d: {  	s2 =	sadd.s32 s2, s17  }
0x8e: {  	[smem:$0x3FC5] =	sst s2  }
0x8f: {  	_ = 	snop  }
0x90: {  	s2 =	sld [smem:$0x3FC9]  }
0x91: {  	s18 =	sld [smem:$0x3FC8]  }
0x92: {  	s4 =	sld [smem:$0x3FC7];
	(tm) =	ssettm $0x1  }
0x93: {  	s5 =	sld [smem:$0x3FFB];
	_ =	sdelay $0x3  }
0x94: {  	_ =	strace s5  }
0x95: {  	s5 =	sld [smem:$0x3FFC];
	_ =	sdelay $0x3  }
0x96: {  	_ =	strace s5  }
0x97: {  	s5 =	sld [smem:$0x3FFD];
	_ =	sdelay $0x3  }
0x98: {  	_ =	strace s5  }
0x99: {  	_ =	strace $0x8FFFFFFF  }
0x9a: {  	s19 =	sld [smem:$0x3FDB];
	_ =	sdelay $0x1  }
0x9b: {  	s6 =	simm.s32 $_scs_section_size  }
0x9c: {  	s7 =	simm.s32 $_size__tile_overlayer_lowered;
	s8 =	simm.s32 $_tile_overlayer_lowered  }
0x9d: {  	s22 =	simm.s32 $0x1BFF;
	s21 =	sshll.u32 s8, $0x1;
	s5 =	sadd.s32 s6, s19  }
0x9e: {  	s9 =	simm.s32 $0x0;
	s20 =	sshll.u32 s7, $0x1;
	s7 =	sadd.s32 s21, s5  }
0x9f: {  	[timem:s9], [sflag:s22] =	dma.local [hbm:s7], s20  }
0xa0: {  	_ =	swait.ge [sflag:s22], s20  }
0xa1: {  	s6 =	ssub.s32 $0x0, s20;
	[sflag:s22] =	ssyncset.done $0x0  }
0xa2: {  	[sflag:s22] =	ssyncadd.s32 s6;
	_ =	sdelay $0x1  }
0xa3: {  	s23 =	simm.s32 $0x1B8B  }
0xa4: {  	_ =	swait.ge [sflag:s23], $0x1  }
0xa5: {  	[sflag:s23] =	ssyncset.done $0x0  }
0xa6: {  	s25 =	simm.s32 $0x1B8E;
	s24 =	sld [smem:$0x3FFE];
	[sflag:s23] =	ssyncadd.s32 $0xFFFFFFFF  }
0xa7: {  	s26 =	simm.s32 $execute0_lowered;
	[smem:$0x3FD2] =	sst s25  }
0xa8: {  	s7 =	sshll.u32 s26, $0x1;
	_ =	strace $0x80000046;
	[dreg:$0x1] =	wrdreg $0xFFFFFFFF  }
0xa9: {  	s28 =	simm.s32 $_size_execute0_lowered;
	s5 =	sadd.s32 s5, s7;
	[dreg:$0x0] =	wrdreg $0x0  }
0xaa: {  	s7 =	sshll.u32 s28, $0x1;
	[dreg:$0x2] =	wrdreg s5  }
0xab: {  	[dreg:$0x3] =	wrdreg s7  }
0xac: {  	[dreg:$0x4] =	wrdreg $0xC0  }
0xad: {  	_ =	task [dreg:s9], $0x5FFFF  }
0xae: {  	[dreg:$0x1] =	wrdreg $0xFFFFFFFF  }
0xaf: {  	[dreg:$0x0] =	wrdreg $0x60  }
0xb0: {  	[dreg:$0x2] =	wrdreg s4  }
0xb1: {  	[dreg:$0x3] =	wrdreg s2  }
0xb2: {  	[dreg:$0x4] =	wrdreg s18  }
0xb3: {  	[dreg:$0x5] =	wrdreg s24  }
0xb4: {  	[dreg:$0x6] =	wrdreg $0x9  }
0xb5: {  	_ =	task.clear_ibuf [dreg:s9], $0x7FFFF;
	_ =	strace $0x90000046  }
0xb6: {  	s29 =	simm.s32 $0x9;
	_ =	strace $0x80000048  }
0xb7: {  	_ =	swait.ge [sflag:s29], $0x1  }
0xb8: {  	[sflag:s29] =	ssyncadd.s32 $0xFFFFFFFF  }
0xb9: {  	_ =	strace $0x90000048  }
0xba: {  	_ =	sfence  }
0xbb: {  	s30 =	sld [smem:$0x0];
	_ =	sdelay $0x2  }
0xbc: {  	s31 =	sshll.u32 s1, $0xD;
	s1 =	sshrl.u32 s1, $0x2  }
0xbd: {  	s3 =	sand.u32 $0x4000, s31;
	s1 =	sadd.s32 s1, s30  }
0xbe: {  	s0 =	sor.u32 s3, s0;
	s1 =	sshll.u32 s1, $0x11  }
0xbf: {  	s0 =	sor.u32 s1, s0  }
0xc0: {  	s0 =	sadd.s32 $0x8F2B, s0  }
0xc1: {  	[sflag:s0] =	ssyncadd.remote.s32 $0x1  }
0xc2: {  	_ =	sfence.sel $0xFFFF  }
0xc3: {  	[dreg:$0x0] =	wrdreg $0xFFFFFFFF;
	(pc) =	sbr.abs _section_cstart, $3  }
0xc4: {  	[dreg:$0x1] =	wrdreg $0xFFFFFFFF  }
0xc5: {  	_ =	task.clear_ibuf [dreg:s9], $0x2FFFF;
	_ =	strace $0x9FFFFFFF  }
0xc6: {  	(tm) =	ssettm $0x7FFFFFFF  }
0xc7: {  	_ =	shalt  }
tec
execute0_lowered:
.L_overlay_start_1:
0x0: {  	(tag) =	ssettag $0x1  }
0x1: {  	s0 =	srdreg.scid  }
0x2: {  	s7 =	stileid.u32;
	s0 =	sand.u32 $0x1, s0  }
0x3: {  	s2 =	rddreg [dreg:$0x0];
	s4 =	sshll.u32 s7, $0x1;
	s1 =	sshll.u32 s0, $0x5  }
0x4: {  	s3 =	rddreg [dreg:$0x1];
	s7 =	sshll.u32 s7, $0x8;
	s4 =	sor.u32 s4, s1  }
0x5: {  	s5 =	rddreg [dreg:$0x3];
	s26 =	sand.u32 $0x300, s7;
	s6 =	sshrl.u32 s4, $0x3  }
0x6: {  	s0 =	ssub.s32 $0x2, s0;
	s8 =	smul.u32 $0xC3800, s6;
	s6 =	sshll.u32 s6, $0x11  }
0x7: {  	s1 =	simm.s32 $0x0;
	s10 =	sshrl.u32 s0, $0x1;
	s9 =	sor.u32 s26, s6  }
0x8: {  	[smem:$0x7FF] =	sst s1;
	s4 =	sadd.s32 $0x600, s5;
	s9 =	sshrl.u32 s9, $0x3  }
0x9: {  	s10 =	ssub.s32 s0, s10;
	s7 =	sor.u32 s26, s8;
	s14 =	sadd.s32 s3, s9  }
0xa: {  	s7 =	sshrl.u32 s7, $0x3;
	s11 =	sadd.s32 s4, s9;
	[dreg:$0x6] =	wrdreg s14  }
0xb: {  	s13 =	sor.u32 $0x800, s9;
	s12 =	sadd.s32 s2, s7;
	[dreg:$0x8] =	wrdreg s11  }
0xc: {  	s16 =	sor.u32 $0x1000, s9;
	s15 =	sadd.s32 s3, s13;
	[dreg:$0x5] =	wrdreg s12  }
0xd: {  	s26 =	sor.u32 $0x80, s26;
	s17 =	sadd.s32 s3, s16;
	[dreg:$0x7] =	wrdreg s15  }
0xe: {  	s18 =	sor.u32 $0x1800, s9;
	s0 =	sadd.s32 s4, s13;
	[dreg:$0x9] =	wrdreg s17  }
0xf: {  	s20 =	sor.u32 $0x2000, s9;
	s19 =	sadd.s32 s3, s18;
	[dreg:$0xa] =	wrdreg s0  }
0x10: {  	s22 =	sor.u32 $0x2800, s9;
	s7 =	sadd.s32 s4, s16;
	[dreg:$0xb] =	wrdreg s19  }
0x11: {  	s24 =	sor.u32 $0x3000, s9;
	s21 =	sadd.s32 s3, s20;
	[dreg:$0xc] =	wrdreg s7  }
0x12: {  	s9 =	sor.u32 $0x3800, s9;
	s11 =	sadd.s32 s4, s18;
	[dreg:$0xd] =	wrdreg s21  }
0x13: {  	s6 =	sor.u32 s26, s6;
	s23 =	sadd.s32 s3, s22;
	[dreg:$0xe] =	wrdreg s11  }
0x14: {  	s25 =	sadd.s32 s3, s24;
	s6 =	sshrl.u32 s6, $0x3;
	[dreg:$0xf] =	wrdreg s23  }
0x15: {  	s13 =	sadd.s32 s4, s24;
	s5 =	sadd.s32 s4, s9;
	[dreg:$0x11] =	wrdreg s25  }
0x16: {  	s0 =	sadd.s32 s4, s20;
	s7 =	sadd.s32 s4, s22;
	[dreg:$0x14] =	wrdreg s13  }
0x17: {  	s12 =	sadd.s32 s3, s9;
	s14 =	sor.u32 $0x800, s6;
	[dreg:$0x15] =	wrdreg s5  }
0x18: {  	s17 =	sor.u32 $0x1000, s6;
	s18 =	sor.u32 $0x1800, s6;
	s22 =	sor.u32 $0x2000, s6  }
0x19: {  	s23 =	sor.u32 $0x2800, s6;
	s31 =	sadd.s32 s3, s6;
	[dreg:$0x10] =	wrdreg s0  }
0x1a: {  	s24 =	sor.u32 $0x3000, s6;
	s25 =	smax.u32 s10, $0x1;
	[dreg:$0x12] =	wrdreg s7  }
0x1b: {  	s5 =	simm.s32 $0x3;
	[dreg:$0x13] =	wrdreg s12;
	s0 =	sor.u32 s26, s8  }
0x1c: {  	s15 =	sadd.s32 s3, s14;
	s16 =	sadd.s32 s4, s14;
	s19 =	sadd.s32 s3, s17  }
0x1d: {  	s20 =	sadd.s32 s3, s18;
	s21 =	sadd.s32 s4, s18;
	s26 =	sadd.s32 s3, s22  }
0x1e: {  	s28 =	sadd.s32 s4, s22;
	s29 =	sadd.s32 s3, s23;
	[dreg:$0x17] =	wrdreg s15  }
0x1f: {  	s30 =	sadd.s32 s4, s23;
	s18 =	simm.s32 $0x1CA00;
	[dreg:$0x18] =	wrdreg s16  }
0x20: {  	s22 =	simm.s32 $0x1CD00;
	s23 =	simm.s32 $0x1CE00;
	[dreg:$0x19] =	wrdreg s19  }
0x21: {  	s8 =	simm.s32 $0x0;
	s0 =	sshrl.u32 s0, $0x3;
	[dreg:$0x1b] =	wrdreg s20  }
0x22: {  	[dreg:$0x1c] =	wrdreg s21;
	s15 =	simm.s32 $0x1C700;
	s16 =	simm.s32 $0x1C800  }
0x23: {  	s20 =	simm.s32 $0x1CB00;
	s21 =	simm.s32 $0x1CC00;
	s0 =	sadd.s32 s2, s0  }
0x24: {  	s2 =	sadd.s32 s3, s24;
	[dreg:$0x16] =	wrdreg s0;
	s0 =	sadd.s32 s4, s17  }
0x25: {  	[dreg:$0x1a] =	wrdreg s0;
	s0 =	sadd.s32 s4, s6;
	s6 =	sor.u32 $0x3800, s6  }
0x26: {  	s17 =	simm.s32 $0x1C900;
	s19 =	sadd.s32 s3, s6;
	s3 =	sadd.s32 s4, s24  }
0x27: {  	s4 =	sadd.s32 s4, s6;
	_ =	strace $0x80000047;
	[dreg:$0x1d] =	wrdreg s25  }
0x28: {  	s24 =	simm.s32 $0x1CF00;
	s25 =	simm.s32 $0x1D000;
	s6 =	simm.s32 $0x4  }
.LBB2_1:
0x29: {  	[dreg:$0x1e] =	wrdreg s8  }
0x2a: {  	s7 =	simm.s32 $0x18700;
	s12 =	rddreg [dreg:$0x2];
	s13 =	simm.s32 $0x2  }
0x2b: {  	[tilespmem:s7], [sflag:$0x2] =	stream.linear.gather [hbm4b:s12+s1], $0x4000, $0x38;
	[tilespmem:$0x1E700] =	vst v63  }
0x2c: {  	_ =	swait.ge [sflag:s13], $0x4000  }
0x2d: {  	s9 =	simm.s32 $0x80;
	[sflag:s13] =	ssyncset.done $0x0  }
0x2e: {  	s10 =	simm.s32 $0x400;
	s14 =	rddreg [dreg:$0x5];
	[sflag:s13] =	ssyncadd.s32 $0xFFFFC000  }
0x2f: {  	[tilespmem:s1], [sflag:$0x1] =	stream.strided.gather [hbm4b:s14+s9], $0x18700, s10, s9, $0x38;
	[tilespmem:$0x1E700] =	vst v63  }
0x30: {  	s9 =	rddreg [dreg:$0x6]  }
0x31: {  	[tilespmem:s15], [sflag:$0x3] =	stream.linear.gather [hbm4b:s9+s1], $0x80, $0x38;
	[tilespmem:$0x1E700] =	vst v63  }
0x32: {  	s15 =	sadd.s32 $0x80, s9  }
0x33: {  	[tilespmem:s16], [sflag:$0x3] =	stream.linear.gather [hbm4b:s15+s1], $0x80, $0x38;
	[tilespmem:$0x1E700] =	vst v63  }
0x34: {  	s16 =	sadd.s32 $0x100, s9  }
0x35: {  	[tilespmem:s17], [sflag:$0x3] =	stream.linear.gather [hbm4b:s16+s1], $0x80, $0x38;
	[tilespmem:$0x1E700] =	vst v63  }
0x36: {  	s17 =	sadd.s32 $0x180, s9  }
0x37: {  	[tilespmem:s18], [sflag:$0x3] =	stream.linear.gather [hbm4b:s17+s1], $0x80, $0x38;
	[tilespmem:$0x1E700] =	vst v63  }
0x38: {  	s18 =	sadd.s32 $0x200, s9  }
0x39: {  	[tilespmem:s20], [sflag:$0x3] =	stream.linear.gather [hbm4b:s18+s1], $0x80, $0x38;
	[tilespmem:$0x1E700] =	vst v63  }
0x3a: {  	s10 =	sadd.s32 $0x280, s9  }
0x3b: {  	[tilespmem:s21], [sflag:$0x3] =	stream.linear.gather [hbm4b:s10+s1], $0x80, $0x38;
	[tilespmem:$0x1E700] =	vst v63  }
0x3c: {  	s11 =	sadd.s32 $0x300, s9  }
0x3d: {  	[tilespmem:s22], [sflag:$0x3] =	stream.linear.gather [hbm4b:s11+s1], $0x80, $0x38;
	[tilespmem:$0x1E700] =	vst v63  }
0x3e: {  	s12 =	sadd.s32 $0x380, s9  }
0x3f: {  	[tilespmem:s23], [sflag:$0x3] =	stream.linear.gather [hbm4b:s12+s1], $0x80, $0x38;
	[tilespmem:$0x1E700] =	vst v63  }
0x40: {  	s13 =	sadd.s32 $0x400, s9  }
0x41: {  	[tilespmem:s24], [sflag:$0x3] =	stream.linear.gather [hbm4b:s13+s1], $0x80, $0x38;
	[tilespmem:$0x1E700] =	vst v63  }
0x42: {  	s14 =	sadd.s32 $0x480, s9  }
0x43: {  	[tilespmem:s25], [sflag:$0x3] =	stream.linear.gather [hbm4b:s14+s1], $0x80, $0x38;
	[tilespmem:$0x1E700] =	vst v63  }
0x44: {  	s15 =	sadd.s32 $0x500, s9;
	s16 =	simm.s32 $0x1D100  }
0x45: {  	[tilespmem:s16], [sflag:$0x3] =	stream.linear.gather [hbm4b:s15+s1], $0x80, $0x38;
	[tilespmem:$0x1E700] =	vst v63  }
0x46: {  	s17 =	sadd.s32 $0x580, s9;
	s18 =	simm.s32 $0x1D200  }
0x47: {  	[tilespmem:s18], [sflag:$0x3] =	stream.linear.gather [hbm4b:s17+s1], $0x80, $0x38;
	[tilespmem:$0x1E700] =	vst v63  }
0x48: {  	s20 =	sadd.s32 $0x600, s9;
	s21 =	simm.s32 $0x1D300  }
0x49: {  	[tilespmem:s21], [sflag:$0x3] =	stream.linear.gather [hbm4b:s20+s1], $0x80, $0x38;
	[tilespmem:$0x1E700] =	vst v63  }
0x4a: {  	s22 =	sadd.s32 $0x680, s9;
	s23 =	simm.s32 $0x1D400  }
0x4b: {  	[tilespmem:s23], [sflag:$0x3] =	stream.linear.gather [hbm4b:s22+s1], $0x80, $0x38;
	[tilespmem:$0x1E700] =	vst v63  }
0x4c: {  	s24 =	sadd.s32 $0x700, s9;
	s25 =	simm.s32 $0x1D500  }
0x4d: {  	[tilespmem:s25], [sflag:$0x3] =	stream.linear.gather [hbm4b:s24+s1], $0x80, $0x38;
	[tilespmem:$0x1E700] =	vst v63  }
0x4e: {  	s10 =	simm.s32 $0x1D600;
	s11 =	simm.s32 $0x1;
	s9 =	sadd.s32 $0x780, s9  }
0x4f: {  	[tilespmem:s10], [sflag:$0x3] =	stream.linear.gather [hbm4b:s9+s1], $0x80, $0x38;
	[tilespmem:$0x1E700] =	vst v63  }
0x50: {  	_ =	swait.ge [sflag:s11], $0x18700  }
0x51: {  	[sflag:s11] =	ssyncset.done $0x0  }
0x52: {  	s12 =	simm.s32 $0x1C780;
	s9 =	rddreg [dreg:$0x7];
	[sflag:s11] =	ssyncadd.s32 $0xFFFE7900  }
0x53: {  	[tilespmem:s12], [sflag:$0x3] =	stream.linear.gather [hbm4b:s9+s1], $0x80, $0x38;
	[tilespmem:$0x1E700] =	vst v63  }
0x54: {  	s14 =	simm.s32 $0x1C880;
	s13 =	sadd.s32 $0x80, s9  }
0x55: {  	[tilespmem:s14], [sflag:$0x3] =	stream.linear.gather [hbm4b:s13+s1], $0x80, $0x38;
	[tilespmem:$0x1E700] =	vst v63  }
0x56: {  	s16 =	simm.s32 $0x1C980;
	s15 =	sadd.s32 $0x100, s9  }
0x57: {  	[tilespmem:s16], [sflag:$0x3] =	stream.linear.gather [hbm4b:s15+s1], $0x80, $0x38;
	[tilespmem:$0x1E700] =	vst v63  }
0x58: {  	s18 =	simm.s32 $0x1CA80;
	s17 =	sadd.s32 $0x180, s9  }
0x59: {  	[tilespmem:s18], [sflag:$0x3] =	stream.linear.gather [hbm4b:s17+s1], $0x80, $0x38;
	[tilespmem:$0x1E700] =	vst v63  }
0x5a: {  	s21 =	simm.s32 $0x1CB80;
	s20 =	sadd.s32 $0x200, s9  }
0x5b: {  	[tilespmem:s21], [sflag:$0x3] =	stream.linear.gather [hbm4b:s20+s1], $0x80, $0x38;
	[tilespmem:$0x1E700] =	vst v63  }
0x5c: {  	s23 =	simm.s32 $0x1CC80;
	s22 =	sadd.s32 $0x280, s9  }
0x5d: {  	[tilespmem:s23], [sflag:$0x3] =	stream.linear.gather [hbm4b:s22+s1], $0x80, $0x38;
	[tilespmem:$0x1E700] =	vst v63  }
0x5e: {  	s25 =	simm.s32 $0x1CD80;
	s24 =	sadd.s32 $0x300, s9  }
0x5f: {  	[tilespmem:s25], [sflag:$0x3] =	stream.linear.gather [hbm4b:s24+s1], $0x80, $0x38;
	[tilespmem:$0x1E700] =	vst v63  }
0x60: {  	s11 =	sadd.s32 $0x380, s9;
	s12 =	simm.s32 $0x1CE80  }
0x61: {  	[tilespmem:s12], [sflag:$0x3] =	stream.linear.gather [hbm4b:s11+s1], $0x80, $0x38;
	[tilespmem:$0x1E700] =	vst v63  }
0x62: {  	s13 =	sadd.s32 $0x400, s9;
	s14 =	simm.s32 $0x1CF80  }
0x63: {  	[tilespmem:s14], [sflag:$0x3] =	stream.linear.gather [hbm4b:s13+s1], $0x80, $0x38;
	[tilespmem:$0x1E700] =	vst v63  }
0x64: {  	s15 =	sadd.s32 $0x480, s9;
	s16 =	simm.s32 $0x1D080  }
0x65: {  	[tilespmem:s16], [sflag:$0x3] =	stream.linear.gather [hbm4b:s15+s1], $0x80, $0x38;
	[tilespmem:$0x1E700] =	vst v63  }
0x66: {  	s17 =	sadd.s32 $0x500, s9;
	s18 =	simm.s32 $0x1D180  }
0x67: {  	[tilespmem:s18], [sflag:$0x3] =	stream.linear.gather [hbm4b:s17+s1], $0x80, $0x38;
	[tilespmem:$0x1E700] =	vst v63  }
0x68: {  	s20 =	sadd.s32 $0x580, s9;
	s21 =	simm.s32 $0x1D280  }
0x69: {  	[tilespmem:s21], [sflag:$0x3] =	stream.linear.gather [hbm4b:s20+s1], $0x80, $0x38;
	[tilespmem:$0x1E700] =	vst v63  }
0x6a: {  	s22 =	sadd.s32 $0x600, s9;
	s23 =	simm.s32 $0x1D380  }
0x6b: {  	[tilespmem:s23], [sflag:$0x3] =	stream.linear.gather [hbm4b:s22+s1], $0x80, $0x38;
	[tilespmem:$0x1E700] =	vst v63  }
0x6c: {  	s24 =	sadd.s32 $0x680, s9;
	s25 =	simm.s32 $0x1D480  }
0x6d: {  	[tilespmem:s25], [sflag:$0x3] =	stream.linear.gather [hbm4b:s24+s1], $0x80, $0x38;
	[tilespmem:$0x1E700] =	vst v63  }
0x6e: {  	s10 =	sadd.s32 $0x700, s9;
	s11 =	simm.s32 $0x1D580  }
0x6f: {  	[tilespmem:s11], [sflag:$0x3] =	stream.linear.gather [hbm4b:s10+s1], $0x80, $0x38;
	[tilespmem:$0x1E700] =	vst v63  }
0x70: {  	s12 =	sadd.s32 $0x780, s9;
	s13 =	simm.s32 $0x1D680;
	s14 =	simm.s32 $0x0  }
0x71: {  	[tilespmem:s13], [sflag:$0x3] =	stream.linear.gather [hbm4b:s12+s1], $0x80, $0x38;
	[tilespmem:$0x1E700] =	vst v63  }
0x72: {  	s8 =	sand.u32 $0x780, s14;
	s16 =	sand.u32 $0x40, s14;
	_ =	swait.ge [sflag:s5], $0x800  }
0x73: {  	s8 =	sadd.s32 $0x18700, s8;
	s15 =	sor.u32 $0x30, s16;
	[sflag:s5] =	ssyncset.done $0x0  }
0x74: {  	s17 =	sor.u32 s15, s8;
	[sflag:s5] =	ssyncadd.s32 $0xFFFFF800  }
0x75: {  	v1 =	vld [tilespmem:s17+$0x0]  }
0x76: {  	s10 =	sor.u32 $0x10, s16  }
0x77: {  	s11 =	simm.s32 $0x40;
	s18 =	sor.u32 s10, s8;
	s12 =	sor.u32 $0x20, s16;
	v0 =	vld [tilespmem:s7+$0x0]  }
0x78: {  	s9 =	sand.u32 $0x40, s11;
	s13 =	sand.u32 $0x780, s11;
	s20 =	sor.u32 s12, s8;
	v2 =	vld [tilespmem:s18+$0x0]  }
0x79: {  	s21 =	simm.s32 $0x18740;
	s14 =	sor.u32 $0x30, s9;
	s23 =	sadd.s32 $0x18700, s13;
	v5 =	vld [tilespmem:s20+$0x0]  }
0x7a: {  	s22 =	sand.u32 $0xF00, s1;
	s24 =	sor.u32 s14, s23;
	v3 =	vld [tilespmem:s21+$0x0]  }
0x7b: {  	s7 =	sor.u32 s15, s22;
	v6 =	vld [tilespmem:s24+$0x0]  }
0x7c: {  	s13 =	sor.u32 $0x10, s9;
	v8 =	vld [tilespmem:s7+$0x1C700]  }
0x7d: {  	s25 =	sor.u32 s13, s23;
	v7 =	vld.idx.msk [tilespmem:v1+s1+$0x0], $0xffff  }
0x7e: {  	s10 =	sor.u32 s10, s22;
	v4 =	vld [tilespmem:s25+$0x0]  }
0x7f: {  	v9 =	vld [tilespmem:s10+$0x1C700]  }
0x80: {  	v0 =	vld.idx.msk [tilespmem:v0+s1+$0x0], $0xffff  }
0x81: {  	s15 =	sor.u32 $0x20, s9;
	v1 =	vld.idx.msk [tilespmem:v2+s1+$0x0], $0xffff  }
0x82: {  	s17 =	sor.u32 s15, s23;
	v2 =	vld.idx.msk [tilespmem:v5+s1+$0x0], $0xffff;
	v7 =	vsub.f32 v8, v7  }
0x83: {  	s12 =	sor.u32 s12, s22;
	v5 =	vld [tilespmem:s17+$0x0]  }
0x84: {  	s8 =	sor.u32 s16, s22;
	v8 =	vld [tilespmem:s12+$0x1C700];
	v10 =	vmul.f32 v7, v7  }
0x85: {  	s16 =	simm.s32 $0x18780;
	s17 =	simm.s32 $0x0;
	v7 =	vld [tilespmem:s8+$0x1C700]  }
.LBB2_2:
0x86: {  	v11 =	vld [tilespmem:s16+$0x0];
	[tilespmem:s7+$0x1D700] =	vst v10;
	s17 =	sadd.s32 $0x80, s17  }
0x87: {  	s18 =	sand.u32 $0xF00, s17;
	v10 =	vld.idx.msk [tilespmem:v3+s1+$0x0], $0xffff  }
0x88: {  	s11 =	sadd.s32 $0x40, s11;
	s20 =	sor.u32 s13, s18;
	s7 =	sor.u32 s14, s18;
	v12 =	vld.idx.msk [tilespmem:v6+s1+$0x0], $0xffff;
	v13 =	vsub.f32 v9, v1  }
0x89: {  	s21 =	sand.u32 $0x40, s11;
	s14 =	sand.u32 $0x780, s11;
	s22 =	sor.u32 s15, s18;
	v9 =	vld [tilespmem:s7+$0x1C700];
	v6 =	vsub.f32 v8, v2  }
0x8a: {  	s13 =	sor.u32 $0x10, s21;
	s23 =	sadd.s32 $0x18700, s14;
	s14 =	sor.u32 $0x30, s21;
	v1 =	vld.idx.msk [tilespmem:v4+s1+$0x0], $0xffff;
	v8 =	vsub.f32 v7, v0;
	v4 =	vmul.f32 v13, v13  }
0x8b: {  	s15 =	sor.u32 $0x20, s21;
	s24 =	sor.u32 s13, s23;
	s25 =	sor.u32 s14, s23;
	v2 =	vld.idx.msk [tilespmem:v5+s1+$0x0], $0xffff;
	v5 =	vmul.f32 v6, v6;
	v3 =	vmov v11  }
0x8c: {  	p0 =	slt.u32 s11, $0x7C0;
	s18 =	sor.u32 s9, s18;
	s23 =	sor.u32 s15, s23;
	v6 =	vld [tilespmem:s25+$0x0];
	v7 =	vmul.f32 v8, v8;
	[tilespmem:s10+$0x1D700] =	vst v4  }
.Ltmp0:
0x8d: {  	s9 =	smov.u32 s21;
	v0 =	vmov v10;
	s10 =	smov.u32 s20;
	v4 =	vld [tilespmem:s24+$0x0];
	[tilespmem:s12+$0x1D700] =	vst v5;
	(pc) =	sbr.rel @p0 .LBB2_2-.Ltmp0, $4  }
0x8e: {  	s12 =	smov.u32 s22;
	v5 =	vld [tilespmem:s23+$0x0];
	v10 =	vsub.f32 v9, v12;
	[tilespmem:s8+$0x1D700] =	vst v7;
	s8 =	smov.u32 s18  }
0x8f: {  	v9 =	vld [tilespmem:s10+$0x1C700]  }
0x90: {  	v8 =	vld [tilespmem:s12+$0x1C700];
	v10 =	vmul.f32 v10, v10  }
0x91: {  	s16 =	sadd.s32 $0x40, s16;
	v7 =	vld [tilespmem:s8+$0x1C700]  }
0x92: {  	_ =	sdelay $0x3  }
0x93: {  	v3 =	vld.idx.msk [tilespmem:v3+s1+$0x0], $0xffff  }
0x94: {  	s11 =	sadd.s32 $0x80, s17;
	v6 =	vld.idx.msk [tilespmem:v6+s1+$0x0], $0xffff  }
0x95: {  	v4 =	vld.idx.msk [tilespmem:v4+s1+$0x0], $0xffff;
	s11 =	sand.u32 $0xF00, s11  }
0x96: {  	v5 =	vld.idx.msk [tilespmem:v5+s1+$0x0], $0xffff;
	s14 =	sor.u32 s14, s11  }
0x97: {  	s13 =	sor.u32 s13, s11;
	v11 =	vld [tilespmem:s14+$0x1C700]  }
0x98: {  	s9 =	sor.u32 s9, s11;
	v1 =	vsub.f32 v9, v1;
	v12 =	vld [tilespmem:s13+$0x1C700]  }
0x99: {  	s15 =	sor.u32 s15, s11;
	v2 =	vsub.f32 v8, v2;
	v8 =	vld [tilespmem:s9+$0x1C700]  }
0x9a: {  	v9 =	vld [tilespmem:s15+$0x1C700];
	v0 =	vsub.f32 v7, v0;
	v1 =	vmul.f32 v1, v1  }
0x9b: {  	v2 =	vmul.f32 v2, v2  }
0x9c: {  	v0 =	vmul.f32 v0, v0;
	[tilespmem:s10+$0x1D700] =	vst v1;
	v6 =	vsub.f32 v11, v6  }
0x9d: {  	[tilespmem:s12+$0x1D700] =	vst v2;
	v1 =	vsub.f32 v12, v4  }
0x9e: {  	[tilespmem:s8+$0x1D700] =	vst v0;
	v0 =	vsub.f32 v8, v3;
	v2 =	vmul.f32 v6, v6  }
0x9f: {  	[tilespmem:s7+$0x1D700] =	vst v10;
	v4 =	vsub.f32 v9, v5;
	v1 =	vmul.f32 v1, v1  }
0xa0: {  	v0 =	vmul.f32 v0, v0;
	[tilespmem:s14+$0x1D700] =	vst v2  }
0xa1: {  	v2 =	vmul.f32 v4, v4;
	[tilespmem:s13+$0x1D700] =	vst v1  }
0xa2: {  	[tilespmem:s9+$0x1D700] =	vst v0  }
0xa3: {  	[tilespmem:s15+$0x1D700] =	vst v2  }
0xa4: {  	s7 =	simm.s32 $0x0;
	s14 =	simm.s32 $0x1D700;
	s9 =	rddreg [dreg:$0x8]  }
0xa5: {  	[hbm4b:s9+s7] =	stream.linear.scatter [tilespmem:s14], [sflag:$0x4], $0x80, $0x38;
	[tilespmem:$0x1E700] =	vst v63  }
0xa6: {  	s16 =	simm.s32 $0x1D800;
	s15 =	sadd.s32 $0x80, s9  }
0xa7: {  	[hbm4b:s15+s7] =	stream.linear.scatter [tilespmem:s16], [sflag:$0x4], $0x80, $0x38;
	[tilespmem:$0x1E700] =	vst v63  }
0xa8: {  	s18 =	simm.s32 $0x1D900;
	s17 =	sadd.s32 $0x100, s9  }
0xa9: {  	[hbm4b:s17+s7] =	stream.linear.scatter [tilespmem:s18], [sflag:$0x4], $0x80, $0x38;
	[tilespmem:$0x1E700] =	vst v63  }
0xaa: {  	s21 =	simm.s32 $0x1DA00;
	s20 =	sadd.s32 $0x180, s9  }
0xab: {  	[hbm4b:s20+s7] =	stream.linear.scatter [tilespmem:s21], [sflag:$0x4], $0x80, $0x38;
	[tilespmem:$0x1E700] =	vst v63  }
0xac: {  	s23 =	simm.s32 $0x1DB00;
	s22 =	sadd.s32 $0x200, s9  }
0xad: {  	[hbm4b:s22+s7] =	stream.linear.scatter [tilespmem:s23], [sflag:$0x4], $0x80, $0x38;
	[tilespmem:$0x1E700] =	vst v63  }
0xae: {  	s25 =	simm.s32 $0x1DC00;
	s24 =	sadd.s32 $0x280, s9  }
0xaf: {  	[hbm4b:s24+s7] =	stream.linear.scatter [tilespmem:s25], [sflag:$0x4], $0x80, $0x38;
	[tilespmem:$0x1E700] =	vst v63  }
0xb0: {  	s12 =	simm.s32 $0x1DD00;
	s11 =	sadd.s32 $0x300, s9  }
0xb1: {  	[hbm4b:s11+s7] =	stream.linear.scatter [tilespmem:s12], [sflag:$0x4], $0x80, $0x38;
	[tilespmem:$0x1E700] =	vst v63  }
0xb2: {  	s13 =	sadd.s32 $0x380, s9;
	s14 =	simm.s32 $0x1DE00  }
0xb3: {  	[hbm4b:s13+s7] =	stream.linear.scatter [tilespmem:s14], [sflag:$0x4], $0x80, $0x38;
	[tilespmem:$0x1E700] =	vst v63  }
0xb4: {  	s15 =	sadd.s32 $0x400, s9;
	s16 =	simm.s32 $0x1DF00  }
0xb5: {  	[hbm4b:s15+s7] =	stream.linear.scatter [tilespmem:s16], [sflag:$0x4], $0x80, $0x38;
	[tilespmem:$0x1E700] =	vst v63  }
0xb6: {  	s17 =	sadd.s32 $0x480, s9;
	s18 =	simm.s32 $0x1E000  }
0xb7: {  	[hbm4b:s17+s7] =	stream.linear.scatter [tilespmem:s18], [sflag:$0x4], $0x80, $0x38;
	[tilespmem:$0x1E700] =	vst v63  }
0xb8: {  	s20 =	sadd.s32 $0x500, s9;
	s21 =	simm.s32 $0x1E100  }
0xb9: {  	[hbm4b:s20+s7] =	stream.linear.scatter [tilespmem:s21], [sflag:$0x4], $0x80, $0x38;
	[tilespmem:$0x1E700] =	vst v63  }
0xba: {  	s22 =	sadd.s32 $0x580, s9;
	s23 =	simm.s32 $0x1E200  }
0xbb: {  	[hbm4b:s22+s7] =	stream.linear.scatter [tilespmem:s23], [sflag:$0x4], $0x80, $0x38;
	[tilespmem:$0x1E700] =	vst v63  }
0xbc: {  	s24 =	sadd.s32 $0x600, s9;
	s25 =	simm.s32 $0x1E300  }
0xbd: {  	[hbm4b:s24+s7] =	stream.linear.scatter [tilespmem:s25], [sflag:$0x4], $0x80, $0x38;
	[tilespmem:$0x1E700] =	vst v63  }
0xbe: {  	s11 =	sadd.s32 $0x680, s9;
	s12 =	simm.s32 $0x1E400  }
0xbf: {  	[hbm4b:s11+s7] =	stream.linear.scatter [tilespmem:s12], [sflag:$0x4], $0x80, $0x38;
	[tilespmem:$0x1E700] =	vst v63  }
0xc0: {  	s13 =	sadd.s32 $0x700, s9;
	s14 =	simm.s32 $0x1E500  }
0xc1: {  	[hbm4b:s13+s7] =	stream.linear.scatter [tilespmem:s14], [sflag:$0x4], $0x80, $0x38;
	[tilespmem:$0x1E700] =	vst v63  }
0xc2: {  	s15 =	sadd.s32 $0x780, s9;
	s16 =	simm.s32 $0x1E600  }
0xc3: {  	[hbm4b:s15+s7] =	stream.linear.scatter [tilespmem:s16], [sflag:$0x4], $0x80, $0x38;
	[tilespmem:$0x1E700] =	vst v63  }
0xc4: {  	s9 =	rddreg [dreg:$0x9];
	s15 =	simm.s32 $0x1C700  }
0xc5: {  	[tilespmem:s15], [sflag:$0x3] =	stream.linear.gather [hbm4b:s9+s7], $0x80, $0x38;
	[tilespmem:$0x1E700] =	vst v63  }
0xc6: {  	s17 =	sadd.s32 $0x80, s9;
	s16 =	simm.s32 $0x1C800  }
0xc7: {  	[tilespmem:s16], [sflag:$0x3] =	stream.linear.gather [hbm4b:s17+s7], $0x80, $0x38;
	[tilespmem:$0x1E700] =	vst v63  }
0xc8: {  	s18 =	sadd.s32 $0x100, s9;
	s17 =	simm.s32 $0x1C900  }
0xc9: {  	[tilespmem:s17], [sflag:$0x3] =	stream.linear.gather [hbm4b:s18+s7], $0x80, $0x38;
	[tilespmem:$0x1E700] =	vst v63  }
0xca: {  	s20 =	sadd.s32 $0x180, s9;
	s18 =	simm.s32 $0x1CA00  }
0xcb: {  	[tilespmem:s18], [sflag:$0x3] =	stream.linear.gather [hbm4b:s20+s7], $0x80, $0x38;
	[tilespmem:$0x1E700] =	vst v63  }
0xcc: {  	s21 =	sadd.s32 $0x200, s9;
	s20 =	simm.s32 $0x1CB00  }
0xcd: {  	[tilespmem:s20], [sflag:$0x3] =	stream.linear.gather [hbm4b:s21+s7], $0x80, $0x38;
	[tilespmem:$0x1E700] =	vst v63  }
0xce: {  	s22 =	sadd.s32 $0x280, s9;
	s21 =	simm.s32 $0x1CC00  }
0xcf: {  	[tilespmem:s21], [sflag:$0x3] =	stream.linear.gather [hbm4b:s22+s7], $0x80, $0x38;
	[tilespmem:$0x1E700] =	vst v63  }
0xd0: {  	s23 =	sadd.s32 $0x300, s9;
	s22 =	simm.s32 $0x1CD00  }
0xd1: {  	[tilespmem:s22], [sflag:$0x3] =	stream.linear.gather [hbm4b:s23+s7], $0x80, $0x38;
	[tilespmem:$0x1E700] =	vst v63  }
0xd2: {  	s24 =	sadd.s32 $0x380, s9;
	s23 =	simm.s32 $0x1CE00  }
0xd3: {  	[tilespmem:s23], [sflag:$0x3] =	stream.linear.gather [hbm4b:s24+s7], $0x80, $0x38;
	[tilespmem:$0x1E700] =	vst v63  }
0xd4: {  	s25 =	sadd.s32 $0x400, s9;
	s24 =	simm.s32 $0x1CF00  }
0xd5: {  	[tilespmem:s24], [sflag:$0x3] =	stream.linear.gather [hbm4b:s25+s7], $0x80, $0x38;
	[tilespmem:$0x1E700] =	vst v63  }
0xd6: {  	s10 =	sadd.s32 $0x480, s9;
	s25 =	simm.s32 $0x1D000  }
0xd7: {  	[tilespmem:s25], [sflag:$0x3] =	stream.linear.gather [hbm4b:s10+s7], $0x80, $0x38;
	[tilespmem:$0x1E700] =	vst v63  }
0xd8: {  	s11 =	sadd.s32 $0x500, s9;
	s12 =	simm.s32 $0x1D100  }
0xd9: {  	[tilespmem:s12], [sflag:$0x3] =	stream.linear.gather [hbm4b:s11+s7], $0x80, $0x38;
	[tilespmem:$0x1E700] =	vst v63  }
0xda: {  	s13 =	sadd.s32 $0x580, s9;
	s14 =	simm.s32 $0x1D200  }
0xdb: {  	[tilespmem:s14], [sflag:$0x3] =	stream.linear.gather [hbm4b:s13+s7], $0x80, $0x38;
	[tilespmem:$0x1E700] =	vst v63  }
0xdc: {  	s11 =	sadd.s32 $0x600, s9;
	s12 =	simm.s32 $0x1D300  }
0xdd: {  	[tilespmem:s12], [sflag:$0x3] =	stream.linear.gather [hbm4b:s11+s7], $0x80, $0x38;
	[tilespmem:$0x1E700] =	vst v63  }
0xde: {  	s13 =	sadd.s32 $0x680, s9;
	s14 =	simm.s32 $0x1D400  }
0xdf: {  	[tilespmem:s14], [sflag:$0x3] =	stream.linear.gather [hbm4b:s13+s7], $0x80, $0x38;
	[tilespmem:$0x1E700] =	vst v63  }
0xe0: {  	s11 =	sadd.s32 $0x700, s9;
	s12 =	simm.s32 $0x1D500  }
0xe1: {  	[tilespmem:s12], [sflag:$0x3] =	stream.linear.gather [hbm4b:s11+s7], $0x80, $0x38;
	[tilespmem:$0x1E700] =	vst v63  }
0xe2: {  	s13 =	sadd.s32 $0x780, s9;
	s14 =	simm.s32 $0x1D600  }
0xe3: {  	[tilespmem:s14], [sflag:$0x3] =	stream.linear.gather [hbm4b:s13+s7], $0x80, $0x38;
	[tilespmem:$0x1E700] =	vst v63  }
0xe4: {  	_ =	swait.ge [sflag:s5], $0x800  }
0xe5: {  	[sflag:s5] =	ssyncset.done $0x0  }
0xe6: {  	s9 =	simm.s32 $0x18F30;
	[sflag:s5] =	ssyncadd.s32 $0xFFFFF800  }
0xe7: {  	v0 =	vld [tilespmem:s9+$0xFFFFFFE0]  }
0xe8: {  	s10 =	simm.s32 $0x0;
	v1 =	vld [tilespmem:s9+$0xFFFFFFF0]  }
0xe9: {  	p0 =	por $0x0, $0x0;
	s8 =	simm.s32 $0x1;
	s11 =	sand.u32 $0x7C0, s10;
	v6 =	vld [tilespmem:s9+$0x0]  }
0xea: {  	s8 =	simm.s32 @!p0 $0x0;
	s12 =	simm.s32 $0x18F70;
	v7 =	vld [tilespmem:s11+$0x18F00]  }
0xeb: {  	s8 =	sshll.u32 s8, $0x6;
	v4 =	vld [tilespmem:s12+$0xFFFFFFE0]  }
0xec: {  	s13 =	sadd.s32 $0x0, s8;
	v5 =	vld [tilespmem:s12+$0xFFFFFFF0]  }
0xed: {  	s10 =	sor.u32 $0x90, s13;
	v3 =	vld [tilespmem:s12+$0x0]  }
0xee: {  	s11 =	sor.u32 $0x80, s13;
	v10 =	vld [tilespmem:s10+$0x1C700]  }
0xef: {  	v9 =	vld [tilespmem:s11+$0x1C700]  }
0xf0: {  	v2 =	vld.idx.msk [tilespmem:v0+s1+$0x0], $0xffff  }
0xf1: {  	v0 =	vld.idx.msk [tilespmem:v6+s1+$0x0], $0xffff  }
0xf2: {  	s8 =	sor.u32 $0xA0, s13;
	v6 =	vld.idx.msk [tilespmem:v7+s1+$0x0], $0xffff  }
0xf3: {  	s12 =	simm.s32 $0x40;
	v11 =	vld [tilespmem:s8+$0x1C700]  }
0xf4: {  	s14 =	sand.u32 $0x7C0, s12;
	v1 =	vld.idx.msk [tilespmem:v1+s1+$0x0], $0xffff  }
0xf5: {  	s9 =	sor.u32 $0xB0, s13;
	v7 =	vld [tilespmem:s14+$0x18F00]  }
0xf6: {  	s13 =	simm.s32 $0x18FB0;
	v8 =	vld [tilespmem:s9+$0x1C700]  }
.LBB2_4:
0xf7: {  	v12 =	vld [tilespmem:s13+$0xFFFFFFE0];
	v6 =	vsub.f32 v9, v6  }
0xf8: {  	v9 =	vld [tilespmem:s13+$0xFFFFFFF0];
	v10 =	vsub.f32 v10, v2  }
0xf9: {  	p0 =	por !p0, !p0;
	s14 =	simm.s32 $0x1;
	v13 =	vld [tilespmem:s13+$0x0];
	v6 =	vmul.f32 v6, v6;
	v11 =	vsub.f32 v11, v1  }
0xfa: {  	s14 =	simm.s32 @!p0 $0x0;
	v2 =	vld.idx.msk [tilespmem:v4+s1+$0x0], $0xffff;
	v10 =	vmul.f32 v10, v10  }
0xfb: {  	s7 =	sadd.s32 $0x80, s7;
	s12 =	sadd.s32 $0x40, s12;
	s14 =	sshll.u32 s14, $0x6;
	v1 =	vld.idx.msk [tilespmem:v5+s1+$0x0], $0xffff;
	[tilespmem:s11+$0x1D700] =	vst v6;
	v11 =	vmul.f32 v11, v11;
	v8 =	vsub.f32 v8, v0  }
0xfc: {  	p1 =	slt.u32 s12, $0x7C0;
	s14 =	sadd.s32 s14, s7;
	v0 =	vld.idx.msk [tilespmem:v3+s1+$0x0], $0xffff;
	[tilespmem:s10+$0x1D700] =	vst v10;
	v4 =	vmov v12  }
0xfd: {  	s11 =	sor.u32 $0x80, s14;
	s10 =	sor.u32 $0x90, s14;
	v6 =	vld.idx.msk [tilespmem:v7+s1+$0x0], $0xffff;
	[tilespmem:s8+$0x1D700] =	vst v11;
	s8 =	sor.u32 $0xA0, s14;
	v7 =	vmul.f32 v8, v8;
	v5 =	vmov v9  }
.Ltmp1:
0xfe: {  	s14 =	sor.u32 $0xB0, s14;
	v9 =	vld [tilespmem:s11+$0x1C700];
	v3 =	vmov v13;
	(pc) =	sbr.rel @p1 .LBB2_4-.Ltmp1, $4  }
0xff: {  	v10 =	vld [tilespmem:s10+$0x1C700];
	[tilespmem:s9+$0x1D700] =	vst v7;
	s9 =	smov.u32 s14  }
0x100: {  	s14 =	sand.u32 $0x7C0, s12;
	v11 =	vld [tilespmem:s8+$0x1C700]  }
0x101: {  	v7 =	vld [tilespmem:s14+$0x18F00]  }
0x102: {  	s13 =	sadd.s32 $0x40, s13;
	v8 =	vld [tilespmem:s9+$0x1C700]  }
0x103: {  	_ =	sdelay $0x2  }
0x104: {  	p0 =	por !p0, !p0;
	s12 =	simm.s32 $0x1  }
0x105: {  	v4 =	vld.idx.msk [tilespmem:v4+s1+$0x0], $0xffff;
	s12 =	simm.s32 @!p0 $0x0  }
0x106: {  	v5 =	vld.idx.msk [tilespmem:v5+s1+$0x0], $0xffff;
	s7 =	sadd.s32 $0x80, s7;
	s12 =	sshll.u32 s12, $0x6  }
0x107: {  	v3 =	vld.idx.msk [tilespmem:v3+s1+$0x0], $0xffff;
	s7 =	sadd.s32 s12, s7  }
0x108: {  	v7 =	vld.idx.msk [tilespmem:v7+s1+$0x0], $0xffff;
	s12 =	sor.u32 $0x80, s7  }
0x109: {  	s13 =	sor.u32 $0x90, s7;
	v12 =	vld [tilespmem:s12+$0x1C700]  }
0x10a: {  	v6 =	vsub.f32 v9, v6;
	s14 =	sor.u32 $0xA0, s7;
	v9 =	vld [tilespmem:s13+$0x1C700]  }
0x10b: {  	v2 =	vsub.f32 v10, v2;
	s7 =	sor.u32 $0xB0, s7;
	v10 =	vld [tilespmem:s14+$0x1C700]  }
0x10c: {  	v6 =	vmul.f32 v6, v6;
	v1 =	vsub.f32 v11, v1;
	v11 =	vld [tilespmem:s7+$0x1C700]  }
0x10d: {  	v2 =	vmul.f32 v2, v2;
	v0 =	vsub.f32 v8, v0  }
0x10e: {  	[tilespmem:s11+$0x1D700] =	vst v6;
	v1 =	vmul.f32 v1, v1;
	v6 =	vsub.f32 v12, v7  }
0x10f: {  	[tilespmem:s10+$0x1D700] =	vst v2;
	v0 =	vmul.f32 v0, v0;
	v2 =	vsub.f32 v9, v4  }
0x110: {  	[tilespmem:s8+$0x1D700] =	vst v1;
	v4 =	vsub.f32 v10, v5;
	v1 =	vmul.f32 v6, v6  }
0x111: {  	[tilespmem:s9+$0x1D700] =	vst v0;
	v0 =	vmul.f32 v2, v2;
	v2 =	vsub.f32 v11, v3  }
0x112: {  	[tilespmem:s12+$0x1D700] =	vst v1;
	v1 =	vmul.f32 v4, v4  }
0x113: {  	[tilespmem:s13+$0x1D700] =	vst v0;
	v0 =	vmul.f32 v2, v2  }
0x114: {  	[tilespmem:s14+$0x1D700] =	vst v1  }
0x115: {  	[tilespmem:s7+$0x1D700] =	vst v0  }
0x116: {  	s12 =	simm.s32 $0x1D780;
	s7 =	simm.s32 $0x0;
	s9 =	rddreg [dreg:$0xa]  }
0x117: {  	[hbm4b:s9+s7] =	stream.linear.scatter [tilespmem:s12], [sflag:$0x4], $0x80, $0x38;
	[tilespmem:$0x1E700] =	vst v63  }
0x118: {  	s14 =	simm.s32 $0x1D880;
	s13 =	sadd.s32 $0x80, s9  }
0x119: {  	[hbm4b:s13+s7] =	stream.linear.scatter [tilespmem:s14], [sflag:$0x4], $0x80, $0x38;
	[tilespmem:$0x1E700] =	vst v63  }
0x11a: {  	s11 =	sadd.s32 $0x100, s9;
	s12 =	simm.s32 $0x1D980  }
0x11b: {  	[hbm4b:s11+s7] =	stream.linear.scatter [tilespmem:s12], [sflag:$0x4], $0x80, $0x38;
	[tilespmem:$0x1E700] =	vst v63  }
0x11c: {  	s13 =	sadd.s32 $0x180, s9;
	s14 =	simm.s32 $0x1DA80  }
0x11d: {  	[hbm4b:s13+s7] =	stream.linear.scatter [tilespmem:s14], [sflag:$0x4], $0x80, $0x38;
	[tilespmem:$0x1E700] =	vst v63  }
0x11e: {  	s11 =	sadd.s32 $0x200, s9;
	s12 =	simm.s32 $0x1DB80  }
0x11f: {  	[hbm4b:s11+s7] =	stream.linear.scatter [tilespmem:s12], [sflag:$0x4], $0x80, $0x38;
	[tilespmem:$0x1E700] =	vst v63  }
0x120: {  	s13 =	sadd.s32 $0x280, s9;
	s14 =	simm.s32 $0x1DC80  }
0x121: {  	[hbm4b:s13+s7] =	stream.linear.scatter [tilespmem:s14], [sflag:$0x4], $0x80, $0x38;
	[tilespmem:$0x1E700] =	vst v63  }
0x122: {  	s11 =	sadd.s32 $0x300, s9;
	s12 =	simm.s32 $0x1DD80  }
0x123: {  	[hbm4b:s11+s7] =	stream.linear.scatter [tilespmem:s12], [sflag:$0x4], $0x80, $0x38;
	[tilespmem:$0x1E700] =	vst v63  }
0x124: {  	s13 =	sadd.s32 $0x380, s9;
	s14 =	simm.s32 $0x1DE80  }
0x125: {  	[hbm4b:s13+s7] =	stream.linear.scatter [tilespmem:s14], [sflag:$0x4], $0x80, $0x38;
	[tilespmem:$0x1E700] =	vst v63  }
0x126: {  	s11 =	sadd.s32 $0x400, s9;
	s12 =	simm.s32 $0x1DF80  }
0x127: {  	[hbm4b:s11+s7] =	stream.linear.scatter [tilespmem:s12], [sflag:$0x4], $0x80, $0x38;
	[tilespmem:$0x1E700] =	vst v63  }
0x128: {  	s13 =	sadd.s32 $0x480, s9;
	s14 =	simm.s32 $0x1E080  }
0x129: {  	[hbm4b:s13+s7] =	stream.linear.scatter [tilespmem:s14], [sflag:$0x4], $0x80, $0x38;
	[tilespmem:$0x1E700] =	vst v63  }
0x12a: {  	s11 =	sadd.s32 $0x500, s9;
	s12 =	simm.s32 $0x1E180  }
0x12b: {  	[hbm4b:s11+s7] =	stream.linear.scatter [tilespmem:s12], [sflag:$0x4], $0x80, $0x38;
	[tilespmem:$0x1E700] =	vst v63  }
0x12c: {  	s13 =	sadd.s32 $0x580, s9;
	s14 =	simm.s32 $0x1E280  }
0x12d: {  	[hbm4b:s13+s7] =	stream.linear.scatter [tilespmem:s14], [sflag:$0x4], $0x80, $0x38;
	[tilespmem:$0x1E700] =	vst v63  }
0x12e: {  	s11 =	sadd.s32 $0x600, s9;
	s12 =	simm.s32 $0x1E380  }
0x12f: {  	[hbm4b:s11+s7] =	stream.linear.scatter [tilespmem:s12], [sflag:$0x4], $0x80, $0x38;
	[tilespmem:$0x1E700] =	vst v63  }
0x130: {  	s13 =	sadd.s32 $0x680, s9;
	s14 =	simm.s32 $0x1E480  }
0x131: {  	[hbm4b:s13+s7] =	stream.linear.scatter [tilespmem:s14], [sflag:$0x4], $0x80, $0x38;
	[tilespmem:$0x1E700] =	vst v63  }
0x132: {  	s11 =	sadd.s32 $0x700, s9;
	s12 =	simm.s32 $0x1E580  }
0x133: {  	[hbm4b:s11+s7] =	stream.linear.scatter [tilespmem:s12], [sflag:$0x4], $0x80, $0x38;
	[tilespmem:$0x1E700] =	vst v63  }
0x134: {  	s13 =	sadd.s32 $0x780, s9;
	s14 =	simm.s32 $0x1E680  }
0x135: {  	[hbm4b:s13+s7] =	stream.linear.scatter [tilespmem:s14], [sflag:$0x4], $0x80, $0x38;
	[tilespmem:$0x1E700] =	vst v63  }
0x136: {  	s10 =	simm.s32 $0x1C780;
	s9 =	rddreg [dreg:$0xb]  }
0x137: {  	[tilespmem:s10], [sflag:$0x3] =	stream.linear.gather [hbm4b:s9+s7], $0x80, $0x38;
	[tilespmem:$0x1E700] =	vst v63  }
0x138: {  	s11 =	sadd.s32 $0x80, s9;
	s12 =	simm.s32 $0x1C880  }
0x139: {  	[tilespmem:s12], [sflag:$0x3] =	stream.linear.gather [hbm4b:s11+s7], $0x80, $0x38;
	[tilespmem:$0x1E700] =	vst v63  }
0x13a: {  	s13 =	sadd.s32 $0x100, s9;
	s14 =	simm.s32 $0x1C980  }
0x13b: {  	[tilespmem:s14], [sflag:$0x3] =	stream.linear.gather [hbm4b:s13+s7], $0x80, $0x38;
	[tilespmem:$0x1E700] =	vst v63  }
0x13c: {  	s11 =	sadd.s32 $0x180, s9;
	s12 =	simm.s32 $0x1CA80  }
0x13d: {  	[tilespmem:s12], [sflag:$0x3] =	stream.linear.gather [hbm4b:s11+s7], $0x80, $0x38;
	[tilespmem:$0x1E700] =	vst v63  }
0x13e: {  	s13 =	sadd.s32 $0x200, s9;
	s14 =	simm.s32 $0x1CB80  }
0x13f: {  	[tilespmem:s14], [sflag:$0x3] =	stream.linear.gather [hbm4b:s13+s7], $0x80, $0x38;
	[tilespmem:$0x1E700] =	vst v63  }
0x140: {  	s11 =	sadd.s32 $0x280, s9;
	s12 =	simm.s32 $0x1CC80  }
0x141: {  	[tilespmem:s12], [sflag:$0x3] =	stream.linear.gather [hbm4b:s11+s7], $0x80, $0x38;
	[tilespmem:$0x1E700] =	vst v63  }
0x142: {  	s13 =	sadd.s32 $0x300, s9;
	s14 =	simm.s32 $0x1CD80  }
0x143: {  	[tilespmem:s14], [sflag:$0x3] =	stream.linear.gather [hbm4b:s13+s7], $0x80, $0x38;
	[tilespmem:$0x1E700] =	vst v63  }
0x144: {  	s11 =	sadd.s32 $0x380, s9;
	s12 =	simm.s32 $0x1CE80  }
0x145: {  	[tilespmem:s12], [sflag:$0x3] =	stream.linear.gather [hbm4b:s11+s7], $0x80, $0x38;
	[tilespmem:$0x1E700] =	vst v63  }
0x146: {  	s13 =	sadd.s32 $0x400, s9;
	s14 =	simm.s32 $0x1CF80  }
0x147: {  	[tilespmem:s14], [sflag:$0x3] =	stream.linear.gather [hbm4b:s13+s7], $0x80, $0x38;
	[tilespmem:$0x1E700] =	vst v63  }
0x148: {  	s11 =	sadd.s32 $0x480, s9;
	s12 =	simm.s32 $0x1D080  }
0x149: {  	[tilespmem:s12], [sflag:$0x3] =	stream.linear.gather [hbm4b:s11+s7], $0x80, $0x38;
	[tilespmem:$0x1E700] =	vst v63  }
0x14a: {  	s13 =	sadd.s32 $0x500, s9;
	s14 =	simm.s32 $0x1D180  }
0x14b: {  	[tilespmem:s14], [sflag:$0x3] =	stream.linear.gather [hbm4b:s13+s7], $0x80, $0x38;
	[tilespmem:$0x1E700] =	vst v63  }
0x14c: {  	s11 =	sadd.s32 $0x580, s9;
	s12 =	simm.s32 $0x1D280  }
0x14d: {  	[tilespmem:s12], [sflag:$0x3] =	stream.linear.gather [hbm4b:s11+s7], $0x80, $0x38;
	[tilespmem:$0x1E700] =	vst v63  }
0x14e: {  	s13 =	sadd.s32 $0x600, s9;
	s14 =	simm.s32 $0x1D380  }
0x14f: {  	[tilespmem:s14], [sflag:$0x3] =	stream.linear.gather [hbm4b:s13+s7], $0x80, $0x38;
	[tilespmem:$0x1E700] =	vst v63  }
0x150: {  	s11 =	sadd.s32 $0x680, s9;
	s12 =	simm.s32 $0x1D480  }
0x151: {  	[tilespmem:s12], [sflag:$0x3] =	stream.linear.gather [hbm4b:s11+s7], $0x80, $0x38;
	[tilespmem:$0x1E700] =	vst v63  }
0x152: {  	s13 =	sadd.s32 $0x700, s9;
	s14 =	simm.s32 $0x1D580  }
0x153: {  	[tilespmem:s14], [sflag:$0x3] =	stream.linear.gather [hbm4b:s13+s7], $0x80, $0x38;
	[tilespmem:$0x1E700] =	vst v63  }
0x154: {  	s11 =	sadd.s32 $0x780, s9;
	s12 =	simm.s32 $0x1D680  }
0x155: {  	[tilespmem:s12], [sflag:$0x3] =	stream.linear.gather [hbm4b:s11+s7], $0x80, $0x38;
	[tilespmem:$0x1E700] =	vst v63  }
0x156: {  	_ =	swait.ge [sflag:s5], $0x800  }
0x157: {  	[sflag:s5] =	ssyncset.done $0x0  }
0x158: {  	[sflag:s5] =	ssyncadd.s32 $0xFFFFF800  }
0x159: {  	_ =	swait.ge [sflag:s6], $0x800  }
0x15a: {  	[sflag:s6] =	ssyncset.done $0x0  }
0x15b: {  	s13 =	simm.s32 $0x19730;
	[sflag:s6] =	ssyncadd.s32 $0xFFFFF800  }
0x15c: {  	v0 =	vld [tilespmem:s13+$0xFFFFFFE0]  }
0x15d: {  	s14 =	simm.s32 $0x0;
	v1 =	vld [tilespmem:s13+$0xFFFFFFF0]  }
0x15e: {  	s10 =	sand.u32 $0x7C0, s14;
	v6 =	vld [tilespmem:s13+$0x0]  }
0x15f: {  	s11 =	simm.s32 $0x19770;
	v7 =	vld [tilespmem:s10+$0x19700]  }
0x160: {  	v4 =	vld [tilespmem:s11+$0xFFFFFFE0]  }
0x161: {  	s12 =	sand.u32 $0x40, s14;
	v5 =	vld [tilespmem:s11+$0xFFFFFFF0];
	s13 =	sand.u32 $0xF00, s7  }
0x162: {  	v3 =	vld [tilespmem:s11+$0x0];
	s8 =	sor.u32 s12, s13  }
0x163: {  	v8 =	vld [tilespmem:s8+$0x1C700]  }
0x164: {  	v2 =	vld.idx.msk [tilespmem:v0+s1+$0x0], $0xffff  }
0x165: {  	v0 =	vld.idx.msk [tilespmem:v1+s1+$0x0], $0xffff  }
0x166: {  	v1 =	vld.idx.msk [tilespmem:v6+s1+$0x0], $0xffff  }
0x167: {  	v6 =	vld.idx.msk [tilespmem:v7+s1+$0x0], $0xffff  }
0x168: {  	s9 =	simm.s32 $0x40;
	v10 =	vld [tilespmem:s8+$0x1C710]  }
0x169: {  	s14 =	sand.u32 $0x7C0, s9;
	v11 =	vld [tilespmem:s8+$0x1C720]  }
0x16a: {  	v7 =	vld [tilespmem:s14+$0x19700]  }
0x16b: {  	s10 =	simm.s32 $0x197B0;
	v9 =	vld [tilespmem:s8+$0x1C730]  }
.LBB2_6:
0x16c: {  	v12 =	vld [tilespmem:s10+$0xFFFFFFE0];
	v6 =	vsub.f32 v8, v6  }
0x16d: {  	v8 =	vld [tilespmem:s10+$0xFFFFFFF0];
	v10 =	vsub.f32 v10, v2  }
0x16e: {  	v13 =	vld [tilespmem:s10+$0x0];
	v6 =	vmul.f32 v6, v6;
	v11 =	vsub.f32 v11, v0  }
0x16f: {  	v2 =	vld.idx.msk [tilespmem:v4+s1+$0x0], $0xffff;
	v10 =	vmul.f32 v10, v10  }
0x170: {  	s7 =	sadd.s32 $0x80, s7;
	v0 =	vld.idx.msk [tilespmem:v5+s1+$0x0], $0xffff;
	[tilespmem:s8+$0x1D700] =	vst v6;
	v11 =	vmul.f32 v11, v11;
	v9 =	vsub.f32 v9, v1  }
0x171: {  	s11 =	sand.u32 $0x40, s9;
	s9 =	sadd.s32 $0x40, s9;
	s12 =	sand.u32 $0xF00, s7;
	v1 =	vld.idx.msk [tilespmem:v3+s1+$0x0], $0xffff;
	[tilespmem:s8+$0x1D710] =	vst v10;
	v4 =	vmov v12  }
0x172: {  	p0 =	slt.u32 s9, $0x7C0;
	s11 =	sor.u32 s11, s12;
	v6 =	vld.idx.msk [tilespmem:v7+s1+$0x0], $0xffff;
	[tilespmem:s8+$0x1D720] =	vst v11;
	v7 =	vmul.f32 v9, v9;
	v5 =	vmov v8  }
.Ltmp2:
0x173: {  	v8 =	vld [tilespmem:s11+$0x1C700];
	v3 =	vmov v13;
	(pc) =	sbr.rel @p0 .LBB2_6-.Ltmp2, $4  }
0x174: {  	v10 =	vld [tilespmem:s11+$0x1C710];
	[tilespmem:s8+$0x1D730] =	vst v7;
	s8 =	smov.u32 s11  }
0x175: {  	s11 =	sand.u32 $0x7C0, s9;
	v11 =	vld [tilespmem:s8+$0x1C720]  }
0x176: {  	v7 =	vld [tilespmem:s11+$0x19700]  }
0x177: {  	s10 =	sadd.s32 $0x40, s10;
	v9 =	vld [tilespmem:s8+$0x1C730]  }
0x178: {  	_ =	sdelay $0x3  }
0x179: {  	v4 =	vld.idx.msk [tilespmem:v4+s1+$0x0], $0xffff  }
0x17a: {  	v5 =	vld.idx.msk [tilespmem:v5+s1+$0x0], $0xffff;
	s7 =	sadd.s32 $0x80, s7  }
0x17b: {  	s9 =	sand.u32 $0x40, s9;
	v3 =	vld.idx.msk [tilespmem:v3+s1+$0x0], $0xffff;
	s7 =	sand.u32 $0xF00, s7  }
0x17c: {  	s7 =	sor.u32 s9, s7;
	v7 =	vld.idx.msk [tilespmem:v7+s1+$0x0], $0xffff  }
0x17d: {  	v12 =	vld [tilespmem:s7+$0x1C700]  }
0x17e: {  	v6 =	vsub.f32 v8, v6;
	v8 =	vld [tilespmem:s7+$0x1C710]  }
0x17f: {  	v2 =	vsub.f32 v10, v2;
	v10 =	vld [tilespmem:s7+$0x1C720]  }
0x180: {  	v6 =	vmul.f32 v6, v6;
	v0 =	vsub.f32 v11, v0;
	v11 =	vld [tilespmem:s7+$0x1C730]  }
0x181: {  	v2 =	vmul.f32 v2, v2;
	v1 =	vsub.f32 v9, v1  }
0x182: {  	[tilespmem:s8+$0x1D700] =	vst v6;
	v0 =	vmul.f32 v0, v0;
	v6 =	vsub.f32 v12, v7  }
0x183: {  	[tilespmem:s8+$0x1D710] =	vst v2;
	v1 =	vmul.f32 v1, v1;
	v2 =	vsub.f32 v8, v4  }
0x184: {  	[tilespmem:s8+$0x1D720] =	vst v0;
	v4 =	vsub.f32 v10, v5;
	v0 =	vmul.f32 v6, v6  }
0x185: {  	[tilespmem:s8+$0x1D730] =	vst v1;
	v1 =	vmul.f32 v2, v2;
	v2 =	vsub.f32 v11, v3  }
0x186: {  	[tilespmem:s7+$0x1D700] =	vst v0;
	v0 =	vmul.f32 v4, v4  }
0x187: {  	[tilespmem:s7+$0x1D710] =	vst v1;
	v1 =	vmul.f32 v2, v2  }
0x188: {  	[tilespmem:s7+$0x1D720] =	vst v0  }
0x189: {  	[tilespmem:s7+$0x1D730] =	vst v1  }
0x18a: {  	s11 =	simm.s32 $0x1D700;
	s7 =	simm.s32 $0x0;
	s9 =	rddreg [dreg:$0xc]  }
0x18b: {  	[hbm4b:s9+s7] =	stream.linear.scatter [tilespmem:s11], [sflag:$0x4], $0x80, $0x38;
	[tilespmem:$0x1E700] =	vst v63  }
0x18c: {  	s10 =	simm.s32 $0x1D800;
	s12 =	sadd.s32 $0x80, s9  }
0x18d: {  	[hbm4b:s12+s7] =	stream.linear.scatter [tilespmem:s10], [sflag:$0x4], $0x80, $0x38;
	[tilespmem:$0x1E700] =	vst v63  }
0x18e: {  	s14 =	simm.s32 $0x1D900;
	s13 =	sadd.s32 $0x100, s9  }
0x18f: {  	[hbm4b:s13+s7] =	stream.linear.scatter [tilespmem:s14], [sflag:$0x4], $0x80, $0x38;
	[tilespmem:$0x1E700] =	vst v63  }
0x190: {  	s11 =	sadd.s32 $0x180, s9;
	s12 =	simm.s32 $0x1DA00  }
0x191: {  	[hbm4b:s11+s7] =	stream.linear.scatter [tilespmem:s12], [sflag:$0x4], $0x80, $0x38;
	[tilespmem:$0x1E700] =	vst v63  }
0x192: {  	s13 =	sadd.s32 $0x200, s9;
	s14 =	simm.s32 $0x1DB00  }
0x193: {  	[hbm4b:s13+s7] =	stream.linear.scatter [tilespmem:s14], [sflag:$0x4], $0x80, $0x38;
	[tilespmem:$0x1E700] =	vst v63  }
0x194: {  	s11 =	sadd.s32 $0x280, s9;
	s12 =	simm.s32 $0x1DC00  }
0x195: {  	[hbm4b:s11+s7] =	stream.linear.scatter [tilespmem:s12], [sflag:$0x4], $0x80, $0x38;
	[tilespmem:$0x1E700] =	vst v63  }
0x196: {  	s13 =	sadd.s32 $0x300, s9;
	s14 =	simm.s32 $0x1DD00  }
0x197: {  	[hbm4b:s13+s7] =	stream.linear.scatter [tilespmem:s14], [sflag:$0x4], $0x80, $0x38;
	[tilespmem:$0x1E700] =	vst v63  }
0x198: {  	s11 =	sadd.s32 $0x380, s9;
	s12 =	simm.s32 $0x1DE00  }
0x199: {  	[hbm4b:s11+s7] =	stream.linear.scatter [tilespmem:s12], [sflag:$0x4], $0x80, $0x38;
	[tilespmem:$0x1E700] =	vst v63  }
0x19a: {  	s13 =	sadd.s32 $0x400, s9;
	s14 =	simm.s32 $0x1DF00  }
0x19b: {  	[hbm4b:s13+s7] =	stream.linear.scatter [tilespmem:s14], [sflag:$0x4], $0x80, $0x38;
	[tilespmem:$0x1E700] =	vst v63  }
0x19c: {  	s11 =	sadd.s32 $0x480, s9;
	s12 =	simm.s32 $0x1E000  }
0x19d: {  	[hbm4b:s11+s7] =	stream.linear.scatter [tilespmem:s12], [sflag:$0x4], $0x80, $0x38;
	[tilespmem:$0x1E700] =	vst v63  }
0x19e: {  	s13 =	sadd.s32 $0x500, s9;
	s14 =	simm.s32 $0x1E100  }
0x19f: {  	[hbm4b:s13+s7] =	stream.linear.scatter [tilespmem:s14], [sflag:$0x4], $0x80, $0x38;
	[tilespmem:$0x1E700] =	vst v63  }
0x1a0: {  	s11 =	sadd.s32 $0x580, s9;
	s12 =	simm.s32 $0x1E200  }
0x1a1: {  	[hbm4b:s11+s7] =	stream.linear.scatter [tilespmem:s12], [sflag:$0x4], $0x80, $0x38;
	[tilespmem:$0x1E700] =	vst v63  }
0x1a2: {  	s13 =	sadd.s32 $0x600, s9;
	s14 =	simm.s32 $0x1E300  }
0x1a3: {  	[hbm4b:s13+s7] =	stream.linear.scatter [tilespmem:s14], [sflag:$0x4], $0x80, $0x38;
	[tilespmem:$0x1E700] =	vst v63  }
0x1a4: {  	s11 =	sadd.s32 $0x680, s9;
	s12 =	simm.s32 $0x1E400  }
0x1a5: {  	[hbm4b:s11+s7] =	stream.linear.scatter [tilespmem:s12], [sflag:$0x4], $0x80, $0x38;
	[tilespmem:$0x1E700] =	vst v63  }
0x1a6: {  	s13 =	sadd.s32 $0x700, s9;
	s14 =	simm.s32 $0x1E500  }
0x1a7: {  	[hbm4b:s13+s7] =	stream.linear.scatter [tilespmem:s14], [sflag:$0x4], $0x80, $0x38;
	[tilespmem:$0x1E700] =	vst v63  }
0x1a8: {  	s10 =	sadd.s32 $0x780, s9;
	s11 =	simm.s32 $0x1E600  }
0x1a9: {  	[hbm4b:s10+s7] =	stream.linear.scatter [tilespmem:s11], [sflag:$0x4], $0x80, $0x38;
	[tilespmem:$0x1E700] =	vst v63  }
0x1aa: {  	s9 =	rddreg [dreg:$0xd]  }
0x1ab: {  	[tilespmem:s15], [sflag:$0x3] =	stream.linear.gather [hbm4b:s9+s7], $0x80, $0x38;
	[tilespmem:$0x1E700] =	vst v63  }
0x1ac: {  	s12 =	sadd.s32 $0x80, s9  }
0x1ad: {  	[tilespmem:s16], [sflag:$0x3] =	stream.linear.gather [hbm4b:s12+s7], $0x80, $0x38;
	[tilespmem:$0x1E700] =	vst v63  }
0x1ae: {  	s13 =	sadd.s32 $0x100, s9  }
0x1af: {  	[tilespmem:s17], [sflag:$0x3] =	stream.linear.gather [hbm4b:s13+s7], $0x80, $0x38;
	[tilespmem:$0x1E700] =	vst v63  }
0x1b0: {  	s14 =	sadd.s32 $0x180, s9  }
0x1b1: {  	[tilespmem:s18], [sflag:$0x3] =	stream.linear.gather [hbm4b:s14+s7], $0x80, $0x38;
	[tilespmem:$0x1E700] =	vst v63  }
0x1b2: {  	s10 =	sadd.s32 $0x200, s9  }
0x1b3: {  	[tilespmem:s20], [sflag:$0x3] =	stream.linear.gather [hbm4b:s10+s7], $0x80, $0x38;
	[tilespmem:$0x1E700] =	vst v63  }
0x1b4: {  	s11 =	sadd.s32 $0x280, s9  }
0x1b5: {  	[tilespmem:s21], [sflag:$0x3] =	stream.linear.gather [hbm4b:s11+s7], $0x80, $0x38;
	[tilespmem:$0x1E700] =	vst v63  }
0x1b6: {  	s12 =	sadd.s32 $0x300, s9  }
0x1b7: {  	[tilespmem:s22], [sflag:$0x3] =	stream.linear.gather [hbm4b:s12+s7], $0x80, $0x38;
	[tilespmem:$0x1E700] =	vst v63  }
0x1b8: {  	s13 =	sadd.s32 $0x380, s9  }
0x1b9: {  	[tilespmem:s23], [sflag:$0x3] =	stream.linear.gather [hbm4b:s13+s7], $0x80, $0x38;
	[tilespmem:$0x1E700] =	vst v63  }
0x1ba: {  	s14 =	sadd.s32 $0x400, s9  }
0x1bb: {  	[tilespmem:s24], [sflag:$0x3] =	stream.linear.gather [hbm4b:s14+s7], $0x80, $0x38;
	[tilespmem:$0x1E700] =	vst v63  }
0x1bc: {  	s10 =	sadd.s32 $0x480, s9  }
0x1bd: {  	[tilespmem:s25], [sflag:$0x3] =	stream.linear.gather [hbm4b:s10+s7], $0x80, $0x38;
	[tilespmem:$0x1E700] =	vst v63  }
0x1be: {  	s11 =	sadd.s32 $0x500, s9;
	s12 =	simm.s32 $0x1D100  }
0x1bf: {  	[tilespmem:s12], [sflag:$0x3] =	stream.linear.gather [hbm4b:s11+s7], $0x80, $0x38;
	[tilespmem:$0x1E700] =	vst v63  }
0x1c0: {  	s13 =	sadd.s32 $0x580, s9;
	s14 =	simm.s32 $0x1D200  }
0x1c1: {  	[tilespmem:s14], [sflag:$0x3] =	stream.linear.gather [hbm4b:s13+s7], $0x80, $0x38;
	[tilespmem:$0x1E700] =	vst v63  }
0x1c2: {  	s11 =	sadd.s32 $0x600, s9;
	s12 =	simm.s32 $0x1D300  }
0x1c3: {  	[tilespmem:s12], [sflag:$0x3] =	stream.linear.gather [hbm4b:s11+s7], $0x80, $0x38;
	[tilespmem:$0x1E700] =	vst v63  }
0x1c4: {  	s13 =	sadd.s32 $0x680, s9;
	s14 =	simm.s32 $0x1D400  }
0x1c5: {  	[tilespmem:s14], [sflag:$0x3] =	stream.linear.gather [hbm4b:s13+s7], $0x80, $0x38;
	[tilespmem:$0x1E700] =	vst v63  }
0x1c6: {  	s11 =	sadd.s32 $0x700, s9;
	s12 =	simm.s32 $0x1D500  }
0x1c7: {  	[tilespmem:s12], [sflag:$0x3] =	stream.linear.gather [hbm4b:s11+s7], $0x80, $0x38;
	[tilespmem:$0x1E700] =	vst v63  }
0x1c8: {  	s13 =	sadd.s32 $0x780, s9;
	s14 =	simm.s32 $0x1D600  }
0x1c9: {  	[tilespmem:s14], [sflag:$0x3] =	stream.linear.gather [hbm4b:s13+s7], $0x80, $0x38;
	[tilespmem:$0x1E700] =	vst v63  }
0x1ca: {  	_ =	swait.ge [sflag:s5], $0x800  }
0x1cb: {  	[sflag:s5] =	ssyncset.done $0x0  }
0x1cc: {  	[sflag:s5] =	ssyncadd.s32 $0xFFFFF800  }
0x1cd: {  	_ =	swait.ge [sflag:s6], $0x800  }
0x1ce: {  	[sflag:s6] =	ssyncset.done $0x0  }
0x1cf: {  	s10 =	simm.s32 $0x19F30;
	[sflag:s6] =	ssyncadd.s32 $0xFFFFF800  }
0x1d0: {  	v0 =	vld [tilespmem:s10+$0xFFFFFFE0]  }
0x1d1: {  	s11 =	simm.s32 $0x0;
	v1 =	vld [tilespmem:s10+$0xFFFFFFF0]  }
0x1d2: {  	p0 =	por $0x0, $0x0;
	s8 =	simm.s32 $0x1;
	s12 =	sand.u32 $0x7C0, s11;
	v6 =	vld [tilespmem:s10+$0x0]  }
0x1d3: {  	s8 =	simm.s32 @!p0 $0x0;
	s13 =	simm.s32 $0x19F70;
	v7 =	vld [tilespmem:s12+$0x19F00]  }
0x1d4: {  	s8 =	sshll.u32 s8, $0x6;
	v4 =	vld [tilespmem:s13+$0xFFFFFFE0]  }
0x1d5: {  	s14 =	sadd.s32 $0x0, s8;
	v5 =	vld [tilespmem:s13+$0xFFFFFFF0]  }
0x1d6: {  	s11 =	sor.u32 $0x80, s14;
	v3 =	vld [tilespmem:s13+$0x0]  }
0x1d7: {  	s8 =	sor.u32 $0xA0, s14;
	v9 =	vld [tilespmem:s11+$0x1C700]  }
0x1d8: {  	v11 =	vld [tilespmem:s8+$0x1C700]  }
0x1d9: {  	v2 =	vld.idx.msk [tilespmem:v0+s1+$0x0], $0xffff  }
0x1da: {  	v0 =	vld.idx.msk [tilespmem:v6+s1+$0x0], $0xffff  }
0x1db: {  	s10 =	sor.u32 $0x90, s14;
	v6 =	vld.idx.msk [tilespmem:v7+s1+$0x0], $0xffff  }
0x1dc: {  	s12 =	simm.s32 $0x40;
	v10 =	vld [tilespmem:s10+$0x1C700]  }
0x1dd: {  	s13 =	sand.u32 $0x7C0, s12;
	v1 =	vld.idx.msk [tilespmem:v1+s1+$0x0], $0xffff  }
0x1de: {  	s9 =	sor.u32 $0xB0, s14;
	v7 =	vld [tilespmem:s13+$0x19F00]  }
0x1df: {  	v8 =	vld [tilespmem:s9+$0x1C700];
	s13 =	simm.s32 $0x19FB0  }
.LBB2_8:
0x1e0: {  	v12 =	vld [tilespmem:s13+$0xFFFFFFE0];
	v6 =	vsub.f32 v9, v6  }
0x1e1: {  	v9 =	vld [tilespmem:s13+$0xFFFFFFF0];
	v10 =	vsub.f32 v10, v2  }
0x1e2: {  	p0 =	por !p0, !p0;
	s14 =	simm.s32 $0x1;
	v13 =	vld [tilespmem:s13+$0x0];
	v6 =	vmul.f32 v6, v6;
	v11 =	vsub.f32 v11, v1  }
0x1e3: {  	s14 =	simm.s32 @!p0 $0x0;
	v2 =	vld.idx.msk [tilespmem:v4+s1+$0x0], $0xffff;
	v10 =	vmul.f32 v10, v10  }
0x1e4: {  	s7 =	sadd.s32 $0x80, s7;
	s12 =	sadd.s32 $0x40, s12;
	s14 =	sshll.u32 s14, $0x6;
	v1 =	vld.idx.msk [tilespmem:v5+s1+$0x0], $0xffff;
	[tilespmem:s11+$0x1D700] =	vst v6;
	v11 =	vmul.f32 v11, v11;
	v8 =	vsub.f32 v8, v0  }
0x1e5: {  	p1 =	slt.u32 s12, $0x7C0;
	s14 =	sadd.s32 s14, s7;
	v0 =	vld.idx.msk [tilespmem:v3+s1+$0x0], $0xffff;
	[tilespmem:s10+$0x1D700] =	vst v10;
	v4 =	vmov v12  }
0x1e6: {  	s11 =	sor.u32 $0x80, s14;
	s10 =	sor.u32 $0x90, s14;
	v6 =	vld.idx.msk [tilespmem:v7+s1+$0x0], $0xffff;
	[tilespmem:s8+$0x1D700] =	vst v11;
	s8 =	sor.u32 $0xA0, s14;
	v7 =	vmul.f32 v8, v8;
	v5 =	vmov v9  }
.Ltmp3:
0x1e7: {  	s14 =	sor.u32 $0xB0, s14;
	v9 =	vld [tilespmem:s11+$0x1C700];
	v3 =	vmov v13;
	(pc) =	sbr.rel @p1 .LBB2_8-.Ltmp3, $4  }
0x1e8: {  	v10 =	vld [tilespmem:s10+$0x1C700];
	[tilespmem:s9+$0x1D700] =	vst v7;
	s9 =	smov.u32 s14  }
0x1e9: {  	s14 =	sand.u32 $0x7C0, s12;
	v11 =	vld [tilespmem:s8+$0x1C700]  }
0x1ea: {  	v7 =	vld [tilespmem:s14+$0x19F00]  }
0x1eb: {  	s13 =	sadd.s32 $0x40, s13;
	v8 =	vld [tilespmem:s9+$0x1C700]  }
0x1ec: {  	_ =	sdelay $0x2  }
0x1ed: {  	p0 =	por !p0, !p0;
	s12 =	simm.s32 $0x1  }
0x1ee: {  	v4 =	vld.idx.msk [tilespmem:v4+s1+$0x0], $0xffff;
	s12 =	simm.s32 @!p0 $0x0  }
0x1ef: {  	v5 =	vld.idx.msk [tilespmem:v5+s1+$0x0], $0xffff;
	s7 =	sadd.s32 $0x80, s7;
	s12 =	sshll.u32 s12, $0x6  }
0x1f0: {  	v3 =	vld.idx.msk [tilespmem:v3+s1+$0x0], $0xffff;
	s7 =	sadd.s32 s12, s7  }
0x1f1: {  	v7 =	vld.idx.msk [tilespmem:v7+s1+$0x0], $0xffff;
	s12 =	sor.u32 $0x80, s7  }
0x1f2: {  	s13 =	sor.u32 $0x90, s7;
	v12 =	vld [tilespmem:s12+$0x1C700]  }
0x1f3: {  	v6 =	vsub.f32 v9, v6;
	s14 =	sor.u32 $0xA0, s7;
	v9 =	vld [tilespmem:s13+$0x1C700]  }
0x1f4: {  	v2 =	vsub.f32 v10, v2;
	s7 =	sor.u32 $0xB0, s7;
	v10 =	vld [tilespmem:s14+$0x1C700]  }
0x1f5: {  	v6 =	vmul.f32 v6, v6;
	v1 =	vsub.f32 v11, v1;
	v11 =	vld [tilespmem:s7+$0x1C700]  }
0x1f6: {  	v2 =	vmul.f32 v2, v2;
	v0 =	vsub.f32 v8, v0  }
0x1f7: {  	[tilespmem:s11+$0x1D700] =	vst v6;
	v1 =	vmul.f32 v1, v1;
	v6 =	vsub.f32 v12, v7  }
0x1f8: {  	[tilespmem:s10+$0x1D700] =	vst v2;
	v0 =	vmul.f32 v0, v0;
	v2 =	vsub.f32 v9, v4  }
0x1f9: {  	[tilespmem:s8+$0x1D700] =	vst v1;
	v4 =	vsub.f32 v10, v5;
	v1 =	vmul.f32 v6, v6  }
0x1fa: {  	[tilespmem:s9+$0x1D700] =	vst v0;
	v0 =	vmul.f32 v2, v2;
	v2 =	vsub.f32 v11, v3  }
0x1fb: {  	[tilespmem:s12+$0x1D700] =	vst v1;
	v1 =	vmul.f32 v4, v4  }
0x1fc: {  	[tilespmem:s13+$0x1D700] =	vst v0;
	v0 =	vmul.f32 v2, v2  }
0x1fd: {  	[tilespmem:s14+$0x1D700] =	vst v1  }
0x1fe: {  	[tilespmem:s7+$0x1D700] =	vst v0  }
0x1ff: {  	s12 =	simm.s32 $0x1D780;
	s7 =	simm.s32 $0x0;
	s9 =	rddreg [dreg:$0xe]  }
0x200: {  	[hbm4b:s9+s7] =	stream.linear.scatter [tilespmem:s12], [sflag:$0x4], $0x80, $0x38;
	[tilespmem:$0x1E700] =	vst v63  }
0x201: {  	s14 =	simm.s32 $0x1D880;
	s13 =	sadd.s32 $0x80, s9  }
0x202: {  	[hbm4b:s13+s7] =	stream.linear.scatter [tilespmem:s14], [sflag:$0x4], $0x80, $0x38;
	[tilespmem:$0x1E700] =	vst v63  }
0x203: {  	s11 =	sadd.s32 $0x100, s9;
	s12 =	simm.s32 $0x1D980  }
0x204: {  	[hbm4b:s11+s7] =	stream.linear.scatter [tilespmem:s12], [sflag:$0x4], $0x80, $0x38;
	[tilespmem:$0x1E700] =	vst v63  }
0x205: {  	s13 =	sadd.s32 $0x180, s9;
	s14 =	simm.s32 $0x1DA80  }
0x206: {  	[hbm4b:s13+s7] =	stream.linear.scatter [tilespmem:s14], [sflag:$0x4], $0x80, $0x38;
	[tilespmem:$0x1E700] =	vst v63  }
0x207: {  	s11 =	sadd.s32 $0x200, s9;
	s12 =	simm.s32 $0x1DB80  }
0x208: {  	[hbm4b:s11+s7] =	stream.linear.scatter [tilespmem:s12], [sflag:$0x4], $0x80, $0x38;
	[tilespmem:$0x1E700] =	vst v63  }
0x209: {  	s13 =	sadd.s32 $0x280, s9;
	s14 =	simm.s32 $0x1DC80  }
0x20a: {  	[hbm4b:s13+s7] =	stream.linear.scatter [tilespmem:s14], [sflag:$0x4], $0x80, $0x38;
	[tilespmem:$0x1E700] =	vst v63  }
0x20b: {  	s11 =	sadd.s32 $0x300, s9;
	s12 =	simm.s32 $0x1DD80  }
0x20c: {  	[hbm4b:s11+s7] =	stream.linear.scatter [tilespmem:s12], [sflag:$0x4], $0x80, $0x38;
	[tilespmem:$0x1E700] =	vst v63  }
0x20d: {  	s13 =	sadd.s32 $0x380, s9;
	s14 =	simm.s32 $0x1DE80  }
0x20e: {  	[hbm4b:s13+s7] =	stream.linear.scatter [tilespmem:s14], [sflag:$0x4], $0x80, $0x38;
	[tilespmem:$0x1E700] =	vst v63  }
0x20f: {  	s11 =	sadd.s32 $0x400, s9;
	s12 =	simm.s32 $0x1DF80  }
0x210: {  	[hbm4b:s11+s7] =	stream.linear.scatter [tilespmem:s12], [sflag:$0x4], $0x80, $0x38;
	[tilespmem:$0x1E700] =	vst v63  }
0x211: {  	s13 =	sadd.s32 $0x480, s9;
	s14 =	simm.s32 $0x1E080  }
0x212: {  	[hbm4b:s13+s7] =	stream.linear.scatter [tilespmem:s14], [sflag:$0x4], $0x80, $0x38;
	[tilespmem:$0x1E700] =	vst v63  }
0x213: {  	s11 =	sadd.s32 $0x500, s9;
	s12 =	simm.s32 $0x1E180  }
0x214: {  	[hbm4b:s11+s7] =	stream.linear.scatter [tilespmem:s12], [sflag:$0x4], $0x80, $0x38;
	[tilespmem:$0x1E700] =	vst v63  }
0x215: {  	s13 =	sadd.s32 $0x580, s9;
	s14 =	simm.s32 $0x1E280  }
0x216: {  	[hbm4b:s13+s7] =	stream.linear.scatter [tilespmem:s14], [sflag:$0x4], $0x80, $0x38;
	[tilespmem:$0x1E700] =	vst v63  }
0x217: {  	s11 =	sadd.s32 $0x600, s9;
	s12 =	simm.s32 $0x1E380  }
0x218: {  	[hbm4b:s11+s7] =	stream.linear.scatter [tilespmem:s12], [sflag:$0x4], $0x80, $0x38;
	[tilespmem:$0x1E700] =	vst v63  }
0x219: {  	s13 =	sadd.s32 $0x680, s9;
	s14 =	simm.s32 $0x1E480  }
0x21a: {  	[hbm4b:s13+s7] =	stream.linear.scatter [tilespmem:s14], [sflag:$0x4], $0x80, $0x38;
	[tilespmem:$0x1E700] =	vst v63  }
0x21b: {  	s11 =	sadd.s32 $0x700, s9;
	s12 =	simm.s32 $0x1E580  }
0x21c: {  	[hbm4b:s11+s7] =	stream.linear.scatter [tilespmem:s12], [sflag:$0x4], $0x80, $0x38;
	[tilespmem:$0x1E700] =	vst v63  }
0x21d: {  	s13 =	sadd.s32 $0x780, s9;
	s14 =	simm.s32 $0x1E680  }
0x21e: {  	[hbm4b:s13+s7] =	stream.linear.scatter [tilespmem:s14], [sflag:$0x4], $0x80, $0x38;
	[tilespmem:$0x1E700] =	vst v63  }
0x21f: {  	s10 =	simm.s32 $0x1C780;
	s9 =	rddreg [dreg:$0xf]  }
0x220: {  	[tilespmem:s10], [sflag:$0x3] =	stream.linear.gather [hbm4b:s9+s7], $0x80, $0x38;
	[tilespmem:$0x1E700] =	vst v63  }
0x221: {  	s11 =	sadd.s32 $0x80, s9;
	s12 =	simm.s32 $0x1C880  }
0x222: {  	[tilespmem:s12], [sflag:$0x3] =	stream.linear.gather [hbm4b:s11+s7], $0x80, $0x38;
	[tilespmem:$0x1E700] =	vst v63  }
0x223: {  	s13 =	sadd.s32 $0x100, s9;
	s14 =	simm.s32 $0x1C980  }
0x224: {  	[tilespmem:s14], [sflag:$0x3] =	stream.linear.gather [hbm4b:s13+s7], $0x80, $0x38;
	[tilespmem:$0x1E700] =	vst v63  }
0x225: {  	s11 =	sadd.s32 $0x180, s9;
	s12 =	simm.s32 $0x1CA80  }
0x226: {  	[tilespmem:s12], [sflag:$0x3] =	stream.linear.gather [hbm4b:s11+s7], $0x80, $0x38;
	[tilespmem:$0x1E700] =	vst v63  }
0x227: {  	s13 =	sadd.s32 $0x200, s9;
	s14 =	simm.s32 $0x1CB80  }
0x228: {  	[tilespmem:s14], [sflag:$0x3] =	stream.linear.gather [hbm4b:s13+s7], $0x80, $0x38;
	[tilespmem:$0x1E700] =	vst v63  }
0x229: {  	s11 =	sadd.s32 $0x280, s9;
	s12 =	simm.s32 $0x1CC80  }
0x22a: {  	[tilespmem:s12], [sflag:$0x3] =	stream.linear.gather [hbm4b:s11+s7], $0x80, $0x38;
	[tilespmem:$0x1E700] =	vst v63  }
0x22b: {  	s13 =	sadd.s32 $0x300, s9;
	s14 =	simm.s32 $0x1CD80  }
0x22c: {  	[tilespmem:s14], [sflag:$0x3] =	stream.linear.gather [hbm4b:s13+s7], $0x80, $0x38;
	[tilespmem:$0x1E700] =	vst v63  }
0x22d: {  	s11 =	sadd.s32 $0x380, s9;
	s12 =	simm.s32 $0x1CE80  }
0x22e: {  	[tilespmem:s12], [sflag:$0x3] =	stream.linear.gather [hbm4b:s11+s7], $0x80, $0x38;
	[tilespmem:$0x1E700] =	vst v63  }
0x22f: {  	s13 =	sadd.s32 $0x400, s9;
	s14 =	simm.s32 $0x1CF80  }
0x230: {  	[tilespmem:s14], [sflag:$0x3] =	stream.linear.gather [hbm4b:s13+s7], $0x80, $0x38;
	[tilespmem:$0x1E700] =	vst v63  }
0x231: {  	s11 =	sadd.s32 $0x480, s9;
	s12 =	simm.s32 $0x1D080  }
0x232: {  	[tilespmem:s12], [sflag:$0x3] =	stream.linear.gather [hbm4b:s11+s7], $0x80, $0x38;
	[tilespmem:$0x1E700] =	vst v63  }
0x233: {  	s13 =	sadd.s32 $0x500, s9;
	s14 =	simm.s32 $0x1D180  }
0x234: {  	[tilespmem:s14], [sflag:$0x3] =	stream.linear.gather [hbm4b:s13+s7], $0x80, $0x38;
	[tilespmem:$0x1E700] =	vst v63  }
0x235: {  	s11 =	sadd.s32 $0x580, s9;
	s12 =	simm.s32 $0x1D280  }
0x236: {  	[tilespmem:s12], [sflag:$0x3] =	stream.linear.gather [hbm4b:s11+s7], $0x80, $0x38;
	[tilespmem:$0x1E700] =	vst v63  }
0x237: {  	s13 =	sadd.s32 $0x600, s9;
	s14 =	simm.s32 $0x1D380  }
0x238: {  	[tilespmem:s14], [sflag:$0x3] =	stream.linear.gather [hbm4b:s13+s7], $0x80, $0x38;
	[tilespmem:$0x1E700] =	vst v63  }
0x239: {  	s11 =	sadd.s32 $0x680, s9;
	s12 =	simm.s32 $0x1D480  }
0x23a: {  	[tilespmem:s12], [sflag:$0x3] =	stream.linear.gather [hbm4b:s11+s7], $0x80, $0x38;
	[tilespmem:$0x1E700] =	vst v63  }
0x23b: {  	s13 =	sadd.s32 $0x700, s9;
	s14 =	simm.s32 $0x1D580  }
0x23c: {  	[tilespmem:s14], [sflag:$0x3] =	stream.linear.gather [hbm4b:s13+s7], $0x80, $0x38;
	[tilespmem:$0x1E700] =	vst v63  }
0x23d: {  	s11 =	sadd.s32 $0x780, s9;
	s12 =	simm.s32 $0x1D680  }
0x23e: {  	[tilespmem:s12], [sflag:$0x3] =	stream.linear.gather [hbm4b:s11+s7], $0x80, $0x38;
	[tilespmem:$0x1E700] =	vst v63  }
0x23f: {  	_ =	swait.ge [sflag:s5], $0x800  }
0x240: {  	[sflag:s5] =	ssyncset.done $0x0  }
0x241: {  	[sflag:s5] =	ssyncadd.s32 $0xFFFFF800  }
0x242: {  	_ =	swait.ge [sflag:s6], $0x800  }
0x243: {  	[sflag:s6] =	ssyncset.done $0x0  }
0x244: {  	s13 =	simm.s32 $0x1A730;
	[sflag:s6] =	ssyncadd.s32 $0xFFFFF800  }
0x245: {  	v0 =	vld [tilespmem:s13+$0xFFFFFFE0]  }
0x246: {  	s14 =	simm.s32 $0x0;
	v1 =	vld [tilespmem:s13+$0xFFFFFFF0]  }
0x247: {  	s10 =	sand.u32 $0x7C0, s14;
	v6 =	vld [tilespmem:s13+$0x0]  }
0x248: {  	s11 =	simm.s32 $0x1A770;
	v7 =	vld [tilespmem:s10+$0x1A700]  }
0x249: {  	v4 =	vld [tilespmem:s11+$0xFFFFFFE0]  }
0x24a: {  	s12 =	sand.u32 $0x40, s14;
	v5 =	vld [tilespmem:s11+$0xFFFFFFF0];
	s13 =	sand.u32 $0xF00, s7  }
0x24b: {  	v3 =	vld [tilespmem:s11+$0x0];
	s8 =	sor.u32 s12, s13  }
0x24c: {  	v8 =	vld [tilespmem:s8+$0x1C700]  }
0x24d: {  	v2 =	vld.idx.msk [tilespmem:v0+s1+$0x0], $0xffff  }
0x24e: {  	v0 =	vld.idx.msk [tilespmem:v1+s1+$0x0], $0xffff  }
0x24f: {  	v1 =	vld.idx.msk [tilespmem:v6+s1+$0x0], $0xffff  }
0x250: {  	v6 =	vld.idx.msk [tilespmem:v7+s1+$0x0], $0xffff  }
0x251: {  	s9 =	simm.s32 $0x40;
	v10 =	vld [tilespmem:s8+$0x1C710]  }
0x252: {  	s14 =	sand.u32 $0x7C0, s9;
	v11 =	vld [tilespmem:s8+$0x1C720]  }
0x253: {  	v7 =	vld [tilespmem:s14+$0x1A700]  }
0x254: {  	s10 =	simm.s32 $0x1A7B0;
	v9 =	vld [tilespmem:s8+$0x1C730]  }
.LBB2_10:
0x255: {  	v12 =	vld [tilespmem:s10+$0xFFFFFFE0];
	v6 =	vsub.f32 v8, v6  }
0x256: {  	v8 =	vld [tilespmem:s10+$0xFFFFFFF0];
	v10 =	vsub.f32 v10, v2  }
0x257: {  	v13 =	vld [tilespmem:s10+$0x0];
	v6 =	vmul.f32 v6, v6;
	v11 =	vsub.f32 v11, v0  }
0x258: {  	v2 =	vld.idx.msk [tilespmem:v4+s1+$0x0], $0xffff;
	v10 =	vmul.f32 v10, v10  }
0x259: {  	s7 =	sadd.s32 $0x80, s7;
	v0 =	vld.idx.msk [tilespmem:v5+s1+$0x0], $0xffff;
	[tilespmem:s8+$0x1D700] =	vst v6;
	v11 =	vmul.f32 v11, v11;
	v9 =	vsub.f32 v9, v1  }
0x25a: {  	s11 =	sand.u32 $0x40, s9;
	s9 =	sadd.s32 $0x40, s9;
	s12 =	sand.u32 $0xF00, s7;
	v1 =	vld.idx.msk [tilespmem:v3+s1+$0x0], $0xffff;
	[tilespmem:s8+$0x1D710] =	vst v10;
	v4 =	vmov v12  }
0x25b: {  	p0 =	slt.u32 s9, $0x7C0;
	s11 =	sor.u32 s11, s12;
	v6 =	vld.idx.msk [tilespmem:v7+s1+$0x0], $0xffff;
	[tilespmem:s8+$0x1D720] =	vst v11;
	v7 =	vmul.f32 v9, v9;
	v5 =	vmov v8  }
.Ltmp4:
0x25c: {  	v8 =	vld [tilespmem:s11+$0x1C700];
	v3 =	vmov v13;
	(pc) =	sbr.rel @p0 .LBB2_10-.Ltmp4, $4  }
0x25d: {  	v10 =	vld [tilespmem:s11+$0x1C710];
	[tilespmem:s8+$0x1D730] =	vst v7;
	s8 =	smov.u32 s11  }
0x25e: {  	s11 =	sand.u32 $0x7C0, s9;
	v11 =	vld [tilespmem:s8+$0x1C720]  }
0x25f: {  	v7 =	vld [tilespmem:s11+$0x1A700]  }
0x260: {  	s10 =	sadd.s32 $0x40, s10;
	v9 =	vld [tilespmem:s8+$0x1C730]  }
0x261: {  	_ =	sdelay $0x3  }
0x262: {  	v4 =	vld.idx.msk [tilespmem:v4+s1+$0x0], $0xffff  }
0x263: {  	v5 =	vld.idx.msk [tilespmem:v5+s1+$0x0], $0xffff;
	s7 =	sadd.s32 $0x80, s7  }
0x264: {  	s9 =	sand.u32 $0x40, s9;
	v3 =	vld.idx.msk [tilespmem:v3+s1+$0x0], $0xffff;
	s7 =	sand.u32 $0xF00, s7  }
0x265: {  	s7 =	sor.u32 s9, s7;
	v7 =	vld.idx.msk [tilespmem:v7+s1+$0x0], $0xffff  }
0x266: {  	v12 =	vld [tilespmem:s7+$0x1C700]  }
0x267: {  	v6 =	vsub.f32 v8, v6;
	v8 =	vld [tilespmem:s7+$0x1C710]  }
0x268: {  	v2 =	vsub.f32 v10, v2;
	v10 =	vld [tilespmem:s7+$0x1C720]  }
0x269: {  	v6 =	vmul.f32 v6, v6;
	v0 =	vsub.f32 v11, v0;
	v11 =	vld [tilespmem:s7+$0x1C730]  }
0x26a: {  	v2 =	vmul.f32 v2, v2;
	v1 =	vsub.f32 v9, v1  }
0x26b: {  	[tilespmem:s8+$0x1D700] =	vst v6;
	v0 =	vmul.f32 v0, v0;
	v6 =	vsub.f32 v12, v7  }
0x26c: {  	[tilespmem:s8+$0x1D710] =	vst v2;
	v1 =	vmul.f32 v1, v1;
	v2 =	vsub.f32 v8, v4  }
0x26d: {  	[tilespmem:s8+$0x1D720] =	vst v0;
	v4 =	vsub.f32 v10, v5;
	v0 =	vmul.f32 v6, v6  }
0x26e: {  	[tilespmem:s8+$0x1D730] =	vst v1;
	v1 =	vmul.f32 v2, v2;
	v2 =	vsub.f32 v11, v3  }
0x26f: {  	[tilespmem:s7+$0x1D700] =	vst v0;
	v0 =	vmul.f32 v4, v4  }
0x270: {  	[tilespmem:s7+$0x1D710] =	vst v1;
	v1 =	vmul.f32 v2, v2  }
0x271: {  	[tilespmem:s7+$0x1D720] =	vst v0  }
0x272: {  	[tilespmem:s7+$0x1D730] =	vst v1  }
0x273: {  	s11 =	simm.s32 $0x1D700;
	s7 =	simm.s32 $0x0;
	s9 =	rddreg [dreg:$0x10]  }
0x274: {  	[hbm4b:s9+s7] =	stream.linear.scatter [tilespmem:s11], [sflag:$0x4], $0x80, $0x38;
	[tilespmem:$0x1E700] =	vst v63  }
0x275: {  	s10 =	simm.s32 $0x1D800;
	s12 =	sadd.s32 $0x80, s9  }
0x276: {  	[hbm4b:s12+s7] =	stream.linear.scatter [tilespmem:s10], [sflag:$0x4], $0x80, $0x38;
	[tilespmem:$0x1E700] =	vst v63  }
0x277: {  	s14 =	simm.s32 $0x1D900;
	s13 =	sadd.s32 $0x100, s9  }
0x278: {  	[hbm4b:s13+s7] =	stream.linear.scatter [tilespmem:s14], [sflag:$0x4], $0x80, $0x38;
	[tilespmem:$0x1E700] =	vst v63  }
0x279: {  	s11 =	sadd.s32 $0x180, s9;
	s12 =	simm.s32 $0x1DA00  }
0x27a: {  	[hbm4b:s11+s7] =	stream.linear.scatter [tilespmem:s12], [sflag:$0x4], $0x80, $0x38;
	[tilespmem:$0x1E700] =	vst v63  }
0x27b: {  	s13 =	sadd.s32 $0x200, s9;
	s14 =	simm.s32 $0x1DB00  }
0x27c: {  	[hbm4b:s13+s7] =	stream.linear.scatter [tilespmem:s14], [sflag:$0x4], $0x80, $0x38;
	[tilespmem:$0x1E700] =	vst v63  }
0x27d: {  	s11 =	sadd.s32 $0x280, s9;
	s12 =	simm.s32 $0x1DC00  }
0x27e: {  	[hbm4b:s11+s7] =	stream.linear.scatter [tilespmem:s12], [sflag:$0x4], $0x80, $0x38;
	[tilespmem:$0x1E700] =	vst v63  }
0x27f: {  	s13 =	sadd.s32 $0x300, s9;
	s14 =	simm.s32 $0x1DD00  }
0x280: {  	[hbm4b:s13+s7] =	stream.linear.scatter [tilespmem:s14], [sflag:$0x4], $0x80, $0x38;
	[tilespmem:$0x1E700] =	vst v63  }
0x281: {  	s11 =	sadd.s32 $0x380, s9;
	s12 =	simm.s32 $0x1DE00  }
0x282: {  	[hbm4b:s11+s7] =	stream.linear.scatter [tilespmem:s12], [sflag:$0x4], $0x80, $0x38;
	[tilespmem:$0x1E700] =	vst v63  }
0x283: {  	s13 =	sadd.s32 $0x400, s9;
	s14 =	simm.s32 $0x1DF00  }
0x284: {  	[hbm4b:s13+s7] =	stream.linear.scatter [tilespmem:s14], [sflag:$0x4], $0x80, $0x38;
	[tilespmem:$0x1E700] =	vst v63  }
0x285: {  	s11 =	sadd.s32 $0x480, s9;
	s12 =	simm.s32 $0x1E000  }
0x286: {  	[hbm4b:s11+s7] =	stream.linear.scatter [tilespmem:s12], [sflag:$0x4], $0x80, $0x38;
	[tilespmem:$0x1E700] =	vst v63  }
0x287: {  	s13 =	sadd.s32 $0x500, s9;
	s14 =	simm.s32 $0x1E100  }
0x288: {  	[hbm4b:s13+s7] =	stream.linear.scatter [tilespmem:s14], [sflag:$0x4], $0x80, $0x38;
	[tilespmem:$0x1E700] =	vst v63  }
0x289: {  	s11 =	sadd.s32 $0x580, s9;
	s12 =	simm.s32 $0x1E200  }
0x28a: {  	[hbm4b:s11+s7] =	stream.linear.scatter [tilespmem:s12], [sflag:$0x4], $0x80, $0x38;
	[tilespmem:$0x1E700] =	vst v63  }
0x28b: {  	s13 =	sadd.s32 $0x600, s9;
	s14 =	simm.s32 $0x1E300  }
0x28c: {  	[hbm4b:s13+s7] =	stream.linear.scatter [tilespmem:s14], [sflag:$0x4], $0x80, $0x38;
	[tilespmem:$0x1E700] =	vst v63  }
0x28d: {  	s11 =	sadd.s32 $0x680, s9;
	s12 =	simm.s32 $0x1E400  }
0x28e: {  	[hbm4b:s11+s7] =	stream.linear.scatter [tilespmem:s12], [sflag:$0x4], $0x80, $0x38;
	[tilespmem:$0x1E700] =	vst v63  }
0x28f: {  	s13 =	sadd.s32 $0x700, s9;
	s14 =	simm.s32 $0x1E500  }
0x290: {  	[hbm4b:s13+s7] =	stream.linear.scatter [tilespmem:s14], [sflag:$0x4], $0x80, $0x38;
	[tilespmem:$0x1E700] =	vst v63  }
0x291: {  	s10 =	sadd.s32 $0x780, s9;
	s11 =	simm.s32 $0x1E600  }
0x292: {  	[hbm4b:s10+s7] =	stream.linear.scatter [tilespmem:s11], [sflag:$0x4], $0x80, $0x38;
	[tilespmem:$0x1E700] =	vst v63  }
0x293: {  	s9 =	rddreg [dreg:$0x11]  }
0x294: {  	[tilespmem:s15], [sflag:$0x3] =	stream.linear.gather [hbm4b:s9+s7], $0x80, $0x38;
	[tilespmem:$0x1E700] =	vst v63  }
0x295: {  	s12 =	sadd.s32 $0x80, s9  }
0x296: {  	[tilespmem:s16], [sflag:$0x3] =	stream.linear.gather [hbm4b:s12+s7], $0x80, $0x38;
	[tilespmem:$0x1E700] =	vst v63  }
0x297: {  	s13 =	sadd.s32 $0x100, s9  }
0x298: {  	[tilespmem:s17], [sflag:$0x3] =	stream.linear.gather [hbm4b:s13+s7], $0x80, $0x38;
	[tilespmem:$0x1E700] =	vst v63  }
0x299: {  	s14 =	sadd.s32 $0x180, s9  }
0x29a: {  	[tilespmem:s18], [sflag:$0x3] =	stream.linear.gather [hbm4b:s14+s7], $0x80, $0x38;
	[tilespmem:$0x1E700] =	vst v63  }
0x29b: {  	s10 =	sadd.s32 $0x200, s9  }
0x29c: {  	[tilespmem:s20], [sflag:$0x3] =	stream.linear.gather [hbm4b:s10+s7], $0x80, $0x38;
	[tilespmem:$0x1E700] =	vst v63  }
0x29d: {  	s11 =	sadd.s32 $0x280, s9  }
0x29e: {  	[tilespmem:s21], [sflag:$0x3] =	stream.linear.gather [hbm4b:s11+s7], $0x80, $0x38;
	[tilespmem:$0x1E700] =	vst v63  }
0x29f: {  	s12 =	sadd.s32 $0x300, s9  }
0x2a0: {  	[tilespmem:s22], [sflag:$0x3] =	stream.linear.gather [hbm4b:s12+s7], $0x80, $0x38;
	[tilespmem:$0x1E700] =	vst v63  }
0x2a1: {  	s13 =	sadd.s32 $0x380, s9  }
0x2a2: {  	[tilespmem:s23], [sflag:$0x3] =	stream.linear.gather [hbm4b:s13+s7], $0x80, $0x38;
	[tilespmem:$0x1E700] =	vst v63  }
0x2a3: {  	s14 =	sadd.s32 $0x400, s9  }
0x2a4: {  	[tilespmem:s24], [sflag:$0x3] =	stream.linear.gather [hbm4b:s14+s7], $0x80, $0x38;
	[tilespmem:$0x1E700] =	vst v63  }
0x2a5: {  	s10 =	sadd.s32 $0x480, s9  }
0x2a6: {  	[tilespmem:s25], [sflag:$0x3] =	stream.linear.gather [hbm4b:s10+s7], $0x80, $0x38;
	[tilespmem:$0x1E700] =	vst v63  }
0x2a7: {  	s11 =	sadd.s32 $0x500, s9;
	s12 =	simm.s32 $0x1D100  }
0x2a8: {  	[tilespmem:s12], [sflag:$0x3] =	stream.linear.gather [hbm4b:s11+s7], $0x80, $0x38;
	[tilespmem:$0x1E700] =	vst v63  }
0x2a9: {  	s13 =	sadd.s32 $0x580, s9;
	s14 =	simm.s32 $0x1D200  }
0x2aa: {  	[tilespmem:s14], [sflag:$0x3] =	stream.linear.gather [hbm4b:s13+s7], $0x80, $0x38;
	[tilespmem:$0x1E700] =	vst v63  }
0x2ab: {  	s11 =	sadd.s32 $0x600, s9;
	s12 =	simm.s32 $0x1D300  }
0x2ac: {  	[tilespmem:s12], [sflag:$0x3] =	stream.linear.gather [hbm4b:s11+s7], $0x80, $0x38;
	[tilespmem:$0x1E700] =	vst v63  }
0x2ad: {  	s13 =	sadd.s32 $0x680, s9;
	s14 =	simm.s32 $0x1D400  }
0x2ae: {  	[tilespmem:s14], [sflag:$0x3] =	stream.linear.gather [hbm4b:s13+s7], $0x80, $0x38;
	[tilespmem:$0x1E700] =	vst v63  }
0x2af: {  	s11 =	sadd.s32 $0x700, s9;
	s12 =	simm.s32 $0x1D500  }
0x2b0: {  	[tilespmem:s12], [sflag:$0x3] =	stream.linear.gather [hbm4b:s11+s7], $0x80, $0x38;
	[tilespmem:$0x1E700] =	vst v63  }
0x2b1: {  	s13 =	sadd.s32 $0x780, s9;
	s14 =	simm.s32 $0x1D600  }
0x2b2: {  	[tilespmem:s14], [sflag:$0x3] =	stream.linear.gather [hbm4b:s13+s7], $0x80, $0x38;
	[tilespmem:$0x1E700] =	vst v63  }
0x2b3: {  	_ =	swait.ge [sflag:s5], $0x800  }
0x2b4: {  	[sflag:s5] =	ssyncset.done $0x0  }
0x2b5: {  	[sflag:s5] =	ssyncadd.s32 $0xFFFFF800  }
0x2b6: {  	_ =	swait.ge [sflag:s6], $0x800  }
0x2b7: {  	[sflag:s6] =	ssyncset.done $0x0  }
0x2b8: {  	s10 =	simm.s32 $0x1AF30;
	[sflag:s6] =	ssyncadd.s32 $0xFFFFF800  }
0x2b9: {  	v0 =	vld [tilespmem:s10+$0xFFFFFFE0]  }
0x2ba: {  	s11 =	simm.s32 $0x0;
	v1 =	vld [tilespmem:s10+$0xFFFFFFF0]  }
0x2bb: {  	p0 =	por $0x0, $0x0;
	s8 =	simm.s32 $0x1;
	s12 =	sand.u32 $0x7C0, s11;
	v6 =	vld [tilespmem:s10+$0x0]  }
0x2bc: {  	s8 =	simm.s32 @!p0 $0x0;
	s13 =	simm.s32 $0x1AF70;
	v7 =	vld [tilespmem:s12+$0x1AF00]  }
0x2bd: {  	s8 =	sshll.u32 s8, $0x6;
	v4 =	vld [tilespmem:s13+$0xFFFFFFE0]  }
0x2be: {  	s14 =	sadd.s32 $0x0, s8;
	v5 =	vld [tilespmem:s13+$0xFFFFFFF0]  }
0x2bf: {  	s11 =	sor.u32 $0x80, s14;
	v3 =	vld [tilespmem:s13+$0x0]  }
0x2c0: {  	s8 =	sor.u32 $0xA0, s14;
	v9 =	vld [tilespmem:s11+$0x1C700]  }
0x2c1: {  	v11 =	vld [tilespmem:s8+$0x1C700]  }
0x2c2: {  	v2 =	vld.idx.msk [tilespmem:v0+s1+$0x0], $0xffff  }
0x2c3: {  	v0 =	vld.idx.msk [tilespmem:v6+s1+$0x0], $0xffff  }
0x2c4: {  	s10 =	sor.u32 $0x90, s14;
	v6 =	vld.idx.msk [tilespmem:v7+s1+$0x0], $0xffff  }
0x2c5: {  	s12 =	simm.s32 $0x40;
	v10 =	vld [tilespmem:s10+$0x1C700]  }
0x2c6: {  	s13 =	sand.u32 $0x7C0, s12;
	v1 =	vld.idx.msk [tilespmem:v1+s1+$0x0], $0xffff  }
0x2c7: {  	s9 =	sor.u32 $0xB0, s14;
	v7 =	vld [tilespmem:s13+$0x1AF00]  }
0x2c8: {  	v8 =	vld [tilespmem:s9+$0x1C700];
	s13 =	simm.s32 $0x1AFB0  }
.LBB2_12:
0x2c9: {  	v12 =	vld [tilespmem:s13+$0xFFFFFFE0];
	v6 =	vsub.f32 v9, v6  }
0x2ca: {  	v9 =	vld [tilespmem:s13+$0xFFFFFFF0];
	v10 =	vsub.f32 v10, v2  }
0x2cb: {  	p0 =	por !p0, !p0;
	s14 =	simm.s32 $0x1;
	v13 =	vld [tilespmem:s13+$0x0];
	v6 =	vmul.f32 v6, v6;
	v11 =	vsub.f32 v11, v1  }
0x2cc: {  	s14 =	simm.s32 @!p0 $0x0;
	v2 =	vld.idx.msk [tilespmem:v4+s1+$0x0], $0xffff;
	v10 =	vmul.f32 v10, v10  }
0x2cd: {  	s7 =	sadd.s32 $0x80, s7;
	s12 =	sadd.s32 $0x40, s12;
	s14 =	sshll.u32 s14, $0x6;
	v1 =	vld.idx.msk [tilespmem:v5+s1+$0x0], $0xffff;
	[tilespmem:s11+$0x1D700] =	vst v6;
	v11 =	vmul.f32 v11, v11;
	v8 =	vsub.f32 v8, v0  }
0x2ce: {  	p1 =	slt.u32 s12, $0x7C0;
	s14 =	sadd.s32 s14, s7;
	v0 =	vld.idx.msk [tilespmem:v3+s1+$0x0], $0xffff;
	[tilespmem:s10+$0x1D700] =	vst v10;
	v4 =	vmov v12  }
0x2cf: {  	s11 =	sor.u32 $0x80, s14;
	s10 =	sor.u32 $0x90, s14;
	v6 =	vld.idx.msk [tilespmem:v7+s1+$0x0], $0xffff;
	[tilespmem:s8+$0x1D700] =	vst v11;
	s8 =	sor.u32 $0xA0, s14;
	v7 =	vmul.f32 v8, v8;
	v5 =	vmov v9  }
.Ltmp5:
0x2d0: {  	s14 =	sor.u32 $0xB0, s14;
	v9 =	vld [tilespmem:s11+$0x1C700];
	v3 =	vmov v13;
	(pc) =	sbr.rel @p1 .LBB2_12-.Ltmp5, $4  }
0x2d1: {  	v10 =	vld [tilespmem:s10+$0x1C700];
	[tilespmem:s9+$0x1D700] =	vst v7;
	s9 =	smov.u32 s14  }
0x2d2: {  	s14 =	sand.u32 $0x7C0, s12;
	v11 =	vld [tilespmem:s8+$0x1C700]  }
0x2d3: {  	v7 =	vld [tilespmem:s14+$0x1AF00]  }
0x2d4: {  	s13 =	sadd.s32 $0x40, s13;
	v8 =	vld [tilespmem:s9+$0x1C700]  }
0x2d5: {  	_ =	sdelay $0x2  }
0x2d6: {  	p0 =	por !p0, !p0;
	s12 =	simm.s32 $0x1  }
0x2d7: {  	v4 =	vld.idx.msk [tilespmem:v4+s1+$0x0], $0xffff;
	s12 =	simm.s32 @!p0 $0x0  }
0x2d8: {  	v5 =	vld.idx.msk [tilespmem:v5+s1+$0x0], $0xffff;
	s7 =	sadd.s32 $0x80, s7;
	s12 =	sshll.u32 s12, $0x6  }
0x2d9: {  	v3 =	vld.idx.msk [tilespmem:v3+s1+$0x0], $0xffff;
	s7 =	sadd.s32 s12, s7  }
0x2da: {  	v7 =	vld.idx.msk [tilespmem:v7+s1+$0x0], $0xffff;
	s12 =	sor.u32 $0x80, s7  }
0x2db: {  	s13 =	sor.u32 $0x90, s7;
	v12 =	vld [tilespmem:s12+$0x1C700]  }
0x2dc: {  	v6 =	vsub.f32 v9, v6;
	s14 =	sor.u32 $0xA0, s7;
	v9 =	vld [tilespmem:s13+$0x1C700]  }
0x2dd: {  	v2 =	vsub.f32 v10, v2;
	s7 =	sor.u32 $0xB0, s7;
	v10 =	vld [tilespmem:s14+$0x1C700]  }
0x2de: {  	v6 =	vmul.f32 v6, v6;
	v1 =	vsub.f32 v11, v1;
	v11 =	vld [tilespmem:s7+$0x1C700]  }
0x2df: {  	v2 =	vmul.f32 v2, v2;
	v0 =	vsub.f32 v8, v0  }
0x2e0: {  	[tilespmem:s11+$0x1D700] =	vst v6;
	v1 =	vmul.f32 v1, v1;
	v6 =	vsub.f32 v12, v7  }
0x2e1: {  	[tilespmem:s10+$0x1D700] =	vst v2;
	v0 =	vmul.f32 v0, v0;
	v2 =	vsub.f32 v9, v4  }
0x2e2: {  	[tilespmem:s8+$0x1D700] =	vst v1;
	v4 =	vsub.f32 v10, v5;
	v1 =	vmul.f32 v6, v6  }
0x2e3: {  	[tilespmem:s9+$0x1D700] =	vst v0;
	v0 =	vmul.f32 v2, v2;
	v2 =	vsub.f32 v11, v3  }
0x2e4: {  	[tilespmem:s12+$0x1D700] =	vst v1;
	v1 =	vmul.f32 v4, v4  }
0x2e5: {  	[tilespmem:s13+$0x1D700] =	vst v0;
	v0 =	vmul.f32 v2, v2  }
0x2e6: {  	[tilespmem:s14+$0x1D700] =	vst v1  }
0x2e7: {  	[tilespmem:s7+$0x1D700] =	vst v0  }
0x2e8: {  	s12 =	simm.s32 $0x1D780;
	s7 =	simm.s32 $0x0;
	s9 =	rddreg [dreg:$0x12]  }
0x2e9: {  	[hbm4b:s9+s7] =	stream.linear.scatter [tilespmem:s12], [sflag:$0x4], $0x80, $0x38;
	[tilespmem:$0x1E700] =	vst v63  }
0x2ea: {  	s14 =	simm.s32 $0x1D880;
	s13 =	sadd.s32 $0x80, s9  }
0x2eb: {  	[hbm4b:s13+s7] =	stream.linear.scatter [tilespmem:s14], [sflag:$0x4], $0x80, $0x38;
	[tilespmem:$0x1E700] =	vst v63  }
0x2ec: {  	s11 =	sadd.s32 $0x100, s9;
	s12 =	simm.s32 $0x1D980  }
0x2ed: {  	[hbm4b:s11+s7] =	stream.linear.scatter [tilespmem:s12], [sflag:$0x4], $0x80, $0x38;
	[tilespmem:$0x1E700] =	vst v63  }
0x2ee: {  	s13 =	sadd.s32 $0x180, s9;
	s14 =	simm.s32 $0x1DA80  }
0x2ef: {  	[hbm4b:s13+s7] =	stream.linear.scatter [tilespmem:s14], [sflag:$0x4], $0x80, $0x38;
	[tilespmem:$0x1E700] =	vst v63  }
0x2f0: {  	s11 =	sadd.s32 $0x200, s9;
	s12 =	simm.s32 $0x1DB80  }
0x2f1: {  	[hbm4b:s11+s7] =	stream.linear.scatter [tilespmem:s12], [sflag:$0x4], $0x80, $0x38;
	[tilespmem:$0x1E700] =	vst v63  }
0x2f2: {  	s13 =	sadd.s32 $0x280, s9;
	s14 =	simm.s32 $0x1DC80  }
0x2f3: {  	[hbm4b:s13+s7] =	stream.linear.scatter [tilespmem:s14], [sflag:$0x4], $0x80, $0x38;
	[tilespmem:$0x1E700] =	vst v63  }
0x2f4: {  	s11 =	sadd.s32 $0x300, s9;
	s12 =	simm.s32 $0x1DD80  }
0x2f5: {  	[hbm4b:s11+s7] =	stream.linear.scatter [tilespmem:s12], [sflag:$0x4], $0x80, $0x38;
	[tilespmem:$0x1E700] =	vst v63  }
0x2f6: {  	s13 =	sadd.s32 $0x380, s9;
	s14 =	simm.s32 $0x1DE80  }
0x2f7: {  	[hbm4b:s13+s7] =	stream.linear.scatter [tilespmem:s14], [sflag:$0x4], $0x80, $0x38;
	[tilespmem:$0x1E700] =	vst v63  }
0x2f8: {  	s11 =	sadd.s32 $0x400, s9;
	s12 =	simm.s32 $0x1DF80  }
0x2f9: {  	[hbm4b:s11+s7] =	stream.linear.scatter [tilespmem:s12], [sflag:$0x4], $0x80, $0x38;
	[tilespmem:$0x1E700] =	vst v63  }
0x2fa: {  	s13 =	sadd.s32 $0x480, s9;
	s14 =	simm.s32 $0x1E080  }
0x2fb: {  	[hbm4b:s13+s7] =	stream.linear.scatter [tilespmem:s14], [sflag:$0x4], $0x80, $0x38;
	[tilespmem:$0x1E700] =	vst v63  }
0x2fc: {  	s11 =	sadd.s32 $0x500, s9;
	s12 =	simm.s32 $0x1E180  }
0x2fd: {  	[hbm4b:s11+s7] =	stream.linear.scatter [tilespmem:s12], [sflag:$0x4], $0x80, $0x38;
	[tilespmem:$0x1E700] =	vst v63  }
0x2fe: {  	s13 =	sadd.s32 $0x580, s9;
	s14 =	simm.s32 $0x1E280  }
0x2ff: {  	[hbm4b:s13+s7] =	stream.linear.scatter [tilespmem:s14], [sflag:$0x4], $0x80, $0x38;
	[tilespmem:$0x1E700] =	vst v63  }
0x300: {  	s11 =	sadd.s32 $0x600, s9;
	s12 =	simm.s32 $0x1E380  }
0x301: {  	[hbm4b:s11+s7] =	stream.linear.scatter [tilespmem:s12], [sflag:$0x4], $0x80, $0x38;
	[tilespmem:$0x1E700] =	vst v63  }
0x302: {  	s13 =	sadd.s32 $0x680, s9;
	s14 =	simm.s32 $0x1E480  }
0x303: {  	[hbm4b:s13+s7] =	stream.linear.scatter [tilespmem:s14], [sflag:$0x4], $0x80, $0x38;
	[tilespmem:$0x1E700] =	vst v63  }
0x304: {  	s11 =	sadd.s32 $0x700, s9;
	s12 =	simm.s32 $0x1E580  }
0x305: {  	[hbm4b:s11+s7] =	stream.linear.scatter [tilespmem:s12], [sflag:$0x4], $0x80, $0x38;
	[tilespmem:$0x1E700] =	vst v63  }
0x306: {  	s13 =	sadd.s32 $0x780, s9;
	s14 =	simm.s32 $0x1E680  }
0x307: {  	[hbm4b:s13+s7] =	stream.linear.scatter [tilespmem:s14], [sflag:$0x4], $0x80, $0x38;
	[tilespmem:$0x1E700] =	vst v63  }
0x308: {  	s10 =	simm.s32 $0x1C780;
	s9 =	rddreg [dreg:$0x13]  }
0x309: {  	[tilespmem:s10], [sflag:$0x3] =	stream.linear.gather [hbm4b:s9+s7], $0x80, $0x38;
	[tilespmem:$0x1E700] =	vst v63  }
0x30a: {  	s11 =	sadd.s32 $0x80, s9;
	s12 =	simm.s32 $0x1C880  }
0x30b: {  	[tilespmem:s12], [sflag:$0x3] =	stream.linear.gather [hbm4b:s11+s7], $0x80, $0x38;
	[tilespmem:$0x1E700] =	vst v63  }
0x30c: {  	s13 =	sadd.s32 $0x100, s9;
	s14 =	simm.s32 $0x1C980  }
0x30d: {  	[tilespmem:s14], [sflag:$0x3] =	stream.linear.gather [hbm4b:s13+s7], $0x80, $0x38;
	[tilespmem:$0x1E700] =	vst v63  }
0x30e: {  	s11 =	sadd.s32 $0x180, s9;
	s12 =	simm.s32 $0x1CA80  }
0x30f: {  	[tilespmem:s12], [sflag:$0x3] =	stream.linear.gather [hbm4b:s11+s7], $0x80, $0x38;
	[tilespmem:$0x1E700] =	vst v63  }
0x310: {  	s13 =	sadd.s32 $0x200, s9;
	s14 =	simm.s32 $0x1CB80  }
0x311: {  	[tilespmem:s14], [sflag:$0x3] =	stream.linear.gather [hbm4b:s13+s7], $0x80, $0x38;
	[tilespmem:$0x1E700] =	vst v63  }
0x312: {  	s11 =	sadd.s32 $0x280, s9;
	s12 =	simm.s32 $0x1CC80  }
0x313: {  	[tilespmem:s12], [sflag:$0x3] =	stream.linear.gather [hbm4b:s11+s7], $0x80, $0x38;
	[tilespmem:$0x1E700] =	vst v63  }
0x314: {  	s13 =	sadd.s32 $0x300, s9;
	s14 =	simm.s32 $0x1CD80  }
0x315: {  	[tilespmem:s14], [sflag:$0x3] =	stream.linear.gather [hbm4b:s13+s7], $0x80, $0x38;
	[tilespmem:$0x1E700] =	vst v63  }
0x316: {  	s11 =	sadd.s32 $0x380, s9;
	s12 =	simm.s32 $0x1CE80  }
0x317: {  	[tilespmem:s12], [sflag:$0x3] =	stream.linear.gather [hbm4b:s11+s7], $0x80, $0x38;
	[tilespmem:$0x1E700] =	vst v63  }
0x318: {  	s13 =	sadd.s32 $0x400, s9;
	s14 =	simm.s32 $0x1CF80  }
0x319: {  	[tilespmem:s14], [sflag:$0x3] =	stream.linear.gather [hbm4b:s13+s7], $0x80, $0x38;
	[tilespmem:$0x1E700] =	vst v63  }
0x31a: {  	s11 =	sadd.s32 $0x480, s9;
	s12 =	simm.s32 $0x1D080  }
0x31b: {  	[tilespmem:s12], [sflag:$0x3] =	stream.linear.gather [hbm4b:s11+s7], $0x80, $0x38;
	[tilespmem:$0x1E700] =	vst v63  }
0x31c: {  	s13 =	sadd.s32 $0x500, s9;
	s14 =	simm.s32 $0x1D180  }
0x31d: {  	[tilespmem:s14], [sflag:$0x3] =	stream.linear.gather [hbm4b:s13+s7], $0x80, $0x38;
	[tilespmem:$0x1E700] =	vst v63  }
0x31e: {  	s11 =	sadd.s32 $0x580, s9;
	s12 =	simm.s32 $0x1D280  }
0x31f: {  	[tilespmem:s12], [sflag:$0x3] =	stream.linear.gather [hbm4b:s11+s7], $0x80, $0x38;
	[tilespmem:$0x1E700] =	vst v63  }
0x320: {  	s13 =	sadd.s32 $0x600, s9;
	s14 =	simm.s32 $0x1D380  }
0x321: {  	[tilespmem:s14], [sflag:$0x3] =	stream.linear.gather [hbm4b:s13+s7], $0x80, $0x38;
	[tilespmem:$0x1E700] =	vst v63  }
0x322: {  	s11 =	sadd.s32 $0x680, s9;
	s12 =	simm.s32 $0x1D480  }
0x323: {  	[tilespmem:s12], [sflag:$0x3] =	stream.linear.gather [hbm4b:s11+s7], $0x80, $0x38;
	[tilespmem:$0x1E700] =	vst v63  }
0x324: {  	s13 =	sadd.s32 $0x700, s9;
	s14 =	simm.s32 $0x1D580  }
0x325: {  	[tilespmem:s14], [sflag:$0x3] =	stream.linear.gather [hbm4b:s13+s7], $0x80, $0x38;
	[tilespmem:$0x1E700] =	vst v63  }
0x326: {  	s11 =	sadd.s32 $0x780, s9;
	s12 =	simm.s32 $0x1D680  }
0x327: {  	[tilespmem:s12], [sflag:$0x3] =	stream.linear.gather [hbm4b:s11+s7], $0x80, $0x38;
	[tilespmem:$0x1E700] =	vst v63  }
0x328: {  	_ =	swait.ge [sflag:s5], $0x800  }
0x329: {  	[sflag:s5] =	ssyncset.done $0x0  }
0x32a: {  	[sflag:s5] =	ssyncadd.s32 $0xFFFFF800  }
0x32b: {  	_ =	swait.ge [sflag:s6], $0x800  }
0x32c: {  	[sflag:s6] =	ssyncset.done $0x0  }
0x32d: {  	s13 =	simm.s32 $0x1B730;
	[sflag:s6] =	ssyncadd.s32 $0xFFFFF800  }
0x32e: {  	v0 =	vld [tilespmem:s13+$0xFFFFFFE0]  }
0x32f: {  	s14 =	simm.s32 $0x0;
	v1 =	vld [tilespmem:s13+$0xFFFFFFF0]  }
0x330: {  	s10 =	sand.u32 $0x7C0, s14;
	v6 =	vld [tilespmem:s13+$0x0]  }
0x331: {  	s11 =	simm.s32 $0x1B770;
	v7 =	vld [tilespmem:s10+$0x1B700]  }
0x332: {  	v4 =	vld [tilespmem:s11+$0xFFFFFFE0]  }
0x333: {  	s12 =	sand.u32 $0x40, s14;
	v5 =	vld [tilespmem:s11+$0xFFFFFFF0];
	s13 =	sand.u32 $0xF00, s7  }
0x334: {  	v3 =	vld [tilespmem:s11+$0x0];
	s8 =	sor.u32 s12, s13  }
0x335: {  	v8 =	vld [tilespmem:s8+$0x1C700]  }
0x336: {  	v2 =	vld.idx.msk [tilespmem:v0+s1+$0x0], $0xffff  }
0x337: {  	v0 =	vld.idx.msk [tilespmem:v1+s1+$0x0], $0xffff  }
0x338: {  	v1 =	vld.idx.msk [tilespmem:v6+s1+$0x0], $0xffff  }
0x339: {  	v6 =	vld.idx.msk [tilespmem:v7+s1+$0x0], $0xffff  }
0x33a: {  	s9 =	simm.s32 $0x40;
	v10 =	vld [tilespmem:s8+$0x1C710]  }
0x33b: {  	s14 =	sand.u32 $0x7C0, s9;
	v11 =	vld [tilespmem:s8+$0x1C720]  }
0x33c: {  	v7 =	vld [tilespmem:s14+$0x1B700]  }
0x33d: {  	s10 =	simm.s32 $0x1B7B0;
	v9 =	vld [tilespmem:s8+$0x1C730]  }
.LBB2_14:
0x33e: {  	v12 =	vld [tilespmem:s10+$0xFFFFFFE0];
	v6 =	vsub.f32 v8, v6  }
0x33f: {  	v8 =	vld [tilespmem:s10+$0xFFFFFFF0];
	v10 =	vsub.f32 v10, v2  }
0x340: {  	v13 =	vld [tilespmem:s10+$0x0];
	v6 =	vmul.f32 v6, v6;
	v11 =	vsub.f32 v11, v0  }
0x341: {  	v2 =	vld.idx.msk [tilespmem:v4+s1+$0x0], $0xffff;
	v10 =	vmul.f32 v10, v10  }
0x342: {  	s7 =	sadd.s32 $0x80, s7;
	v0 =	vld.idx.msk [tilespmem:v5+s1+$0x0], $0xffff;
	[tilespmem:s8+$0x1D700] =	vst v6;
	v11 =	vmul.f32 v11, v11;
	v9 =	vsub.f32 v9, v1  }
0x343: {  	s11 =	sand.u32 $0x40, s9;
	s9 =	sadd.s32 $0x40, s9;
	s12 =	sand.u32 $0xF00, s7;
	v1 =	vld.idx.msk [tilespmem:v3+s1+$0x0], $0xffff;
	[tilespmem:s8+$0x1D710] =	vst v10;
	v4 =	vmov v12  }
0x344: {  	p0 =	slt.u32 s9, $0x7C0;
	s11 =	sor.u32 s11, s12;
	v6 =	vld.idx.msk [tilespmem:v7+s1+$0x0], $0xffff;
	[tilespmem:s8+$0x1D720] =	vst v11;
	v7 =	vmul.f32 v9, v9;
	v5 =	vmov v8  }
.Ltmp6:
0x345: {  	v8 =	vld [tilespmem:s11+$0x1C700];
	v3 =	vmov v13;
	(pc) =	sbr.rel @p0 .LBB2_14-.Ltmp6, $4  }
0x346: {  	v10 =	vld [tilespmem:s11+$0x1C710];
	[tilespmem:s8+$0x1D730] =	vst v7;
	s8 =	smov.u32 s11  }
0x347: {  	s11 =	sand.u32 $0x7C0, s9;
	v11 =	vld [tilespmem:s8+$0x1C720]  }
0x348: {  	v7 =	vld [tilespmem:s11+$0x1B700]  }
0x349: {  	s10 =	sadd.s32 $0x40, s10;
	v9 =	vld [tilespmem:s8+$0x1C730]  }
0x34a: {  	_ =	sdelay $0x3  }
0x34b: {  	v4 =	vld.idx.msk [tilespmem:v4+s1+$0x0], $0xffff  }
0x34c: {  	v5 =	vld.idx.msk [tilespmem:v5+s1+$0x0], $0xffff;
	s7 =	sadd.s32 $0x80, s7  }
0x34d: {  	s9 =	sand.u32 $0x40, s9;
	v3 =	vld.idx.msk [tilespmem:v3+s1+$0x0], $0xffff;
	s7 =	sand.u32 $0xF00, s7  }
0x34e: {  	s7 =	sor.u32 s9, s7;
	v7 =	vld.idx.msk [tilespmem:v7+s1+$0x0], $0xffff  }
0x34f: {  	v12 =	vld [tilespmem:s7+$0x1C700]  }
0x350: {  	v6 =	vsub.f32 v8, v6;
	v8 =	vld [tilespmem:s7+$0x1C710]  }
0x351: {  	v2 =	vsub.f32 v10, v2;
	v10 =	vld [tilespmem:s7+$0x1C720]  }
0x352: {  	v6 =	vmul.f32 v6, v6;
	v0 =	vsub.f32 v11, v0;
	v11 =	vld [tilespmem:s7+$0x1C730]  }
0x353: {  	v2 =	vmul.f32 v2, v2;
	v1 =	vsub.f32 v9, v1  }
0x354: {  	[tilespmem:s8+$0x1D700] =	vst v6;
	v0 =	vmul.f32 v0, v0;
	v6 =	vsub.f32 v12, v7  }
0x355: {  	[tilespmem:s8+$0x1D710] =	vst v2;
	v1 =	vmul.f32 v1, v1;
	v2 =	vsub.f32 v8, v4  }
0x356: {  	[tilespmem:s8+$0x1D720] =	vst v0;
	v4 =	vsub.f32 v10, v5;
	v0 =	vmul.f32 v6, v6  }
0x357: {  	[tilespmem:s8+$0x1D730] =	vst v1;
	v1 =	vmul.f32 v2, v2;
	v2 =	vsub.f32 v11, v3  }
0x358: {  	[tilespmem:s7+$0x1D700] =	vst v0;
	v0 =	vmul.f32 v4, v4  }
0x359: {  	[tilespmem:s7+$0x1D710] =	vst v1;
	v1 =	vmul.f32 v2, v2  }
0x35a: {  	[tilespmem:s7+$0x1D720] =	vst v0  }
0x35b: {  	[tilespmem:s7+$0x1D730] =	vst v1  }
0x35c: {  	s13 =	simm.s32 $0x1D700;
	s7 =	simm.s32 $0x0;
	s9 =	rddreg [dreg:$0x14]  }
0x35d: {  	[hbm4b:s9+s7] =	stream.linear.scatter [tilespmem:s13], [sflag:$0x4], $0x80, $0x38;
	[tilespmem:$0x1E700] =	vst v63  }
0x35e: {  	s10 =	simm.s32 $0x1D800;
	s14 =	sadd.s32 $0x80, s9  }
0x35f: {  	[hbm4b:s14+s7] =	stream.linear.scatter [tilespmem:s10], [sflag:$0x4], $0x80, $0x38;
	[tilespmem:$0x1E700] =	vst v63  }
0x360: {  	s12 =	simm.s32 $0x1D900;
	s11 =	sadd.s32 $0x100, s9  }
0x361: {  	[hbm4b:s11+s7] =	stream.linear.scatter [tilespmem:s12], [sflag:$0x4], $0x80, $0x38;
	[tilespmem:$0x1E700] =	vst v63  }
0x362: {  	s13 =	sadd.s32 $0x180, s9;
	s14 =	simm.s32 $0x1DA00  }
0x363: {  	[hbm4b:s13+s7] =	stream.linear.scatter [tilespmem:s14], [sflag:$0x4], $0x80, $0x38;
	[tilespmem:$0x1E700] =	vst v63  }
0x364: {  	s11 =	sadd.s32 $0x200, s9;
	s12 =	simm.s32 $0x1DB00  }
0x365: {  	[hbm4b:s11+s7] =	stream.linear.scatter [tilespmem:s12], [sflag:$0x4], $0x80, $0x38;
	[tilespmem:$0x1E700] =	vst v63  }
0x366: {  	s13 =	sadd.s32 $0x280, s9;
	s14 =	simm.s32 $0x1DC00  }
0x367: {  	[hbm4b:s13+s7] =	stream.linear.scatter [tilespmem:s14], [sflag:$0x4], $0x80, $0x38;
	[tilespmem:$0x1E700] =	vst v63  }
0x368: {  	s11 =	sadd.s32 $0x300, s9;
	s12 =	simm.s32 $0x1DD00  }
0x369: {  	[hbm4b:s11+s7] =	stream.linear.scatter [tilespmem:s12], [sflag:$0x4], $0x80, $0x38;
	[tilespmem:$0x1E700] =	vst v63  }
0x36a: {  	s13 =	sadd.s32 $0x380, s9;
	s14 =	simm.s32 $0x1DE00  }
0x36b: {  	[hbm4b:s13+s7] =	stream.linear.scatter [tilespmem:s14], [sflag:$0x4], $0x80, $0x38;
	[tilespmem:$0x1E700] =	vst v63  }
0x36c: {  	s11 =	sadd.s32 $0x400, s9;
	s12 =	simm.s32 $0x1DF00  }
0x36d: {  	[hbm4b:s11+s7] =	stream.linear.scatter [tilespmem:s12], [sflag:$0x4], $0x80, $0x38;
	[tilespmem:$0x1E700] =	vst v63  }
0x36e: {  	s13 =	sadd.s32 $0x480, s9;
	s14 =	simm.s32 $0x1E000  }
0x36f: {  	[hbm4b:s13+s7] =	stream.linear.scatter [tilespmem:s14], [sflag:$0x4], $0x80, $0x38;
	[tilespmem:$0x1E700] =	vst v63  }
0x370: {  	s11 =	sadd.s32 $0x500, s9;
	s12 =	simm.s32 $0x1E100  }
0x371: {  	[hbm4b:s11+s7] =	stream.linear.scatter [tilespmem:s12], [sflag:$0x4], $0x80, $0x38;
	[tilespmem:$0x1E700] =	vst v63  }
0x372: {  	s13 =	sadd.s32 $0x580, s9;
	s14 =	simm.s32 $0x1E200  }
0x373: {  	[hbm4b:s13+s7] =	stream.linear.scatter [tilespmem:s14], [sflag:$0x4], $0x80, $0x38;
	[tilespmem:$0x1E700] =	vst v63  }
0x374: {  	s11 =	sadd.s32 $0x600, s9;
	s12 =	simm.s32 $0x1E300  }
0x375: {  	[hbm4b:s11+s7] =	stream.linear.scatter [tilespmem:s12], [sflag:$0x4], $0x80, $0x38;
	[tilespmem:$0x1E700] =	vst v63  }
0x376: {  	s13 =	sadd.s32 $0x680, s9;
	s14 =	simm.s32 $0x1E400  }
0x377: {  	[hbm4b:s13+s7] =	stream.linear.scatter [tilespmem:s14], [sflag:$0x4], $0x80, $0x38;
	[tilespmem:$0x1E700] =	vst v63  }
0x378: {  	s11 =	sadd.s32 $0x700, s9;
	s12 =	simm.s32 $0x1E500  }
0x379: {  	[hbm4b:s11+s7] =	stream.linear.scatter [tilespmem:s12], [sflag:$0x4], $0x80, $0x38;
	[tilespmem:$0x1E700] =	vst v63  }
0x37a: {  	s13 =	sadd.s32 $0x780, s9;
	s14 =	simm.s32 $0x1E600  }
0x37b: {  	[hbm4b:s13+s7] =	stream.linear.scatter [tilespmem:s14], [sflag:$0x4], $0x80, $0x38;
	[tilespmem:$0x1E700] =	vst v63  }
0x37c: {  	_ =	swait.ge [sflag:s5], $0x800  }
0x37d: {  	[sflag:s5] =	ssyncset.done $0x0  }
0x37e: {  	[sflag:s5] =	ssyncadd.s32 $0xFFFFF800  }
0x37f: {  	_ =	swait.ge [sflag:s6], $0x800  }
0x380: {  	[sflag:s6] =	ssyncset.done $0x0  }
0x381: {  	s10 =	simm.s32 $0x1BF30;
	[sflag:s6] =	ssyncadd.s32 $0xFFFFF800  }
0x382: {  	v0 =	vld [tilespmem:s10+$0xFFFFFFE0]  }
0x383: {  	s11 =	simm.s32 $0x0;
	v1 =	vld [tilespmem:s10+$0xFFFFFFF0]  }
0x384: {  	p0 =	por $0x0, $0x0;
	s8 =	simm.s32 $0x1;
	s12 =	sand.u32 $0x7C0, s11;
	v6 =	vld [tilespmem:s10+$0x0]  }
0x385: {  	s8 =	simm.s32 @!p0 $0x0;
	s13 =	simm.s32 $0x1BF70;
	v7 =	vld [tilespmem:s12+$0x1BF00]  }
0x386: {  	s8 =	sshll.u32 s8, $0x6;
	v4 =	vld [tilespmem:s13+$0xFFFFFFE0]  }
0x387: {  	s14 =	sadd.s32 $0x0, s8;
	v5 =	vld [tilespmem:s13+$0xFFFFFFF0]  }
0x388: {  	s11 =	sor.u32 $0x80, s14;
	v3 =	vld [tilespmem:s13+$0x0]  }
0x389: {  	s8 =	sor.u32 $0xA0, s14;
	v9 =	vld [tilespmem:s11+$0x1C700]  }
0x38a: {  	v11 =	vld [tilespmem:s8+$0x1C700]  }
0x38b: {  	v2 =	vld.idx.msk [tilespmem:v0+s1+$0x0], $0xffff  }
0x38c: {  	v0 =	vld.idx.msk [tilespmem:v6+s1+$0x0], $0xffff  }
0x38d: {  	s10 =	sor.u32 $0x90, s14;
	v6 =	vld.idx.msk [tilespmem:v7+s1+$0x0], $0xffff  }
0x38e: {  	s12 =	simm.s32 $0x40;
	v10 =	vld [tilespmem:s10+$0x1C700]  }
0x38f: {  	s13 =	sand.u32 $0x7C0, s12;
	v1 =	vld.idx.msk [tilespmem:v1+s1+$0x0], $0xffff  }
0x390: {  	s9 =	sor.u32 $0xB0, s14;
	v7 =	vld [tilespmem:s13+$0x1BF00]  }
0x391: {  	v8 =	vld [tilespmem:s9+$0x1C700];
	s13 =	simm.s32 $0x1BFB0  }
.LBB2_16:
0x392: {  	v12 =	vld [tilespmem:s13+$0xFFFFFFE0];
	v6 =	vsub.f32 v9, v6  }
0x393: {  	v9 =	vld [tilespmem:s13+$0xFFFFFFF0];
	v10 =	vsub.f32 v10, v2  }
0x394: {  	p0 =	por !p0, !p0;
	s14 =	simm.s32 $0x1;
	v13 =	vld [tilespmem:s13+$0x0];
	v6 =	vmul.f32 v6, v6;
	v11 =	vsub.f32 v11, v1  }
0x395: {  	s14 =	simm.s32 @!p0 $0x0;
	v2 =	vld.idx.msk [tilespmem:v4+s1+$0x0], $0xffff;
	v10 =	vmul.f32 v10, v10  }
0x396: {  	s7 =	sadd.s32 $0x80, s7;
	s12 =	sadd.s32 $0x40, s12;
	s14 =	sshll.u32 s14, $0x6;
	v1 =	vld.idx.msk [tilespmem:v5+s1+$0x0], $0xffff;
	[tilespmem:s11+$0x1D700] =	vst v6;
	v11 =	vmul.f32 v11, v11;
	v8 =	vsub.f32 v8, v0  }
0x397: {  	p1 =	slt.u32 s12, $0x7C0;
	s14 =	sadd.s32 s14, s7;
	v0 =	vld.idx.msk [tilespmem:v3+s1+$0x0], $0xffff;
	[tilespmem:s10+$0x1D700] =	vst v10;
	v4 =	vmov v12  }
0x398: {  	s11 =	sor.u32 $0x80, s14;
	s10 =	sor.u32 $0x90, s14;
	v6 =	vld.idx.msk [tilespmem:v7+s1+$0x0], $0xffff;
	[tilespmem:s8+$0x1D700] =	vst v11;
	s8 =	sor.u32 $0xA0, s14;
	v7 =	vmul.f32 v8, v8;
	v5 =	vmov v9  }
.Ltmp7:
0x399: {  	s14 =	sor.u32 $0xB0, s14;
	v9 =	vld [tilespmem:s11+$0x1C700];
	v3 =	vmov v13;
	(pc) =	sbr.rel @p1 .LBB2_16-.Ltmp7, $4  }
0x39a: {  	v10 =	vld [tilespmem:s10+$0x1C700];
	[tilespmem:s9+$0x1D700] =	vst v7;
	s9 =	smov.u32 s14  }
0x39b: {  	s14 =	sand.u32 $0x7C0, s12;
	v11 =	vld [tilespmem:s8+$0x1C700]  }
0x39c: {  	v7 =	vld [tilespmem:s14+$0x1BF00]  }
0x39d: {  	s13 =	sadd.s32 $0x40, s13;
	v8 =	vld [tilespmem:s9+$0x1C700]  }
0x39e: {  	_ =	sdelay $0x2  }
0x39f: {  	p0 =	por !p0, !p0;
	s12 =	simm.s32 $0x1  }
0x3a0: {  	v4 =	vld.idx.msk [tilespmem:v4+s1+$0x0], $0xffff;
	s12 =	simm.s32 @!p0 $0x0  }
0x3a1: {  	v5 =	vld.idx.msk [tilespmem:v5+s1+$0x0], $0xffff;
	s7 =	sadd.s32 $0x80, s7;
	s12 =	sshll.u32 s12, $0x6  }
0x3a2: {  	v3 =	vld.idx.msk [tilespmem:v3+s1+$0x0], $0xffff;
	s7 =	sadd.s32 s12, s7  }
0x3a3: {  	v7 =	vld.idx.msk [tilespmem:v7+s1+$0x0], $0xffff;
	s12 =	sor.u32 $0x80, s7  }
0x3a4: {  	s13 =	sor.u32 $0x90, s7;
	v12 =	vld [tilespmem:s12+$0x1C700]  }
0x3a5: {  	v6 =	vsub.f32 v9, v6;
	s14 =	sor.u32 $0xA0, s7;
	v9 =	vld [tilespmem:s13+$0x1C700]  }
0x3a6: {  	v2 =	vsub.f32 v10, v2;
	s7 =	sor.u32 $0xB0, s7;
	v10 =	vld [tilespmem:s14+$0x1C700]  }
0x3a7: {  	v6 =	vmul.f32 v6, v6;
	v1 =	vsub.f32 v11, v1;
	v11 =	vld [tilespmem:s7+$0x1C700]  }
0x3a8: {  	v2 =	vmul.f32 v2, v2;
	v0 =	vsub.f32 v8, v0  }
0x3a9: {  	[tilespmem:s11+$0x1D700] =	vst v6;
	v1 =	vmul.f32 v1, v1;
	v6 =	vsub.f32 v12, v7  }
0x3aa: {  	[tilespmem:s10+$0x1D700] =	vst v2;
	v0 =	vmul.f32 v0, v0;
	v2 =	vsub.f32 v9, v4  }
0x3ab: {  	[tilespmem:s8+$0x1D700] =	vst v1;
	v4 =	vsub.f32 v10, v5;
	v1 =	vmul.f32 v6, v6  }
0x3ac: {  	[tilespmem:s9+$0x1D700] =	vst v0;
	v0 =	vmul.f32 v2, v2;
	v2 =	vsub.f32 v11, v3  }
0x3ad: {  	[tilespmem:s12+$0x1D700] =	vst v1;
	v1 =	vmul.f32 v4, v4  }
0x3ae: {  	[tilespmem:s13+$0x1D700] =	vst v0;
	v0 =	vmul.f32 v2, v2  }
0x3af: {  	[tilespmem:s14+$0x1D700] =	vst v1  }
0x3b0: {  	[tilespmem:s7+$0x1D700] =	vst v0  }
0x3b1: {  	s10 =	simm.s32 $0x1D780;
	s7 =	simm.s32 $0x0;
	s9 =	rddreg [dreg:$0x15]  }
0x3b2: {  	[hbm4b:s9+s7] =	stream.linear.scatter [tilespmem:s10], [sflag:$0x4], $0x80, $0x38;
	[tilespmem:$0x1E700] =	vst v63  }
0x3b3: {  	s12 =	simm.s32 $0x1D880;
	s11 =	sadd.s32 $0x80, s9  }
0x3b4: {  	[hbm4b:s11+s7] =	stream.linear.scatter [tilespmem:s12], [sflag:$0x4], $0x80, $0x38;
	[tilespmem:$0x1E700] =	vst v63  }
0x3b5: {  	s14 =	simm.s32 $0x1D980;
	s13 =	sadd.s32 $0x100, s9  }
0x3b6: {  	[hbm4b:s13+s7] =	stream.linear.scatter [tilespmem:s14], [sflag:$0x4], $0x80, $0x38;
	[tilespmem:$0x1E700] =	vst v63  }
0x3b7: {  	s11 =	sadd.s32 $0x180, s9;
	s12 =	simm.s32 $0x1DA80  }
0x3b8: {  	[hbm4b:s11+s7] =	stream.linear.scatter [tilespmem:s12], [sflag:$0x4], $0x80, $0x38;
	[tilespmem:$0x1E700] =	vst v63  }
0x3b9: {  	s13 =	sadd.s32 $0x200, s9;
	s14 =	simm.s32 $0x1DB80  }
0x3ba: {  	[hbm4b:s13+s7] =	stream.linear.scatter [tilespmem:s14], [sflag:$0x4], $0x80, $0x38;
	[tilespmem:$0x1E700] =	vst v63  }
0x3bb: {  	s11 =	sadd.s32 $0x280, s9;
	s12 =	simm.s32 $0x1DC80  }
0x3bc: {  	[hbm4b:s11+s7] =	stream.linear.scatter [tilespmem:s12], [sflag:$0x4], $0x80, $0x38;
	[tilespmem:$0x1E700] =	vst v63  }
0x3bd: {  	s13 =	sadd.s32 $0x300, s9;
	s14 =	simm.s32 $0x1DD80  }
0x3be: {  	[hbm4b:s13+s7] =	stream.linear.scatter [tilespmem:s14], [sflag:$0x4], $0x80, $0x38;
	[tilespmem:$0x1E700] =	vst v63  }
0x3bf: {  	s11 =	sadd.s32 $0x380, s9;
	s12 =	simm.s32 $0x1DE80  }
0x3c0: {  	[hbm4b:s11+s7] =	stream.linear.scatter [tilespmem:s12], [sflag:$0x4], $0x80, $0x38;
	[tilespmem:$0x1E700] =	vst v63  }
0x3c1: {  	s13 =	sadd.s32 $0x400, s9;
	s14 =	simm.s32 $0x1DF80  }
0x3c2: {  	[hbm4b:s13+s7] =	stream.linear.scatter [tilespmem:s14], [sflag:$0x4], $0x80, $0x38;
	[tilespmem:$0x1E700] =	vst v63  }
0x3c3: {  	s11 =	sadd.s32 $0x480, s9;
	s12 =	simm.s32 $0x1E080  }
0x3c4: {  	[hbm4b:s11+s7] =	stream.linear.scatter [tilespmem:s12], [sflag:$0x4], $0x80, $0x38;
	[tilespmem:$0x1E700] =	vst v63  }
0x3c5: {  	s13 =	sadd.s32 $0x500, s9;
	s14 =	simm.s32 $0x1E180  }
0x3c6: {  	[hbm4b:s13+s7] =	stream.linear.scatter [tilespmem:s14], [sflag:$0x4], $0x80, $0x38;
	[tilespmem:$0x1E700] =	vst v63  }
0x3c7: {  	s11 =	sadd.s32 $0x580, s9;
	s12 =	simm.s32 $0x1E280  }
0x3c8: {  	[hbm4b:s11+s7] =	stream.linear.scatter [tilespmem:s12], [sflag:$0x4], $0x80, $0x38;
	[tilespmem:$0x1E700] =	vst v63  }
0x3c9: {  	s13 =	sadd.s32 $0x600, s9;
	s14 =	simm.s32 $0x1E380  }
0x3ca: {  	[hbm4b:s13+s7] =	stream.linear.scatter [tilespmem:s14], [sflag:$0x4], $0x80, $0x38;
	[tilespmem:$0x1E700] =	vst v63  }
0x3cb: {  	s11 =	sadd.s32 $0x680, s9;
	s12 =	simm.s32 $0x1E480  }
0x3cc: {  	[hbm4b:s11+s7] =	stream.linear.scatter [tilespmem:s12], [sflag:$0x4], $0x80, $0x38;
	[tilespmem:$0x1E700] =	vst v63  }
0x3cd: {  	s13 =	sadd.s32 $0x700, s9;
	s14 =	simm.s32 $0x1E580  }
0x3ce: {  	[hbm4b:s13+s7] =	stream.linear.scatter [tilespmem:s14], [sflag:$0x4], $0x80, $0x38;
	[tilespmem:$0x1E700] =	vst v63  }
0x3cf: {  	s10 =	simm.s32 $0x1E680;
	s9 =	sadd.s32 $0x780, s9  }
0x3d0: {  	[hbm4b:s9+s7] =	stream.linear.scatter [tilespmem:s10], [sflag:$0x4], $0x80, $0x38;
	[tilespmem:$0x1E700] =	vst v63  }
0x3d1: {  	s11 =	rddreg [dreg:$0x16];
	s12 =	simm.s32 $0x80;
	s13 =	simm.s32 $0x400  }
0x3d2: {  	[tilespmem:s7], [sflag:$0x1] =	stream.strided.gather [hbm4b:s11+s12], $0x18700, s13, s12, $0x38;
	[tilespmem:$0x1E700] =	vst v63  }
0x3d3: {  	_ = 	snop  }
0x3d4: {  	[tilespmem:s15], [sflag:$0x3] =	stream.linear.gather [hbm4b:s31+s7], $0x80, $0x38;
	[tilespmem:$0x1E700] =	vst v63  }
0x3d5: {  	s14 =	sadd.s32 $0x80, s31  }
0x3d6: {  	[tilespmem:s16], [sflag:$0x3] =	stream.linear.gather [hbm4b:s14+s7], $0x80, $0x38;
	[tilespmem:$0x1E700] =	vst v63  }
0x3d7: {  	s15 =	sadd.s32 $0x100, s31  }
0x3d8: {  	[tilespmem:s17], [sflag:$0x3] =	stream.linear.gather [hbm4b:s15+s7], $0x80, $0x38;
	[tilespmem:$0x1E700] =	vst v63  }
0x3d9: {  	s16 =	sadd.s32 $0x180, s31  }
0x3da: {  	[tilespmem:s18], [sflag:$0x3] =	stream.linear.gather [hbm4b:s16+s7], $0x80, $0x38;
	[tilespmem:$0x1E700] =	vst v63  }
0x3db: {  	s17 =	sadd.s32 $0x200, s31  }
0x3dc: {  	[tilespmem:s20], [sflag:$0x3] =	stream.linear.gather [hbm4b:s17+s7], $0x80, $0x38;
	[tilespmem:$0x1E700] =	vst v63  }
0x3dd: {  	s18 =	sadd.s32 $0x280, s31  }
0x3de: {  	[tilespmem:s21], [sflag:$0x3] =	stream.linear.gather [hbm4b:s18+s7], $0x80, $0x38;
	[tilespmem:$0x1E700] =	vst v63  }
0x3df: {  	s20 =	sadd.s32 $0x300, s31  }
0x3e0: {  	[tilespmem:s22], [sflag:$0x3] =	stream.linear.gather [hbm4b:s20+s7], $0x80, $0x38;
	[tilespmem:$0x1E700] =	vst v63  }
0x3e1: {  	s21 =	sadd.s32 $0x380, s31  }
0x3e2: {  	[tilespmem:s23], [sflag:$0x3] =	stream.linear.gather [hbm4b:s21+s7], $0x80, $0x38;
	[tilespmem:$0x1E700] =	vst v63  }
0x3e3: {  	s22 =	sadd.s32 $0x400, s31  }
0x3e4: {  	[tilespmem:s24], [sflag:$0x3] =	stream.linear.gather [hbm4b:s22+s7], $0x80, $0x38;
	[tilespmem:$0x1E700] =	vst v63  }
0x3e5: {  	s23 =	sadd.s32 $0x480, s31  }
0x3e6: {  	[tilespmem:s25], [sflag:$0x3] =	stream.linear.gather [hbm4b:s23+s7], $0x80, $0x38;
	[tilespmem:$0x1E700] =	vst v63  }
0x3e7: {  	s24 =	sadd.s32 $0x500, s31;
	s25 =	simm.s32 $0x1D100  }
0x3e8: {  	[tilespmem:s25], [sflag:$0x3] =	stream.linear.gather [hbm4b:s24+s7], $0x80, $0x38;
	[tilespmem:$0x1E700] =	vst v63  }
0x3e9: {  	s9 =	sadd.s32 $0x580, s31;
	s10 =	simm.s32 $0x1D200  }
0x3ea: {  	[tilespmem:s10], [sflag:$0x3] =	stream.linear.gather [hbm4b:s9+s7], $0x80, $0x38;
	[tilespmem:$0x1E700] =	vst v63  }
0x3eb: {  	s11 =	sadd.s32 $0x600, s31;
	s12 =	simm.s32 $0x1D300  }
0x3ec: {  	[tilespmem:s12], [sflag:$0x3] =	stream.linear.gather [hbm4b:s11+s7], $0x80, $0x38;
	[tilespmem:$0x1E700] =	vst v63  }
0x3ed: {  	s13 =	sadd.s32 $0x680, s31;
	s14 =	simm.s32 $0x1D400  }
0x3ee: {  	[tilespmem:s14], [sflag:$0x3] =	stream.linear.gather [hbm4b:s13+s7], $0x80, $0x38;
	[tilespmem:$0x1E700] =	vst v63  }
0x3ef: {  	s15 =	sadd.s32 $0x700, s31;
	s16 =	simm.s32 $0x1D500  }
0x3f0: {  	[tilespmem:s16], [sflag:$0x3] =	stream.linear.gather [hbm4b:s15+s7], $0x80, $0x38;
	[tilespmem:$0x1E700] =	vst v63  }
0x3f1: {  	s17 =	sadd.s32 $0x780, s31;
	s18 =	simm.s32 $0x1D600;
	s20 =	simm.s32 $0x1  }
0x3f2: {  	[tilespmem:s18], [sflag:$0x3] =	stream.linear.gather [hbm4b:s17+s7], $0x80, $0x38;
	[tilespmem:$0x1E700] =	vst v63  }
0x3f3: {  	_ =	swait.ge [sflag:s20], $0x18700  }
0x3f4: {  	[sflag:s20] =	ssyncset.done $0x0  }
0x3f5: {  	s21 =	simm.s32 $0x1C780;
	s9 =	rddreg [dreg:$0x17];
	[sflag:s20] =	ssyncadd.s32 $0xFFFE7900  }
0x3f6: {  	[tilespmem:s21], [sflag:$0x3] =	stream.linear.gather [hbm4b:s9+s7], $0x80, $0x38;
	[tilespmem:$0x1E700] =	vst v63  }
0x3f7: {  	s23 =	simm.s32 $0x1C880;
	s22 =	sadd.s32 $0x80, s9  }
0x3f8: {  	[tilespmem:s23], [sflag:$0x3] =	stream.linear.gather [hbm4b:s22+s7], $0x80, $0x38;
	[tilespmem:$0x1E700] =	vst v63  }
0x3f9: {  	s25 =	simm.s32 $0x1C980;
	s24 =	sadd.s32 $0x100, s9  }
0x3fa: {  	[tilespmem:s25], [sflag:$0x3] =	stream.linear.gather [hbm4b:s24+s7], $0x80, $0x38;
	[tilespmem:$0x1E700] =	vst v63  }
0x3fb: {  	s12 =	simm.s32 $0x1CA80;
	s11 =	sadd.s32 $0x180, s9  }
0x3fc: {  	[tilespmem:s12], [sflag:$0x3] =	stream.linear.gather [hbm4b:s11+s7], $0x80, $0x38;
	[tilespmem:$0x1E700] =	vst v63  }
0x3fd: {  	s14 =	simm.s32 $0x1CB80;
	s13 =	sadd.s32 $0x200, s9  }
0x3fe: {  	[tilespmem:s14], [sflag:$0x3] =	stream.linear.gather [hbm4b:s13+s7], $0x80, $0x38;
	[tilespmem:$0x1E700] =	vst v63  }
0x3ff: {  	s16 =	simm.s32 $0x1CC80;
	s15 =	sadd.s32 $0x280, s9  }
0x400: {  	[tilespmem:s16], [sflag:$0x3] =	stream.linear.gather [hbm4b:s15+s7], $0x80, $0x38;
	[tilespmem:$0x1E700] =	vst v63  }
0x401: {  	s18 =	simm.s32 $0x1CD80;
	s17 =	sadd.s32 $0x300, s9  }
0x402: {  	[tilespmem:s18], [sflag:$0x3] =	stream.linear.gather [hbm4b:s17+s7], $0x80, $0x38;
	[tilespmem:$0x1E700] =	vst v63  }
0x403: {  	s20 =	sadd.s32 $0x380, s9;
	s21 =	simm.s32 $0x1CE80  }
0x404: {  	[tilespmem:s21], [sflag:$0x3] =	stream.linear.gather [hbm4b:s20+s7], $0x80, $0x38;
	[tilespmem:$0x1E700] =	vst v63  }
0x405: {  	s22 =	sadd.s32 $0x400, s9;
	s23 =	simm.s32 $0x1CF80  }
0x406: {  	[tilespmem:s23], [sflag:$0x3] =	stream.linear.gather [hbm4b:s22+s7], $0x80, $0x38;
	[tilespmem:$0x1E700] =	vst v63  }
0x407: {  	s24 =	sadd.s32 $0x480, s9;
	s25 =	simm.s32 $0x1D080  }
0x408: {  	[tilespmem:s25], [sflag:$0x3] =	stream.linear.gather [hbm4b:s24+s7], $0x80, $0x38;
	[tilespmem:$0x1E700] =	vst v63  }
0x409: {  	s11 =	sadd.s32 $0x500, s9;
	s12 =	simm.s32 $0x1D180  }
0x40a: {  	[tilespmem:s12], [sflag:$0x3] =	stream.linear.gather [hbm4b:s11+s7], $0x80, $0x38;
	[tilespmem:$0x1E700] =	vst v63  }
0x40b: {  	s13 =	sadd.s32 $0x580, s9;
	s14 =	simm.s32 $0x1D280  }
0x40c: {  	[tilespmem:s14], [sflag:$0x3] =	stream.linear.gather [hbm4b:s13+s7], $0x80, $0x38;
	[tilespmem:$0x1E700] =	vst v63  }
0x40d: {  	s15 =	sadd.s32 $0x600, s9;
	s16 =	simm.s32 $0x1D380  }
0x40e: {  	[tilespmem:s16], [sflag:$0x3] =	stream.linear.gather [hbm4b:s15+s7], $0x80, $0x38;
	[tilespmem:$0x1E700] =	vst v63  }
0x40f: {  	s17 =	sadd.s32 $0x680, s9;
	s18 =	simm.s32 $0x1D480  }
0x410: {  	[tilespmem:s18], [sflag:$0x3] =	stream.linear.gather [hbm4b:s17+s7], $0x80, $0x38;
	[tilespmem:$0x1E700] =	vst v63  }
0x411: {  	s20 =	sadd.s32 $0x700, s9;
	s21 =	simm.s32 $0x1D580  }
0x412: {  	[tilespmem:s21], [sflag:$0x3] =	stream.linear.gather [hbm4b:s20+s7], $0x80, $0x38;
	[tilespmem:$0x1E700] =	vst v63  }
0x413: {  	s22 =	sadd.s32 $0x780, s9;
	s23 =	simm.s32 $0x1D680  }
0x414: {  	[tilespmem:s23], [sflag:$0x3] =	stream.linear.gather [hbm4b:s22+s7], $0x80, $0x38;
	[tilespmem:$0x1E700] =	vst v63  }
0x415: {  	_ =	swait.ge [sflag:s5], $0x800  }
0x416: {  	[sflag:s5] =	ssyncset.done $0x0  }
0x417: {  	s24 =	simm.s32 $0x0;
	[sflag:s5] =	ssyncadd.s32 $0xFFFFF800  }
0x418: {  	s10 =	sand.u32 $0x40, s24;
	s8 =	sand.u32 $0x780, s24;
	_ =	swait.ge [sflag:s6], $0x800  }
0x419: {  	s8 =	sadd.s32 $0x18700, s8;
	s11 =	sor.u32 $0x30, s10;
	[sflag:s6] =	ssyncset.done $0x0  }
0x41a: {  	s25 =	sor.u32 s11, s8;
	[sflag:s6] =	ssyncadd.s32 $0xFFFFF800  }
0x41b: {  	v0 =	vld [tilespmem:s25+$0x0]  }
0x41c: {  	s12 =	simm.s32 $0x18700;
	s13 =	sor.u32 $0x10, s10  }
0x41d: {  	s17 =	sor.u32 s13, s8;
	s18 =	sor.u32 $0x20, s10;
	v1 =	vld [tilespmem:s12+$0x0]  }
0x41e: {  	s9 =	simm.s32 $0x40;
	s24 =	sand.u32 $0xF00, s7;
	s8 =	sor.u32 s18, s8;
	v7 =	vld [tilespmem:s17+$0x0]  }
0x41f: {  	s20 =	simm.s32 $0x18740;
	s21 =	sand.u32 $0x780, s9;
	v8 =	vld [tilespmem:s8+$0x0];
	s8 =	sand.u32 $0x40, s9  }
0x420: {  	s11 =	sor.u32 s11, s24;
	s22 =	sadd.s32 $0x18700, s21;
	v5 =	vld [tilespmem:s20+$0x0];
	s15 =	sor.u32 $0x30, s8  }
0x421: {  	v10 =	vld [tilespmem:s11+$0x1C700];
	s23 =	sor.u32 s15, s22  }
0x422: {  	s14 =	sor.u32 $0x10, s8;
	v6 =	vld [tilespmem:s23+$0x0]  }
0x423: {  	s16 =	sor.u32 $0x20, s8;
	s25 =	sor.u32 s14, s22;
	v9 =	vld.idx.msk [tilespmem:v0+s1+$0x0], $0xffff  }
0x424: {  	s17 =	sor.u32 s16, s22;
	v3 =	vld [tilespmem:s25+$0x0]  }
0x425: {  	v4 =	vld [tilespmem:s17+$0x0]  }
0x426: {  	v2 =	vld.idx.msk [tilespmem:v1+s1+$0x0], $0xffff  }
0x427: {  	v0 =	vld.idx.msk [tilespmem:v7+s1+$0x0], $0xffff  }
0x428: {  	s12 =	sor.u32 s13, s24;
	v1 =	vld.idx.msk [tilespmem:v8+s1+$0x0], $0xffff;
	v7 =	vsub.f32 v10, v9  }
0x429: {  	s13 =	sor.u32 s18, s24;
	v9 =	vld [tilespmem:s12+$0x1C700]  }
0x42a: {  	s10 =	sor.u32 s10, s24;
	v8 =	vld [tilespmem:s13+$0x1C700];
	v10 =	vmul.f32 v7, v7  }
0x42b: {  	s17 =	simm.s32 $0x18780;
	v7 =	vld [tilespmem:s10+$0x1C700]  }
.LBB2_18:
0x42c: {  	v11 =	vld [tilespmem:s17+$0x0];
	[tilespmem:s11+$0x1D700] =	vst v10;
	s7 =	sadd.s32 $0x80, s7  }
0x42d: {  	s18 =	sand.u32 $0xF00, s7;
	v10 =	vld.idx.msk [tilespmem:v5+s1+$0x0], $0xffff  }
0x42e: {  	s9 =	sadd.s32 $0x40, s9;
	s20 =	sor.u32 s14, s18;
	s11 =	sor.u32 s15, s18;
	v12 =	vld.idx.msk [tilespmem:v6+s1+$0x0], $0xffff;
	v13 =	vsub.f32 v9, v0  }
0x42f: {  	s21 =	sand.u32 $0x40, s9;
	s15 =	sand.u32 $0x780, s9;
	s22 =	sor.u32 s16, s18;
	v9 =	vld [tilespmem:s11+$0x1C700];
	v6 =	vsub.f32 v8, v1  }
0x430: {  	s14 =	sor.u32 $0x10, s21;
	s23 =	sadd.s32 $0x18700, s15;
	s15 =	sor.u32 $0x30, s21;
	v0 =	vld.idx.msk [tilespmem:v3+s1+$0x0], $0xffff;
	v8 =	vsub.f32 v7, v2;
	v3 =	vmul.f32 v13, v13  }
0x431: {  	s16 =	sor.u32 $0x20, s21;
	s24 =	sor.u32 s14, s23;
	s25 =	sor.u32 s15, s23;
	v1 =	vld.idx.msk [tilespmem:v4+s1+$0x0], $0xffff;
	v4 =	vmul.f32 v6, v6;
	v5 =	vmov v11  }
0x432: {  	p0 =	slt.u32 s9, $0x7C0;
	s18 =	sor.u32 s8, s18;
	s23 =	sor.u32 s16, s23;
	v6 =	vld [tilespmem:s25+$0x0];
	v7 =	vmul.f32 v8, v8;
	[tilespmem:s12+$0x1D700] =	vst v3  }
.Ltmp8:
0x433: {  	s8 =	smov.u32 s21;
	v2 =	vmov v10;
	s12 =	smov.u32 s20;
	v3 =	vld [tilespmem:s24+$0x0];
	[tilespmem:s13+$0x1D700] =	vst v4;
	(pc) =	sbr.rel @p0 .LBB2_18-.Ltmp8, $4  }
0x434: {  	s13 =	smov.u32 s22;
	v4 =	vld [tilespmem:s23+$0x0];
	v10 =	vsub.f32 v9, v12;
	[tilespmem:s10+$0x1D700] =	vst v7;
	s10 =	smov.u32 s18  }
0x435: {  	v9 =	vld [tilespmem:s12+$0x1C700]  }
0x436: {  	v8 =	vld [tilespmem:s13+$0x1C700];
	v10 =	vmul.f32 v10, v10  }
0x437: {  	s17 =	sadd.s32 $0x40, s17;
	v7 =	vld [tilespmem:s10+$0x1C700]  }
0x438: {  	_ =	sdelay $0x3  }
0x439: {  	v5 =	vld.idx.msk [tilespmem:v5+s1+$0x0], $0xffff  }
0x43a: {  	s7 =	sadd.s32 $0x80, s7;
	v6 =	vld.idx.msk [tilespmem:v6+s1+$0x0], $0xffff  }
0x43b: {  	v3 =	vld.idx.msk [tilespmem:v3+s1+$0x0], $0xffff;
	s7 =	sand.u32 $0xF00, s7  }
0x43c: {  	v4 =	vld.idx.msk [tilespmem:v4+s1+$0x0], $0xffff;
	s9 =	sor.u32 s15, s7  }
0x43d: {  	s14 =	sor.u32 s14, s7;
	v11 =	vld [tilespmem:s9+$0x1C700]  }
0x43e: {  	s17 =	sor.u32 s16, s7;
	s7 =	sor.u32 s8, s7;
	v0 =	vsub.f32 v9, v0;
	v12 =	vld [tilespmem:s14+$0x1C700]  }
0x43f: {  	v1 =	vsub.f32 v8, v1;
	v8 =	vld [tilespmem:s7+$0x1C700]  }
0x440: {  	v9 =	vld [tilespmem:s17+$0x1C700];
	v2 =	vsub.f32 v7, v2;
	v0 =	vmul.f32 v0, v0  }
0x441: {  	v1 =	vmul.f32 v1, v1  }
0x442: {  	v2 =	vmul.f32 v2, v2;
	[tilespmem:s12+$0x1D700] =	vst v0;
	v6 =	vsub.f32 v11, v6  }
0x443: {  	[tilespmem:s13+$0x1D700] =	vst v1;
	v0 =	vsub.f32 v12, v3  }
0x444: {  	[tilespmem:s10+$0x1D700] =	vst v2;
	v2 =	vsub.f32 v8, v5;
	v1 =	vmul.f32 v6, v6  }
0x445: {  	[tilespmem:s11+$0x1D700] =	vst v10;
	v3 =	vsub.f32 v9, v4;
	v0 =	vmul.f32 v0, v0  }
0x446: {  	v2 =	vmul.f32 v2, v2;
	[tilespmem:s9+$0x1D700] =	vst v1  }
0x447: {  	v1 =	vmul.f32 v3, v3;
	[tilespmem:s14+$0x1D700] =	vst v0  }
0x448: {  	[tilespmem:s7+$0x1D700] =	vst v2  }
0x449: {  	s18 =	simm.s32 $0x1D700;
	s7 =	simm.s32 $0x0;
	[tilespmem:s17+$0x1D700] =	vst v1  }
0x44a: {  	[hbm4b:s0+s7] =	stream.linear.scatter [tilespmem:s18], [sflag:$0x4], $0x80, $0x38;
	[tilespmem:$0x1E700] =	vst v63  }
0x44b: {  	s20 =	sadd.s32 $0x80, s0;
	s21 =	simm.s32 $0x1D800  }
0x44c: {  	[hbm4b:s20+s7] =	stream.linear.scatter [tilespmem:s21], [sflag:$0x4], $0x80, $0x38;
	[tilespmem:$0x1E700] =	vst v63  }
0x44d: {  	s22 =	sadd.s32 $0x100, s0;
	s23 =	simm.s32 $0x1D900  }
0x44e: {  	[hbm4b:s22+s7] =	stream.linear.scatter [tilespmem:s23], [sflag:$0x4], $0x80, $0x38;
	[tilespmem:$0x1E700] =	vst v63  }
0x44f: {  	s24 =	sadd.s32 $0x180, s0;
	s25 =	simm.s32 $0x1DA00  }
0x450: {  	[hbm4b:s24+s7] =	stream.linear.scatter [tilespmem:s25], [sflag:$0x4], $0x80, $0x38;
	[tilespmem:$0x1E700] =	vst v63  }
0x451: {  	s10 =	simm.s32 $0x1DB00;
	s9 =	sadd.s32 $0x200, s0  }
0x452: {  	[hbm4b:s9+s7] =	stream.linear.scatter [tilespmem:s10], [sflag:$0x4], $0x80, $0x38;
	[tilespmem:$0x1E700] =	vst v63  }
0x453: {  	s11 =	sadd.s32 $0x280, s0;
	s12 =	simm.s32 $0x1DC00  }
0x454: {  	[hbm4b:s11+s7] =	stream.linear.scatter [tilespmem:s12], [sflag:$0x4], $0x80, $0x38;
	[tilespmem:$0x1E700] =	vst v63  }
0x455: {  	s13 =	sadd.s32 $0x300, s0;
	s14 =	simm.s32 $0x1DD00  }
0x456: {  	[hbm4b:s13+s7] =	stream.linear.scatter [tilespmem:s14], [sflag:$0x4], $0x80, $0x38;
	[tilespmem:$0x1E700] =	vst v63  }
0x457: {  	s15 =	sadd.s32 $0x380, s0;
	s16 =	simm.s32 $0x1DE00  }
0x458: {  	[hbm4b:s15+s7] =	stream.linear.scatter [tilespmem:s16], [sflag:$0x4], $0x80, $0x38;
	[tilespmem:$0x1E700] =	vst v63  }
0x459: {  	s17 =	sadd.s32 $0x400, s0;
	s18 =	simm.s32 $0x1DF00  }
0x45a: {  	[hbm4b:s17+s7] =	stream.linear.scatter [tilespmem:s18], [sflag:$0x4], $0x80, $0x38;
	[tilespmem:$0x1E700] =	vst v63  }
0x45b: {  	s20 =	sadd.s32 $0x480, s0;
	s21 =	simm.s32 $0x1E000  }
0x45c: {  	[hbm4b:s20+s7] =	stream.linear.scatter [tilespmem:s21], [sflag:$0x4], $0x80, $0x38;
	[tilespmem:$0x1E700] =	vst v63  }
0x45d: {  	s22 =	sadd.s32 $0x500, s0;
	s23 =	simm.s32 $0x1E100  }
0x45e: {  	[hbm4b:s22+s7] =	stream.linear.scatter [tilespmem:s23], [sflag:$0x4], $0x80, $0x38;
	[tilespmem:$0x1E700] =	vst v63  }
0x45f: {  	s24 =	sadd.s32 $0x580, s0;
	s25 =	simm.s32 $0x1E200  }
0x460: {  	[hbm4b:s24+s7] =	stream.linear.scatter [tilespmem:s25], [sflag:$0x4], $0x80, $0x38;
	[tilespmem:$0x1E700] =	vst v63  }
0x461: {  	s9 =	sadd.s32 $0x600, s0;
	s10 =	simm.s32 $0x1E300  }
0x462: {  	[hbm4b:s9+s7] =	stream.linear.scatter [tilespmem:s10], [sflag:$0x4], $0x80, $0x38;
	[tilespmem:$0x1E700] =	vst v63  }
0x463: {  	s11 =	sadd.s32 $0x680, s0;
	s12 =	simm.s32 $0x1E400  }
0x464: {  	[hbm4b:s11+s7] =	stream.linear.scatter [tilespmem:s12], [sflag:$0x4], $0x80, $0x38;
	[tilespmem:$0x1E700] =	vst v63  }
0x465: {  	s13 =	sadd.s32 $0x700, s0;
	s14 =	simm.s32 $0x1E500  }
0x466: {  	[hbm4b:s13+s7] =	stream.linear.scatter [tilespmem:s14], [sflag:$0x4], $0x80, $0x38;
	[tilespmem:$0x1E700] =	vst v63  }
0x467: {  	s15 =	sadd.s32 $0x780, s0;
	s16 =	simm.s32 $0x1E600  }
0x468: {  	[hbm4b:s15+s7] =	stream.linear.scatter [tilespmem:s16], [sflag:$0x4], $0x80, $0x38;
	[tilespmem:$0x1E700] =	vst v63  }
0x469: {  	s9 =	rddreg [dreg:$0x19];
	s15 =	simm.s32 $0x1C700  }
0x46a: {  	[tilespmem:s15], [sflag:$0x3] =	stream.linear.gather [hbm4b:s9+s7], $0x80, $0x38;
	[tilespmem:$0x1E700] =	vst v63  }
0x46b: {  	s17 =	sadd.s32 $0x80, s9;
	s16 =	simm.s32 $0x1C800  }
0x46c: {  	[tilespmem:s16], [sflag:$0x3] =	stream.linear.gather [hbm4b:s17+s7], $0x80, $0x38;
	[tilespmem:$0x1E700] =	vst v63  }
0x46d: {  	s18 =	sadd.s32 $0x100, s9;
	s17 =	simm.s32 $0x1C900  }
0x46e: {  	[tilespmem:s17], [sflag:$0x3] =	stream.linear.gather [hbm4b:s18+s7], $0x80, $0x38;
	[tilespmem:$0x1E700] =	vst v63  }
0x46f: {  	s20 =	sadd.s32 $0x180, s9;
	s18 =	simm.s32 $0x1CA00  }
0x470: {  	[tilespmem:s18], [sflag:$0x3] =	stream.linear.gather [hbm4b:s20+s7], $0x80, $0x38;
	[tilespmem:$0x1E700] =	vst v63  }
0x471: {  	s21 =	sadd.s32 $0x200, s9;
	s20 =	simm.s32 $0x1CB00  }
0x472: {  	[tilespmem:s20], [sflag:$0x3] =	stream.linear.gather [hbm4b:s21+s7], $0x80, $0x38;
	[tilespmem:$0x1E700] =	vst v63  }
0x473: {  	s22 =	sadd.s32 $0x280, s9;
	s21 =	simm.s32 $0x1CC00  }
0x474: {  	[tilespmem:s21], [sflag:$0x3] =	stream.linear.gather [hbm4b:s22+s7], $0x80, $0x38;
	[tilespmem:$0x1E700] =	vst v63  }
0x475: {  	s23 =	sadd.s32 $0x300, s9;
	s22 =	simm.s32 $0x1CD00  }
0x476: {  	[tilespmem:s22], [sflag:$0x3] =	stream.linear.gather [hbm4b:s23+s7], $0x80, $0x38;
	[tilespmem:$0x1E700] =	vst v63  }
0x477: {  	s24 =	sadd.s32 $0x380, s9;
	s23 =	simm.s32 $0x1CE00  }
0x478: {  	[tilespmem:s23], [sflag:$0x3] =	stream.linear.gather [hbm4b:s24+s7], $0x80, $0x38;
	[tilespmem:$0x1E700] =	vst v63  }
0x479: {  	s25 =	sadd.s32 $0x400, s9;
	s24 =	simm.s32 $0x1CF00  }
0x47a: {  	[tilespmem:s24], [sflag:$0x3] =	stream.linear.gather [hbm4b:s25+s7], $0x80, $0x38;
	[tilespmem:$0x1E700] =	vst v63  }
0x47b: {  	s10 =	sadd.s32 $0x480, s9;
	s25 =	simm.s32 $0x1D000  }
0x47c: {  	[tilespmem:s25], [sflag:$0x3] =	stream.linear.gather [hbm4b:s10+s7], $0x80, $0x38;
	[tilespmem:$0x1E700] =	vst v63  }
0x47d: {  	s11 =	sadd.s32 $0x500, s9;
	s12 =	simm.s32 $0x1D100  }
0x47e: {  	[tilespmem:s12], [sflag:$0x3] =	stream.linear.gather [hbm4b:s11+s7], $0x80, $0x38;
	[tilespmem:$0x1E700] =	vst v63  }
0x47f: {  	s13 =	sadd.s32 $0x580, s9;
	s14 =	simm.s32 $0x1D200  }
0x480: {  	[tilespmem:s14], [sflag:$0x3] =	stream.linear.gather [hbm4b:s13+s7], $0x80, $0x38;
	[tilespmem:$0x1E700] =	vst v63  }
0x481: {  	s11 =	sadd.s32 $0x600, s9;
	s12 =	simm.s32 $0x1D300  }
0x482: {  	[tilespmem:s12], [sflag:$0x3] =	stream.linear.gather [hbm4b:s11+s7], $0x80, $0x38;
	[tilespmem:$0x1E700] =	vst v63  }
0x483: {  	s13 =	sadd.s32 $0x680, s9;
	s14 =	simm.s32 $0x1D400  }
0x484: {  	[tilespmem:s14], [sflag:$0x3] =	stream.linear.gather [hbm4b:s13+s7], $0x80, $0x38;
	[tilespmem:$0x1E700] =	vst v63  }
0x485: {  	s11 =	sadd.s32 $0x700, s9;
	s12 =	simm.s32 $0x1D500  }
0x486: {  	[tilespmem:s12], [sflag:$0x3] =	stream.linear.gather [hbm4b:s11+s7], $0x80, $0x38;
	[tilespmem:$0x1E700] =	vst v63  }
0x487: {  	s13 =	sadd.s32 $0x780, s9;
	s14 =	simm.s32 $0x1D600  }
0x488: {  	[tilespmem:s14], [sflag:$0x3] =	stream.linear.gather [hbm4b:s13+s7], $0x80, $0x38;
	[tilespmem:$0x1E700] =	vst v63  }
0x489: {  	_ =	swait.ge [sflag:s5], $0x800  }
0x48a: {  	[sflag:s5] =	ssyncset.done $0x0  }
0x48b: {  	[sflag:s5] =	ssyncadd.s32 $0xFFFFF800  }
0x48c: {  	_ =	swait.ge [sflag:s6], $0x800  }
0x48d: {  	[sflag:s6] =	ssyncset.done $0x0  }
0x48e: {  	s9 =	simm.s32 $0x18F30;
	[sflag:s6] =	ssyncadd.s32 $0xFFFFF800  }
0x48f: {  	v0 =	vld [tilespmem:s9+$0xFFFFFFE0]  }
0x490: {  	s10 =	simm.s32 $0x0;
	v1 =	vld [tilespmem:s9+$0xFFFFFFF0]  }
0x491: {  	p0 =	por $0x0, $0x0;
	s8 =	simm.s32 $0x1;
	s11 =	sand.u32 $0x7C0, s10;
	v6 =	vld [tilespmem:s9+$0x0]  }
0x492: {  	s8 =	simm.s32 @!p0 $0x0;
	s12 =	simm.s32 $0x18F70;
	v7 =	vld [tilespmem:s11+$0x18F00]  }
0x493: {  	s8 =	sshll.u32 s8, $0x6;
	v4 =	vld [tilespmem:s12+$0xFFFFFFE0]  }
0x494: {  	s13 =	sadd.s32 $0x0, s8;
	v5 =	vld [tilespmem:s12+$0xFFFFFFF0]  }
0x495: {  	s10 =	sor.u32 $0x90, s13;
	v3 =	vld [tilespmem:s12+$0x0]  }
0x496: {  	s11 =	sor.u32 $0x80, s13;
	v10 =	vld [tilespmem:s10+$0x1C700]  }
0x497: {  	v9 =	vld [tilespmem:s11+$0x1C700]  }
0x498: {  	v2 =	vld.idx.msk [tilespmem:v0+s1+$0x0], $0xffff  }
0x499: {  	v0 =	vld.idx.msk [tilespmem:v6+s1+$0x0], $0xffff  }
0x49a: {  	s8 =	sor.u32 $0xA0, s13;
	v6 =	vld.idx.msk [tilespmem:v7+s1+$0x0], $0xffff  }
0x49b: {  	s12 =	simm.s32 $0x40;
	v11 =	vld [tilespmem:s8+$0x1C700]  }
0x49c: {  	s14 =	sand.u32 $0x7C0, s12;
	v1 =	vld.idx.msk [tilespmem:v1+s1+$0x0], $0xffff  }
0x49d: {  	s9 =	sor.u32 $0xB0, s13;
	v7 =	vld [tilespmem:s14+$0x18F00]  }
0x49e: {  	s13 =	simm.s32 $0x18FB0;
	v8 =	vld [tilespmem:s9+$0x1C700]  }
.LBB2_20:
0x49f: {  	v12 =	vld [tilespmem:s13+$0xFFFFFFE0];
	v6 =	vsub.f32 v9, v6  }
0x4a0: {  	v9 =	vld [tilespmem:s13+$0xFFFFFFF0];
	v10 =	vsub.f32 v10, v2  }
0x4a1: {  	p0 =	por !p0, !p0;
	s14 =	simm.s32 $0x1;
	v13 =	vld [tilespmem:s13+$0x0];
	v6 =	vmul.f32 v6, v6;
	v11 =	vsub.f32 v11, v1  }
0x4a2: {  	s14 =	simm.s32 @!p0 $0x0;
	v2 =	vld.idx.msk [tilespmem:v4+s1+$0x0], $0xffff;
	v10 =	vmul.f32 v10, v10  }
0x4a3: {  	s7 =	sadd.s32 $0x80, s7;
	s12 =	sadd.s32 $0x40, s12;
	s14 =	sshll.u32 s14, $0x6;
	v1 =	vld.idx.msk [tilespmem:v5+s1+$0x0], $0xffff;
	[tilespmem:s11+$0x1D700] =	vst v6;
	v11 =	vmul.f32 v11, v11;
	v8 =	vsub.f32 v8, v0  }
0x4a4: {  	p1 =	slt.u32 s12, $0x7C0;
	s14 =	sadd.s32 s14, s7;
	v0 =	vld.idx.msk [tilespmem:v3+s1+$0x0], $0xffff;
	[tilespmem:s10+$0x1D700] =	vst v10;
	v4 =	vmov v12  }
0x4a5: {  	s11 =	sor.u32 $0x80, s14;
	s10 =	sor.u32 $0x90, s14;
	v6 =	vld.idx.msk [tilespmem:v7+s1+$0x0], $0xffff;
	[tilespmem:s8+$0x1D700] =	vst v11;
	s8 =	sor.u32 $0xA0, s14;
	v7 =	vmul.f32 v8, v8;
	v5 =	vmov v9  }
.Ltmp9:
0x4a6: {  	s14 =	sor.u32 $0xB0, s14;
	v9 =	vld [tilespmem:s11+$0x1C700];
	v3 =	vmov v13;
	(pc) =	sbr.rel @p1 .LBB2_20-.Ltmp9, $4  }
0x4a7: {  	v10 =	vld [tilespmem:s10+$0x1C700];
	[tilespmem:s9+$0x1D700] =	vst v7;
	s9 =	smov.u32 s14  }
0x4a8: {  	s14 =	sand.u32 $0x7C0, s12;
	v11 =	vld [tilespmem:s8+$0x1C700]  }
0x4a9: {  	v7 =	vld [tilespmem:s14+$0x18F00]  }
0x4aa: {  	s13 =	sadd.s32 $0x40, s13;
	v8 =	vld [tilespmem:s9+$0x1C700]  }
0x4ab: {  	_ =	sdelay $0x2  }
0x4ac: {  	p0 =	por !p0, !p0;
	s12 =	simm.s32 $0x1  }
0x4ad: {  	v4 =	vld.idx.msk [tilespmem:v4+s1+$0x0], $0xffff;
	s12 =	simm.s32 @!p0 $0x0  }
0x4ae: {  	v5 =	vld.idx.msk [tilespmem:v5+s1+$0x0], $0xffff;
	s7 =	sadd.s32 $0x80, s7;
	s12 =	sshll.u32 s12, $0x6  }
0x4af: {  	v3 =	vld.idx.msk [tilespmem:v3+s1+$0x0], $0xffff;
	s7 =	sadd.s32 s12, s7  }
0x4b0: {  	v7 =	vld.idx.msk [tilespmem:v7+s1+$0x0], $0xffff;
	s12 =	sor.u32 $0x80, s7  }
0x4b1: {  	s13 =	sor.u32 $0x90, s7;
	v12 =	vld [tilespmem:s12+$0x1C700]  }
0x4b2: {  	v6 =	vsub.f32 v9, v6;
	s14 =	sor.u32 $0xA0, s7;
	v9 =	vld [tilespmem:s13+$0x1C700]  }
0x4b3: {  	v2 =	vsub.f32 v10, v2;
	s7 =	sor.u32 $0xB0, s7;
	v10 =	vld [tilespmem:s14+$0x1C700]  }
0x4b4: {  	v6 =	vmul.f32 v6, v6;
	v1 =	vsub.f32 v11, v1;
	v11 =	vld [tilespmem:s7+$0x1C700]  }
0x4b5: {  	v2 =	vmul.f32 v2, v2;
	v0 =	vsub.f32 v8, v0  }
0x4b6: {  	[tilespmem:s11+$0x1D700] =	vst v6;
	v1 =	vmul.f32 v1, v1;
	v6 =	vsub.f32 v12, v7  }
0x4b7: {  	[tilespmem:s10+$0x1D700] =	vst v2;
	v0 =	vmul.f32 v0, v0;
	v2 =	vsub.f32 v9, v4  }
0x4b8: {  	[tilespmem:s8+$0x1D700] =	vst v1;
	v4 =	vsub.f32 v10, v5;
	v1 =	vmul.f32 v6, v6  }
0x4b9: {  	[tilespmem:s9+$0x1D700] =	vst v0;
	v0 =	vmul.f32 v2, v2;
	v2 =	vsub.f32 v11, v3  }
0x4ba: {  	[tilespmem:s12+$0x1D700] =	vst v1;
	v1 =	vmul.f32 v4, v4  }
0x4bb: {  	[tilespmem:s13+$0x1D700] =	vst v0;
	v0 =	vmul.f32 v2, v2  }
0x4bc: {  	[tilespmem:s14+$0x1D700] =	vst v1  }
0x4bd: {  	[tilespmem:s7+$0x1D700] =	vst v0  }
0x4be: {  	s12 =	simm.s32 $0x1D780;
	s7 =	simm.s32 $0x0;
	s9 =	rddreg [dreg:$0x18]  }
0x4bf: {  	[hbm4b:s9+s7] =	stream.linear.scatter [tilespmem:s12], [sflag:$0x4], $0x80, $0x38;
	[tilespmem:$0x1E700] =	vst v63  }
0x4c0: {  	s14 =	simm.s32 $0x1D880;
	s13 =	sadd.s32 $0x80, s9  }
0x4c1: {  	[hbm4b:s13+s7] =	stream.linear.scatter [tilespmem:s14], [sflag:$0x4], $0x80, $0x38;
	[tilespmem:$0x1E700] =	vst v63  }
0x4c2: {  	s11 =	sadd.s32 $0x100, s9;
	s12 =	simm.s32 $0x1D980  }
0x4c3: {  	[hbm4b:s11+s7] =	stream.linear.scatter [tilespmem:s12], [sflag:$0x4], $0x80, $0x38;
	[tilespmem:$0x1E700] =	vst v63  }
0x4c4: {  	s13 =	sadd.s32 $0x180, s9;
	s14 =	simm.s32 $0x1DA80  }
0x4c5: {  	[hbm4b:s13+s7] =	stream.linear.scatter [tilespmem:s14], [sflag:$0x4], $0x80, $0x38;
	[tilespmem:$0x1E700] =	vst v63  }
0x4c6: {  	s11 =	sadd.s32 $0x200, s9;
	s12 =	simm.s32 $0x1DB80  }
0x4c7: {  	[hbm4b:s11+s7] =	stream.linear.scatter [tilespmem:s12], [sflag:$0x4], $0x80, $0x38;
	[tilespmem:$0x1E700] =	vst v63  }
0x4c8: {  	s13 =	sadd.s32 $0x280, s9;
	s14 =	simm.s32 $0x1DC80  }
0x4c9: {  	[hbm4b:s13+s7] =	stream.linear.scatter [tilespmem:s14], [sflag:$0x4], $0x80, $0x38;
	[tilespmem:$0x1E700] =	vst v63  }
0x4ca: {  	s11 =	sadd.s32 $0x300, s9;
	s12 =	simm.s32 $0x1DD80  }
0x4cb: {  	[hbm4b:s11+s7] =	stream.linear.scatter [tilespmem:s12], [sflag:$0x4], $0x80, $0x38;
	[tilespmem:$0x1E700] =	vst v63  }
0x4cc: {  	s13 =	sadd.s32 $0x380, s9;
	s14 =	simm.s32 $0x1DE80  }
0x4cd: {  	[hbm4b:s13+s7] =	stream.linear.scatter [tilespmem:s14], [sflag:$0x4], $0x80, $0x38;
	[tilespmem:$0x1E700] =	vst v63  }
0x4ce: {  	s11 =	sadd.s32 $0x400, s9;
	s12 =	simm.s32 $0x1DF80  }
0x4cf: {  	[hbm4b:s11+s7] =	stream.linear.scatter [tilespmem:s12], [sflag:$0x4], $0x80, $0x38;
	[tilespmem:$0x1E700] =	vst v63  }
0x4d0: {  	s13 =	sadd.s32 $0x480, s9;
	s14 =	simm.s32 $0x1E080  }
0x4d1: {  	[hbm4b:s13+s7] =	stream.linear.scatter [tilespmem:s14], [sflag:$0x4], $0x80, $0x38;
	[tilespmem:$0x1E700] =	vst v63  }
0x4d2: {  	s11 =	sadd.s32 $0x500, s9;
	s12 =	simm.s32 $0x1E180  }
0x4d3: {  	[hbm4b:s11+s7] =	stream.linear.scatter [tilespmem:s12], [sflag:$0x4], $0x80, $0x38;
	[tilespmem:$0x1E700] =	vst v63  }
0x4d4: {  	s13 =	sadd.s32 $0x580, s9;
	s14 =	simm.s32 $0x1E280  }
0x4d5: {  	[hbm4b:s13+s7] =	stream.linear.scatter [tilespmem:s14], [sflag:$0x4], $0x80, $0x38;
	[tilespmem:$0x1E700] =	vst v63  }
0x4d6: {  	s11 =	sadd.s32 $0x600, s9;
	s12 =	simm.s32 $0x1E380  }
0x4d7: {  	[hbm4b:s11+s7] =	stream.linear.scatter [tilespmem:s12], [sflag:$0x4], $0x80, $0x38;
	[tilespmem:$0x1E700] =	vst v63  }
0x4d8: {  	s13 =	sadd.s32 $0x680, s9;
	s14 =	simm.s32 $0x1E480  }
0x4d9: {  	[hbm4b:s13+s7] =	stream.linear.scatter [tilespmem:s14], [sflag:$0x4], $0x80, $0x38;
	[tilespmem:$0x1E700] =	vst v63  }
0x4da: {  	s11 =	sadd.s32 $0x700, s9;
	s12 =	simm.s32 $0x1E580  }
0x4db: {  	[hbm4b:s11+s7] =	stream.linear.scatter [tilespmem:s12], [sflag:$0x4], $0x80, $0x38;
	[tilespmem:$0x1E700] =	vst v63  }
0x4dc: {  	s13 =	sadd.s32 $0x780, s9;
	s14 =	simm.s32 $0x1E680  }
0x4dd: {  	[hbm4b:s13+s7] =	stream.linear.scatter [tilespmem:s14], [sflag:$0x4], $0x80, $0x38;
	[tilespmem:$0x1E700] =	vst v63  }
0x4de: {  	s10 =	simm.s32 $0x1C780;
	s9 =	rddreg [dreg:$0x1b]  }
0x4df: {  	[tilespmem:s10], [sflag:$0x3] =	stream.linear.gather [hbm4b:s9+s7], $0x80, $0x38;
	[tilespmem:$0x1E700] =	vst v63  }
0x4e0: {  	s11 =	sadd.s32 $0x80, s9;
	s12 =	simm.s32 $0x1C880  }
0x4e1: {  	[tilespmem:s12], [sflag:$0x3] =	stream.linear.gather [hbm4b:s11+s7], $0x80, $0x38;
	[tilespmem:$0x1E700] =	vst v63  }
0x4e2: {  	s13 =	sadd.s32 $0x100, s9;
	s14 =	simm.s32 $0x1C980  }
0x4e3: {  	[tilespmem:s14], [sflag:$0x3] =	stream.linear.gather [hbm4b:s13+s7], $0x80, $0x38;
	[tilespmem:$0x1E700] =	vst v63  }
0x4e4: {  	s11 =	sadd.s32 $0x180, s9;
	s12 =	simm.s32 $0x1CA80  }
0x4e5: {  	[tilespmem:s12], [sflag:$0x3] =	stream.linear.gather [hbm4b:s11+s7], $0x80, $0x38;
	[tilespmem:$0x1E700] =	vst v63  }
0x4e6: {  	s13 =	sadd.s32 $0x200, s9;
	s14 =	simm.s32 $0x1CB80  }
0x4e7: {  	[tilespmem:s14], [sflag:$0x3] =	stream.linear.gather [hbm4b:s13+s7], $0x80, $0x38;
	[tilespmem:$0x1E700] =	vst v63  }
0x4e8: {  	s11 =	sadd.s32 $0x280, s9;
	s12 =	simm.s32 $0x1CC80  }
0x4e9: {  	[tilespmem:s12], [sflag:$0x3] =	stream.linear.gather [hbm4b:s11+s7], $0x80, $0x38;
	[tilespmem:$0x1E700] =	vst v63  }
0x4ea: {  	s13 =	sadd.s32 $0x300, s9;
	s14 =	simm.s32 $0x1CD80  }
0x4eb: {  	[tilespmem:s14], [sflag:$0x3] =	stream.linear.gather [hbm4b:s13+s7], $0x80, $0x38;
	[tilespmem:$0x1E700] =	vst v63  }
0x4ec: {  	s11 =	sadd.s32 $0x380, s9;
	s12 =	simm.s32 $0x1CE80  }
0x4ed: {  	[tilespmem:s12], [sflag:$0x3] =	stream.linear.gather [hbm4b:s11+s7], $0x80, $0x38;
	[tilespmem:$0x1E700] =	vst v63  }
0x4ee: {  	s13 =	sadd.s32 $0x400, s9;
	s14 =	simm.s32 $0x1CF80  }
0x4ef: {  	[tilespmem:s14], [sflag:$0x3] =	stream.linear.gather [hbm4b:s13+s7], $0x80, $0x38;
	[tilespmem:$0x1E700] =	vst v63  }
0x4f0: {  	s11 =	sadd.s32 $0x480, s9;
	s12 =	simm.s32 $0x1D080  }
0x4f1: {  	[tilespmem:s12], [sflag:$0x3] =	stream.linear.gather [hbm4b:s11+s7], $0x80, $0x38;
	[tilespmem:$0x1E700] =	vst v63  }
0x4f2: {  	s13 =	sadd.s32 $0x500, s9;
	s14 =	simm.s32 $0x1D180  }
0x4f3: {  	[tilespmem:s14], [sflag:$0x3] =	stream.linear.gather [hbm4b:s13+s7], $0x80, $0x38;
	[tilespmem:$0x1E700] =	vst v63  }
0x4f4: {  	s11 =	sadd.s32 $0x580, s9;
	s12 =	simm.s32 $0x1D280  }
0x4f5: {  	[tilespmem:s12], [sflag:$0x3] =	stream.linear.gather [hbm4b:s11+s7], $0x80, $0x38;
	[tilespmem:$0x1E700] =	vst v63  }
0x4f6: {  	s13 =	sadd.s32 $0x600, s9;
	s14 =	simm.s32 $0x1D380  }
0x4f7: {  	[tilespmem:s14], [sflag:$0x3] =	stream.linear.gather [hbm4b:s13+s7], $0x80, $0x38;
	[tilespmem:$0x1E700] =	vst v63  }
0x4f8: {  	s11 =	sadd.s32 $0x680, s9;
	s12 =	simm.s32 $0x1D480  }
0x4f9: {  	[tilespmem:s12], [sflag:$0x3] =	stream.linear.gather [hbm4b:s11+s7], $0x80, $0x38;
	[tilespmem:$0x1E700] =	vst v63  }
0x4fa: {  	s13 =	sadd.s32 $0x700, s9;
	s14 =	simm.s32 $0x1D580  }
0x4fb: {  	[tilespmem:s14], [sflag:$0x3] =	stream.linear.gather [hbm4b:s13+s7], $0x80, $0x38;
	[tilespmem:$0x1E700] =	vst v63  }
0x4fc: {  	s11 =	sadd.s32 $0x780, s9;
	s12 =	simm.s32 $0x1D680  }
0x4fd: {  	[tilespmem:s12], [sflag:$0x3] =	stream.linear.gather [hbm4b:s11+s7], $0x80, $0x38;
	[tilespmem:$0x1E700] =	vst v63  }
0x4fe: {  	_ =	swait.ge [sflag:s5], $0x800  }
0x4ff: {  	[sflag:s5] =	ssyncset.done $0x0  }
0x500: {  	[sflag:s5] =	ssyncadd.s32 $0xFFFFF800  }
0x501: {  	_ =	swait.ge [sflag:s6], $0x800  }
0x502: {  	[sflag:s6] =	ssyncset.done $0x0  }
0x503: {  	s13 =	simm.s32 $0x19730;
	[sflag:s6] =	ssyncadd.s32 $0xFFFFF800  }
0x504: {  	v0 =	vld [tilespmem:s13+$0xFFFFFFE0]  }
0x505: {  	s14 =	simm.s32 $0x0;
	v1 =	vld [tilespmem:s13+$0xFFFFFFF0]  }
0x506: {  	s10 =	sand.u32 $0x7C0, s14;
	v6 =	vld [tilespmem:s13+$0x0]  }
0x507: {  	s11 =	simm.s32 $0x19770;
	v7 =	vld [tilespmem:s10+$0x19700]  }
0x508: {  	v4 =	vld [tilespmem:s11+$0xFFFFFFE0]  }
0x509: {  	s12 =	sand.u32 $0x40, s14;
	v5 =	vld [tilespmem:s11+$0xFFFFFFF0];
	s13 =	sand.u32 $0xF00, s7  }
0x50a: {  	v3 =	vld [tilespmem:s11+$0x0];
	s8 =	sor.u32 s12, s13  }
0x50b: {  	v8 =	vld [tilespmem:s8+$0x1C700]  }
0x50c: {  	v2 =	vld.idx.msk [tilespmem:v0+s1+$0x0], $0xffff  }
0x50d: {  	v0 =	vld.idx.msk [tilespmem:v1+s1+$0x0], $0xffff  }
0x50e: {  	v1 =	vld.idx.msk [tilespmem:v6+s1+$0x0], $0xffff  }
0x50f: {  	v6 =	vld.idx.msk [tilespmem:v7+s1+$0x0], $0xffff  }
0x510: {  	s9 =	simm.s32 $0x40;
	v10 =	vld [tilespmem:s8+$0x1C710]  }
0x511: {  	s14 =	sand.u32 $0x7C0, s9;
	v11 =	vld [tilespmem:s8+$0x1C720]  }
0x512: {  	v7 =	vld [tilespmem:s14+$0x19700]  }
0x513: {  	s10 =	simm.s32 $0x197B0;
	v9 =	vld [tilespmem:s8+$0x1C730]  }
.LBB2_22:
0x514: {  	v12 =	vld [tilespmem:s10+$0xFFFFFFE0];
	v6 =	vsub.f32 v8, v6  }
0x515: {  	v8 =	vld [tilespmem:s10+$0xFFFFFFF0];
	v10 =	vsub.f32 v10, v2  }
0x516: {  	v13 =	vld [tilespmem:s10+$0x0];
	v6 =	vmul.f32 v6, v6;
	v11 =	vsub.f32 v11, v0  }
0x517: {  	v2 =	vld.idx.msk [tilespmem:v4+s1+$0x0], $0xffff;
	v10 =	vmul.f32 v10, v10  }
0x518: {  	s7 =	sadd.s32 $0x80, s7;
	v0 =	vld.idx.msk [tilespmem:v5+s1+$0x0], $0xffff;
	[tilespmem:s8+$0x1D700] =	vst v6;
	v11 =	vmul.f32 v11, v11;
	v9 =	vsub.f32 v9, v1  }
0x519: {  	s11 =	sand.u32 $0x40, s9;
	s9 =	sadd.s32 $0x40, s9;
	s12 =	sand.u32 $0xF00, s7;
	v1 =	vld.idx.msk [tilespmem:v3+s1+$0x0], $0xffff;
	[tilespmem:s8+$0x1D710] =	vst v10;
	v4 =	vmov v12  }
0x51a: {  	p0 =	slt.u32 s9, $0x7C0;
	s11 =	sor.u32 s11, s12;
	v6 =	vld.idx.msk [tilespmem:v7+s1+$0x0], $0xffff;
	[tilespmem:s8+$0x1D720] =	vst v11;
	v7 =	vmul.f32 v9, v9;
	v5 =	vmov v8  }
.Ltmp10:
0x51b: {  	v8 =	vld [tilespmem:s11+$0x1C700];
	v3 =	vmov v13;
	(pc) =	sbr.rel @p0 .LBB2_22-.Ltmp10, $4  }
0x51c: {  	v10 =	vld [tilespmem:s11+$0x1C710];
	[tilespmem:s8+$0x1D730] =	vst v7;
	s8 =	smov.u32 s11  }
0x51d: {  	s11 =	sand.u32 $0x7C0, s9;
	v11 =	vld [tilespmem:s8+$0x1C720]  }
0x51e: {  	v7 =	vld [tilespmem:s11+$0x19700]  }
0x51f: {  	s10 =	sadd.s32 $0x40, s10;
	v9 =	vld [tilespmem:s8+$0x1C730]  }
0x520: {  	_ =	sdelay $0x3  }
0x521: {  	v4 =	vld.idx.msk [tilespmem:v4+s1+$0x0], $0xffff  }
0x522: {  	v5 =	vld.idx.msk [tilespmem:v5+s1+$0x0], $0xffff;
	s7 =	sadd.s32 $0x80, s7  }
0x523: {  	s9 =	sand.u32 $0x40, s9;
	v3 =	vld.idx.msk [tilespmem:v3+s1+$0x0], $0xffff;
	s7 =	sand.u32 $0xF00, s7  }
0x524: {  	s7 =	sor.u32 s9, s7;
	v7 =	vld.idx.msk [tilespmem:v7+s1+$0x0], $0xffff  }
0x525: {  	v12 =	vld [tilespmem:s7+$0x1C700]  }
0x526: {  	v6 =	vsub.f32 v8, v6;
	v8 =	vld [tilespmem:s7+$0x1C710]  }
0x527: {  	v2 =	vsub.f32 v10, v2;
	v10 =	vld [tilespmem:s7+$0x1C720]  }
0x528: {  	v6 =	vmul.f32 v6, v6;
	v0 =	vsub.f32 v11, v0;
	v11 =	vld [tilespmem:s7+$0x1C730]  }
0x529: {  	v2 =	vmul.f32 v2, v2;
	v1 =	vsub.f32 v9, v1  }
0x52a: {  	[tilespmem:s8+$0x1D700] =	vst v6;
	v0 =	vmul.f32 v0, v0;
	v6 =	vsub.f32 v12, v7  }
0x52b: {  	[tilespmem:s8+$0x1D710] =	vst v2;
	v1 =	vmul.f32 v1, v1;
	v2 =	vsub.f32 v8, v4  }
0x52c: {  	[tilespmem:s8+$0x1D720] =	vst v0;
	v4 =	vsub.f32 v10, v5;
	v0 =	vmul.f32 v6, v6  }
0x52d: {  	[tilespmem:s8+$0x1D730] =	vst v1;
	v1 =	vmul.f32 v2, v2;
	v2 =	vsub.f32 v11, v3  }
0x52e: {  	[tilespmem:s7+$0x1D700] =	vst v0;
	v0 =	vmul.f32 v4, v4  }
0x52f: {  	[tilespmem:s7+$0x1D710] =	vst v1;
	v1 =	vmul.f32 v2, v2  }
0x530: {  	[tilespmem:s7+$0x1D720] =	vst v0  }
0x531: {  	[tilespmem:s7+$0x1D730] =	vst v1  }
0x532: {  	s11 =	simm.s32 $0x1D700;
	s7 =	simm.s32 $0x0;
	s9 =	rddreg [dreg:$0x1a]  }
0x533: {  	[hbm4b:s9+s7] =	stream.linear.scatter [tilespmem:s11], [sflag:$0x4], $0x80, $0x38;
	[tilespmem:$0x1E700] =	vst v63  }
0x534: {  	s10 =	simm.s32 $0x1D800;
	s12 =	sadd.s32 $0x80, s9  }
0x535: {  	[hbm4b:s12+s7] =	stream.linear.scatter [tilespmem:s10], [sflag:$0x4], $0x80, $0x38;
	[tilespmem:$0x1E700] =	vst v63  }
0x536: {  	s14 =	simm.s32 $0x1D900;
	s13 =	sadd.s32 $0x100, s9  }
0x537: {  	[hbm4b:s13+s7] =	stream.linear.scatter [tilespmem:s14], [sflag:$0x4], $0x80, $0x38;
	[tilespmem:$0x1E700] =	vst v63  }
0x538: {  	s11 =	sadd.s32 $0x180, s9;
	s12 =	simm.s32 $0x1DA00  }
0x539: {  	[hbm4b:s11+s7] =	stream.linear.scatter [tilespmem:s12], [sflag:$0x4], $0x80, $0x38;
	[tilespmem:$0x1E700] =	vst v63  }
0x53a: {  	s13 =	sadd.s32 $0x200, s9;
	s14 =	simm.s32 $0x1DB00  }
0x53b: {  	[hbm4b:s13+s7] =	stream.linear.scatter [tilespmem:s14], [sflag:$0x4], $0x80, $0x38;
	[tilespmem:$0x1E700] =	vst v63  }
0x53c: {  	s11 =	sadd.s32 $0x280, s9;
	s12 =	simm.s32 $0x1DC00  }
0x53d: {  	[hbm4b:s11+s7] =	stream.linear.scatter [tilespmem:s12], [sflag:$0x4], $0x80, $0x38;
	[tilespmem:$0x1E700] =	vst v63  }
0x53e: {  	s13 =	sadd.s32 $0x300, s9;
	s14 =	simm.s32 $0x1DD00  }
0x53f: {  	[hbm4b:s13+s7] =	stream.linear.scatter [tilespmem:s14], [sflag:$0x4], $0x80, $0x38;
	[tilespmem:$0x1E700] =	vst v63  }
0x540: {  	s11 =	sadd.s32 $0x380, s9;
	s12 =	simm.s32 $0x1DE00  }
0x541: {  	[hbm4b:s11+s7] =	stream.linear.scatter [tilespmem:s12], [sflag:$0x4], $0x80, $0x38;
	[tilespmem:$0x1E700] =	vst v63  }
0x542: {  	s13 =	sadd.s32 $0x400, s9;
	s14 =	simm.s32 $0x1DF00  }
0x543: {  	[hbm4b:s13+s7] =	stream.linear.scatter [tilespmem:s14], [sflag:$0x4], $0x80, $0x38;
	[tilespmem:$0x1E700] =	vst v63  }
0x544: {  	s11 =	sadd.s32 $0x480, s9;
	s12 =	simm.s32 $0x1E000  }
0x545: {  	[hbm4b:s11+s7] =	stream.linear.scatter [tilespmem:s12], [sflag:$0x4], $0x80, $0x38;
	[tilespmem:$0x1E700] =	vst v63  }
0x546: {  	s13 =	sadd.s32 $0x500, s9;
	s14 =	simm.s32 $0x1E100  }
0x547: {  	[hbm4b:s13+s7] =	stream.linear.scatter [tilespmem:s14], [sflag:$0x4], $0x80, $0x38;
	[tilespmem:$0x1E700] =	vst v63  }
0x548: {  	s11 =	sadd.s32 $0x580, s9;
	s12 =	simm.s32 $0x1E200  }
0x549: {  	[hbm4b:s11+s7] =	stream.linear.scatter [tilespmem:s12], [sflag:$0x4], $0x80, $0x38;
	[tilespmem:$0x1E700] =	vst v63  }
0x54a: {  	s13 =	sadd.s32 $0x600, s9;
	s14 =	simm.s32 $0x1E300  }
0x54b: {  	[hbm4b:s13+s7] =	stream.linear.scatter [tilespmem:s14], [sflag:$0x4], $0x80, $0x38;
	[tilespmem:$0x1E700] =	vst v63  }
0x54c: {  	s11 =	sadd.s32 $0x680, s9;
	s12 =	simm.s32 $0x1E400  }
0x54d: {  	[hbm4b:s11+s7] =	stream.linear.scatter [tilespmem:s12], [sflag:$0x4], $0x80, $0x38;
	[tilespmem:$0x1E700] =	vst v63  }
0x54e: {  	s13 =	sadd.s32 $0x700, s9;
	s14 =	simm.s32 $0x1E500  }
0x54f: {  	[hbm4b:s13+s7] =	stream.linear.scatter [tilespmem:s14], [sflag:$0x4], $0x80, $0x38;
	[tilespmem:$0x1E700] =	vst v63  }
0x550: {  	s10 =	sadd.s32 $0x780, s9;
	s11 =	simm.s32 $0x1E600  }
0x551: {  	[hbm4b:s10+s7] =	stream.linear.scatter [tilespmem:s11], [sflag:$0x4], $0x80, $0x38;
	[tilespmem:$0x1E700] =	vst v63  }
0x552: {  	_ = 	snop  }
0x553: {  	[tilespmem:s15], [sflag:$0x3] =	stream.linear.gather [hbm4b:s26+s7], $0x80, $0x38;
	[tilespmem:$0x1E700] =	vst v63  }
0x554: {  	s12 =	sadd.s32 $0x80, s26  }
0x555: {  	[tilespmem:s16], [sflag:$0x3] =	stream.linear.gather [hbm4b:s12+s7], $0x80, $0x38;
	[tilespmem:$0x1E700] =	vst v63  }
0x556: {  	s13 =	sadd.s32 $0x100, s26  }
0x557: {  	[tilespmem:s17], [sflag:$0x3] =	stream.linear.gather [hbm4b:s13+s7], $0x80, $0x38;
	[tilespmem:$0x1E700] =	vst v63  }
0x558: {  	s14 =	sadd.s32 $0x180, s26  }
0x559: {  	[tilespmem:s18], [sflag:$0x3] =	stream.linear.gather [hbm4b:s14+s7], $0x80, $0x38;
	[tilespmem:$0x1E700] =	vst v63  }
0x55a: {  	s9 =	sadd.s32 $0x200, s26  }
0x55b: {  	[tilespmem:s20], [sflag:$0x3] =	stream.linear.gather [hbm4b:s9+s7], $0x80, $0x38;
	[tilespmem:$0x1E700] =	vst v63  }
0x55c: {  	s10 =	sadd.s32 $0x280, s26  }
0x55d: {  	[tilespmem:s21], [sflag:$0x3] =	stream.linear.gather [hbm4b:s10+s7], $0x80, $0x38;
	[tilespmem:$0x1E700] =	vst v63  }
0x55e: {  	s11 =	sadd.s32 $0x300, s26  }
0x55f: {  	[tilespmem:s22], [sflag:$0x3] =	stream.linear.gather [hbm4b:s11+s7], $0x80, $0x38;
	[tilespmem:$0x1E700] =	vst v63  }
0x560: {  	s12 =	sadd.s32 $0x380, s26  }
0x561: {  	[tilespmem:s23], [sflag:$0x3] =	stream.linear.gather [hbm4b:s12+s7], $0x80, $0x38;
	[tilespmem:$0x1E700] =	vst v63  }
0x562: {  	s13 =	sadd.s32 $0x400, s26  }
0x563: {  	[tilespmem:s24], [sflag:$0x3] =	stream.linear.gather [hbm4b:s13+s7], $0x80, $0x38;
	[tilespmem:$0x1E700] =	vst v63  }
0x564: {  	s14 =	sadd.s32 $0x480, s26  }
0x565: {  	[tilespmem:s25], [sflag:$0x3] =	stream.linear.gather [hbm4b:s14+s7], $0x80, $0x38;
	[tilespmem:$0x1E700] =	vst v63  }
0x566: {  	s9 =	sadd.s32 $0x500, s26;
	s10 =	simm.s32 $0x1D100  }
0x567: {  	[tilespmem:s10], [sflag:$0x3] =	stream.linear.gather [hbm4b:s9+s7], $0x80, $0x38;
	[tilespmem:$0x1E700] =	vst v63  }
0x568: {  	s11 =	sadd.s32 $0x580, s26;
	s12 =	simm.s32 $0x1D200  }
0x569: {  	[tilespmem:s12], [sflag:$0x3] =	stream.linear.gather [hbm4b:s11+s7], $0x80, $0x38;
	[tilespmem:$0x1E700] =	vst v63  }
0x56a: {  	s13 =	sadd.s32 $0x600, s26;
	s14 =	simm.s32 $0x1D300  }
0x56b: {  	[tilespmem:s14], [sflag:$0x3] =	stream.linear.gather [hbm4b:s13+s7], $0x80, $0x38;
	[tilespmem:$0x1E700] =	vst v63  }
0x56c: {  	s9 =	sadd.s32 $0x680, s26;
	s10 =	simm.s32 $0x1D400  }
0x56d: {  	[tilespmem:s10], [sflag:$0x3] =	stream.linear.gather [hbm4b:s9+s7], $0x80, $0x38;
	[tilespmem:$0x1E700] =	vst v63  }
0x56e: {  	s11 =	sadd.s32 $0x700, s26;
	s12 =	simm.s32 $0x1D500  }
0x56f: {  	[tilespmem:s12], [sflag:$0x3] =	stream.linear.gather [hbm4b:s11+s7], $0x80, $0x38;
	[tilespmem:$0x1E700] =	vst v63  }
0x570: {  	s13 =	sadd.s32 $0x780, s26;
	s14 =	simm.s32 $0x1D600  }
0x571: {  	[tilespmem:s14], [sflag:$0x3] =	stream.linear.gather [hbm4b:s13+s7], $0x80, $0x38;
	[tilespmem:$0x1E700] =	vst v63  }
0x572: {  	_ =	swait.ge [sflag:s5], $0x800  }
0x573: {  	[sflag:s5] =	ssyncset.done $0x0  }
0x574: {  	[sflag:s5] =	ssyncadd.s32 $0xFFFFF800  }
0x575: {  	_ =	swait.ge [sflag:s6], $0x800  }
0x576: {  	[sflag:s6] =	ssyncset.done $0x0  }
0x577: {  	s10 =	simm.s32 $0x19F30;
	[sflag:s6] =	ssyncadd.s32 $0xFFFFF800  }
0x578: {  	v0 =	vld [tilespmem:s10+$0xFFFFFFE0]  }
0x579: {  	s11 =	simm.s32 $0x0;
	v1 =	vld [tilespmem:s10+$0xFFFFFFF0]  }
0x57a: {  	p0 =	por $0x0, $0x0;
	s8 =	simm.s32 $0x1;
	s12 =	sand.u32 $0x7C0, s11;
	v6 =	vld [tilespmem:s10+$0x0]  }
0x57b: {  	s8 =	simm.s32 @!p0 $0x0;
	s13 =	simm.s32 $0x19F70;
	v7 =	vld [tilespmem:s12+$0x19F00]  }
0x57c: {  	s8 =	sshll.u32 s8, $0x6;
	v4 =	vld [tilespmem:s13+$0xFFFFFFE0]  }
0x57d: {  	s14 =	sadd.s32 $0x0, s8;
	v5 =	vld [tilespmem:s13+$0xFFFFFFF0]  }
0x57e: {  	s11 =	sor.u32 $0x80, s14;
	v3 =	vld [tilespmem:s13+$0x0]  }
0x57f: {  	s8 =	sor.u32 $0xA0, s14;
	v9 =	vld [tilespmem:s11+$0x1C700]  }
0x580: {  	v11 =	vld [tilespmem:s8+$0x1C700]  }
0x581: {  	v2 =	vld.idx.msk [tilespmem:v0+s1+$0x0], $0xffff  }
0x582: {  	v0 =	vld.idx.msk [tilespmem:v6+s1+$0x0], $0xffff  }
0x583: {  	s10 =	sor.u32 $0x90, s14;
	v6 =	vld.idx.msk [tilespmem:v7+s1+$0x0], $0xffff  }
0x584: {  	s12 =	simm.s32 $0x40;
	v10 =	vld [tilespmem:s10+$0x1C700]  }
0x585: {  	s13 =	sand.u32 $0x7C0, s12;
	v1 =	vld.idx.msk [tilespmem:v1+s1+$0x0], $0xffff  }
0x586: {  	s9 =	sor.u32 $0xB0, s14;
	v7 =	vld [tilespmem:s13+$0x19F00]  }
0x587: {  	v8 =	vld [tilespmem:s9+$0x1C700];
	s13 =	simm.s32 $0x19FB0  }
.LBB2_24:
0x588: {  	v12 =	vld [tilespmem:s13+$0xFFFFFFE0];
	v6 =	vsub.f32 v9, v6  }
0x589: {  	v9 =	vld [tilespmem:s13+$0xFFFFFFF0];
	v10 =	vsub.f32 v10, v2  }
0x58a: {  	p0 =	por !p0, !p0;
	s14 =	simm.s32 $0x1;
	v13 =	vld [tilespmem:s13+$0x0];
	v6 =	vmul.f32 v6, v6;
	v11 =	vsub.f32 v11, v1  }
0x58b: {  	s14 =	simm.s32 @!p0 $0x0;
	v2 =	vld.idx.msk [tilespmem:v4+s1+$0x0], $0xffff;
	v10 =	vmul.f32 v10, v10  }
0x58c: {  	s7 =	sadd.s32 $0x80, s7;
	s12 =	sadd.s32 $0x40, s12;
	s14 =	sshll.u32 s14, $0x6;
	v1 =	vld.idx.msk [tilespmem:v5+s1+$0x0], $0xffff;
	[tilespmem:s11+$0x1D700] =	vst v6;
	v11 =	vmul.f32 v11, v11;
	v8 =	vsub.f32 v8, v0  }
0x58d: {  	p1 =	slt.u32 s12, $0x7C0;
	s14 =	sadd.s32 s14, s7;
	v0 =	vld.idx.msk [tilespmem:v3+s1+$0x0], $0xffff;
	[tilespmem:s10+$0x1D700] =	vst v10;
	v4 =	vmov v12  }
0x58e: {  	s11 =	sor.u32 $0x80, s14;
	s10 =	sor.u32 $0x90, s14;
	v6 =	vld.idx.msk [tilespmem:v7+s1+$0x0], $0xffff;
	[tilespmem:s8+$0x1D700] =	vst v11;
	s8 =	sor.u32 $0xA0, s14;
	v7 =	vmul.f32 v8, v8;
	v5 =	vmov v9  }
.Ltmp11:
0x58f: {  	s14 =	sor.u32 $0xB0, s14;
	v9 =	vld [tilespmem:s11+$0x1C700];
	v3 =	vmov v13;
	(pc) =	sbr.rel @p1 .LBB2_24-.Ltmp11, $4  }
0x590: {  	v10 =	vld [tilespmem:s10+$0x1C700];
	[tilespmem:s9+$0x1D700] =	vst v7;
	s9 =	smov.u32 s14  }
0x591: {  	s14 =	sand.u32 $0x7C0, s12;
	v11 =	vld [tilespmem:s8+$0x1C700]  }
0x592: {  	v7 =	vld [tilespmem:s14+$0x19F00]  }
0x593: {  	s13 =	sadd.s32 $0x40, s13;
	v8 =	vld [tilespmem:s9+$0x1C700]  }
0x594: {  	_ =	sdelay $0x2  }
0x595: {  	p0 =	por !p0, !p0;
	s12 =	simm.s32 $0x1  }
0x596: {  	v4 =	vld.idx.msk [tilespmem:v4+s1+$0x0], $0xffff;
	s12 =	simm.s32 @!p0 $0x0  }
0x597: {  	v5 =	vld.idx.msk [tilespmem:v5+s1+$0x0], $0xffff;
	s7 =	sadd.s32 $0x80, s7;
	s12 =	sshll.u32 s12, $0x6  }
0x598: {  	v3 =	vld.idx.msk [tilespmem:v3+s1+$0x0], $0xffff;
	s7 =	sadd.s32 s12, s7  }
0x599: {  	v7 =	vld.idx.msk [tilespmem:v7+s1+$0x0], $0xffff;
	s12 =	sor.u32 $0x80, s7  }
0x59a: {  	s13 =	sor.u32 $0x90, s7;
	v12 =	vld [tilespmem:s12+$0x1C700]  }
0x59b: {  	v6 =	vsub.f32 v9, v6;
	s14 =	sor.u32 $0xA0, s7;
	v9 =	vld [tilespmem:s13+$0x1C700]  }
0x59c: {  	v2 =	vsub.f32 v10, v2;
	s7 =	sor.u32 $0xB0, s7;
	v10 =	vld [tilespmem:s14+$0x1C700]  }
0x59d: {  	v6 =	vmul.f32 v6, v6;
	v1 =	vsub.f32 v11, v1;
	v11 =	vld [tilespmem:s7+$0x1C700]  }
0x59e: {  	v2 =	vmul.f32 v2, v2;
	v0 =	vsub.f32 v8, v0  }
0x59f: {  	[tilespmem:s11+$0x1D700] =	vst v6;
	v1 =	vmul.f32 v1, v1;
	v6 =	vsub.f32 v12, v7  }
0x5a0: {  	[tilespmem:s10+$0x1D700] =	vst v2;
	v0 =	vmul.f32 v0, v0;
	v2 =	vsub.f32 v9, v4  }
0x5a1: {  	[tilespmem:s8+$0x1D700] =	vst v1;
	v4 =	vsub.f32 v10, v5;
	v1 =	vmul.f32 v6, v6  }
0x5a2: {  	[tilespmem:s9+$0x1D700] =	vst v0;
	v0 =	vmul.f32 v2, v2;
	v2 =	vsub.f32 v11, v3  }
0x5a3: {  	[tilespmem:s12+$0x1D700] =	vst v1;
	v1 =	vmul.f32 v4, v4  }
0x5a4: {  	[tilespmem:s13+$0x1D700] =	vst v0;
	v0 =	vmul.f32 v2, v2  }
0x5a5: {  	[tilespmem:s14+$0x1D700] =	vst v1  }
0x5a6: {  	[tilespmem:s7+$0x1D700] =	vst v0  }
0x5a7: {  	s10 =	simm.s32 $0x1D780;
	s7 =	simm.s32 $0x0;
	s9 =	rddreg [dreg:$0x1c]  }
0x5a8: {  	[hbm4b:s9+s7] =	stream.linear.scatter [tilespmem:s10], [sflag:$0x4], $0x80, $0x38;
	[tilespmem:$0x1E700] =	vst v63  }
0x5a9: {  	s12 =	simm.s32 $0x1D880;
	s11 =	sadd.s32 $0x80, s9  }
0x5aa: {  	[hbm4b:s11+s7] =	stream.linear.scatter [tilespmem:s12], [sflag:$0x4], $0x80, $0x38;
	[tilespmem:$0x1E700] =	vst v63  }
0x5ab: {  	s14 =	simm.s32 $0x1D980;
	s13 =	sadd.s32 $0x100, s9  }
0x5ac: {  	[hbm4b:s13+s7] =	stream.linear.scatter [tilespmem:s14], [sflag:$0x4], $0x80, $0x38;
	[tilespmem:$0x1E700] =	vst v63  }
0x5ad: {  	s11 =	sadd.s32 $0x180, s9;
	s12 =	simm.s32 $0x1DA80  }
0x5ae: {  	[hbm4b:s11+s7] =	stream.linear.scatter [tilespmem:s12], [sflag:$0x4], $0x80, $0x38;
	[tilespmem:$0x1E700] =	vst v63  }
0x5af: {  	s13 =	sadd.s32 $0x200, s9;
	s14 =	simm.s32 $0x1DB80  }
0x5b0: {  	[hbm4b:s13+s7] =	stream.linear.scatter [tilespmem:s14], [sflag:$0x4], $0x80, $0x38;
	[tilespmem:$0x1E700] =	vst v63  }
0x5b1: {  	s11 =	sadd.s32 $0x280, s9;
	s12 =	simm.s32 $0x1DC80  }
0x5b2: {  	[hbm4b:s11+s7] =	stream.linear.scatter [tilespmem:s12], [sflag:$0x4], $0x80, $0x38;
	[tilespmem:$0x1E700] =	vst v63  }
0x5b3: {  	s13 =	sadd.s32 $0x300, s9;
	s14 =	simm.s32 $0x1DD80  }
0x5b4: {  	[hbm4b:s13+s7] =	stream.linear.scatter [tilespmem:s14], [sflag:$0x4], $0x80, $0x38;
	[tilespmem:$0x1E700] =	vst v63  }
0x5b5: {  	s11 =	sadd.s32 $0x380, s9;
	s12 =	simm.s32 $0x1DE80  }
0x5b6: {  	[hbm4b:s11+s7] =	stream.linear.scatter [tilespmem:s12], [sflag:$0x4], $0x80, $0x38;
	[tilespmem:$0x1E700] =	vst v63  }
0x5b7: {  	s13 =	sadd.s32 $0x400, s9;
	s14 =	simm.s32 $0x1DF80  }
0x5b8: {  	[hbm4b:s13+s7] =	stream.linear.scatter [tilespmem:s14], [sflag:$0x4], $0x80, $0x38;
	[tilespmem:$0x1E700] =	vst v63  }
0x5b9: {  	s11 =	sadd.s32 $0x480, s9;
	s12 =	simm.s32 $0x1E080  }
0x5ba: {  	[hbm4b:s11+s7] =	stream.linear.scatter [tilespmem:s12], [sflag:$0x4], $0x80, $0x38;
	[tilespmem:$0x1E700] =	vst v63  }
0x5bb: {  	s13 =	sadd.s32 $0x500, s9;
	s14 =	simm.s32 $0x1E180  }
0x5bc: {  	[hbm4b:s13+s7] =	stream.linear.scatter [tilespmem:s14], [sflag:$0x4], $0x80, $0x38;
	[tilespmem:$0x1E700] =	vst v63  }
0x5bd: {  	s11 =	sadd.s32 $0x580, s9;
	s12 =	simm.s32 $0x1E280  }
0x5be: {  	[hbm4b:s11+s7] =	stream.linear.scatter [tilespmem:s12], [sflag:$0x4], $0x80, $0x38;
	[tilespmem:$0x1E700] =	vst v63  }
0x5bf: {  	s13 =	sadd.s32 $0x600, s9;
	s14 =	simm.s32 $0x1E380  }
0x5c0: {  	[hbm4b:s13+s7] =	stream.linear.scatter [tilespmem:s14], [sflag:$0x4], $0x80, $0x38;
	[tilespmem:$0x1E700] =	vst v63  }
0x5c1: {  	s11 =	sadd.s32 $0x680, s9;
	s12 =	simm.s32 $0x1E480  }
0x5c2: {  	[hbm4b:s11+s7] =	stream.linear.scatter [tilespmem:s12], [sflag:$0x4], $0x80, $0x38;
	[tilespmem:$0x1E700] =	vst v63  }
0x5c3: {  	s13 =	sadd.s32 $0x700, s9;
	s14 =	simm.s32 $0x1E580  }
0x5c4: {  	[hbm4b:s13+s7] =	stream.linear.scatter [tilespmem:s14], [sflag:$0x4], $0x80, $0x38;
	[tilespmem:$0x1E700] =	vst v63  }
0x5c5: {  	s10 =	sadd.s32 $0x780, s9;
	s11 =	simm.s32 $0x1E680  }
0x5c6: {  	[hbm4b:s10+s7] =	stream.linear.scatter [tilespmem:s11], [sflag:$0x4], $0x80, $0x38;
	[tilespmem:$0x1E700] =	vst v63  }
0x5c7: {  	s12 =	simm.s32 $0x1C780  }
0x5c8: {  	[tilespmem:s12], [sflag:$0x3] =	stream.linear.gather [hbm4b:s29+s7], $0x80, $0x38;
	[tilespmem:$0x1E700] =	vst v63  }
0x5c9: {  	s13 =	sadd.s32 $0x80, s29;
	s14 =	simm.s32 $0x1C880  }
0x5ca: {  	[tilespmem:s14], [sflag:$0x3] =	stream.linear.gather [hbm4b:s13+s7], $0x80, $0x38;
	[tilespmem:$0x1E700] =	vst v63  }
0x5cb: {  	s9 =	sadd.s32 $0x100, s29;
	s10 =	simm.s32 $0x1C980  }
0x5cc: {  	[tilespmem:s10], [sflag:$0x3] =	stream.linear.gather [hbm4b:s9+s7], $0x80, $0x38;
	[tilespmem:$0x1E700] =	vst v63  }
0x5cd: {  	s11 =	sadd.s32 $0x180, s29;
	s12 =	simm.s32 $0x1CA80  }
0x5ce: {  	[tilespmem:s12], [sflag:$0x3] =	stream.linear.gather [hbm4b:s11+s7], $0x80, $0x38;
	[tilespmem:$0x1E700] =	vst v63  }
0x5cf: {  	s13 =	sadd.s32 $0x200, s29;
	s14 =	simm.s32 $0x1CB80  }
0x5d0: {  	[tilespmem:s14], [sflag:$0x3] =	stream.linear.gather [hbm4b:s13+s7], $0x80, $0x38;
	[tilespmem:$0x1E700] =	vst v63  }
0x5d1: {  	s9 =	sadd.s32 $0x280, s29;
	s10 =	simm.s32 $0x1CC80  }
0x5d2: {  	[tilespmem:s10], [sflag:$0x3] =	stream.linear.gather [hbm4b:s9+s7], $0x80, $0x38;
	[tilespmem:$0x1E700] =	vst v63  }
0x5d3: {  	s11 =	sadd.s32 $0x300, s29;
	s12 =	simm.s32 $0x1CD80  }
0x5d4: {  	[tilespmem:s12], [sflag:$0x3] =	stream.linear.gather [hbm4b:s11+s7], $0x80, $0x38;
	[tilespmem:$0x1E700] =	vst v63  }
0x5d5: {  	s13 =	sadd.s32 $0x380, s29;
	s14 =	simm.s32 $0x1CE80  }
0x5d6: {  	[tilespmem:s14], [sflag:$0x3] =	stream.linear.gather [hbm4b:s13+s7], $0x80, $0x38;
	[tilespmem:$0x1E700] =	vst v63  }
0x5d7: {  	s9 =	sadd.s32 $0x400, s29;
	s10 =	simm.s32 $0x1CF80  }
0x5d8: {  	[tilespmem:s10], [sflag:$0x3] =	stream.linear.gather [hbm4b:s9+s7], $0x80, $0x38;
	[tilespmem:$0x1E700] =	vst v63  }
0x5d9: {  	s11 =	sadd.s32 $0x480, s29;
	s12 =	simm.s32 $0x1D080  }
0x5da: {  	[tilespmem:s12], [sflag:$0x3] =	stream.linear.gather [hbm4b:s11+s7], $0x80, $0x38;
	[tilespmem:$0x1E700] =	vst v63  }
0x5db: {  	s13 =	sadd.s32 $0x500, s29;
	s14 =	simm.s32 $0x1D180  }
0x5dc: {  	[tilespmem:s14], [sflag:$0x3] =	stream.linear.gather [hbm4b:s13+s7], $0x80, $0x38;
	[tilespmem:$0x1E700] =	vst v63  }
0x5dd: {  	s9 =	sadd.s32 $0x580, s29;
	s10 =	simm.s32 $0x1D280  }
0x5de: {  	[tilespmem:s10], [sflag:$0x3] =	stream.linear.gather [hbm4b:s9+s7], $0x80, $0x38;
	[tilespmem:$0x1E700] =	vst v63  }
0x5df: {  	s11 =	sadd.s32 $0x600, s29;
	s12 =	simm.s32 $0x1D380  }
0x5e0: {  	[tilespmem:s12], [sflag:$0x3] =	stream.linear.gather [hbm4b:s11+s7], $0x80, $0x38;
	[tilespmem:$0x1E700] =	vst v63  }
0x5e1: {  	s13 =	sadd.s32 $0x680, s29;
	s14 =	simm.s32 $0x1D480  }
0x5e2: {  	[tilespmem:s14], [sflag:$0x3] =	stream.linear.gather [hbm4b:s13+s7], $0x80, $0x38;
	[tilespmem:$0x1E700] =	vst v63  }
0x5e3: {  	s9 =	sadd.s32 $0x700, s29;
	s10 =	simm.s32 $0x1D580  }
0x5e4: {  	[tilespmem:s10], [sflag:$0x3] =	stream.linear.gather [hbm4b:s9+s7], $0x80, $0x38;
	[tilespmem:$0x1E700] =	vst v63  }
0x5e5: {  	s11 =	sadd.s32 $0x780, s29;
	s12 =	simm.s32 $0x1D680  }
0x5e6: {  	[tilespmem:s12], [sflag:$0x3] =	stream.linear.gather [hbm4b:s11+s7], $0x80, $0x38;
	[tilespmem:$0x1E700] =	vst v63  }
0x5e7: {  	_ =	swait.ge [sflag:s5], $0x800  }
0x5e8: {  	[sflag:s5] =	ssyncset.done $0x0  }
0x5e9: {  	[sflag:s5] =	ssyncadd.s32 $0xFFFFF800  }
0x5ea: {  	_ =	swait.ge [sflag:s6], $0x800  }
0x5eb: {  	[sflag:s6] =	ssyncset.done $0x0  }
0x5ec: {  	s13 =	simm.s32 $0x1A730;
	[sflag:s6] =	ssyncadd.s32 $0xFFFFF800  }
0x5ed: {  	v0 =	vld [tilespmem:s13+$0xFFFFFFE0]  }
0x5ee: {  	s14 =	simm.s32 $0x0;
	v1 =	vld [tilespmem:s13+$0xFFFFFFF0]  }
0x5ef: {  	s10 =	sand.u32 $0x7C0, s14;
	v6 =	vld [tilespmem:s13+$0x0]  }
0x5f0: {  	s11 =	simm.s32 $0x1A770;
	v7 =	vld [tilespmem:s10+$0x1A700]  }
0x5f1: {  	v4 =	vld [tilespmem:s11+$0xFFFFFFE0]  }
0x5f2: {  	s12 =	sand.u32 $0x40, s14;
	v5 =	vld [tilespmem:s11+$0xFFFFFFF0];
	s13 =	sand.u32 $0xF00, s7  }
0x5f3: {  	v3 =	vld [tilespmem:s11+$0x0];
	s8 =	sor.u32 s12, s13  }
0x5f4: {  	v8 =	vld [tilespmem:s8+$0x1C700]  }
0x5f5: {  	v2 =	vld.idx.msk [tilespmem:v0+s1+$0x0], $0xffff  }
0x5f6: {  	v0 =	vld.idx.msk [tilespmem:v1+s1+$0x0], $0xffff  }
0x5f7: {  	v1 =	vld.idx.msk [tilespmem:v6+s1+$0x0], $0xffff  }
0x5f8: {  	v6 =	vld.idx.msk [tilespmem:v7+s1+$0x0], $0xffff  }
0x5f9: {  	s9 =	simm.s32 $0x40;
	v10 =	vld [tilespmem:s8+$0x1C710]  }
0x5fa: {  	s14 =	sand.u32 $0x7C0, s9;
	v11 =	vld [tilespmem:s8+$0x1C720]  }
0x5fb: {  	v7 =	vld [tilespmem:s14+$0x1A700]  }
0x5fc: {  	s10 =	simm.s32 $0x1A7B0;
	v9 =	vld [tilespmem:s8+$0x1C730]  }
.LBB2_26:
0x5fd: {  	v12 =	vld [tilespmem:s10+$0xFFFFFFE0];
	v6 =	vsub.f32 v8, v6  }
0x5fe: {  	v8 =	vld [tilespmem:s10+$0xFFFFFFF0];
	v10 =	vsub.f32 v10, v2  }
0x5ff: {  	v13 =	vld [tilespmem:s10+$0x0];
	v6 =	vmul.f32 v6, v6;
	v11 =	vsub.f32 v11, v0  }
0x600: {  	v2 =	vld.idx.msk [tilespmem:v4+s1+$0x0], $0xffff;
	v10 =	vmul.f32 v10, v10  }
0x601: {  	s7 =	sadd.s32 $0x80, s7;
	v0 =	vld.idx.msk [tilespmem:v5+s1+$0x0], $0xffff;
	[tilespmem:s8+$0x1D700] =	vst v6;
	v11 =	vmul.f32 v11, v11;
	v9 =	vsub.f32 v9, v1  }
0x602: {  	s11 =	sand.u32 $0x40, s9;
	s9 =	sadd.s32 $0x40, s9;
	s12 =	sand.u32 $0xF00, s7;
	v1 =	vld.idx.msk [tilespmem:v3+s1+$0x0], $0xffff;
	[tilespmem:s8+$0x1D710] =	vst v10;
	v4 =	vmov v12  }
0x603: {  	p0 =	slt.u32 s9, $0x7C0;
	s11 =	sor.u32 s11, s12;
	v6 =	vld.idx.msk [tilespmem:v7+s1+$0x0], $0xffff;
	[tilespmem:s8+$0x1D720] =	vst v11;
	v7 =	vmul.f32 v9, v9;
	v5 =	vmov v8  }
.Ltmp12:
0x604: {  	v8 =	vld [tilespmem:s11+$0x1C700];
	v3 =	vmov v13;
	(pc) =	sbr.rel @p0 .LBB2_26-.Ltmp12, $4  }
0x605: {  	v10 =	vld [tilespmem:s11+$0x1C710];
	[tilespmem:s8+$0x1D730] =	vst v7;
	s8 =	smov.u32 s11  }
0x606: {  	s11 =	sand.u32 $0x7C0, s9;
	v11 =	vld [tilespmem:s8+$0x1C720]  }
0x607: {  	v7 =	vld [tilespmem:s11+$0x1A700]  }
0x608: {  	s10 =	sadd.s32 $0x40, s10;
	v9 =	vld [tilespmem:s8+$0x1C730]  }
0x609: {  	_ =	sdelay $0x3  }
0x60a: {  	v4 =	vld.idx.msk [tilespmem:v4+s1+$0x0], $0xffff  }
0x60b: {  	v5 =	vld.idx.msk [tilespmem:v5+s1+$0x0], $0xffff;
	s7 =	sadd.s32 $0x80, s7  }
0x60c: {  	s9 =	sand.u32 $0x40, s9;
	v3 =	vld.idx.msk [tilespmem:v3+s1+$0x0], $0xffff;
	s7 =	sand.u32 $0xF00, s7  }
0x60d: {  	s7 =	sor.u32 s9, s7;
	v7 =	vld.idx.msk [tilespmem:v7+s1+$0x0], $0xffff  }
0x60e: {  	v12 =	vld [tilespmem:s7+$0x1C700]  }
0x60f: {  	v6 =	vsub.f32 v8, v6;
	v8 =	vld [tilespmem:s7+$0x1C710]  }
0x610: {  	v2 =	vsub.f32 v10, v2;
	v10 =	vld [tilespmem:s7+$0x1C720]  }
0x611: {  	v6 =	vmul.f32 v6, v6;
	v0 =	vsub.f32 v11, v0;
	v11 =	vld [tilespmem:s7+$0x1C730]  }
0x612: {  	v2 =	vmul.f32 v2, v2;
	v1 =	vsub.f32 v9, v1  }
0x613: {  	[tilespmem:s8+$0x1D700] =	vst v6;
	v0 =	vmul.f32 v0, v0;
	v6 =	vsub.f32 v12, v7  }
0x614: {  	[tilespmem:s8+$0x1D710] =	vst v2;
	v1 =	vmul.f32 v1, v1;
	v2 =	vsub.f32 v8, v4  }
0x615: {  	[tilespmem:s8+$0x1D720] =	vst v0;
	v4 =	vsub.f32 v10, v5;
	v0 =	vmul.f32 v6, v6  }
0x616: {  	[tilespmem:s8+$0x1D730] =	vst v1;
	v1 =	vmul.f32 v2, v2;
	v2 =	vsub.f32 v11, v3  }
0x617: {  	[tilespmem:s7+$0x1D700] =	vst v0;
	v0 =	vmul.f32 v4, v4  }
0x618: {  	[tilespmem:s7+$0x1D710] =	vst v1;
	v1 =	vmul.f32 v2, v2  }
0x619: {  	[tilespmem:s7+$0x1D720] =	vst v0  }
0x61a: {  	s10 =	simm.s32 $0x1D700;
	[tilespmem:s7+$0x1D730] =	vst v1;
	s7 =	simm.s32 $0x0  }
0x61b: {  	[hbm4b:s28+s7] =	stream.linear.scatter [tilespmem:s10], [sflag:$0x4], $0x80, $0x38;
	[tilespmem:$0x1E700] =	vst v63  }
0x61c: {  	s11 =	sadd.s32 $0x80, s28;
	s12 =	simm.s32 $0x1D800  }
0x61d: {  	[hbm4b:s11+s7] =	stream.linear.scatter [tilespmem:s12], [sflag:$0x4], $0x80, $0x38;
	[tilespmem:$0x1E700] =	vst v63  }
0x61e: {  	s13 =	sadd.s32 $0x100, s28;
	s14 =	simm.s32 $0x1D900  }
0x61f: {  	[hbm4b:s13+s7] =	stream.linear.scatter [tilespmem:s14], [sflag:$0x4], $0x80, $0x38;
	[tilespmem:$0x1E700] =	vst v63  }
0x620: {  	s9 =	sadd.s32 $0x180, s28;
	s10 =	simm.s32 $0x1DA00  }
0x621: {  	[hbm4b:s9+s7] =	stream.linear.scatter [tilespmem:s10], [sflag:$0x4], $0x80, $0x38;
	[tilespmem:$0x1E700] =	vst v63  }
0x622: {  	s11 =	sadd.s32 $0x200, s28;
	s12 =	simm.s32 $0x1DB00  }
0x623: {  	[hbm4b:s11+s7] =	stream.linear.scatter [tilespmem:s12], [sflag:$0x4], $0x80, $0x38;
	[tilespmem:$0x1E700] =	vst v63  }
0x624: {  	s13 =	sadd.s32 $0x280, s28;
	s14 =	simm.s32 $0x1DC00  }
0x625: {  	[hbm4b:s13+s7] =	stream.linear.scatter [tilespmem:s14], [sflag:$0x4], $0x80, $0x38;
	[tilespmem:$0x1E700] =	vst v63  }
0x626: {  	s9 =	sadd.s32 $0x300, s28;
	s10 =	simm.s32 $0x1DD00  }
0x627: {  	[hbm4b:s9+s7] =	stream.linear.scatter [tilespmem:s10], [sflag:$0x4], $0x80, $0x38;
	[tilespmem:$0x1E700] =	vst v63  }
0x628: {  	s11 =	sadd.s32 $0x380, s28;
	s12 =	simm.s32 $0x1DE00  }
0x629: {  	[hbm4b:s11+s7] =	stream.linear.scatter [tilespmem:s12], [sflag:$0x4], $0x80, $0x38;
	[tilespmem:$0x1E700] =	vst v63  }
0x62a: {  	s13 =	sadd.s32 $0x400, s28;
	s14 =	simm.s32 $0x1DF00  }
0x62b: {  	[hbm4b:s13+s7] =	stream.linear.scatter [tilespmem:s14], [sflag:$0x4], $0x80, $0x38;
	[tilespmem:$0x1E700] =	vst v63  }
0x62c: {  	s9 =	sadd.s32 $0x480, s28;
	s10 =	simm.s32 $0x1E000  }
0x62d: {  	[hbm4b:s9+s7] =	stream.linear.scatter [tilespmem:s10], [sflag:$0x4], $0x80, $0x38;
	[tilespmem:$0x1E700] =	vst v63  }
0x62e: {  	s11 =	sadd.s32 $0x500, s28;
	s12 =	simm.s32 $0x1E100  }
0x62f: {  	[hbm4b:s11+s7] =	stream.linear.scatter [tilespmem:s12], [sflag:$0x4], $0x80, $0x38;
	[tilespmem:$0x1E700] =	vst v63  }
0x630: {  	s13 =	sadd.s32 $0x580, s28;
	s14 =	simm.s32 $0x1E200  }
0x631: {  	[hbm4b:s13+s7] =	stream.linear.scatter [tilespmem:s14], [sflag:$0x4], $0x80, $0x38;
	[tilespmem:$0x1E700] =	vst v63  }
0x632: {  	s9 =	sadd.s32 $0x600, s28;
	s10 =	simm.s32 $0x1E300  }
0x633: {  	[hbm4b:s9+s7] =	stream.linear.scatter [tilespmem:s10], [sflag:$0x4], $0x80, $0x38;
	[tilespmem:$0x1E700] =	vst v63  }
0x634: {  	s11 =	sadd.s32 $0x680, s28;
	s12 =	simm.s32 $0x1E400  }
0x635: {  	[hbm4b:s11+s7] =	stream.linear.scatter [tilespmem:s12], [sflag:$0x4], $0x80, $0x38;
	[tilespmem:$0x1E700] =	vst v63  }
0x636: {  	s13 =	sadd.s32 $0x700, s28;
	s14 =	simm.s32 $0x1E500  }
0x637: {  	[hbm4b:s13+s7] =	stream.linear.scatter [tilespmem:s14], [sflag:$0x4], $0x80, $0x38;
	[tilespmem:$0x1E700] =	vst v63  }
0x638: {  	s10 =	sadd.s32 $0x780, s28;
	s11 =	simm.s32 $0x1E600  }
0x639: {  	[hbm4b:s10+s7] =	stream.linear.scatter [tilespmem:s11], [sflag:$0x4], $0x80, $0x38;
	[tilespmem:$0x1E700] =	vst v63  }
0x63a: {  	_ = 	snop  }
0x63b: {  	[tilespmem:s15], [sflag:$0x3] =	stream.linear.gather [hbm4b:s2+s7], $0x80, $0x38;
	[tilespmem:$0x1E700] =	vst v63  }
0x63c: {  	s12 =	sadd.s32 $0x80, s2  }
0x63d: {  	[tilespmem:s16], [sflag:$0x3] =	stream.linear.gather [hbm4b:s12+s7], $0x80, $0x38;
	[tilespmem:$0x1E700] =	vst v63  }
0x63e: {  	s13 =	sadd.s32 $0x100, s2  }
0x63f: {  	[tilespmem:s17], [sflag:$0x3] =	stream.linear.gather [hbm4b:s13+s7], $0x80, $0x38;
	[tilespmem:$0x1E700] =	vst v63  }
0x640: {  	s14 =	sadd.s32 $0x180, s2  }
0x641: {  	[tilespmem:s18], [sflag:$0x3] =	stream.linear.gather [hbm4b:s14+s7], $0x80, $0x38;
	[tilespmem:$0x1E700] =	vst v63  }
0x642: {  	s9 =	sadd.s32 $0x200, s2  }
0x643: {  	[tilespmem:s20], [sflag:$0x3] =	stream.linear.gather [hbm4b:s9+s7], $0x80, $0x38;
	[tilespmem:$0x1E700] =	vst v63  }
0x644: {  	s10 =	sadd.s32 $0x280, s2  }
0x645: {  	[tilespmem:s21], [sflag:$0x3] =	stream.linear.gather [hbm4b:s10+s7], $0x80, $0x38;
	[tilespmem:$0x1E700] =	vst v63  }
0x646: {  	s11 =	sadd.s32 $0x300, s2  }
0x647: {  	[tilespmem:s22], [sflag:$0x3] =	stream.linear.gather [hbm4b:s11+s7], $0x80, $0x38;
	[tilespmem:$0x1E700] =	vst v63  }
0x648: {  	s12 =	sadd.s32 $0x380, s2  }
0x649: {  	[tilespmem:s23], [sflag:$0x3] =	stream.linear.gather [hbm4b:s12+s7], $0x80, $0x38;
	[tilespmem:$0x1E700] =	vst v63  }
0x64a: {  	s13 =	sadd.s32 $0x400, s2  }
0x64b: {  	[tilespmem:s24], [sflag:$0x3] =	stream.linear.gather [hbm4b:s13+s7], $0x80, $0x38;
	[tilespmem:$0x1E700] =	vst v63  }
0x64c: {  	s14 =	sadd.s32 $0x480, s2  }
0x64d: {  	[tilespmem:s25], [sflag:$0x3] =	stream.linear.gather [hbm4b:s14+s7], $0x80, $0x38;
	[tilespmem:$0x1E700] =	vst v63  }
0x64e: {  	s9 =	sadd.s32 $0x500, s2;
	s10 =	simm.s32 $0x1D100  }
0x64f: {  	[tilespmem:s10], [sflag:$0x3] =	stream.linear.gather [hbm4b:s9+s7], $0x80, $0x38;
	[tilespmem:$0x1E700] =	vst v63  }
0x650: {  	s11 =	sadd.s32 $0x580, s2;
	s12 =	simm.s32 $0x1D200  }
0x651: {  	[tilespmem:s12], [sflag:$0x3] =	stream.linear.gather [hbm4b:s11+s7], $0x80, $0x38;
	[tilespmem:$0x1E700] =	vst v63  }
0x652: {  	s13 =	sadd.s32 $0x600, s2;
	s14 =	simm.s32 $0x1D300  }
0x653: {  	[tilespmem:s14], [sflag:$0x3] =	stream.linear.gather [hbm4b:s13+s7], $0x80, $0x38;
	[tilespmem:$0x1E700] =	vst v63  }
0x654: {  	s9 =	sadd.s32 $0x680, s2;
	s10 =	simm.s32 $0x1D400  }
0x655: {  	[tilespmem:s10], [sflag:$0x3] =	stream.linear.gather [hbm4b:s9+s7], $0x80, $0x38;
	[tilespmem:$0x1E700] =	vst v63  }
0x656: {  	s11 =	sadd.s32 $0x700, s2;
	s12 =	simm.s32 $0x1D500  }
0x657: {  	[tilespmem:s12], [sflag:$0x3] =	stream.linear.gather [hbm4b:s11+s7], $0x80, $0x38;
	[tilespmem:$0x1E700] =	vst v63  }
0x658: {  	s13 =	sadd.s32 $0x780, s2;
	s14 =	simm.s32 $0x1D600  }
0x659: {  	[tilespmem:s14], [sflag:$0x3] =	stream.linear.gather [hbm4b:s13+s7], $0x80, $0x38;
	[tilespmem:$0x1E700] =	vst v63  }
0x65a: {  	_ =	swait.ge [sflag:s5], $0x800  }
0x65b: {  	[sflag:s5] =	ssyncset.done $0x0  }
0x65c: {  	[sflag:s5] =	ssyncadd.s32 $0xFFFFF800  }
0x65d: {  	_ =	swait.ge [sflag:s6], $0x800  }
0x65e: {  	[sflag:s6] =	ssyncset.done $0x0  }
0x65f: {  	s10 =	simm.s32 $0x1AF30;
	[sflag:s6] =	ssyncadd.s32 $0xFFFFF800  }
0x660: {  	v0 =	vld [tilespmem:s10+$0xFFFFFFE0]  }
0x661: {  	s11 =	simm.s32 $0x0;
	v1 =	vld [tilespmem:s10+$0xFFFFFFF0]  }
0x662: {  	p0 =	por $0x0, $0x0;
	s8 =	simm.s32 $0x1;
	s12 =	sand.u32 $0x7C0, s11;
	v6 =	vld [tilespmem:s10+$0x0]  }
0x663: {  	s8 =	simm.s32 @!p0 $0x0;
	s13 =	simm.s32 $0x1AF70;
	v7 =	vld [tilespmem:s12+$0x1AF00]  }
0x664: {  	s8 =	sshll.u32 s8, $0x6;
	v4 =	vld [tilespmem:s13+$0xFFFFFFE0]  }
0x665: {  	s14 =	sadd.s32 $0x0, s8;
	v5 =	vld [tilespmem:s13+$0xFFFFFFF0]  }
0x666: {  	s11 =	sor.u32 $0x80, s14;
	v3 =	vld [tilespmem:s13+$0x0]  }
0x667: {  	s8 =	sor.u32 $0xA0, s14;
	v9 =	vld [tilespmem:s11+$0x1C700]  }
0x668: {  	v11 =	vld [tilespmem:s8+$0x1C700]  }
0x669: {  	v2 =	vld.idx.msk [tilespmem:v0+s1+$0x0], $0xffff  }
0x66a: {  	v0 =	vld.idx.msk [tilespmem:v6+s1+$0x0], $0xffff  }
0x66b: {  	s10 =	sor.u32 $0x90, s14;
	v6 =	vld.idx.msk [tilespmem:v7+s1+$0x0], $0xffff  }
0x66c: {  	s12 =	simm.s32 $0x40;
	v10 =	vld [tilespmem:s10+$0x1C700]  }
0x66d: {  	s13 =	sand.u32 $0x7C0, s12;
	v1 =	vld.idx.msk [tilespmem:v1+s1+$0x0], $0xffff  }
0x66e: {  	s9 =	sor.u32 $0xB0, s14;
	v7 =	vld [tilespmem:s13+$0x1AF00]  }
0x66f: {  	v8 =	vld [tilespmem:s9+$0x1C700];
	s13 =	simm.s32 $0x1AFB0  }
.LBB2_28:
0x670: {  	v12 =	vld [tilespmem:s13+$0xFFFFFFE0];
	v6 =	vsub.f32 v9, v6  }
0x671: {  	v9 =	vld [tilespmem:s13+$0xFFFFFFF0];
	v10 =	vsub.f32 v10, v2  }
0x672: {  	p0 =	por !p0, !p0;
	s14 =	simm.s32 $0x1;
	v13 =	vld [tilespmem:s13+$0x0];
	v6 =	vmul.f32 v6, v6;
	v11 =	vsub.f32 v11, v1  }
0x673: {  	s14 =	simm.s32 @!p0 $0x0;
	v2 =	vld.idx.msk [tilespmem:v4+s1+$0x0], $0xffff;
	v10 =	vmul.f32 v10, v10  }
0x674: {  	s7 =	sadd.s32 $0x80, s7;
	s12 =	sadd.s32 $0x40, s12;
	s14 =	sshll.u32 s14, $0x6;
	v1 =	vld.idx.msk [tilespmem:v5+s1+$0x0], $0xffff;
	[tilespmem:s11+$0x1D700] =	vst v6;
	v11 =	vmul.f32 v11, v11;
	v8 =	vsub.f32 v8, v0  }
0x675: {  	p1 =	slt.u32 s12, $0x7C0;
	s14 =	sadd.s32 s14, s7;
	v0 =	vld.idx.msk [tilespmem:v3+s1+$0x0], $0xffff;
	[tilespmem:s10+$0x1D700] =	vst v10;
	v4 =	vmov v12  }
0x676: {  	s11 =	sor.u32 $0x80, s14;
	s10 =	sor.u32 $0x90, s14;
	v6 =	vld.idx.msk [tilespmem:v7+s1+$0x0], $0xffff;
	[tilespmem:s8+$0x1D700] =	vst v11;
	s8 =	sor.u32 $0xA0, s14;
	v7 =	vmul.f32 v8, v8;
	v5 =	vmov v9  }
.Ltmp13:
0x677: {  	s14 =	sor.u32 $0xB0, s14;
	v9 =	vld [tilespmem:s11+$0x1C700];
	v3 =	vmov v13;
	(pc) =	sbr.rel @p1 .LBB2_28-.Ltmp13, $4  }
0x678: {  	v10 =	vld [tilespmem:s10+$0x1C700];
	[tilespmem:s9+$0x1D700] =	vst v7;
	s9 =	smov.u32 s14  }
0x679: {  	s14 =	sand.u32 $0x7C0, s12;
	v11 =	vld [tilespmem:s8+$0x1C700]  }
0x67a: {  	v7 =	vld [tilespmem:s14+$0x1AF00]  }
0x67b: {  	s13 =	sadd.s32 $0x40, s13;
	v8 =	vld [tilespmem:s9+$0x1C700]  }
0x67c: {  	_ =	sdelay $0x2  }
0x67d: {  	p0 =	por !p0, !p0;
	s12 =	simm.s32 $0x1  }
0x67e: {  	v4 =	vld.idx.msk [tilespmem:v4+s1+$0x0], $0xffff;
	s12 =	simm.s32 @!p0 $0x0  }
0x67f: {  	v5 =	vld.idx.msk [tilespmem:v5+s1+$0x0], $0xffff;
	s7 =	sadd.s32 $0x80, s7;
	s12 =	sshll.u32 s12, $0x6  }
0x680: {  	v3 =	vld.idx.msk [tilespmem:v3+s1+$0x0], $0xffff;
	s7 =	sadd.s32 s12, s7  }
0x681: {  	v7 =	vld.idx.msk [tilespmem:v7+s1+$0x0], $0xffff;
	s12 =	sor.u32 $0x80, s7  }
0x682: {  	s13 =	sor.u32 $0x90, s7;
	v12 =	vld [tilespmem:s12+$0x1C700]  }
0x683: {  	v6 =	vsub.f32 v9, v6;
	s14 =	sor.u32 $0xA0, s7;
	v9 =	vld [tilespmem:s13+$0x1C700]  }
0x684: {  	v2 =	vsub.f32 v10, v2;
	s7 =	sor.u32 $0xB0, s7;
	v10 =	vld [tilespmem:s14+$0x1C700]  }
0x685: {  	v6 =	vmul.f32 v6, v6;
	v1 =	vsub.f32 v11, v1;
	v11 =	vld [tilespmem:s7+$0x1C700]  }
0x686: {  	v2 =	vmul.f32 v2, v2;
	v0 =	vsub.f32 v8, v0  }
0x687: {  	[tilespmem:s11+$0x1D700] =	vst v6;
	v1 =	vmul.f32 v1, v1;
	v6 =	vsub.f32 v12, v7  }
0x688: {  	[tilespmem:s10+$0x1D700] =	vst v2;
	v0 =	vmul.f32 v0, v0;
	v2 =	vsub.f32 v9, v4  }
0x689: {  	[tilespmem:s8+$0x1D700] =	vst v1;
	v4 =	vsub.f32 v10, v5;
	v1 =	vmul.f32 v6, v6  }
0x68a: {  	[tilespmem:s9+$0x1D700] =	vst v0;
	v0 =	vmul.f32 v2, v2;
	v2 =	vsub.f32 v11, v3  }
0x68b: {  	[tilespmem:s12+$0x1D700] =	vst v1;
	v1 =	vmul.f32 v4, v4  }
0x68c: {  	[tilespmem:s13+$0x1D700] =	vst v0;
	v0 =	vmul.f32 v2, v2  }
0x68d: {  	[tilespmem:s14+$0x1D700] =	vst v1  }
0x68e: {  	s10 =	simm.s32 $0x1D780;
	[tilespmem:s7+$0x1D700] =	vst v0;
	s7 =	simm.s32 $0x0  }
0x68f: {  	[hbm4b:s30+s7] =	stream.linear.scatter [tilespmem:s10], [sflag:$0x4], $0x80, $0x38;
	[tilespmem:$0x1E700] =	vst v63  }
0x690: {  	s11 =	sadd.s32 $0x80, s30;
	s12 =	simm.s32 $0x1D880  }
0x691: {  	[hbm4b:s11+s7] =	stream.linear.scatter [tilespmem:s12], [sflag:$0x4], $0x80, $0x38;
	[tilespmem:$0x1E700] =	vst v63  }
0x692: {  	s13 =	sadd.s32 $0x100, s30;
	s14 =	simm.s32 $0x1D980  }
0x693: {  	[hbm4b:s13+s7] =	stream.linear.scatter [tilespmem:s14], [sflag:$0x4], $0x80, $0x38;
	[tilespmem:$0x1E700] =	vst v63  }
0x694: {  	s9 =	sadd.s32 $0x180, s30;
	s10 =	simm.s32 $0x1DA80  }
0x695: {  	[hbm4b:s9+s7] =	stream.linear.scatter [tilespmem:s10], [sflag:$0x4], $0x80, $0x38;
	[tilespmem:$0x1E700] =	vst v63  }
0x696: {  	s11 =	sadd.s32 $0x200, s30;
	s12 =	simm.s32 $0x1DB80  }
0x697: {  	[hbm4b:s11+s7] =	stream.linear.scatter [tilespmem:s12], [sflag:$0x4], $0x80, $0x38;
	[tilespmem:$0x1E700] =	vst v63  }
0x698: {  	s13 =	sadd.s32 $0x280, s30;
	s14 =	simm.s32 $0x1DC80  }
0x699: {  	[hbm4b:s13+s7] =	stream.linear.scatter [tilespmem:s14], [sflag:$0x4], $0x80, $0x38;
	[tilespmem:$0x1E700] =	vst v63  }
0x69a: {  	s9 =	sadd.s32 $0x300, s30;
	s10 =	simm.s32 $0x1DD80  }
0x69b: {  	[hbm4b:s9+s7] =	stream.linear.scatter [tilespmem:s10], [sflag:$0x4], $0x80, $0x38;
	[tilespmem:$0x1E700] =	vst v63  }
0x69c: {  	s11 =	sadd.s32 $0x380, s30;
	s12 =	simm.s32 $0x1DE80  }
0x69d: {  	[hbm4b:s11+s7] =	stream.linear.scatter [tilespmem:s12], [sflag:$0x4], $0x80, $0x38;
	[tilespmem:$0x1E700] =	vst v63  }
0x69e: {  	s13 =	sadd.s32 $0x400, s30;
	s14 =	simm.s32 $0x1DF80  }
0x69f: {  	[hbm4b:s13+s7] =	stream.linear.scatter [tilespmem:s14], [sflag:$0x4], $0x80, $0x38;
	[tilespmem:$0x1E700] =	vst v63  }
0x6a0: {  	s9 =	sadd.s32 $0x480, s30;
	s10 =	simm.s32 $0x1E080  }
0x6a1: {  	[hbm4b:s9+s7] =	stream.linear.scatter [tilespmem:s10], [sflag:$0x4], $0x80, $0x38;
	[tilespmem:$0x1E700] =	vst v63  }
0x6a2: {  	s11 =	sadd.s32 $0x500, s30;
	s12 =	simm.s32 $0x1E180  }
0x6a3: {  	[hbm4b:s11+s7] =	stream.linear.scatter [tilespmem:s12], [sflag:$0x4], $0x80, $0x38;
	[tilespmem:$0x1E700] =	vst v63  }
0x6a4: {  	s13 =	sadd.s32 $0x580, s30;
	s14 =	simm.s32 $0x1E280  }
0x6a5: {  	[hbm4b:s13+s7] =	stream.linear.scatter [tilespmem:s14], [sflag:$0x4], $0x80, $0x38;
	[tilespmem:$0x1E700] =	vst v63  }
0x6a6: {  	s9 =	sadd.s32 $0x600, s30;
	s10 =	simm.s32 $0x1E380  }
0x6a7: {  	[hbm4b:s9+s7] =	stream.linear.scatter [tilespmem:s10], [sflag:$0x4], $0x80, $0x38;
	[tilespmem:$0x1E700] =	vst v63  }
0x6a8: {  	s11 =	sadd.s32 $0x680, s30;
	s12 =	simm.s32 $0x1E480  }
0x6a9: {  	[hbm4b:s11+s7] =	stream.linear.scatter [tilespmem:s12], [sflag:$0x4], $0x80, $0x38;
	[tilespmem:$0x1E700] =	vst v63  }
0x6aa: {  	s13 =	sadd.s32 $0x700, s30;
	s14 =	simm.s32 $0x1E580  }
0x6ab: {  	[hbm4b:s13+s7] =	stream.linear.scatter [tilespmem:s14], [sflag:$0x4], $0x80, $0x38;
	[tilespmem:$0x1E700] =	vst v63  }
0x6ac: {  	s10 =	sadd.s32 $0x780, s30;
	s11 =	simm.s32 $0x1E680  }
0x6ad: {  	[hbm4b:s10+s7] =	stream.linear.scatter [tilespmem:s11], [sflag:$0x4], $0x80, $0x38;
	[tilespmem:$0x1E700] =	vst v63  }
0x6ae: {  	s12 =	simm.s32 $0x1C780  }
0x6af: {  	[tilespmem:s12], [sflag:$0x3] =	stream.linear.gather [hbm4b:s19+s7], $0x80, $0x38;
	[tilespmem:$0x1E700] =	vst v63  }
0x6b0: {  	s13 =	sadd.s32 $0x80, s19;
	s14 =	simm.s32 $0x1C880  }
0x6b1: {  	[tilespmem:s14], [sflag:$0x3] =	stream.linear.gather [hbm4b:s13+s7], $0x80, $0x38;
	[tilespmem:$0x1E700] =	vst v63  }
0x6b2: {  	s9 =	sadd.s32 $0x100, s19;
	s10 =	simm.s32 $0x1C980  }
0x6b3: {  	[tilespmem:s10], [sflag:$0x3] =	stream.linear.gather [hbm4b:s9+s7], $0x80, $0x38;
	[tilespmem:$0x1E700] =	vst v63  }
0x6b4: {  	s11 =	sadd.s32 $0x180, s19;
	s12 =	simm.s32 $0x1CA80  }
0x6b5: {  	[tilespmem:s12], [sflag:$0x3] =	stream.linear.gather [hbm4b:s11+s7], $0x80, $0x38;
	[tilespmem:$0x1E700] =	vst v63  }
0x6b6: {  	s13 =	sadd.s32 $0x200, s19;
	s14 =	simm.s32 $0x1CB80  }
0x6b7: {  	[tilespmem:s14], [sflag:$0x3] =	stream.linear.gather [hbm4b:s13+s7], $0x80, $0x38;
	[tilespmem:$0x1E700] =	vst v63  }
0x6b8: {  	s9 =	sadd.s32 $0x280, s19;
	s10 =	simm.s32 $0x1CC80  }
0x6b9: {  	[tilespmem:s10], [sflag:$0x3] =	stream.linear.gather [hbm4b:s9+s7], $0x80, $0x38;
	[tilespmem:$0x1E700] =	vst v63  }
0x6ba: {  	s11 =	sadd.s32 $0x300, s19;
	s12 =	simm.s32 $0x1CD80  }
0x6bb: {  	[tilespmem:s12], [sflag:$0x3] =	stream.linear.gather [hbm4b:s11+s7], $0x80, $0x38;
	[tilespmem:$0x1E700] =	vst v63  }
0x6bc: {  	s13 =	sadd.s32 $0x380, s19;
	s14 =	simm.s32 $0x1CE80  }
0x6bd: {  	[tilespmem:s14], [sflag:$0x3] =	stream.linear.gather [hbm4b:s13+s7], $0x80, $0x38;
	[tilespmem:$0x1E700] =	vst v63  }
0x6be: {  	s9 =	sadd.s32 $0x400, s19;
	s10 =	simm.s32 $0x1CF80  }
0x6bf: {  	[tilespmem:s10], [sflag:$0x3] =	stream.linear.gather [hbm4b:s9+s7], $0x80, $0x38;
	[tilespmem:$0x1E700] =	vst v63  }
0x6c0: {  	s11 =	sadd.s32 $0x480, s19;
	s12 =	simm.s32 $0x1D080  }
0x6c1: {  	[tilespmem:s12], [sflag:$0x3] =	stream.linear.gather [hbm4b:s11+s7], $0x80, $0x38;
	[tilespmem:$0x1E700] =	vst v63  }
0x6c2: {  	s13 =	sadd.s32 $0x500, s19;
	s14 =	simm.s32 $0x1D180  }
0x6c3: {  	[tilespmem:s14], [sflag:$0x3] =	stream.linear.gather [hbm4b:s13+s7], $0x80, $0x38;
	[tilespmem:$0x1E700] =	vst v63  }
0x6c4: {  	s9 =	sadd.s32 $0x580, s19;
	s10 =	simm.s32 $0x1D280  }
0x6c5: {  	[tilespmem:s10], [sflag:$0x3] =	stream.linear.gather [hbm4b:s9+s7], $0x80, $0x38;
	[tilespmem:$0x1E700] =	vst v63  }
0x6c6: {  	s11 =	sadd.s32 $0x600, s19;
	s12 =	simm.s32 $0x1D380  }
0x6c7: {  	[tilespmem:s12], [sflag:$0x3] =	stream.linear.gather [hbm4b:s11+s7], $0x80, $0x38;
	[tilespmem:$0x1E700] =	vst v63  }
0x6c8: {  	s13 =	sadd.s32 $0x680, s19;
	s14 =	simm.s32 $0x1D480  }
0x6c9: {  	[tilespmem:s14], [sflag:$0x3] =	stream.linear.gather [hbm4b:s13+s7], $0x80, $0x38;
	[tilespmem:$0x1E700] =	vst v63  }
0x6ca: {  	s9 =	sadd.s32 $0x700, s19;
	s10 =	simm.s32 $0x1D580  }
0x6cb: {  	[tilespmem:s10], [sflag:$0x3] =	stream.linear.gather [hbm4b:s9+s7], $0x80, $0x38;
	[tilespmem:$0x1E700] =	vst v63  }
0x6cc: {  	s11 =	sadd.s32 $0x780, s19;
	s12 =	simm.s32 $0x1D680  }
0x6cd: {  	[tilespmem:s12], [sflag:$0x3] =	stream.linear.gather [hbm4b:s11+s7], $0x80, $0x38;
	[tilespmem:$0x1E700] =	vst v63  }
0x6ce: {  	_ =	swait.ge [sflag:s5], $0x800  }
0x6cf: {  	[sflag:s5] =	ssyncset.done $0x0  }
0x6d0: {  	[sflag:s5] =	ssyncadd.s32 $0xFFFFF800  }
0x6d1: {  	_ =	swait.ge [sflag:s6], $0x800  }
0x6d2: {  	[sflag:s6] =	ssyncset.done $0x0  }
0x6d3: {  	s13 =	simm.s32 $0x1B730;
	[sflag:s6] =	ssyncadd.s32 $0xFFFFF800  }
0x6d4: {  	v0 =	vld [tilespmem:s13+$0xFFFFFFE0]  }
0x6d5: {  	s14 =	simm.s32 $0x0;
	v1 =	vld [tilespmem:s13+$0xFFFFFFF0]  }
0x6d6: {  	s10 =	sand.u32 $0x7C0, s14;
	v6 =	vld [tilespmem:s13+$0x0]  }
0x6d7: {  	s11 =	simm.s32 $0x1B770;
	v7 =	vld [tilespmem:s10+$0x1B700]  }
0x6d8: {  	v4 =	vld [tilespmem:s11+$0xFFFFFFE0]  }
0x6d9: {  	s12 =	sand.u32 $0x40, s14;
	v5 =	vld [tilespmem:s11+$0xFFFFFFF0];
	s13 =	sand.u32 $0xF00, s7  }
0x6da: {  	v3 =	vld [tilespmem:s11+$0x0];
	s8 =	sor.u32 s12, s13  }
0x6db: {  	v8 =	vld [tilespmem:s8+$0x1C700]  }
0x6dc: {  	v2 =	vld.idx.msk [tilespmem:v0+s1+$0x0], $0xffff  }
0x6dd: {  	v0 =	vld.idx.msk [tilespmem:v1+s1+$0x0], $0xffff  }
0x6de: {  	v1 =	vld.idx.msk [tilespmem:v6+s1+$0x0], $0xffff  }
0x6df: {  	v6 =	vld.idx.msk [tilespmem:v7+s1+$0x0], $0xffff  }
0x6e0: {  	s9 =	simm.s32 $0x40;
	v10 =	vld [tilespmem:s8+$0x1C710]  }
0x6e1: {  	s14 =	sand.u32 $0x7C0, s9;
	v11 =	vld [tilespmem:s8+$0x1C720]  }
0x6e2: {  	v7 =	vld [tilespmem:s14+$0x1B700]  }
0x6e3: {  	s10 =	simm.s32 $0x1B7B0;
	v9 =	vld [tilespmem:s8+$0x1C730]  }
.LBB2_30:
0x6e4: {  	v12 =	vld [tilespmem:s10+$0xFFFFFFE0];
	v6 =	vsub.f32 v8, v6  }
0x6e5: {  	v8 =	vld [tilespmem:s10+$0xFFFFFFF0];
	v10 =	vsub.f32 v10, v2  }
0x6e6: {  	v13 =	vld [tilespmem:s10+$0x0];
	v6 =	vmul.f32 v6, v6;
	v11 =	vsub.f32 v11, v0  }
0x6e7: {  	v2 =	vld.idx.msk [tilespmem:v4+s1+$0x0], $0xffff;
	v10 =	vmul.f32 v10, v10  }
0x6e8: {  	s7 =	sadd.s32 $0x80, s7;
	v0 =	vld.idx.msk [tilespmem:v5+s1+$0x0], $0xffff;
	[tilespmem:s8+$0x1D700] =	vst v6;
	v11 =	vmul.f32 v11, v11;
	v9 =	vsub.f32 v9, v1  }
0x6e9: {  	s11 =	sand.u32 $0x40, s9;
	s9 =	sadd.s32 $0x40, s9;
	s12 =	sand.u32 $0xF00, s7;
	v1 =	vld.idx.msk [tilespmem:v3+s1+$0x0], $0xffff;
	[tilespmem:s8+$0x1D710] =	vst v10;
	v4 =	vmov v12  }
0x6ea: {  	p0 =	slt.u32 s9, $0x7C0;
	s11 =	sor.u32 s11, s12;
	v6 =	vld.idx.msk [tilespmem:v7+s1+$0x0], $0xffff;
	[tilespmem:s8+$0x1D720] =	vst v11;
	v7 =	vmul.f32 v9, v9;
	v5 =	vmov v8  }
.Ltmp14:
0x6eb: {  	v8 =	vld [tilespmem:s11+$0x1C700];
	v3 =	vmov v13;
	(pc) =	sbr.rel @p0 .LBB2_30-.Ltmp14, $4  }
0x6ec: {  	v10 =	vld [tilespmem:s11+$0x1C710];
	[tilespmem:s8+$0x1D730] =	vst v7;
	s8 =	smov.u32 s11  }
0x6ed: {  	s11 =	sand.u32 $0x7C0, s9;
	v11 =	vld [tilespmem:s8+$0x1C720]  }
0x6ee: {  	v7 =	vld [tilespmem:s11+$0x1B700]  }
0x6ef: {  	s10 =	sadd.s32 $0x40, s10;
	v9 =	vld [tilespmem:s8+$0x1C730]  }
0x6f0: {  	_ =	sdelay $0x3  }
0x6f1: {  	v4 =	vld.idx.msk [tilespmem:v4+s1+$0x0], $0xffff  }
0x6f2: {  	v5 =	vld.idx.msk [tilespmem:v5+s1+$0x0], $0xffff;
	s7 =	sadd.s32 $0x80, s7  }
0x6f3: {  	s9 =	sand.u32 $0x40, s9;
	v3 =	vld.idx.msk [tilespmem:v3+s1+$0x0], $0xffff;
	s7 =	sand.u32 $0xF00, s7  }
0x6f4: {  	s7 =	sor.u32 s9, s7;
	v7 =	vld.idx.msk [tilespmem:v7+s1+$0x0], $0xffff  }
0x6f5: {  	v12 =	vld [tilespmem:s7+$0x1C700]  }
0x6f6: {  	v6 =	vsub.f32 v8, v6;
	v8 =	vld [tilespmem:s7+$0x1C710]  }
0x6f7: {  	v2 =	vsub.f32 v10, v2;
	v10 =	vld [tilespmem:s7+$0x1C720]  }
0x6f8: {  	v6 =	vmul.f32 v6, v6;
	v0 =	vsub.f32 v11, v0;
	v11 =	vld [tilespmem:s7+$0x1C730]  }
0x6f9: {  	v2 =	vmul.f32 v2, v2;
	v1 =	vsub.f32 v9, v1  }
0x6fa: {  	[tilespmem:s8+$0x1D700] =	vst v6;
	v0 =	vmul.f32 v0, v0;
	v6 =	vsub.f32 v12, v7  }
0x6fb: {  	[tilespmem:s8+$0x1D710] =	vst v2;
	v1 =	vmul.f32 v1, v1;
	v2 =	vsub.f32 v8, v4  }
0x6fc: {  	[tilespmem:s8+$0x1D720] =	vst v0;
	v4 =	vsub.f32 v10, v5;
	v0 =	vmul.f32 v6, v6  }
0x6fd: {  	[tilespmem:s8+$0x1D730] =	vst v1;
	v1 =	vmul.f32 v2, v2;
	v2 =	vsub.f32 v11, v3  }
0x6fe: {  	[tilespmem:s7+$0x1D700] =	vst v0;
	v0 =	vmul.f32 v4, v4  }
0x6ff: {  	[tilespmem:s7+$0x1D710] =	vst v1;
	v1 =	vmul.f32 v2, v2  }
0x700: {  	[tilespmem:s7+$0x1D720] =	vst v0  }
0x701: {  	s14 =	simm.s32 $0x1D700;
	[tilespmem:s7+$0x1D730] =	vst v1;
	s7 =	simm.s32 $0x0  }
0x702: {  	[hbm4b:s3+s7] =	stream.linear.scatter [tilespmem:s14], [sflag:$0x4], $0x80, $0x38;
	[tilespmem:$0x1E700] =	vst v63  }
0x703: {  	s10 =	simm.s32 $0x1D800;
	s9 =	sadd.s32 $0x80, s3  }
0x704: {  	[hbm4b:s9+s7] =	stream.linear.scatter [tilespmem:s10], [sflag:$0x4], $0x80, $0x38;
	[tilespmem:$0x1E700] =	vst v63  }
0x705: {  	s11 =	sadd.s32 $0x100, s3;
	s12 =	simm.s32 $0x1D900  }
0x706: {  	[hbm4b:s11+s7] =	stream.linear.scatter [tilespmem:s12], [sflag:$0x4], $0x80, $0x38;
	[tilespmem:$0x1E700] =	vst v63  }
0x707: {  	s13 =	sadd.s32 $0x180, s3;
	s14 =	simm.s32 $0x1DA00  }
0x708: {  	[hbm4b:s13+s7] =	stream.linear.scatter [tilespmem:s14], [sflag:$0x4], $0x80, $0x38;
	[tilespmem:$0x1E700] =	vst v63  }
0x709: {  	s9 =	sadd.s32 $0x200, s3;
	s10 =	simm.s32 $0x1DB00  }
0x70a: {  	[hbm4b:s9+s7] =	stream.linear.scatter [tilespmem:s10], [sflag:$0x4], $0x80, $0x38;
	[tilespmem:$0x1E700] =	vst v63  }
0x70b: {  	s11 =	sadd.s32 $0x280, s3;
	s12 =	simm.s32 $0x1DC00  }
0x70c: {  	[hbm4b:s11+s7] =	stream.linear.scatter [tilespmem:s12], [sflag:$0x4], $0x80, $0x38;
	[tilespmem:$0x1E700] =	vst v63  }
0x70d: {  	s13 =	sadd.s32 $0x300, s3;
	s14 =	simm.s32 $0x1DD00  }
0x70e: {  	[hbm4b:s13+s7] =	stream.linear.scatter [tilespmem:s14], [sflag:$0x4], $0x80, $0x38;
	[tilespmem:$0x1E700] =	vst v63  }
0x70f: {  	s9 =	sadd.s32 $0x380, s3;
	s10 =	simm.s32 $0x1DE00  }
0x710: {  	[hbm4b:s9+s7] =	stream.linear.scatter [tilespmem:s10], [sflag:$0x4], $0x80, $0x38;
	[tilespmem:$0x1E700] =	vst v63  }
0x711: {  	s11 =	sadd.s32 $0x400, s3;
	s12 =	simm.s32 $0x1DF00  }
0x712: {  	[hbm4b:s11+s7] =	stream.linear.scatter [tilespmem:s12], [sflag:$0x4], $0x80, $0x38;
	[tilespmem:$0x1E700] =	vst v63  }
0x713: {  	s13 =	sadd.s32 $0x480, s3;
	s14 =	simm.s32 $0x1E000  }
0x714: {  	[hbm4b:s13+s7] =	stream.linear.scatter [tilespmem:s14], [sflag:$0x4], $0x80, $0x38;
	[tilespmem:$0x1E700] =	vst v63  }
0x715: {  	s9 =	sadd.s32 $0x500, s3;
	s10 =	simm.s32 $0x1E100  }
0x716: {  	[hbm4b:s9+s7] =	stream.linear.scatter [tilespmem:s10], [sflag:$0x4], $0x80, $0x38;
	[tilespmem:$0x1E700] =	vst v63  }
0x717: {  	s11 =	sadd.s32 $0x580, s3;
	s12 =	simm.s32 $0x1E200  }
0x718: {  	[hbm4b:s11+s7] =	stream.linear.scatter [tilespmem:s12], [sflag:$0x4], $0x80, $0x38;
	[tilespmem:$0x1E700] =	vst v63  }
0x719: {  	s13 =	sadd.s32 $0x600, s3;
	s14 =	simm.s32 $0x1E300  }
0x71a: {  	[hbm4b:s13+s7] =	stream.linear.scatter [tilespmem:s14], [sflag:$0x4], $0x80, $0x38;
	[tilespmem:$0x1E700] =	vst v63  }
0x71b: {  	s9 =	sadd.s32 $0x680, s3;
	s10 =	simm.s32 $0x1E400  }
0x71c: {  	[hbm4b:s9+s7] =	stream.linear.scatter [tilespmem:s10], [sflag:$0x4], $0x80, $0x38;
	[tilespmem:$0x1E700] =	vst v63  }
0x71d: {  	s11 =	sadd.s32 $0x700, s3;
	s12 =	simm.s32 $0x1E500  }
0x71e: {  	[hbm4b:s11+s7] =	stream.linear.scatter [tilespmem:s12], [sflag:$0x4], $0x80, $0x38;
	[tilespmem:$0x1E700] =	vst v63  }
0x71f: {  	s13 =	sadd.s32 $0x780, s3;
	s14 =	simm.s32 $0x1E600  }
0x720: {  	[hbm4b:s13+s7] =	stream.linear.scatter [tilespmem:s14], [sflag:$0x4], $0x80, $0x38;
	[tilespmem:$0x1E700] =	vst v63  }
0x721: {  	_ =	swait.ge [sflag:s5], $0x800  }
0x722: {  	[sflag:s5] =	ssyncset.done $0x0  }
0x723: {  	[sflag:s5] =	ssyncadd.s32 $0xFFFFF800  }
0x724: {  	_ =	swait.ge [sflag:s6], $0x800  }
0x725: {  	[sflag:s6] =	ssyncset.done $0x0  }
0x726: {  	s10 =	simm.s32 $0x1BF30;
	[sflag:s6] =	ssyncadd.s32 $0xFFFFF800  }
0x727: {  	v0 =	vld [tilespmem:s10+$0xFFFFFFE0]  }
0x728: {  	s11 =	simm.s32 $0x0;
	v1 =	vld [tilespmem:s10+$0xFFFFFFF0]  }
0x729: {  	p0 =	por $0x0, $0x0;
	s8 =	simm.s32 $0x1;
	s12 =	sand.u32 $0x7C0, s11;
	v6 =	vld [tilespmem:s10+$0x0]  }
0x72a: {  	s8 =	simm.s32 @!p0 $0x0;
	s13 =	simm.s32 $0x1BF70;
	v7 =	vld [tilespmem:s12+$0x1BF00]  }
0x72b: {  	s8 =	sshll.u32 s8, $0x6;
	v4 =	vld [tilespmem:s13+$0xFFFFFFE0]  }
0x72c: {  	s14 =	sadd.s32 $0x0, s8;
	v5 =	vld [tilespmem:s13+$0xFFFFFFF0]  }
0x72d: {  	s11 =	sor.u32 $0x80, s14;
	v3 =	vld [tilespmem:s13+$0x0]  }
0x72e: {  	s8 =	sor.u32 $0xA0, s14;
	v9 =	vld [tilespmem:s11+$0x1C700]  }
0x72f: {  	v11 =	vld [tilespmem:s8+$0x1C700]  }
0x730: {  	v2 =	vld.idx.msk [tilespmem:v0+s1+$0x0], $0xffff  }
0x731: {  	v0 =	vld.idx.msk [tilespmem:v6+s1+$0x0], $0xffff  }
0x732: {  	s10 =	sor.u32 $0x90, s14;
	v6 =	vld.idx.msk [tilespmem:v7+s1+$0x0], $0xffff  }
0x733: {  	s12 =	simm.s32 $0x40;
	v10 =	vld [tilespmem:s10+$0x1C700]  }
0x734: {  	s13 =	sand.u32 $0x7C0, s12;
	v1 =	vld.idx.msk [tilespmem:v1+s1+$0x0], $0xffff  }
0x735: {  	s9 =	sor.u32 $0xB0, s14;
	v7 =	vld [tilespmem:s13+$0x1BF00]  }
0x736: {  	v8 =	vld [tilespmem:s9+$0x1C700];
	s13 =	simm.s32 $0x1BFB0  }
.LBB2_32:
0x737: {  	v12 =	vld [tilespmem:s13+$0xFFFFFFE0];
	v6 =	vsub.f32 v9, v6  }
0x738: {  	v9 =	vld [tilespmem:s13+$0xFFFFFFF0];
	v10 =	vsub.f32 v10, v2  }
0x739: {  	p0 =	por !p0, !p0;
	s14 =	simm.s32 $0x1;
	v13 =	vld [tilespmem:s13+$0x0];
	v6 =	vmul.f32 v6, v6;
	v11 =	vsub.f32 v11, v1  }
0x73a: {  	s14 =	simm.s32 @!p0 $0x0;
	v2 =	vld.idx.msk [tilespmem:v4+s1+$0x0], $0xffff;
	v10 =	vmul.f32 v10, v10  }
0x73b: {  	s7 =	sadd.s32 $0x80, s7;
	s12 =	sadd.s32 $0x40, s12;
	s14 =	sshll.u32 s14, $0x6;
	v1 =	vld.idx.msk [tilespmem:v5+s1+$0x0], $0xffff;
	[tilespmem:s11+$0x1D700] =	vst v6;
	v11 =	vmul.f32 v11, v11;
	v8 =	vsub.f32 v8, v0  }
0x73c: {  	p1 =	slt.u32 s12, $0x7C0;
	s14 =	sadd.s32 s14, s7;
	v0 =	vld.idx.msk [tilespmem:v3+s1+$0x0], $0xffff;
	[tilespmem:s10+$0x1D700] =	vst v10;
	v4 =	vmov v12  }
0x73d: {  	s11 =	sor.u32 $0x80, s14;
	s10 =	sor.u32 $0x90, s14;
	v6 =	vld.idx.msk [tilespmem:v7+s1+$0x0], $0xffff;
	[tilespmem:s8+$0x1D700] =	vst v11;
	s8 =	sor.u32 $0xA0, s14;
	v7 =	vmul.f32 v8, v8;
	v5 =	vmov v9  }
.Ltmp15:
0x73e: {  	s14 =	sor.u32 $0xB0, s14;
	v9 =	vld [tilespmem:s11+$0x1C700];
	v3 =	vmov v13;
	(pc) =	sbr.rel @p1 .LBB2_32-.Ltmp15, $4  }
0x73f: {  	v10 =	vld [tilespmem:s10+$0x1C700];
	[tilespmem:s9+$0x1D700] =	vst v7;
	s9 =	smov.u32 s14  }
0x740: {  	s14 =	sand.u32 $0x7C0, s12;
	v11 =	vld [tilespmem:s8+$0x1C700]  }
0x741: {  	v7 =	vld [tilespmem:s14+$0x1BF00]  }
0x742: {  	s13 =	sadd.s32 $0x40, s13;
	v8 =	vld [tilespmem:s9+$0x1C700]  }
0x743: {  	_ =	sdelay $0x2  }
0x744: {  	p0 =	por !p0, !p0;
	s12 =	simm.s32 $0x1  }
0x745: {  	v4 =	vld.idx.msk [tilespmem:v4+s1+$0x0], $0xffff;
	s12 =	simm.s32 @!p0 $0x0  }
0x746: {  	v5 =	vld.idx.msk [tilespmem:v5+s1+$0x0], $0xffff;
	s7 =	sadd.s32 $0x80, s7;
	s12 =	sshll.u32 s12, $0x6  }
0x747: {  	v3 =	vld.idx.msk [tilespmem:v3+s1+$0x0], $0xffff;
	s7 =	sadd.s32 s12, s7  }
0x748: {  	v7 =	vld.idx.msk [tilespmem:v7+s1+$0x0], $0xffff;
	s12 =	sor.u32 $0x80, s7  }
0x749: {  	s13 =	sor.u32 $0x90, s7;
	v12 =	vld [tilespmem:s12+$0x1C700]  }
0x74a: {  	v6 =	vsub.f32 v9, v6;
	s14 =	sor.u32 $0xA0, s7;
	v53 =	vld [tilespmem:s13+$0x1C700]  }
0x74b: {  	v2 =	vsub.f32 v10, v2;
	s7 =	sor.u32 $0xB0, s7;
	v54 =	vld [tilespmem:s14+$0x1C700]  }
0x74c: {  	v6 =	vmul.f32 v6, v6;
	v1 =	vsub.f32 v11, v1;
	v55 =	vld [tilespmem:s7+$0x1C700]  }
0x74d: {  	v2 =	vmul.f32 v2, v2;
	v0 =	vsub.f32 v8, v0  }
0x74e: {  	[tilespmem:s11+$0x1D700] =	vst v6;
	v1 =	vmul.f32 v1, v1;
	v56 =	vsub.f32 v12, v7  }
0x74f: {  	[tilespmem:s10+$0x1D700] =	vst v2;
	v0 =	vmul.f32 v0, v0;
	v57 =	vsub.f32 v53, v4  }
0x750: {  	[tilespmem:s8+$0x1D700] =	vst v1;
	v59 =	vsub.f32 v54, v5;
	v58 =	vmul.f32 v56, v56  }
0x751: {  	[tilespmem:s9+$0x1D700] =	vst v0;
	v61 =	vsub.f32 v55, v3;
	v60 =	vmul.f32 v57, v57  }
0x752: {  	v62 =	vmul.f32 v59, v59;
	[tilespmem:s12+$0x1D700] =	vst v58  }
0x753: {  	v63 =	vmul.f32 v61, v61;
	[tilespmem:s13+$0x1D700] =	vst v60  }
0x754: {  	[tilespmem:s14+$0x1D700] =	vst v62  }
0x755: {  	[tilespmem:s7+$0x1D700] =	vst v63;
	s12 =	simm.s32 $0x1D780  }
0x756: {  	[hbm4b:s4+s1] =	stream.linear.scatter [tilespmem:s12], [sflag:$0x4], $0x80, $0x38;
	[tilespmem:$0x1E700] =	vst v63  }
0x757: {  	s13 =	sadd.s32 $0x80, s4;
	s14 =	simm.s32 $0x1D880  }
0x758: {  	[hbm4b:s13+s1] =	stream.linear.scatter [tilespmem:s14], [sflag:$0x4], $0x80, $0x38;
	[tilespmem:$0x1E700] =	vst v63  }
0x759: {  	s10 =	simm.s32 $0x1D980;
	s9 =	sadd.s32 $0x100, s4  }
0x75a: {  	[hbm4b:s9+s1] =	stream.linear.scatter [tilespmem:s10], [sflag:$0x4], $0x80, $0x38;
	[tilespmem:$0x1E700] =	vst v63  }
0x75b: {  	s11 =	sadd.s32 $0x180, s4;
	s12 =	simm.s32 $0x1DA80  }
0x75c: {  	[hbm4b:s11+s1] =	stream.linear.scatter [tilespmem:s12], [sflag:$0x4], $0x80, $0x38;
	[tilespmem:$0x1E700] =	vst v63  }
0x75d: {  	s13 =	sadd.s32 $0x200, s4;
	s14 =	simm.s32 $0x1DB80  }
0x75e: {  	[hbm4b:s13+s1] =	stream.linear.scatter [tilespmem:s14], [sflag:$0x4], $0x80, $0x38;
	[tilespmem:$0x1E700] =	vst v63  }
0x75f: {  	s9 =	sadd.s32 $0x280, s4;
	s10 =	simm.s32 $0x1DC80  }
0x760: {  	[hbm4b:s9+s1] =	stream.linear.scatter [tilespmem:s10], [sflag:$0x4], $0x80, $0x38;
	[tilespmem:$0x1E700] =	vst v63  }
0x761: {  	s11 =	sadd.s32 $0x300, s4;
	s12 =	simm.s32 $0x1DD80  }
0x762: {  	[hbm4b:s11+s1] =	stream.linear.scatter [tilespmem:s12], [sflag:$0x4], $0x80, $0x38;
	[tilespmem:$0x1E700] =	vst v63  }
0x763: {  	s13 =	sadd.s32 $0x380, s4;
	s14 =	simm.s32 $0x1DE80  }
0x764: {  	[hbm4b:s13+s1] =	stream.linear.scatter [tilespmem:s14], [sflag:$0x4], $0x80, $0x38;
	[tilespmem:$0x1E700] =	vst v63  }
0x765: {  	s9 =	sadd.s32 $0x400, s4;
	s10 =	simm.s32 $0x1DF80  }
0x766: {  	[hbm4b:s9+s1] =	stream.linear.scatter [tilespmem:s10], [sflag:$0x4], $0x80, $0x38;
	[tilespmem:$0x1E700] =	vst v63  }
0x767: {  	s11 =	sadd.s32 $0x480, s4;
	s12 =	simm.s32 $0x1E080  }
0x768: {  	[hbm4b:s11+s1] =	stream.linear.scatter [tilespmem:s12], [sflag:$0x4], $0x80, $0x38;
	[tilespmem:$0x1E700] =	vst v63  }
0x769: {  	s13 =	sadd.s32 $0x500, s4;
	s14 =	simm.s32 $0x1E180  }
0x76a: {  	[hbm4b:s13+s1] =	stream.linear.scatter [tilespmem:s14], [sflag:$0x4], $0x80, $0x38;
	[tilespmem:$0x1E700] =	vst v63  }
0x76b: {  	s9 =	sadd.s32 $0x580, s4;
	s10 =	simm.s32 $0x1E280  }
0x76c: {  	[hbm4b:s9+s1] =	stream.linear.scatter [tilespmem:s10], [sflag:$0x4], $0x80, $0x38;
	[tilespmem:$0x1E700] =	vst v63  }
0x76d: {  	s11 =	sadd.s32 $0x600, s4;
	s12 =	simm.s32 $0x1E380  }
0x76e: {  	[hbm4b:s11+s1] =	stream.linear.scatter [tilespmem:s12], [sflag:$0x4], $0x80, $0x38;
	[tilespmem:$0x1E700] =	vst v63  }
0x76f: {  	s13 =	sadd.s32 $0x680, s4;
	s14 =	simm.s32 $0x1E480  }
0x770: {  	[hbm4b:s13+s1] =	stream.linear.scatter [tilespmem:s14], [sflag:$0x4], $0x80, $0x38;
	[tilespmem:$0x1E700] =	vst v63  }
0x771: {  	s9 =	sadd.s32 $0x700, s4;
	s10 =	simm.s32 $0x1E580  }
0x772: {  	[hbm4b:s9+s1] =	stream.linear.scatter [tilespmem:s10], [sflag:$0x4], $0x80, $0x38;
	[tilespmem:$0x1E700] =	vst v63  }
0x773: {  	s11 =	sadd.s32 $0x780, s4;
	s12 =	simm.s32 $0x1E680  }
0x774: {  	[hbm4b:s11+s1] =	stream.linear.scatter [tilespmem:s12], [sflag:$0x4], $0x80, $0x38;
	[tilespmem:$0x1E700] =	vst v63  }
0x775: {  	_ =	swait.ge [sflag:s6], $0x800  }
0x776: {  	[sflag:s6] =	ssyncset.done $0x0  }
0x777: {  	[sflag:s6] =	ssyncadd.s32 $0xFFFFF800  }
0x778: {  	_ =	swait.ge [sflag:s6], $0x800  }
0x779: {  	s13 =	rddreg [dreg:$0x1e]  }
0x77a: {  	s14 =	rddreg [dreg:$0x1d];
	s8 =	sadd.s32 $0x1, s13  }
0x77b: {  	p0 =	sne.s32 s8, s14  }
.Ltmp16:
0x77c: {  	_ = 	snop;
	(pc) =	sbr.rel @p0 .LBB2_1-.Ltmp16, $3  }
0x77d: {  	_ =	sdelay $0x1  }
0x77e: {  	[sflag:s6] =	ssyncset.done $0x0  }
0x77f: {  	[sflag:s6] =	ssyncadd.s32 $0xFFFFF800  }
0x780: {  	_ =	sfence.sel $0x180000  }
0x781: {  	[bflag:$0x0] =	sbarrier.arrive $0xFFFF  }
0x782: {  	_ =	strace $0x90000047  }
0x783: {  	s0 =	stileid.u32;
	[bflag:$0x2] =	sbarrier.arrive $0xFFFF  }
0x784: {  	p0 =	sne.s32 s0, $0x0;
	s0 =	rddreg [dreg:$0x4]  }
0x785: {  	s0 =	sadd.s32 @!p0 $0x100000, s0  }
0x786: {  	[sflag:s0] =	ssyncadd.tile.s32 @!p0 $0x1;
	_ =	shalt  }
.Lfunc_end2:
_tile_overlayer_lowered:
.L_overlay_start_2:
0x787: {  	(tag) =	ssettag $0x2  }
0x788: {  	s0 =	rddreg [dreg:$0x0];
	s2 =	stileid.u32  }
0x789: {  	s1 =	rddreg [dreg:$0x1];
	p0 =	sne.s32 s2, $0x0  }
0x78a: {  	s3 =	rddreg [dreg:$0x2];
	[bflag:$0x3] =	sbarrier.arrive $0xFFFF;
	s2 =	simm.s32 @!p0 $0x1C05  }
0x78b: {  	[timem:s3], [sflag:s2] =	dma.local @!p0 [hbm:s0], s1  }
0x78c: {  	s0 =	simm.s32 @!p0 $0x5  }
0x78d: {  	_ =	swait.ge @!p0 [sflag:s0], s1  }
0x78e: {  	s1 =	ssub.s32 @!p0 $0x0, s1;
	[sflag:s0] =	ssyncset.done @!p0 $0x0  }
0x78f: {  	[sflag:s0] =	ssyncadd.s32 @!p0 s1  }
0x790: {  	[bflag:$0x3] =	sbarrier.arrive $0xFFFF  }
0x791: {  	_ =	shalt  }

</sc_bundles>
